<compile_context>
chip_gen: v7x
topology: tpu7x:2x2x1
jax: 0.10.2.dev20260603
libtpu: 0.0.44.dev20260713+nightly
codegen_flags: <defaults>
</compile_context>

<pallas_src>
import functools

import jax
import jax.numpy as jnp
from jax import lax
from jax.experimental import pallas as pl
from jax.experimental.pallas import tpu as pltpu
from jax.experimental.pallas import tpu_sc as plsc

N = 10000
E = 320000
D = 128
G = 128
NPAD = 10240
NACC = N + 8
K = 128
EPAD = 327680
NCH = EPAD // K
CPT = NCH // 16
SUP = 32
NSUP = CPT // SUP
CB = 2000
NSTEP = N // CB

def _deg_body(dst_hbm, out_hbm, didx, ones, zbuf, deg_sh, sem):
    c = lax.axis_index("c")
    s = lax.axis_index("s")
    for j in range(640 // 16):
        zbuf[pl.ds(j * 16, 16)] = jnp.zeros((16,), jnp.float32)
    for j in range(K // 16):
        ones[pl.ds(j * 16, 16)] = jnp.ones((16,), jnp.float32)
    pltpu.sync_copy(zbuf, deg_sh.at[pl.ds(s * 640, 640)])
    pltpu.sync_copy(dst_hbm.at[pl.ds(s * CPT, CPT)], didx)
    plsc.subcore_barrier()

    def fire(j, _):
        pltpu.async_copy(ones, deg_sh.at[didx.at[j]], sem, add=True)
        return 0

    def drain(j, _):
        pltpu.make_async_copy(ones, deg_sh.at[didx.at[j]], sem).wait()
        return 0

    lax.fori_loop(0, CPT, fire, 0)
    lax.fori_loop(0, CPT, drain, 0)
    plsc.subcore_barrier()

    @pl.when(c == 0)
    def _():
        pltpu.sync_copy(deg_sh.at[pl.ds(s * 640, 640)],
                        out_hbm.at[pl.ds(s * 640, 640)])


@functools.cache
def _deg_kernel():
    return pl.kernel(
        _deg_body,
        out_type=jax.ShapeDtypeStruct((NPAD,), jnp.float32),
        mesh=plsc.VectorSubcoreMesh(core_axis_name="c", subcore_axis_name="s"),
        scratch_types=[
            pltpu.VMEM((CPT, K), jnp.int32),
            pltpu.VMEM((K,), jnp.float32),
            pltpu.VMEM((640,), jnp.float32),
            pltpu.VMEM_SHARED((NPAD,), jnp.float32),
            pltpu.SemaphoreType.DMA,
        ],
    )


def _scatter_body(p_hbm, i0_hbm, srcs_hbm, dst_hbm, out_hbm,
                  sidxa, didxa, sidxb, didxb, rows0, rows1, acc_sh,
                  semg0, semg1, semi):
    c = lax.axis_index("c")
    s = lax.axis_index("s")
    r0 = s * 624

    @pl.when(s < 15)
    def _():
        @pl.when(c == 0)
        def _():
            pltpu.sync_copy(i0_hbm.at[pl.ds(r0, 624)],
                            acc_sh.at[pl.ds(r0, 624)])

        @pl.when(c == 1)
        def _():
            pltpu.sync_copy(p_hbm.at[pl.ds(N + r0, 624)],
                            acc_sh.at[pl.ds(r0, 624)])

    @pl.when(s == 15)
    def _():
        @pl.when(c == 0)
        def _():
            pltpu.sync_copy(i0_hbm.at[pl.ds(9360, 640)],
                            acc_sh.at[pl.ds(9360, 640)])

        @pl.when(c == 1)
        def _():
            pltpu.sync_copy(p_hbm.at[pl.ds(N + 9360, 640)],
                            acc_sh.at[pl.ds(9360, 640)])

    plsc.subcore_barrier()

    def gat(sidx, j, rows, sem):
        pltpu.async_copy(p_hbm.at[sidx.at[j]], rows, sem)

    def gwait(sidx, j, rows, sem):
        pltpu.make_async_copy(p_hbm.at[sidx.at[j]], rows, sem).wait()

    def sca(didx, j, rows):
        pltpu.sync_copy(rows, acc_sh.at[didx.at[j]], add=True)

    def idx_slices(u):
        row0 = s * CPT + u * SUP
        return (srcs_hbm.at[pl.ds(c * NCH + row0, SUP)],
                dst_hbm.at[pl.ds(row0, SUP)])

    bufs = ((sidxa, didxa), (sidxb, didxb))
    sh0, dh0 = idx_slices(0)
    pltpu.sync_copy(sh0, sidxa)
    pltpu.sync_copy(dh0, didxa)
    for u in range(NSUP):
        sidx, didx = bufs[u % 2]
        if u + 1 < NSUP:
            nsidx, ndidx = bufs[(u + 1) % 2]
            shn, dhn = idx_slices(u + 1)
            pltpu.async_copy(shn, nsidx, semi)
            pltpu.async_copy(dhn, ndidx, semi)
        gat(sidx, 0, rows0, semg0)

        def pair(i, _, sidx=sidx, didx=didx):
            gat(sidx, 2 * i + 1, rows1, semg1)
            gwait(sidx, 2 * i, rows0, semg0)
            sca(didx, 2 * i, rows0)
            gat(sidx, 2 * i + 2, rows0, semg0)
            gwait(sidx, 2 * i + 1, rows1, semg1)
            sca(didx, 2 * i + 1, rows1)
            return 0

        lax.fori_loop(0, SUP // 2 - 1, pair, 0)
        gat(sidx, SUP - 1, rows1, semg1)
        gwait(sidx, SUP - 2, rows0, semg0)
        sca(didx, SUP - 2, rows0)
        gwait(sidx, SUP - 1, rows1, semg1)
        sca(didx, SUP - 1, rows1)
        if u + 1 < NSUP:
            pltpu.make_async_copy(shn, nsidx, semi).wait()
            pltpu.make_async_copy(dhn, ndidx, semi).wait()
    plsc.subcore_barrier()

    @pl.when(s < 15)
    def _():
        pltpu.sync_copy(acc_sh.at[pl.ds(r0, 624)],
                        out_hbm.at[pl.ds(c * N + r0, 624)])

    @pl.when(s == 15)
    def _():
        pltpu.sync_copy(acc_sh.at[pl.ds(9360, 640)],
                        out_hbm.at[pl.ds(c * N + 9360, 640)])


@functools.cache
def _scatter_kernel_fn():
    return pl.kernel(
        _scatter_body,
        out_type=jax.ShapeDtypeStruct((2 * N, D), jnp.float32),
        mesh=plsc.VectorSubcoreMesh(core_axis_name="c", subcore_axis_name="s"),
        scratch_types=[
            pltpu.VMEM((SUP, K), jnp.int32),
            pltpu.VMEM((SUP, K), jnp.int32),
            pltpu.VMEM((SUP, K), jnp.int32),
            pltpu.VMEM((SUP, K), jnp.int32),
            pltpu.VMEM((K, D), jnp.float32),
            pltpu.VMEM((K, D), jnp.float32),
            pltpu.VMEM_SHARED((NACC, D), jnp.float32),
            pltpu.SemaphoreType.DMA,
            pltpu.SemaphoreType.DMA,
            pltpu.SemaphoreType.DMA,
        ],
    )


def _scatter_kernel(p, init, srcs2d, dst2d):
    return _scatter_kernel_fn()(p, init, srcs2d, dst2d)


def _prep_tables(h, deg, w, wn, ws, bs):
    dis = lax.rsqrt(deg + 1.0)
    maxdeg = jnp.maximum(deg, 1.0)
    hw = jnp.dot(h, w, preferred_element_type=jnp.float32)
    p1 = hw * dis[:, None]
    p0 = jnp.dot(h, wn, preferred_element_type=jnp.float32)
    i0 = (jnp.dot(h, ws, preferred_element_type=jnp.float32) + bs) \
        * maxdeg[:, None]
    return p0, p1, i0


def _t1_body(x_ref, w1, b1, w2, b2, w, wn, ws, bs, deg_ref, p_out, i_out):
    h = jnp.dot(jnp.maximum(jnp.dot(x_ref[...], w1[...],
                                    preferred_element_type=jnp.float32)
                            + b1[...], 0.0),
                w2[...], preferred_element_type=jnp.float32) + b2[...]
    deg = deg_ref[0, 0, :]
    p0, p1, i0 = _prep_tables(h, deg, w[...], wn[...], ws[...], bs[...])
    p_out[0] = p0
    p_out[1] = p1
    i_out[...] = i0


def _combine(a_ref, deg_ref, sm_ref):
    a0 = a_ref[0]
    a1 = a_ref[1]
    deg = deg_ref[0, 0, :]
    dis = lax.rsqrt(deg + 1.0)
    invd = 1.0 / jnp.maximum(deg, 1.0)
    sm = sm_ref[...]
    bg, g, b = sm[0:1, :], sm[1:2, :], sm[2:3, :]
    ac0, ac1 = sm[3:4, :], sm[4:5, :]
    an0, an1 = sm[5:6, :], sm[6:7, :]
    aa0, aa1 = sm[7:8, :], sm[8:9, :]
    h = ac0 * (a1 * dis[:, None] + bg) + ac1 * (a0 * invd[:, None])
    m = jnp.mean(h, axis=-1, keepdims=True)
    d = h - m
    v = jnp.mean(d * d, axis=-1, keepdims=True)
    hln = d * lax.rsqrt(v + 1e-5) * g + b
    h = an0 * hln + an1 * h
    return aa0 * jnp.maximum(h, 0.0) + aa1 * jnp.tanh(h)


def _t2_body(a_ref, deg_ref, sm_ref, w, wn, ws, bs, h1_out, p_out, i_out):
    h = _combine(a_ref, deg_ref, sm_ref)
    h1_out[...] = h
    p0, p1, i0 = _prep_tables(h, deg_ref[0, 0, :], w[...], wn[...], ws[...],
                              bs[...])
    p_out[0] = p0
    p_out[1] = p1
    i_out[...] = i0


def _t3_body(a_ref, deg_ref, sm_ref, h1_ref, batch_ref, q1, qb1, q2, qb2,
             out_ref, pooled):
    i = pl.program_id(0)
    h = _combine(a_ref, deg_ref, sm_ref)
    skip = h1_ref[...] + h
    bt = batch_ref[0, 0, :]
    onehot_t = (lax.broadcasted_iota(jnp.int32, (G, CB), 0)
                == bt[None, :]).astype(jnp.float32)

    @pl.when(i == 0)
    def _():
        pooled[...] = jnp.zeros((G, D), jnp.float32)

    pooled[...] += jnp.dot(onehot_t, skip, preferred_element_type=jnp.float32)

    @pl.when(i == NSTEP - 1)
    def _():
        p = pooled[...]
        out_ref[...] = jnp.dot(
            jnp.maximum(jnp.dot(p, q1[...],
                                preferred_element_type=jnp.float32)
                        + qb1[...], 0.0),
            q2[...], preferred_element_type=jnp.float32) + qb2[...]


_FULL = pl.BlockSpec((D, D), lambda i: (0, 0))
_ROW = pl.BlockSpec((1, D), lambda i: (0, 0))
_CHUNK = pl.BlockSpec((CB, D), lambda i: (i, 0))
_STK = pl.BlockSpec((2, CB, D), lambda i: (0, i, 0))
_VEC3 = pl.BlockSpec((1, 1, CB), lambda i: (i, 0, 0))
_SM = pl.BlockSpec((16, D), lambda i: (0, 0))
_PI_OUT = [jax.ShapeDtypeStruct((2, N, D), jnp.float32),
           jax.ShapeDtypeStruct((N, D), jnp.float32)]


def _softmax2(a):
    return jax.nn.softmax(a / 1.0)


def _mix_rows(lp):
    ac = _softmax2(lp["alpha_conv"])
    an = _softmax2(lp["alpha_norm"])
    aa = _softmax2(lp["alpha_act"])
    rows = [lp["gcn"]["b"], lp["ln"]["g"], lp["ln"]["b"],
            jnp.full((D,), ac[0]), jnp.full((D,), ac[1]),
            jnp.full((D,), an[0]), jnp.full((D,), an[1]),
            jnp.full((D,), aa[0]), jnp.full((D,), aa[1])]
    rows += [jnp.zeros((D,), jnp.float32)] * (16 - len(rows))
    return jnp.stack(rows)


def kernel(x, params, edge_index, batch):
    src = edge_index[0]
    dst = edge_index[1]
    pad = EPAD - E
    pad_i = jnp.arange(pad, dtype=jnp.int32)
    srcp = jnp.concatenate([src, pad_i % N])
    dstp = jnp.concatenate([dst, N + (pad_i % 8)])
    srcs2d = jnp.concatenate([srcp, srcp + N]).reshape(2 * NCH, K)
    dst2d = dstp.reshape(NCH, K)
    deg_full = _deg_kernel()(dst2d)
    deg = deg_full[:N]
    deg3 = deg.reshape(NSTEP, 1, CB)
    batch3 = batch.reshape(NSTEP, 1, CB)

    pre = params["pre"]
    l1, l2 = params["layers"]
    post = params["post"]
    row = lambda v: v.reshape(1, D)

    p_tab, i_tab = pl.pallas_call(
        _t1_body,
        grid=(NSTEP,),
        in_specs=[_CHUNK, _FULL, _ROW, _FULL, _ROW,
                  _FULL, _FULL, _FULL, _ROW, _VEC3],
        out_specs=[_STK, _CHUNK],
        out_shape=_PI_OUT,
    )(x, pre["W1"], row(pre["b1"]), pre["W2"], row(pre["b2"]),
      l1["gcn"]["W"], l1["sage"]["Wn"], l1["sage"]["Ws"],
      row(l1["sage"]["b"]), deg3)

    a1 = _scatter_kernel(p_tab.reshape(2 * N, D), i_tab,
                         srcs2d, dst2d).reshape(2, N, D)

    h1, p_tab2, i_tab2 = pl.pallas_call(
        _t2_body,
        grid=(NSTEP,),
        in_specs=[_STK, _VEC3, _SM, _FULL, _FULL, _FULL, _ROW],
        out_specs=[_CHUNK, _STK, _CHUNK],
        out_shape=[jax.ShapeDtypeStruct((N, D), jnp.float32)] + _PI_OUT,
    )(a1, deg3, _mix_rows(l1), l2["gcn"]["W"], l2["sage"]["Wn"],
      l2["sage"]["Ws"], row(l2["sage"]["b"]))

    a2 = _scatter_kernel(p_tab2.reshape(2 * N, D), i_tab2,
                         srcs2d, dst2d).reshape(2, N, D)

    out = pl.pallas_call(
        _t3_body,
        grid=(NSTEP,),
        in_specs=[_STK, _VEC3, _SM, _CHUNK, _VEC3,
                  _FULL, _ROW, _FULL, _ROW],
        out_specs=pl.BlockSpec((G, D), lambda i: (0, 0)),
        out_shape=jax.ShapeDtypeStruct((G, D), jnp.float32),
        scratch_shapes=[pltpu.VMEM((G, D), jnp.float32)],
    )(a2, deg3, _mix_rows(l2), h1, batch3,
      post["W1"], row(post["b1"]), post["W2"], row(post["b2"]))
    return out

# --- scband reference (transcript-rebuilt; emitter-appended) ---
"""Pipeline reference for scband-micro-coupled-super-net-16784732192989 (READ-ONLY COPY).

The authoritative reference and input builder live on the scoring server;
editing this copy changes nothing except your own understanding.
"""

import jax, jax.numpy as jnp
import numpy as np

N = 10000
E = 320000
D_IN = 128
D_H = 128
D_OUT = 128
G = 128
TEMP = 1.0
NUM_LAYERS = 2


def _lin(key, fan_in, fan_out):
    return jax.random.normal(key, (fan_in, fan_out), dtype=jnp.float32) / np.sqrt(fan_in)


def setup_inputs(seed: int = 0):
    key = jax.random.key(seed)
    ks = jax.random.split(key, 64)
    x = jax.random.normal(ks[0], (N, D_IN), dtype=jnp.float32)
    edge_index = jax.random.randint(ks[1], (2, E), 0, N, dtype=jnp.int32)
    batch = jnp.sort(jax.random.randint(ks[2], (N,), 0, G, dtype=jnp.int32))
    i = 3
    def nxt():
        nonlocal i
        k = ks[i]
        i += 1
        return k
    pre = {"W1": _lin(nxt(), D_IN, D_H), "b1": jnp.zeros((D_H,), jnp.float32), "W2": _lin(nxt(), D_H, D_H), "b2": jnp.zeros((D_H,), jnp.float32)}
    layers = []
    for _ in range(NUM_LAYERS):
        lp = {
            "gcn": {"W": _lin(nxt(), D_H, D_H), "b": jnp.zeros((D_H,), jnp.float32)},
            "sage": {"Ws": _lin(nxt(), D_H, D_H), "Wn": _lin(nxt(), D_H, D_H), "b": jnp.zeros((D_H,), jnp.float32)},
            "ln": {"g": jnp.ones((D_H,), jnp.float32), "b": jnp.zeros((D_H,), jnp.float32)},
            "alpha_conv": jax.random.uniform(nxt(), (2,), dtype=jnp.float32),
            "alpha_norm": jax.random.uniform(nxt(), (2,), dtype=jnp.float32),
            "alpha_act": jax.random.uniform(nxt(), (2,), dtype=jnp.float32),
        }
        layers.append(lp)
    post = {"W1": _lin(nxt(), D_H, D_H), "b1": jnp.zeros((D_H,), jnp.float32), "W2": _lin(nxt(), D_H, D_OUT), "b2": jnp.zeros((D_OUT,), jnp.float32)}
    params = {"pre": pre, "layers": layers, "post": post}
    return {"x": x, "params": params, "edge_index": edge_index, "batch": batch}


def _gcn(h, src, dst, W, b):
    deg = jnp.bincount(dst, length=N).astype(h.dtype) + 1.0
    dis = 1.0 / jnp.sqrt(deg)
    msg = h[src] * (dis[src] * dis[dst])[:, None]
    agg = jnp.zeros_like(h).at[dst].add(msg) + h * (dis * dis)[:, None]
    return agg @ W + b


def _sage(h, src, dst, Ws, Wn, b):
    deg = jnp.bincount(dst, length=N).astype(h.dtype)
    agg = jax.ops.segment_sum(h[src], dst, num_segments=N)
    mean = agg / jnp.maximum(deg, 1.0)[:, None]
    return h @ Ws + mean @ Wn + b


def _ln(h, g, b):
    m = h.mean(-1, keepdims=True)
    v = h.var(-1, keepdims=True)
    return (h - m) / jnp.sqrt(v + 1e-5) * g + b


def _forward(x, params, src, dst, batch):
    p = params["pre"]
    h = jax.nn.relu(x @ p["W1"] + p["b1"]) @ p["W2"] + p["b2"]
    skips = []
    for lp in params["layers"]:
        ac = jax.nn.softmax(lp["alpha_conv"] / TEMP)
        h = ac[0] * _gcn(h, src, dst, lp["gcn"]["W"], lp["gcn"]["b"]) + ac[1] * _sage(h, src, dst, lp["sage"]["Ws"], lp["sage"]["Wn"], lp["sage"]["b"])
        an = jax.nn.softmax(lp["alpha_norm"] / TEMP)
        h = an[0] * _ln(h, lp["ln"]["g"], lp["ln"]["b"]) + an[1] * h
        aa = jax.nn.softmax(lp["alpha_act"] / TEMP)
        h = aa[0] * jax.nn.relu(h) + aa[1] * jnp.tanh(h)
        skips.append(h)
    skip = skips[0]
    for s in skips[1:]:
        skip = skip + s
    pooled = jax.ops.segment_sum(skip, batch, num_segments=G)
    q = params["post"]
    return jax.nn.relu(pooled @ q["W1"] + q["b1"]) @ q["W2"] + q["b2"]


def reference(x, params, edge_index, batch):
    return _forward(x, params, edge_index[0], edge_index[1], batch)

if __name__ == "__main__":
    import jax
    _d = setup_inputs()
    print(jax.jit(kernel)(*tuple(_d.values())))

</pallas_src>

<mosaic_0001>
#map = affine_map<(d0, d1) -> (0, 0)>
#map1 = affine_map<(d0, d1) -> (0)>
module attributes {stable_mosaic.version = 14 : i64} {
  func.func @_deg_body(%arg0: i32, %arg1: i32, %arg2: memref<2560x128xi32, #tpu.memory_space<hbm>>, %arg3: memref<10240xf32, #tpu.memory_space<hbm>>, %arg4: memref<160x128xi32, #tpu.memory_space<vmem>>, %arg5: memref<128xf32, #tpu.memory_space<vmem>>, %arg6: memref<640xf32, #tpu.memory_space<vmem>>, %arg7: memref<10240xf32, #tpu.memory_space<vmem_shared>>, %arg8: memref<!tpu.dma_semaphore, #tpu.memory_space<semaphore_mem>>) attributes {dimension_semantics = [#tpu.dimension_semantics<core_parallel>, #tpu.dimension_semantics<subcore_parallel>], iteration_bounds = array<i64: 2, 16>, scalar_prefetch = 0 : i64, scratch_operands = 5 : i64, tpu.core_type = #tpu.core_type<sc_vector_subcore>, window_params = [{transform_indices = #map}, {transform_indices = #map1}]} {
    %broadcast_in_dim3A = arith.constant 0.000000e+00 : f32
    %broadcast_in_dim3A_0 = vector.broadcast %broadcast_in_dim3A : f32 to vector<16xf32>
    %swap3A = arith.constant 0 : index
    %swap3A_1 = tpu.vector_load %arg6[%swap3A] {strides = array<i32>} : memref<640xf32, #tpu.memory_space<vmem>>, vector<16xf32>,
    %swap3A_2 = vector.shape_cast %swap3A_1 : vector<16xf32> to vector<16xf32>
    %swap3A_3 = vector.shape_cast %broadcast_in_dim3A_0 : vector<16xf32> to vector<16xf32>
    tpu.vector_store %arg6[%swap3A], %swap3A_3 {strides = array<i32>} : memref<640xf32, #tpu.memory_space<vmem>>, vector<16xf32>,
    %broadcast_in_dim3A_4 = arith.constant 0.000000e+00 : f32
    %broadcast_in_dim3A_5 = vector.broadcast %broadcast_in_dim3A_4 : f32 to vector<16xf32>
    %swap3A_6 = arith.constant 16 : index
    %swap3A_7 = tpu.vector_load %arg6[%swap3A_6] {strides = array<i32>} : memref<640xf32, #tpu.memory_space<vmem>>, vector<16xf32>,
    %swap3A_8 = vector.shape_cast %swap3A_7 : vector<16xf32> to vector<16xf32>
    %swap3A_9 = vector.shape_cast %broadcast_in_dim3A_5 : vector<16xf32> to vector<16xf32>
    tpu.vector_store %arg6[%swap3A_6], %swap3A_9 {strides = array<i32>} : memref<640xf32, #tpu.memory_space<vmem>>, vector<16xf32>,
    %broadcast_in_dim3A_10 = arith.constant 0.000000e+00 : f32
    %broadcast_in_dim3A_11 = vector.broadcast %broadcast_in_dim3A_10 : f32 to vector<16xf32>
    %swap3A_12 = arith.constant 32 : index
    %swap3A_13 = tpu.vector_load %arg6[%swap3A_12] {strides = array<i32>} : memref<640xf32, #tpu.memory_space<vmem>>, vector<16xf32>,
    %swap3A_14 = vector.shape_cast %swap3A_13 : vector<16xf32> to vector<16xf32>
    %swap3A_15 = vector.shape_cast %broadcast_in_dim3A_11 : vector<16xf32> to vector<16xf32>
    tpu.vector_store %arg6[%swap3A_12], %swap3A_15 {strides = array<i32>} : memref<640xf32, #tpu.memory_space<vmem>>, vector<16xf32>,
    %broadcast_in_dim3A_16 = arith.constant 0.000000e+00 : f32
    %broadcast_in_dim3A_17 = vector.broadcast %broadcast_in_dim3A_16 : f32 to vector<16xf32>
    %swap3A_18 = arith.constant 48 : index
    %swap3A_19 = tpu.vector_load %arg6[%swap3A_18] {strides = array<i32>} : memref<640xf32, #tpu.memory_space<vmem>>, vector<16xf32>,
    %swap3A_20 = vector.shape_cast %swap3A_19 : vector<16xf32> to vector<16xf32>
    %swap3A_21 = vector.shape_cast %broadcast_in_dim3A_17 : vector<16xf32> to vector<16xf32>
    tpu.vector_store %arg6[%swap3A_18], %swap3A_21 {strides = array<i32>} : memref<640xf32, #tpu.memory_space<vmem>>, vector<16xf32>,
    %broadcast_in_dim3A_22 = arith.constant 0.000000e+00 : f32
    %broadcast_in_dim3A_23 = vector.broadcast %broadcast_in_dim3A_22 : f32 to vector<16xf32>
    %swap3A_24 = arith.constant 64 : index
    %swap3A_25 = tpu.vector_load %arg6[%swap3A_24] {strides = array<i32>} : memref<640xf32, #tpu.memory_space<vmem>>, vector<16xf32>,
    %swap3A_26 = vector.shape_cast %swap3A_25 : vector<16xf32> to vector<16xf32>
    %swap3A_27 = vector.shape_cast %broadcast_in_dim3A_23 : vector<16xf32> to vector<16xf32>
    tpu.vector_store %arg6[%swap3A_24], %swap3A_27 {strides = array<i32>} : memref<640xf32, #tpu.memory_space<vmem>>, vector<16xf32>,
    %broadcast_in_dim3A_28 = arith.constant 0.000000e+00 : f32
    %broadcast_in_dim3A_29 = vector.broadcast %broadcast_in_dim3A_28 : f32 to vector<16xf32>
    %swap3A_30 = arith.constant 80 : index
    %swap3A_31 = tpu.vector_load %arg6[%swap3A_30] {strides = array<i32>} : memref<640xf32, #tpu.memory_space<vmem>>, vector<16xf32>,
    %swap3A_32 = vector.shape_cast %swap3A_31 : vector<16xf32> to vector<16xf32>
    %swap3A_33 = vector.shape_cast %broadcast_in_dim3A_29 : vector<16xf32> to vector<16xf32>
    tpu.vector_store %arg6[%swap3A_30], %swap3A_33 {strides = array<i32>} : memref<640xf32, #tpu.memory_space<vmem>>, vector<16xf32>,
    %broadcast_in_dim3A_34 = arith.constant 0.000000e+00 : f32
    %broadcast_in_dim3A_35 = vector.broadcast %broadcast_in_dim3A_34 : f32 to vector<16xf32>
    %swap3A_36 = arith.constant 96 : index
    %swap3A_37 = tpu.vector_load %arg6[%swap3A_36] {strides = array<i32>} : memref<640xf32, #tpu.memory_space<vmem>>, vector<16xf32>,
    %swap3A_38 = vector.shape_cast %swap3A_37 : vector<16xf32> to vector<16xf32>
    %swap3A_39 = vector.shape_cast %broadcast_in_dim3A_35 : vector<16xf32> to vector<16xf32>
    tpu.vector_store %arg6[%swap3A_36], %swap3A_39 {strides = array<i32>} : memref<640xf32, #tpu.memory_space<vmem>>, vector<16xf32>,
    %broadcast_in_dim3A_40 = arith.constant 0.000000e+00 : f32
    %broadcast_in_dim3A_41 = vector.broadcast %broadcast_in_dim3A_40 : f32 to vector<16xf32>
    %swap3A_42 = arith.constant 112 : index
    %swap3A_43 = tpu.vector_load %arg6[%swap3A_42] {strides = array<i32>} : memref<640xf32, #tpu.memory_space<vmem>>, vector<16xf32>,
    %swap3A_44 = vector.shape_cast %swap3A_43 : vector<16xf32> to vector<16xf32>
    %swap3A_45 = vector.shape_cast %broadcast_in_dim3A_41 : vector<16xf32> to vector<16xf32>
    tpu.vector_store %arg6[%swap3A_42], %swap3A_45 {strides = array<i32>} : memref<640xf32, #tpu.memory_space<vmem>>, vector<16xf32>,
    %broadcast_in_dim3A_46 = arith.constant 0.000000e+00 : f32
    %broadcast_in_dim3A_47 = vector.broadcast %broadcast_in_dim3A_46 : f32 to vector<16xf32>
    %swap3A_48 = arith.constant 128 : index
    %swap3A_49 = tpu.vector_load %arg6[%swap3A_48] {strides = array<i32>} : memref<640xf32, #tpu.memory_space<vmem>>, vector<16xf32>,
    %swap3A_50 = vector.shape_cast %swap3A_49 : vector<16xf32> to vector<16xf32>
    %swap3A_51 = vector.shape_cast %broadcast_in_dim3A_47 : vector<16xf32> to vector<16xf32>
    tpu.vector_store %arg6[%swap3A_48], %swap3A_51 {strides = array<i32>} : memref<640xf32, #tpu.memory_space<vmem>>, vector<16xf32>,
    %broadcast_in_dim3A_52 = arith.constant 0.000000e+00 : f32
    %broadcast_in_dim3A_53 = vector.broadcast %broadcast_in_dim3A_52 : f32 to vector<16xf32>
    %swap3A_54 = arith.constant 144 : index
    %swap3A_55 = tpu.vector_load %arg6[%swap3A_54] {strides = array<i32>} : memref<640xf32, #tpu.memory_space<vmem>>, vector<16xf32>,
    %swap3A_56 = vector.shape_cast %swap3A_55 : vector<16xf32> to vector<16xf32>
    %swap3A_57 = vector.shape_cast %broadcast_in_dim3A_53 : vector<16xf32> to vector<16xf32>
    tpu.vector_store %arg6[%swap3A_54], %swap3A_57 {strides = array<i32>} : memref<640xf32, #tpu.memory_space<vmem>>, vector<16xf32>,
    %broadcast_in_dim3A_58 = arith.constant 0.000000e+00 : f32
    %broadcast_in_dim3A_59 = vector.broadcast %broadcast_in_dim3A_58 : f32 to vector<16xf32>
    %swap3A_60 = arith.constant 160 : index
    %swap3A_61 = tpu.vector_load %arg6[%swap3A_60] {strides = array<i32>} : memref<640xf32, #tpu.memory_space<vmem>>, vector<16xf32>,
    %swap3A_62 = vector.shape_cast %swap3A_61 : vector<16xf32> to vector<16xf32>
    %swap3A_63 = vector.shape_cast %broadcast_in_dim3A_59 : vector<16xf32> to vector<16xf32>
    tpu.vector_store %arg6[%swap3A_60], %swap3A_63 {strides = array<i32>} : memref<640xf32, #tpu.memory_space<vmem>>, vector<16xf32>,
    %broadcast_in_dim3A_64 = arith.constant 0.000000e+00 : f32
    %broadcast_in_dim3A_65 = vector.broadcast %broadcast_in_dim3A_64 : f32 to vector<16xf32>
    %swap3A_66 = arith.constant 176 : index
    %swap3A_67 = tpu.vector_load %arg6[%swap3A_66] {strides = array<i32>} : memref<640xf32, #tpu.memory_space<vmem>>, vector<16xf32>,
    %swap3A_68 = vector.shape_cast %swap3A_67 : vector<16xf32> to vector<16xf32>
    %swap3A_69 = vector.shape_cast %broadcast_in_dim3A_65 : vector<16xf32> to vector<16xf32>
    tpu.vector_store %arg6[%swap3A_66], %swap3A_69 {strides = array<i32>} : memref<640xf32, #tpu.memory_space<vmem>>, vector<16xf32>,
    %broadcast_in_dim3A_70 = arith.constant 0.000000e+00 : f32
    %broadcast_in_dim3A_71 = vector.broadcast %broadcast_in_dim3A_70 : f32 to vector<16xf32>
    %swap3A_72 = arith.constant 192 : index
    %swap3A_73 = tpu.vector_load %arg6[%swap3A_72] {strides = array<i32>} : memref<640xf32, #tpu.memory_space<vmem>>, vector<16xf32>,
    %swap3A_74 = vector.shape_cast %swap3A_73 : vector<16xf32> to vector<16xf32>
    %swap3A_75 = vector.shape_cast %broadcast_in_dim3A_71 : vector<16xf32> to vector<16xf32>
    tpu.vector_store %arg6[%swap3A_72], %swap3A_75 {strides = array<i32>} : memref<640xf32, #tpu.memory_space<vmem>>, vector<16xf32>,
    %broadcast_in_dim3A_76 = arith.constant 0.000000e+00 : f32
    %broadcast_in_dim3A_77 = vector.broadcast %broadcast_in_dim3A_76 : f32 to vector<16xf32>
    %swap3A_78 = arith.constant 208 : index
    %swap3A_79 = tpu.vector_load %arg6[%swap3A_78] {strides = array<i32>} : memref<640xf32, #tpu.memory_space<vmem>>, vector<16xf32>,
    %swap3A_80 = vector.shape_cast %swap3A_79 : vector<16xf32> to vector<16xf32>
    %swap3A_81 = vector.shape_cast %broadcast_in_dim3A_77 : vector<16xf32> to vector<16xf32>
    tpu.vector_store %arg6[%swap3A_78], %swap3A_81 {strides = array<i32>} : memref<640xf32, #tpu.memory_space<vmem>>, vector<16xf32>,
    %broadcast_in_dim3A_82 = arith.constant 0.000000e+00 : f32
    %broadcast_in_dim3A_83 = vector.broadcast %broadcast_in_dim3A_82 : f32 to vector<16xf32>
    %swap3A_84 = arith.constant 224 : index
    %swap3A_85 = tpu.vector_load %arg6[%swap3A_84] {strides = array<i32>} : memref<640xf32, #tpu.memory_space<vmem>>, vector<16xf32>,
    %swap3A_86 = vector.shape_cast %swap3A_85 : vector<16xf32> to vector<16xf32>
    %swap3A_87 = vector.shape_cast %broadcast_in_dim3A_83 : vector<16xf32> to vector<16xf32>
    tpu.vector_store %arg6[%swap3A_84], %swap3A_87 {strides = array<i32>} : memref<640xf32, #tpu.memory_space<vmem>>, vector<16xf32>,
    %broadcast_in_dim3A_88 = arith.constant 0.000000e+00 : f32
    %broadcast_in_dim3A_89 = vector.broadcast %broadcast_in_dim3A_88 : f32 to vector<16xf32>
    %swap3A_90 = arith.constant 240 : index
    %swap3A_91 = tpu.vector_load %arg6[%swap3A_90] {strides = array<i32>} : memref<640xf32, #tpu.memory_space<vmem>>, vector<16xf32>,
    %swap3A_92 = vector.shape_cast %swap3A_91 : vector<16xf32> to vector<16xf32>
    %swap3A_93 = vector.shape_cast %broadcast_in_dim3A_89 : vector<16xf32> to vector<16xf32>
    tpu.vector_store %arg6[%swap3A_90], %swap3A_93 {strides = array<i32>} : memref<640xf32, #tpu.memory_space<vmem>>, vector<16xf32>,
    %broadcast_in_dim3A_94 = arith.constant 0.000000e+00 : f32
    %broadcast_in_dim3A_95 = vector.broadcast %broadcast_in_dim3A_94 : f32 to vector<16xf32>
    %swap3A_96 = arith.constant 256 : index
    %swap3A_97 = tpu.vector_load %arg6[%swap3A_96] {strides = array<i32>} : memref<640xf32, #tpu.memory_space<vmem>>, vector<16xf32>,
    %swap3A_98 = vector.shape_cast %swap3A_97 : vector<16xf32> to vector<16xf32>
    %swap3A_99 = vector.shape_cast %broadcast_in_dim3A_95 : vector<16xf32> to vector<16xf32>
    tpu.vector_store %arg6[%swap3A_96], %swap3A_99 {strides = array<i32>} : memref<640xf32, #tpu.memory_space<vmem>>, vector<16xf32>,
    %broadcast_in_dim3A_100 = arith.constant 0.000000e+00 : f32
    %broadcast_in_dim3A_101 = vector.broadcast %broadcast_in_dim3A_100 : f32 to vector<16xf32>
    %swap3A_102 = arith.constant 272 : index
    %swap3A_103 = tpu.vector_load %arg6[%swap3A_102] {strides = array<i32>} : memref<640xf32, #tpu.memory_space<vmem>>, vector<16xf32>,
    %swap3A_104 = vector.shape_cast %swap3A_103 : vector<16xf32> to vector<16xf32>
    %swap3A_105 = vector.shape_cast %broadcast_in_dim3A_101 : vector<16xf32> to vector<16xf32>
    tpu.vector_store %arg6[%swap3A_102], %swap3A_105 {strides = array<i32>} : memref<640xf32, #tpu.memory_space<vmem>>, vector<16xf32>,
    %broadcast_in_dim3A_106 = arith.constant 0.000000e+00 : f32
    %broadcast_in_dim3A_107 = vector.broadcast %broadcast_in_dim3A_106 : f32 to vector<16xf32>
    %swap3A_108 = arith.constant 288 : index
    %swap3A_109 = tpu.vector_load %arg6[%swap3A_108] {strides = array<i32>} : memref<640xf32, #tpu.memory_space<vmem>>, vector<16xf32>,
    %swap3A_110 = vector.shape_cast %swap3A_109 : vector<16xf32> to vector<16xf32>
    %swap3A_111 = vector.shape_cast %broadcast_in_dim3A_107 : vector<16xf32> to vector<16xf32>
    tpu.vector_store %arg6[%swap3A_108], %swap3A_111 {strides = array<i32>} : memref<640xf32, #tpu.memory_space<vmem>>, vector<16xf32>,
    %broadcast_in_dim3A_112 = arith.constant 0.000000e+00 : f32
    %broadcast_in_dim3A_113 = vector.broadcast %broadcast_in_dim3A_112 : f32 to vector<16xf32>
    %swap3A_114 = arith.constant 304 : index
    %swap3A_115 = tpu.vector_load %arg6[%swap3A_114] {strides = array<i32>} : memref<640xf32, #tpu.memory_space<vmem>>, vector<16xf32>,
    %swap3A_116 = vector.shape_cast %swap3A_115 : vector<16xf32> to vector<16xf32>
    %swap3A_117 = vector.shape_cast %broadcast_in_dim3A_113 : vector<16xf32> to vector<16xf32>
    tpu.vector_store %arg6[%swap3A_114], %swap3A_117 {strides = array<i32>} : memref<640xf32, #tpu.memory_space<vmem>>, vector<16xf32>,
    %broadcast_in_dim3A_118 = arith.constant 0.000000e+00 : f32
    %broadcast_in_dim3A_119 = vector.broadcast %broadcast_in_dim3A_118 : f32 to vector<16xf32>
    %swap3A_120 = arith.constant 320 : index
    %swap3A_121 = tpu.vector_load %arg6[%swap3A_120] {strides = array<i32>} : memref<640xf32, #tpu.memory_space<vmem>>, vector<16xf32>,
    %swap3A_122 = vector.shape_cast %swap3A_121 : vector<16xf32> to vector<16xf32>
    %swap3A_123 = vector.shape_cast %broadcast_in_dim3A_119 : vector<16xf32> to vector<16xf32>
    tpu.vector_store %arg6[%swap3A_120], %swap3A_123 {strides = array<i32>} : memref<640xf32, #tpu.memory_space<vmem>>, vector<16xf32>,
    %broadcast_in_dim3A_124 = arith.constant 0.000000e+00 : f32
    %broadcast_in_dim3A_125 = vector.broadcast %broadcast_in_dim3A_124 : f32 to vector<16xf32>
    %swap3A_126 = arith.constant 336 : index
    %swap3A_127 = tpu.vector_load %arg6[%swap3A_126] {strides = array<i32>} : memref<640xf32, #tpu.memory_space<vmem>>, vector<16xf32>,
    %swap3A_128 = vector.shape_cast %swap3A_127 : vector<16xf32> to vector<16xf32>
    %swap3A_129 = vector.shape_cast %broadcast_in_dim3A_125 : vector<16xf32> to vector<16xf32>
    tpu.vector_store %arg6[%swap3A_126], %swap3A_129 {strides = array<i32>} : memref<640xf32, #tpu.memory_space<vmem>>, vector<16xf32>,
    %broadcast_in_dim3A_130 = arith.constant 0.000000e+00 : f32
    %broadcast_in_dim3A_131 = vector.broadcast %broadcast_in_dim3A_130 : f32 to vector<16xf32>
    %swap3A_132 = arith.constant 352 : index
    %swap3A_133 = tpu.vector_load %arg6[%swap3A_132] {strides = array<i32>} : memref<640xf32, #tpu.memory_space<vmem>>, vector<16xf32>,
    %swap3A_134 = vector.shape_cast %swap3A_133 : vector<16xf32> to vector<16xf32>
    %swap3A_135 = vector.shape_cast %broadcast_in_dim3A_131 : vector<16xf32> to vector<16xf32>
    tpu.vector_store %arg6[%swap3A_132], %swap3A_135 {strides = array<i32>} : memref<640xf32, #tpu.memory_space<vmem>>, vector<16xf32>,
    %broadcast_in_dim3A_136 = arith.constant 0.000000e+00 : f32
    %broadcast_in_dim3A_137 = vector.broadcast %broadcast_in_dim3A_136 : f32 to vector<16xf32>
    %swap3A_138 = arith.constant 368 : index
    %swap3A_139 = tpu.vector_load %arg6[%swap3A_138] {strides = array<i32>} : memref<640xf32, #tpu.memory_space<vmem>>, vector<16xf32>,
    %swap3A_140 = vector.shape_cast %swap3A_139 : vector<16xf32> to vector<16xf32>
    %swap3A_141 = vector.shape_cast %broadcast_in_dim3A_137 : vector<16xf32> to vector<16xf32>
    tpu.vector_store %arg6[%swap3A_138], %swap3A_141 {strides = array<i32>} : memref<640xf32, #tpu.memory_space<vmem>>, vector<16xf32>,
    %broadcast_in_dim3A_142 = arith.constant 0.000000e+00 : f32
    %broadcast_in_dim3A_143 = vector.broadcast %broadcast_in_dim3A_142 : f32 to vector<16xf32>
    %swap3A_144 = arith.constant 384 : index
    %swap3A_145 = tpu.vector_load %arg6[%swap3A_144] {strides = array<i32>} : memref<640xf32, #tpu.memory_space<vmem>>, vector<16xf32>,
    %swap3A_146 = vector.shape_cast %swap3A_145 : vector<16xf32> to vector<16xf32>
    %swap3A_147 = vector.shape_cast %broadcast_in_dim3A_143 : vector<16xf32> to vector<16xf32>
    tpu.vector_store %arg6[%swap3A_144], %swap3A_147 {strides = array<i32>} : memref<640xf32, #tpu.memory_space<vmem>>, vector<16xf32>,
    %broadcast_in_dim3A_148 = arith.constant 0.000000e+00 : f32
    %broadcast_in_dim3A_149 = vector.broadcast %broadcast_in_dim3A_148 : f32 to vector<16xf32>
    %swap3A_150 = arith.constant 400 : index
    %swap3A_151 = tpu.vector_load %arg6[%swap3A_150] {strides = array<i32>} : memref<640xf32, #tpu.memory_space<vmem>>, vector<16xf32>,
    %swap3A_152 = vector.shape_cast %swap3A_151 : vector<16xf32> to vector<16xf32>
    %swap3A_153 = vector.shape_cast %broadcast_in_dim3A_149 : vector<16xf32> to vector<16xf32>
    tpu.vector_store %arg6[%swap3A_150], %swap3A_153 {strides = array<i32>} : memref<640xf32, #tpu.memory_space<vmem>>, vector<16xf32>,
    %broadcast_in_dim3A_154 = arith.constant 0.000000e+00 : f32
    %broadcast_in_dim3A_155 = vector.broadcast %broadcast_in_dim3A_154 : f32 to vector<16xf32>
    %swap3A_156 = arith.constant 416 : index
    %swap3A_157 = tpu.vector_load %arg6[%swap3A_156] {strides = array<i32>} : memref<640xf32, #tpu.memory_space<vmem>>, vector<16xf32>,
    %swap3A_158 = vector.shape_cast %swap3A_157 : vector<16xf32> to vector<16xf32>
    %swap3A_159 = vector.shape_cast %broadcast_in_dim3A_155 : vector<16xf32> to vector<16xf32>
    tpu.vector_store %arg6[%swap3A_156], %swap3A_159 {strides = array<i32>} : memref<640xf32, #tpu.memory_space<vmem>>, vector<16xf32>,
    %broadcast_in_dim3A_160 = arith.constant 0.000000e+00 : f32
    %broadcast_in_dim3A_161 = vector.broadcast %broadcast_in_dim3A_160 : f32 to vector<16xf32>
    %swap3A_162 = arith.constant 432 : index
    %swap3A_163 = tpu.vector_load %arg6[%swap3A_162] {strides = array<i32>} : memref<640xf32, #tpu.memory_space<vmem>>, vector<16xf32>,
    %swap3A_164 = vector.shape_cast %swap3A_163 : vector<16xf32> to vector<16xf32>
    %swap3A_165 = vector.shape_cast %broadcast_in_dim3A_161 : vector<16xf32> to vector<16xf32>
    tpu.vector_store %arg6[%swap3A_162], %swap3A_165 {strides = array<i32>} : memref<640xf32, #tpu.memory_space<vmem>>, vector<16xf32>,
    %broadcast_in_dim3A_166 = arith.constant 0.000000e+00 : f32
    %broadcast_in_dim3A_167 = vector.broadcast %broadcast_in_dim3A_166 : f32 to vector<16xf32>
    %swap3A_168 = arith.constant 448 : index
    %swap3A_169 = tpu.vector_load %arg6[%swap3A_168] {strides = array<i32>} : memref<640xf32, #tpu.memory_space<vmem>>, vector<16xf32>,
    %swap3A_170 = vector.shape_cast %swap3A_169 : vector<16xf32> to vector<16xf32>
    %swap3A_171 = vector.shape_cast %broadcast_in_dim3A_167 : vector<16xf32> to vector<16xf32>
    tpu.vector_store %arg6[%swap3A_168], %swap3A_171 {strides = array<i32>} : memref<640xf32, #tpu.memory_space<vmem>>, vector<16xf32>,
    %broadcast_in_dim3A_172 = arith.constant 0.000000e+00 : f32
    %broadcast_in_dim3A_173 = vector.broadcast %broadcast_in_dim3A_172 : f32 to vector<16xf32>
    %swap3A_174 = arith.constant 464 : index
    %swap3A_175 = tpu.vector_load %arg6[%swap3A_174] {strides = array<i32>} : memref<640xf32, #tpu.memory_space<vmem>>, vector<16xf32>,
    %swap3A_176 = vector.shape_cast %swap3A_175 : vector<16xf32> to vector<16xf32>
    %swap3A_177 = vector.shape_cast %broadcast_in_dim3A_173 : vector<16xf32> to vector<16xf32>
    tpu.vector_store %arg6[%swap3A_174], %swap3A_177 {strides = array<i32>} : memref<640xf32, #tpu.memory_space<vmem>>, vector<16xf32>,
    %broadcast_in_dim3A_178 = arith.constant 0.000000e+00 : f32
    %broadcast_in_dim3A_179 = vector.broadcast %broadcast_in_dim3A_178 : f32 to vector<16xf32>
    %swap3A_180 = arith.constant 480 : index
    %swap3A_181 = tpu.vector_load %arg6[%swap3A_180] {strides = array<i32>} : memref<640xf32, #tpu.memory_space<vmem>>, vector<16xf32>,
    %swap3A_182 = vector.shape_cast %swap3A_181 : vector<16xf32> to vector<16xf32>
    %swap3A_183 = vector.shape_cast %broadcast_in_dim3A_179 : vector<16xf32> to vector<16xf32>
    tpu.vector_store %arg6[%swap3A_180], %swap3A_183 {strides = array<i32>} : memref<640xf32, #tpu.memory_space<vmem>>, vector<16xf32>,
    %broadcast_in_dim3A_184 = arith.constant 0.000000e+00 : f32
    %broadcast_in_dim3A_185 = vector.broadcast %broadcast_in_dim3A_184 : f32 to vector<16xf32>
    %swap3A_186 = arith.constant 496 : index
    %swap3A_187 = tpu.vector_load %arg6[%swap3A_186] {strides = array<i32>} : memref<640xf32, #tpu.memory_space<vmem>>, vector<16xf32>,
    %swap3A_188 = vector.shape_cast %swap3A_187 : vector<16xf32> to vector<16xf32>
    %swap3A_189 = vector.shape_cast %broadcast_in_dim3A_185 : vector<16xf32> to vector<16xf32>
    tpu.vector_store %arg6[%swap3A_186], %swap3A_189 {strides = array<i32>} : memref<640xf32, #tpu.memory_space<vmem>>, vector<16xf32>,
    %broadcast_in_dim3A_190 = arith.constant 0.000000e+00 : f32
    %broadcast_in_dim3A_191 = vector.broadcast %broadcast_in_dim3A_190 : f32 to vector<16xf32>
    %swap3A_192 = arith.constant 512 : index
    %swap3A_193 = tpu.vector_load %arg6[%swap3A_192] {strides = array<i32>} : memref<640xf32, #tpu.memory_space<vmem>>, vector<16xf32>,
    %swap3A_194 = vector.shape_cast %swap3A_193 : vector<16xf32> to vector<16xf32>
    %swap3A_195 = vector.shape_cast %broadcast_in_dim3A_191 : vector<16xf32> to vector<16xf32>
    tpu.vector_store %arg6[%swap3A_192], %swap3A_195 {strides = array<i32>} : memref<640xf32, #tpu.memory_space<vmem>>, vector<16xf32>,
    %broadcast_in_dim3A_196 = arith.constant 0.000000e+00 : f32
    %broadcast_in_dim3A_197 = vector.broadcast %broadcast_in_dim3A_196 : f32 to vector<16xf32>
    %swap3A_198 = arith.constant 528 : index
    %swap3A_199 = tpu.vector_load %arg6[%swap3A_198] {strides = array<i32>} : memref<640xf32, #tpu.memory_space<vmem>>, vector<16xf32>,
    %swap3A_200 = vector.shape_cast %swap3A_199 : vector<16xf32> to vector<16xf32>
    %swap3A_201 = vector.shape_cast %broadcast_in_dim3A_197 : vector<16xf32> to vector<16xf32>
    tpu.vector_store %arg6[%swap3A_198], %swap3A_201 {strides = array<i32>} : memref<640xf32, #tpu.memory_space<vmem>>, vector<16xf32>,
    %broadcast_in_dim3A_202 = arith.constant 0.000000e+00 : f32
    %broadcast_in_dim3A_203 = vector.broadcast %broadcast_in_dim3A_202 : f32 to vector<16xf32>
    %swap3A_204 = arith.constant 544 : index
    %swap3A_205 = tpu.vector_load %arg6[%swap3A_204] {strides = array<i32>} : memref<640xf32, #tpu.memory_space<vmem>>, vector<16xf32>,
    %swap3A_206 = vector.shape_cast %swap3A_205 : vector<16xf32> to vector<16xf32>
    %swap3A_207 = vector.shape_cast %broadcast_in_dim3A_203 : vector<16xf32> to vector<16xf32>
    tpu.vector_store %arg6[%swap3A_204], %swap3A_207 {strides = array<i32>} : memref<640xf32, #tpu.memory_space<vmem>>, vector<16xf32>,
    %broadcast_in_dim3A_208 = arith.constant 0.000000e+00 : f32
    %broadcast_in_dim3A_209 = vector.broadcast %broadcast_in_dim3A_208 : f32 to vector<16xf32>
    %swap3A_210 = arith.constant 560 : index
    %swap3A_211 = tpu.vector_load %arg6[%swap3A_210] {strides = array<i32>} : memref<640xf32, #tpu.memory_space<vmem>>, vector<16xf32>,
    %swap3A_212 = vector.shape_cast %swap3A_211 : vector<16xf32> to vector<16xf32>
    %swap3A_213 = vector.shape_cast %broadcast_in_dim3A_209 : vector<16xf32> to vector<16xf32>
    tpu.vector_store %arg6[%swap3A_210], %swap3A_213 {strides = array<i32>} : memref<640xf32, #tpu.memory_space<vmem>>, vector<16xf32>,
    %broadcast_in_dim3A_214 = arith.constant 0.000000e+00 : f32
    %broadcast_in_dim3A_215 = vector.broadcast %broadcast_in_dim3A_214 : f32 to vector<16xf32>
    %swap3A_216 = arith.constant 576 : index
    %swap3A_217 = tpu.vector_load %arg6[%swap3A_216] {strides = array<i32>} : memref<640xf32, #tpu.memory_space<vmem>>, vector<16xf32>,
    %swap3A_218 = vector.shape_cast %swap3A_217 : vector<16xf32> to vector<16xf32>
    %swap3A_219 = vector.shape_cast %broadcast_in_dim3A_215 : vector<16xf32> to vector<16xf32>
    tpu.vector_store %arg6[%swap3A_216], %swap3A_219 {strides = array<i32>} : memref<640xf32, #tpu.memory_space<vmem>>, vector<16xf32>,
    %broadcast_in_dim3A_220 = arith.constant 0.000000e+00 : f32
    %broadcast_in_dim3A_221 = vector.broadcast %broadcast_in_dim3A_220 : f32 to vector<16xf32>
    %swap3A_222 = arith.constant 592 : index
    %swap3A_223 = tpu.vector_load %arg6[%swap3A_222] {strides = array<i32>} : memref<640xf32, #tpu.memory_space<vmem>>, vector<16xf32>,
    %swap3A_224 = vector.shape_cast %swap3A_223 : vector<16xf32> to vector<16xf32>
    %swap3A_225 = vector.shape_cast %broadcast_in_dim3A_221 : vector<16xf32> to vector<16xf32>
    tpu.vector_store %arg6[%swap3A_222], %swap3A_225 {strides = array<i32>} : memref<640xf32, #tpu.memory_space<vmem>>, vector<16xf32>,
    %broadcast_in_dim3A_226 = arith.constant 0.000000e+00 : f32
    %broadcast_in_dim3A_227 = vector.broadcast %broadcast_in_dim3A_226 : f32 to vector<16xf32>
    %swap3A_228 = arith.constant 608 : index
    %swap3A_229 = tpu.vector_load %arg6[%swap3A_228] {strides = array<i32>} : memref<640xf32, #tpu.memory_space<vmem>>, vector<16xf32>,
    %swap3A_230 = vector.shape_cast %swap3A_229 : vector<16xf32> to vector<16xf32>
    %swap3A_231 = vector.shape_cast %broadcast_in_dim3A_227 : vector<16xf32> to vector<16xf32>
    tpu.vector_store %arg6[%swap3A_228], %swap3A_231 {strides = array<i32>} : memref<640xf32, #tpu.memory_space<vmem>>, vector<16xf32>,
    %broadcast_in_dim3A_232 = arith.constant 0.000000e+00 : f32
    %broadcast_in_dim3A_233 = vector.broadcast %broadcast_in_dim3A_232 : f32 to vector<16xf32>
    %swap3A_234 = arith.constant 624 : index
    %swap3A_235 = tpu.vector_load %arg6[%swap3A_234] {strides = array<i32>} : memref<640xf32, #tpu.memory_space<vmem>>, vector<16xf32>,
    %swap3A_236 = vector.shape_cast %swap3A_235 : vector<16xf32> to vector<16xf32>
    %swap3A_237 = vector.shape_cast %broadcast_in_dim3A_233 : vector<16xf32> to vector<16xf32>
    tpu.vector_store %arg6[%swap3A_234], %swap3A_237 {strides = array<i32>} : memref<640xf32, #tpu.memory_space<vmem>>, vector<16xf32>,
    %broadcast_in_dim3A_238 = arith.constant 1.000000e+00 : f32
    %broadcast_in_dim3A_239 = vector.broadcast %broadcast_in_dim3A_238 : f32 to vector<16xf32>
    %swap3A_240 = arith.constant 0 : index
    %swap3A_241 = tpu.vector_load %arg5[%swap3A_240] {strides = array<i32>} : memref<128xf32, #tpu.memory_space<vmem>>, vector<16xf32>,
    %swap3A_242 = vector.shape_cast %swap3A_241 : vector<16xf32> to vector<16xf32>
    %swap3A_243 = vector.shape_cast %broadcast_in_dim3A_239 : vector<16xf32> to vector<16xf32>
    tpu.vector_store %arg5[%swap3A_240], %swap3A_243 {strides = array<i32>} : memref<128xf32, #tpu.memory_space<vmem>>, vector<16xf32>,
    %broadcast_in_dim3A_244 = arith.constant 1.000000e+00 : f32
    %broadcast_in_dim3A_245 = vector.broadcast %broadcast_in_dim3A_244 : f32 to vector<16xf32>
    %swap3A_246 = arith.constant 16 : index
    %swap3A_247 = tpu.vector_load %arg5[%swap3A_246] {strides = array<i32>} : memref<128xf32, #tpu.memory_space<vmem>>, vector<16xf32>,
    %swap3A_248 = vector.shape_cast %swap3A_247 : vector<16xf32> to vector<16xf32>
    %swap3A_249 = vector.shape_cast %broadcast_in_dim3A_245 : vector<16xf32> to vector<16xf32>
    tpu.vector_store %arg5[%swap3A_246], %swap3A_249 {strides = array<i32>} : memref<128xf32, #tpu.memory_space<vmem>>, vector<16xf32>,
    %broadcast_in_dim3A_250 = arith.constant 1.000000e+00 : f32
    %broadcast_in_dim3A_251 = vector.broadcast %broadcast_in_dim3A_250 : f32 to vector<16xf32>
    %swap3A_252 = arith.constant 32 : index
    %swap3A_253 = tpu.vector_load %arg5[%swap3A_252] {strides = array<i32>} : memref<128xf32, #tpu.memory_space<vmem>>, vector<16xf32>,
    %swap3A_254 = vector.shape_cast %swap3A_253 : vector<16xf32> to vector<16xf32>
    %swap3A_255 = vector.shape_cast %broadcast_in_dim3A_251 : vector<16xf32> to vector<16xf32>
    tpu.vector_store %arg5[%swap3A_252], %swap3A_255 {strides = array<i32>} : memref<128xf32, #tpu.memory_space<vmem>>, vector<16xf32>,
    %broadcast_in_dim3A_256 = arith.constant 1.000000e+00 : f32
    %broadcast_in_dim3A_257 = vector.broadcast %broadcast_in_dim3A_256 : f32 to vector<16xf32>
    %swap3A_258 = arith.constant 48 : index
    %swap3A_259 = tpu.vector_load %arg5[%swap3A_258] {strides = array<i32>} : memref<128xf32, #tpu.memory_space<vmem>>, vector<16xf32>,
    %swap3A_260 = vector.shape_cast %swap3A_259 : vector<16xf32> to vector<16xf32>
    %swap3A_261 = vector.shape_cast %broadcast_in_dim3A_257 : vector<16xf32> to vector<16xf32>
    tpu.vector_store %arg5[%swap3A_258], %swap3A_261 {strides = array<i32>} : memref<128xf32, #tpu.memory_space<vmem>>, vector<16xf32>,
    %broadcast_in_dim3A_262 = arith.constant 1.000000e+00 : f32
    %broadcast_in_dim3A_263 = vector.broadcast %broadcast_in_dim3A_262 : f32 to vector<16xf32>
    %swap3A_264 = arith.constant 64 : index
    %swap3A_265 = tpu.vector_load %arg5[%swap3A_264] {strides = array<i32>} : memref<128xf32, #tpu.memory_space<vmem>>, vector<16xf32>,
    %swap3A_266 = vector.shape_cast %swap3A_265 : vector<16xf32> to vector<16xf32>
    %swap3A_267 = vector.shape_cast %broadcast_in_dim3A_263 : vector<16xf32> to vector<16xf32>
    tpu.vector_store %arg5[%swap3A_264], %swap3A_267 {strides = array<i32>} : memref<128xf32, #tpu.memory_space<vmem>>, vector<16xf32>,
    %broadcast_in_dim3A_268 = arith.constant 1.000000e+00 : f32
    %broadcast_in_dim3A_269 = vector.broadcast %broadcast_in_dim3A_268 : f32 to vector<16xf32>
    %swap3A_270 = arith.constant 80 : index
    %swap3A_271 = tpu.vector_load %arg5[%swap3A_270] {strides = array<i32>} : memref<128xf32, #tpu.memory_space<vmem>>, vector<16xf32>,
    %swap3A_272 = vector.shape_cast %swap3A_271 : vector<16xf32> to vector<16xf32>
    %swap3A_273 = vector.shape_cast %broadcast_in_dim3A_269 : vector<16xf32> to vector<16xf32>
    tpu.vector_store %arg5[%swap3A_270], %swap3A_273 {strides = array<i32>} : memref<128xf32, #tpu.memory_space<vmem>>, vector<16xf32>,
    %broadcast_in_dim3A_274 = arith.constant 1.000000e+00 : f32
    %broadcast_in_dim3A_275 = vector.broadcast %broadcast_in_dim3A_274 : f32 to vector<16xf32>
    %swap3A_276 = arith.constant 96 : index
    %swap3A_277 = tpu.vector_load %arg5[%swap3A_276] {strides = array<i32>} : memref<128xf32, #tpu.memory_space<vmem>>, vector<16xf32>,
    %swap3A_278 = vector.shape_cast %swap3A_277 : vector<16xf32> to vector<16xf32>
    %swap3A_279 = vector.shape_cast %broadcast_in_dim3A_275 : vector<16xf32> to vector<16xf32>
    tpu.vector_store %arg5[%swap3A_276], %swap3A_279 {strides = array<i32>} : memref<128xf32, #tpu.memory_space<vmem>>, vector<16xf32>,
    %broadcast_in_dim3A_280 = arith.constant 1.000000e+00 : f32
    %broadcast_in_dim3A_281 = vector.broadcast %broadcast_in_dim3A_280 : f32 to vector<16xf32>
    %swap3A_282 = arith.constant 112 : index
    %swap3A_283 = tpu.vector_load %arg5[%swap3A_282] {strides = array<i32>} : memref<128xf32, #tpu.memory_space<vmem>>, vector<16xf32>,
    %swap3A_284 = vector.shape_cast %swap3A_283 : vector<16xf32> to vector<16xf32>
    %swap3A_285 = vector.shape_cast %broadcast_in_dim3A_281 : vector<16xf32> to vector<16xf32>
    tpu.vector_store %arg5[%swap3A_282], %swap3A_285 {strides = array<i32>} : memref<128xf32, #tpu.memory_space<vmem>>, vector<16xf32>,
    %mul3A = arith.constant 640 : i32
    %mul3A_286 = arith.muli %arg1, %mul3A : i32
    "tpu.region"() ({
      %run_scoped3A = tpu.sem_alloc : memref<!tpu.dma_semaphore, #tpu.memory_space<semaphore_mem>>
      %dma_start3A = tpu.memref_slice %arg7[%mul3A_286] : memref<10240xf32, #tpu.memory_space<vmem_shared>> -> memref<640xf32, #tpu.memory_space<vmem_shared>>
      %dma_start3A_305 = tpu.memref_slice %arg7[%mul3A_286] : memref<10240xf32, #tpu.memory_space<vmem_shared>> -> memref<640xf32, #tpu.memory_space<vmem_shared>>
      tpu.enqueue_dma source(%arg6 : memref<640xf32, #tpu.memory_space<vmem>>) target(%dma_start3A_305 : memref<640xf32, #tpu.memory_space<vmem_shared>>) target_semaphore(%run_scoped3A : memref<!tpu.dma_semaphore, #tpu.memory_space<semaphore_mem>>)
      %dma_wait3A = tpu.memref_slice %arg7[%mul3A_286] : memref<10240xf32, #tpu.memory_space<vmem_shared>> -> memref<640xf32, #tpu.memory_space<vmem_shared>>
      %dma_wait3A_306 = tpu.memref_slice %arg7[%mul3A_286] : memref<10240xf32, #tpu.memory_space<vmem_shared>> -> memref<640xf32, #tpu.memory_space<vmem_shared>>
      tpu.wait_dma2 semaphore(%run_scoped3A : memref<!tpu.dma_semaphore, #tpu.memory_space<semaphore_mem>>) src(%arg6 : memref<640xf32, #tpu.memory_space<vmem>>) dst(%dma_wait3A_306 : memref<640xf32, #tpu.memory_space<vmem_shared>>)
      tpu.yield
    }) : () -> ()
    %mul3A_287 = arith.constant 160 : i32
    %mul3A_288 = arith.muli %arg1, %mul3A_287 : i32
    "tpu.region"() ({
      %run_scoped3A = tpu.sem_alloc : memref<!tpu.dma_semaphore, #tpu.memory_space<semaphore_mem>>
      %dma_start3A = arith.constant 0 : i32
      %dma_start3A_305 = tpu.memref_slice %arg2[%mul3A_288, %dma_start3A] : memref<2560x128xi32, #tpu.memory_space<hbm>> -> memref<160x128xi32, #tpu.memory_space<hbm>>
      %dma_start3A_306 = arith.constant 0 : i32
      %dma_start3A_307 = tpu.memref_slice %arg2[%mul3A_288, %dma_start3A_306] : memref<2560x128xi32, #tpu.memory_space<hbm>> -> memref<160x128xi32, #tpu.memory_space<hbm>>
      tpu.enqueue_dma source(%dma_start3A_307 : memref<160x128xi32, #tpu.memory_space<hbm>>) target(%arg4 : memref<160x128xi32, #tpu.memory_space<vmem>>) target_semaphore(%run_scoped3A : memref<!tpu.dma_semaphore, #tpu.memory_space<semaphore_mem>>)
      %dma_wait3A = arith.constant 0 : i32
      %dma_wait3A_308 = tpu.memref_slice %arg2[%mul3A_288, %dma_wait3A] : memref<2560x128xi32, #tpu.memory_space<hbm>> -> memref<160x128xi32, #tpu.memory_space<hbm>>
      %dma_wait3A_309 = arith.constant 0 : i32
      %dma_wait3A_310 = tpu.memref_slice %arg2[%mul3A_288, %dma_wait3A_309] : memref<2560x128xi32, #tpu.memory_space<hbm>> -> memref<160x128xi32, #tpu.memory_space<hbm>>
      tpu.wait_dma2 semaphore(%run_scoped3A : memref<!tpu.dma_semaphore, #tpu.memory_space<semaphore_mem>>) src(%dma_wait3A_310 : memref<160x128xi32, #tpu.memory_space<hbm>>) dst(%arg4 : memref<160x128xi32, #tpu.memory_space<vmem>>)
      tpu.yield
    }) : () -> ()
    %barrier3A = arith.constant 0 : index
    tpu.barrier barrier_id(%barrier3A)
    %scan3A = arith.constant 0 : i32
    %scan3A_289 = arith.constant 0 : i32
    %scan3A_290 = arith.constant 160 : i32
    %scan3A_291 = arith.addi %scan3A_289, %scan3A_290 : i32
    %scan3A_292 = arith.constant 1 : i32
    %scan3A_293 = scf.for %scan3A_305 = %scan3A_289 to %scan3A_291 step %scan3A_292 iter_args(%scan3A_306 = %scan3A) -> (i32)  : i32 {
      %dma_start3A = arith.constant 0 : i32
      %dma_start3A_307 = tpu.memref_slice %arg4[%scan3A_305, %dma_start3A] : memref<160x128xi32, #tpu.memory_space<vmem>> -> memref<1x128xi32, #tpu.memory_space<vmem>>
      %dma_start3A_308 = tpu.memref_squeeze %dma_start3A_307 : memref<1x128xi32, #tpu.memory_space<vmem>> -> memref<128xi32, #tpu.memory_space<vmem>>
      %dma_start3A_309 = arith.constant 0 : i32
      %dma_start3A_310 = tpu.memref_slice %arg7[%dma_start3A_309] : memref<10240xf32, #tpu.memory_space<vmem_shared>> -> memref<10240xf32, #tpu.memory_space<vmem_shared>>
      tpu.enqueue_indirect_dma source(%arg5 : memref<128xf32, #tpu.memory_space<vmem>>) target(%dma_start3A_310 : memref<10240xf32, #tpu.memory_space<vmem_shared>>) offsets(%dma_start3A_308 : memref<128xi32, #tpu.memory_space<vmem>>) semaphore(%arg8 : memref<!tpu.dma_semaphore, #tpu.memory_space<semaphore_mem>>) {add = true}
      %scan3A_311 = arith.constant 0 : i32
      scf.yield %scan3A_311 : i32
    }
    %scan3A_294 = arith.constant 160 : i32
    %scan3A_295 = arith.constant 0 : i32
    %scan3A_296 = arith.constant 0 : i32
    %scan3A_297 = arith.constant 160 : i32
    %scan3A_298 = arith.addi %scan3A_296, %scan3A_297 : i32
    %scan3A_299 = arith.constant 1 : i32
    %scan3A_300 = scf.for %scan3A_305 = %scan3A_296 to %scan3A_298 step %scan3A_299 iter_args(%scan3A_306 = %scan3A_295) -> (i32)  : i32 {
      %dma_wait3A = arith.constant 0 : i32
      %dma_wait3A_307 = tpu.memref_slice %arg4[%scan3A_305, %dma_wait3A] : memref<160x128xi32, #tpu.memory_space<vmem>> -> memref<1x128xi32, #tpu.memory_space<vmem>>
      %dma_wait3A_308 = tpu.memref_squeeze %dma_wait3A_307 : memref<1x128xi32, #tpu.memory_space<vmem>> -> memref<128xi32, #tpu.memory_space<vmem>>
      %dma_wait3A_309 = arith.constant 0 : i32
      %dma_wait3A_310 = tpu.memref_slice %arg7[%dma_wait3A_309] : memref<10240xf32, #tpu.memory_space<vmem_shared>> -> memref<10240xf32, #tpu.memory_space<vmem_shared>>
      tpu.wait_indirect_dma semaphore(%arg8 : memref<!tpu.dma_semaphore, #tpu.memory_space<semaphore_mem>>) src(%arg5 : memref<128xf32, #tpu.memory_space<vmem>>) dst(%dma_wait3A_310 : memref<10240xf32, #tpu.memory_space<vmem_shared>>)
      %scan3A_311 = arith.constant 0 : i32
      scf.yield %scan3A_311 : i32
    }
    %scan3A_301 = arith.constant 160 : i32
    %barrier3A_302 = arith.constant 0 : index
    tpu.barrier barrier_id(%barrier3A_302)
    %eq3A = arith.constant 0 : i32
    %eq3A_303 = arith.cmpi eq, %arg0, %eq3A : i32
    %convert_element_type3A = arith.extui %eq3A_303 : i1 to i32
    %cond3A = arith.constant 0 : i32
    %cond3A_304 = arith.cmpi ne, %convert_element_type3A, %cond3A : i32
    scf.if %cond3A_304 {
      %mul3A_305 = arith.constant 640 : i32
      %mul3A_306 = arith.muli %arg1, %mul3A_305 : i32
      %mul3A_307 = arith.constant 640 : i32
      %mul3A_308 = arith.muli %arg1, %mul3A_307 : i32
      "tpu.region"() ({
        %run_scoped3A = tpu.sem_alloc : memref<!tpu.dma_semaphore, #tpu.memory_space<semaphore_mem>>
        %dma_start3A = tpu.memref_slice %arg3[%mul3A_308] : memref<10240xf32, #tpu.memory_space<hbm>> -> memref<640xf32, #tpu.memory_space<hbm>>
        %dma_start3A_309 = tpu.memref_slice %arg7[%mul3A_306] : memref<10240xf32, #tpu.memory_space<vmem_shared>> -> memref<640xf32, #tpu.memory_space<vmem_shared>>
        tpu.enqueue_dma source(%dma_start3A_309 : memref<640xf32, #tpu.memory_space<vmem_shared>>) target(%dma_start3A : memref<640xf32, #tpu.memory_space<hbm>>) target_semaphore(%run_scoped3A : memref<!tpu.dma_semaphore, #tpu.memory_space<semaphore_mem>>)
        %dma_wait3A = tpu.memref_slice %arg3[%mul3A_308] : memref<10240xf32, #tpu.memory_space<hbm>> -> memref<640xf32, #tpu.memory_space<hbm>>
        %dma_wait3A_310 = tpu.memref_slice %arg7[%mul3A_306] : memref<10240xf32, #tpu.memory_space<vmem_shared>> -> memref<640xf32, #tpu.memory_space<vmem_shared>>
        tpu.wait_dma2 semaphore(%run_scoped3A : memref<!tpu.dma_semaphore, #tpu.memory_space<semaphore_mem>>) src(%dma_wait3A_310 : memref<640xf32, #tpu.memory_space<vmem_shared>>) dst(%dma_wait3A : memref<640xf32, #tpu.memory_space<hbm>>)
        tpu.yield
      }) : () -> ()
    } else {
    }
    return
  }
}

#map = affine_map<(d0, d1) -> (0, 0)>
module attributes {stable_mosaic.version = 14 : i64} {
  func.func @_scatter_body(%arg0: i32, %arg1: i32, %arg2: memref<20000x128xf32, #tpu.memory_space<hbm>>, %arg3: memref<10000x128xf32, #tpu.memory_space<hbm>>, %arg4: memref<5120x128xi32, #tpu.memory_space<hbm>>, %arg5: memref<2560x128xi32, #tpu.memory_space<hbm>>, %arg6: memref<20000x128xf32, #tpu.memory_space<hbm>>, %arg7: memref<32x128xi32, #tpu.memory_space<vmem>>, %arg8: memref<32x128xi32, #tpu.memory_space<vmem>>, %arg9: memref<32x128xi32, #tpu.memory_space<vmem>>, %arg10: memref<32x128xi32, #tpu.memory_space<vmem>>, %arg11: memref<128x128xf32, #tpu.memory_space<vmem>>, %arg12: memref<128x128xf32, #tpu.memory_space<vmem>>, %arg13: memref<10008x128xf32, #tpu.memory_space<vmem_shared>>, %arg14: memref<!tpu.dma_semaphore, #tpu.memory_space<semaphore_mem>>, %arg15: memref<!tpu.dma_semaphore, #tpu.memory_space<semaphore_mem>>, %arg16: memref<!tpu.dma_semaphore, #tpu.memory_space<semaphore_mem>>) attributes {dimension_semantics = [#tpu.dimension_semantics<core_parallel>, #tpu.dimension_semantics<subcore_parallel>], iteration_bounds = array<i64: 2, 16>, scalar_prefetch = 0 : i64, scratch_operands = 10 : i64, tpu.core_type = #tpu.core_type<sc_vector_subcore>, window_params = [{transform_indices = #map}, {transform_indices = #map}, {transform_indices = #map}, {transform_indices = #map}, {transform_indices = #map}]} {
    %mul3A = arith.constant 624 : i32
    %mul3A_0 = arith.muli %arg1, %mul3A : i32
    %lt3A = arith.constant 15 : i32
    %lt3A_1 = arith.cmpi slt, %arg1, %lt3A : i32
    %convert_element_type3A = arith.extui %lt3A_1 : i1 to i32
    %cond3A = arith.constant 0 : i32
    %cond3A_2 = arith.cmpi ne, %convert_element_type3A, %cond3A : i32
    scf.if %cond3A_2 {
      %eq3A_297 = arith.constant 0 : i32
      %eq3A_298 = arith.cmpi eq, %arg0, %eq3A_297 : i32
      %convert_element_type3A_299 = arith.extui %eq3A_298 : i1 to i32
      %cond3A_300 = arith.constant 0 : i32
      %cond3A_301 = arith.cmpi ne, %convert_element_type3A_299, %cond3A_300 : i32
      scf.if %cond3A_301 {
        "tpu.region"() ({
          %run_scoped3A_307 = tpu.sem_alloc : memref<!tpu.dma_semaphore, #tpu.memory_space<semaphore_mem>>
          %dma_start3A_308 = arith.constant 0 : i32
          %dma_start3A_309 = tpu.memref_slice %arg13[%mul3A_0, %dma_start3A_308] : memref<10008x128xf32, #tpu.memory_space<vmem_shared>> -> memref<624x128xf32, #tpu.memory_space<vmem_shared>>
          %dma_start3A_310 = arith.constant 0 : i32
          %dma_start3A_311 = tpu.memref_slice %arg3[%mul3A_0, %dma_start3A_310] : memref<10000x128xf32, #tpu.memory_space<hbm>> -> memref<624x128xf32, #tpu.memory_space<hbm>>
          tpu.enqueue_dma source(%dma_start3A_311 : memref<624x128xf32, #tpu.memory_space<hbm>>) target(%dma_start3A_309 : memref<624x128xf32, #tpu.memory_space<vmem_shared>>) target_semaphore(%run_scoped3A_307 : memref<!tpu.dma_semaphore, #tpu.memory_space<semaphore_mem>>)
          %dma_wait3A_312 = arith.constant 0 : i32
          %dma_wait3A_313 = tpu.memref_slice %arg13[%mul3A_0, %dma_wait3A_312] : memref<10008x128xf32, #tpu.memory_space<vmem_shared>> -> memref<624x128xf32, #tpu.memory_space<vmem_shared>>
          %dma_wait3A_314 = arith.constant 0 : i32
          %dma_wait3A_315 = tpu.memref_slice %arg3[%mul3A_0, %dma_wait3A_314] : memref<10000x128xf32, #tpu.memory_space<hbm>> -> memref<624x128xf32, #tpu.memory_space<hbm>>
          tpu.wait_dma2 semaphore(%run_scoped3A_307 : memref<!tpu.dma_semaphore, #tpu.memory_space<semaphore_mem>>) src(%dma_wait3A_315 : memref<624x128xf32, #tpu.memory_space<hbm>>) dst(%dma_wait3A_313 : memref<624x128xf32, #tpu.memory_space<vmem_shared>>)
          tpu.yield
        }) : () -> ()
      } else {
      }
      %eq3A_302 = arith.constant 1 : i32
      %eq3A_303 = arith.cmpi eq, %arg0, %eq3A_302 : i32
      %convert_element_type3A_304 = arith.extui %eq3A_303 : i1 to i32
      %cond3A_305 = arith.constant 0 : i32
      %cond3A_306 = arith.cmpi ne, %convert_element_type3A_304, %cond3A_305 : i32
      scf.if %cond3A_306 {
        %add3A_307 = arith.constant 10000 : i32
        %add3A_308 = arith.addi %add3A_307, %mul3A_0 : i32
        "tpu.region"() ({
          %run_scoped3A_309 = tpu.sem_alloc : memref<!tpu.dma_semaphore, #tpu.memory_space<semaphore_mem>>
          %dma_start3A_310 = arith.constant 0 : i32
          %dma_start3A_311 = tpu.memref_slice %arg13[%mul3A_0, %dma_start3A_310] : memref<10008x128xf32, #tpu.memory_space<vmem_shared>> -> memref<624x128xf32, #tpu.memory_space<vmem_shared>>
          %dma_start3A_312 = arith.constant 0 : i32
          %dma_start3A_313 = tpu.memref_slice %arg2[%add3A_308, %dma_start3A_312] : memref<20000x128xf32, #tpu.memory_space<hbm>> -> memref<624x128xf32, #tpu.memory_space<hbm>>
          tpu.enqueue_dma source(%dma_start3A_313 : memref<624x128xf32, #tpu.memory_space<hbm>>) target(%dma_start3A_311 : memref<624x128xf32, #tpu.memory_space<vmem_shared>>) target_semaphore(%run_scoped3A_309 : memref<!tpu.dma_semaphore, #tpu.memory_space<semaphore_mem>>)
          %dma_wait3A_314 = arith.constant 0 : i32
          %dma_wait3A_315 = tpu.memref_slice %arg13[%mul3A_0, %dma_wait3A_314] : memref<10008x128xf32, #tpu.memory_space<vmem_shared>> -> memref<624x128xf32, #tpu.memory_space<vmem_shared>>
          %dma_wait3A_316 = arith.constant 0 : i32
          %dma_wait3A_317 = tpu.memref_slice %arg2[%add3A_308, %dma_wait3A_316] : memref<20000x128xf32, #tpu.memory_space<hbm>> -> memref<624x128xf32, #tpu.memory_space<hbm>>
          tpu.wait_dma2 semaphore(%run_scoped3A_309 : memref<!tpu.dma_semaphore, #tpu.memory_space<semaphore_mem>>) src(%dma_wait3A_317 : memref<624x128xf32, #tpu.memory_space<hbm>>) dst(%dma_wait3A_315 : memref<624x128xf32, #tpu.memory_space<vmem_shared>>)
          tpu.yield
        }) : () -> ()
      } else {
      }
    } else {
    }
    %eq3A = arith.constant 15 : i32
    %eq3A_3 = arith.cmpi eq, %arg1, %eq3A : i32
    %convert_element_type3A_4 = arith.extui %eq3A_3 : i1 to i32
    %cond3A_5 = arith.constant 0 : i32
    %cond3A_6 = arith.cmpi ne, %convert_element_type3A_4, %cond3A_5 : i32
    scf.if %cond3A_6 {
      %eq3A_297 = arith.constant 0 : i32
      %eq3A_298 = arith.cmpi eq, %arg0, %eq3A_297 : i32
      %convert_element_type3A_299 = arith.extui %eq3A_298 : i1 to i32
      %cond3A_300 = arith.constant 0 : i32
      %cond3A_301 = arith.cmpi ne, %convert_element_type3A_299, %cond3A_300 : i32
      scf.if %cond3A_301 {
        "tpu.region"() ({
          %run_scoped3A_307 = tpu.sem_alloc : memref<!tpu.dma_semaphore, #tpu.memory_space<semaphore_mem>>
          %dma_start3A_308 = arith.constant 9360 : i32
          %dma_start3A_309 = arith.constant 0 : i32
          %dma_start3A_310 = tpu.memref_slice %arg13[%dma_start3A_308, %dma_start3A_309] : memref<10008x128xf32, #tpu.memory_space<vmem_shared>> -> memref<640x128xf32, #tpu.memory_space<vmem_shared>>
          %dma_start3A_311 = arith.constant 9360 : i32
          %dma_start3A_312 = arith.constant 0 : i32
          %dma_start3A_313 = tpu.memref_slice %arg3[%dma_start3A_311, %dma_start3A_312] : memref<10000x128xf32, #tpu.memory_space<hbm>> -> memref<640x128xf32, #tpu.memory_space<hbm>>
          tpu.enqueue_dma source(%dma_start3A_313 : memref<640x128xf32, #tpu.memory_space<hbm>>) target(%dma_start3A_310 : memref<640x128xf32, #tpu.memory_space<vmem_shared>>) target_semaphore(%run_scoped3A_307 : memref<!tpu.dma_semaphore, #tpu.memory_space<semaphore_mem>>)
          %dma_wait3A_314 = arith.constant 9360 : i32
          %dma_wait3A_315 = arith.constant 0 : i32
          %dma_wait3A_316 = tpu.memref_slice %arg13[%dma_wait3A_314, %dma_wait3A_315] : memref<10008x128xf32, #tpu.memory_space<vmem_shared>> -> memref<640x128xf32, #tpu.memory_space<vmem_shared>>
          %dma_wait3A_317 = arith.constant 9360 : i32
          %dma_wait3A_318 = arith.constant 0 : i32
          %dma_wait3A_319 = tpu.memref_slice %arg3[%dma_wait3A_317, %dma_wait3A_318] : memref<10000x128xf32, #tpu.memory_space<hbm>> -> memref<640x128xf32, #tpu.memory_space<hbm>>
          tpu.wait_dma2 semaphore(%run_scoped3A_307 : memref<!tpu.dma_semaphore, #tpu.memory_space<semaphore_mem>>) src(%dma_wait3A_319 : memref<640x128xf32, #tpu.memory_space<hbm>>) dst(%dma_wait3A_316 : memref<640x128xf32, #tpu.memory_space<vmem_shared>>)
          tpu.yield
        }) : () -> ()
      } else {
      }
      %eq3A_302 = arith.constant 1 : i32
      %eq3A_303 = arith.cmpi eq, %arg0, %eq3A_302 : i32
      %convert_element_type3A_304 = arith.extui %eq3A_303 : i1 to i32
      %cond3A_305 = arith.constant 0 : i32
      %cond3A_306 = arith.cmpi ne, %convert_element_type3A_304, %cond3A_305 : i32
      scf.if %cond3A_306 {
        "tpu.region"() ({
          %run_scoped3A_307 = tpu.sem_alloc : memref<!tpu.dma_semaphore, #tpu.memory_space<semaphore_mem>>
          %dma_start3A_308 = arith.constant 9360 : i32
          %dma_start3A_309 = arith.constant 0 : i32
          %dma_start3A_310 = tpu.memref_slice %arg13[%dma_start3A_308, %dma_start3A_309] : memref<10008x128xf32, #tpu.memory_space<vmem_shared>> -> memref<640x128xf32, #tpu.memory_space<vmem_shared>>
          %dma_start3A_311 = arith.constant 19360 : i32
          %dma_start3A_312 = arith.constant 0 : i32
          %dma_start3A_313 = tpu.memref_slice %arg2[%dma_start3A_311, %dma_start3A_312] : memref<20000x128xf32, #tpu.memory_space<hbm>> -> memref<640x128xf32, #tpu.memory_space<hbm>>
          tpu.enqueue_dma source(%dma_start3A_313 : memref<640x128xf32, #tpu.memory_space<hbm>>) target(%dma_start3A_310 : memref<640x128xf32, #tpu.memory_space<vmem_shared>>) target_semaphore(%run_scoped3A_307 : memref<!tpu.dma_semaphore, #tpu.memory_space<semaphore_mem>>)
          %dma_wait3A_314 = arith.constant 9360 : i32
          %dma_wait3A_315 = arith.constant 0 : i32
          %dma_wait3A_316 = tpu.memref_slice %arg13[%dma_wait3A_314, %dma_wait3A_315] : memref<10008x128xf32, #tpu.memory_space<vmem_shared>> -> memref<640x128xf32, #tpu.memory_space<vmem_shared>>
          %dma_wait3A_317 = arith.constant 19360 : i32
          %dma_wait3A_318 = arith.constant 0 : i32
          %dma_wait3A_319 = tpu.memref_slice %arg2[%dma_wait3A_317, %dma_wait3A_318] : memref<20000x128xf32, #tpu.memory_space<hbm>> -> memref<640x128xf32, #tpu.memory_space<hbm>>
          tpu.wait_dma2 semaphore(%run_scoped3A_307 : memref<!tpu.dma_semaphore, #tpu.memory_space<semaphore_mem>>) src(%dma_wait3A_319 : memref<640x128xf32, #tpu.memory_space<hbm>>) dst(%dma_wait3A_316 : memref<640x128xf32, #tpu.memory_space<vmem_shared>>)
          tpu.yield
        }) : () -> ()
      } else {
      }
    } else {
    }
    %barrier3A = arith.constant 0 : index
    tpu.barrier barrier_id(%barrier3A)
    %mul3A_7 = arith.constant 160 : i32
    %mul3A_8 = arith.muli %arg1, %mul3A_7 : i32
    %add3A = arith.constant 0 : i32
    %add3A_9 = arith.addi %mul3A_8, %add3A : i32
    %mul3A_10 = arith.constant 2560 : i32
    %mul3A_11 = arith.muli %arg0, %mul3A_10 : i32
    %add3A_12 = arith.addi %mul3A_11, %add3A_9 : i32
    "tpu.region"() ({
      %run_scoped3A_297 = tpu.sem_alloc : memref<!tpu.dma_semaphore, #tpu.memory_space<semaphore_mem>>
      %dma_start3A_298 = arith.constant 0 : i32
      %dma_start3A_299 = tpu.memref_slice %arg4[%add3A_12, %dma_start3A_298] : memref<5120x128xi32, #tpu.memory_space<hbm>> -> memref<32x128xi32, #tpu.memory_space<hbm>>
      %dma_start3A_300 = arith.constant 0 : i32
      %dma_start3A_301 = tpu.memref_slice %arg4[%add3A_12, %dma_start3A_300] : memref<5120x128xi32, #tpu.memory_space<hbm>> -> memref<32x128xi32, #tpu.memory_space<hbm>>
      tpu.enqueue_dma source(%dma_start3A_301 : memref<32x128xi32, #tpu.memory_space<hbm>>) target(%arg7 : memref<32x128xi32, #tpu.memory_space<vmem>>) target_semaphore(%run_scoped3A_297 : memref<!tpu.dma_semaphore, #tpu.memory_space<semaphore_mem>>)
      %dma_wait3A_302 = arith.constant 0 : i32
      %dma_wait3A_303 = tpu.memref_slice %arg4[%add3A_12, %dma_wait3A_302] : memref<5120x128xi32, #tpu.memory_space<hbm>> -> memref<32x128xi32, #tpu.memory_space<hbm>>
      %dma_wait3A_304 = arith.constant 0 : i32
      %dma_wait3A_305 = tpu.memref_slice %arg4[%add3A_12, %dma_wait3A_304] : memref<5120x128xi32, #tpu.memory_space<hbm>> -> memref<32x128xi32, #tpu.memory_space<hbm>>
      tpu.wait_dma2 semaphore(%run_scoped3A_297 : memref<!tpu.dma_semaphore, #tpu.memory_space<semaphore_mem>>) src(%dma_wait3A_305 : memref<32x128xi32, #tpu.memory_space<hbm>>) dst(%arg7 : memref<32x128xi32, #tpu.memory_space<vmem>>)
      tpu.yield
    }) : () -> ()
    "tpu.region"() ({
      %run_scoped3A_297 = tpu.sem_alloc : memref<!tpu.dma_semaphore, #tpu.memory_space<semaphore_mem>>
      %dma_start3A_298 = arith.constant 0 : i32
      %dma_start3A_299 = tpu.memref_slice %arg5[%add3A_9, %dma_start3A_298] : memref<2560x128xi32, #tpu.memory_space<hbm>> -> memref<32x128xi32, #tpu.memory_space<hbm>>
      %dma_start3A_300 = arith.constant 0 : i32
      %dma_start3A_301 = tpu.memref_slice %arg5[%add3A_9, %dma_start3A_300] : memref<2560x128xi32, #tpu.memory_space<hbm>> -> memref<32x128xi32, #tpu.memory_space<hbm>>
      tpu.enqueue_dma source(%dma_start3A_301 : memref<32x128xi32, #tpu.memory_space<hbm>>) target(%arg8 : memref<32x128xi32, #tpu.memory_space<vmem>>) target_semaphore(%run_scoped3A_297 : memref<!tpu.dma_semaphore, #tpu.memory_space<semaphore_mem>>)
      %dma_wait3A_302 = arith.constant 0 : i32
      %dma_wait3A_303 = tpu.memref_slice %arg5[%add3A_9, %dma_wait3A_302] : memref<2560x128xi32, #tpu.memory_space<hbm>> -> memref<32x128xi32, #tpu.memory_space<hbm>>
      %dma_wait3A_304 = arith.constant 0 : i32
      %dma_wait3A_305 = tpu.memref_slice %arg5[%add3A_9, %dma_wait3A_304] : memref<2560x128xi32, #tpu.memory_space<hbm>> -> memref<32x128xi32, #tpu.memory_space<hbm>>
      tpu.wait_dma2 semaphore(%run_scoped3A_297 : memref<!tpu.dma_semaphore, #tpu.memory_space<semaphore_mem>>) src(%dma_wait3A_305 : memref<32x128xi32, #tpu.memory_space<hbm>>) dst(%arg8 : memref<32x128xi32, #tpu.memory_space<vmem>>)
      tpu.yield
    }) : () -> ()
    %mul3A_13 = arith.constant 160 : i32
    %mul3A_14 = arith.muli %arg1, %mul3A_13 : i32
    %add3A_15 = arith.constant 32 : i32
    %add3A_16 = arith.addi %mul3A_14, %add3A_15 : i32
    %mul3A_17 = arith.constant 2560 : i32
    %mul3A_18 = arith.muli %arg0, %mul3A_17 : i32
    %add3A_19 = arith.addi %mul3A_18, %add3A_16 : i32
    %dma_start3A = arith.constant 0 : i32
    %dma_start3A_20 = tpu.memref_slice %arg4[%add3A_19, %dma_start3A] : memref<5120x128xi32, #tpu.memory_space<hbm>> -> memref<32x128xi32, #tpu.memory_space<hbm>>
    %dma_start3A_21 = arith.constant 0 : i32
    %dma_start3A_22 = tpu.memref_slice %arg4[%add3A_19, %dma_start3A_21] : memref<5120x128xi32, #tpu.memory_space<hbm>> -> memref<32x128xi32, #tpu.memory_space<hbm>>
    tpu.enqueue_dma source(%dma_start3A_22 : memref<32x128xi32, #tpu.memory_space<hbm>>) target(%arg9 : memref<32x128xi32, #tpu.memory_space<vmem>>) target_semaphore(%arg16 : memref<!tpu.dma_semaphore, #tpu.memory_space<semaphore_mem>>)
    %dma_start3A_23 = arith.constant 0 : i32
    %dma_start3A_24 = tpu.memref_slice %arg5[%add3A_16, %dma_start3A_23] : memref<2560x128xi32, #tpu.memory_space<hbm>> -> memref<32x128xi32, #tpu.memory_space<hbm>>
    %dma_start3A_25 = arith.constant 0 : i32
    %dma_start3A_26 = tpu.memref_slice %arg5[%add3A_16, %dma_start3A_25] : memref<2560x128xi32, #tpu.memory_space<hbm>> -> memref<32x128xi32, #tpu.memory_space<hbm>>
    tpu.enqueue_dma source(%dma_start3A_26 : memref<32x128xi32, #tpu.memory_space<hbm>>) target(%arg10 : memref<32x128xi32, #tpu.memory_space<vmem>>) target_semaphore(%arg16 : memref<!tpu.dma_semaphore, #tpu.memory_space<semaphore_mem>>)
    %dma_start3A_27 = arith.constant 0 : i32
    %dma_start3A_28 = arith.constant 0 : i32
    %dma_start3A_29 = tpu.memref_slice %arg7[%dma_start3A_27, %dma_start3A_28] : memref<32x128xi32, #tpu.memory_space<vmem>> -> memref<1x128xi32, #tpu.memory_space<vmem>>
    %dma_start3A_30 = tpu.memref_squeeze %dma_start3A_29 : memref<1x128xi32, #tpu.memory_space<vmem>> -> memref<128xi32, #tpu.memory_space<vmem>>
    %dma_start3A_31 = arith.constant 0 : i32
    %dma_start3A_32 = arith.constant 0 : i32
    %dma_start3A_33 = tpu.memref_slice %arg2[%dma_start3A_31, %dma_start3A_32] : memref<20000x128xf32, #tpu.memory_space<hbm>> -> memref<20000x128xf32, #tpu.memory_space<hbm>>
    tpu.enqueue_indirect_dma source(%dma_start3A_33 : memref<20000x128xf32, #tpu.memory_space<hbm>>) target(%arg11 : memref<128x128xf32, #tpu.memory_space<vmem>>) offsets(%dma_start3A_30 : memref<128xi32, #tpu.memory_space<vmem>>) semaphore(%arg14 : memref<!tpu.dma_semaphore, #tpu.memory_space<semaphore_mem>>)
    %scan3A = arith.constant 0 : i32
    %scan3A_34 = arith.constant 0 : i32
    %scan3A_35 = arith.constant 15 : i32
    %scan3A_36 = arith.addi %scan3A_34, %scan3A_35 : i32
    %scan3A_37 = arith.constant 1 : i32
    %scan3A_38 = scf.for %scan3A_297 = %scan3A_34 to %scan3A_36 step %scan3A_37 iter_args(%scan3A_298 = %scan3A) -> (i32)  : i32 {
      %mul3A_299 = arith.constant 2 : i32
      %mul3A_300 = arith.muli %mul3A_299, %scan3A_297 : i32
      %add3A_301 = arith.constant 1 : i32
      %add3A_302 = arith.addi %mul3A_300, %add3A_301 : i32
      %dma_start3A_303 = arith.constant 0 : i32
      %dma_start3A_304 = tpu.memref_slice %arg7[%add3A_302, %dma_start3A_303] : memref<32x128xi32, #tpu.memory_space<vmem>> -> memref<1x128xi32, #tpu.memory_space<vmem>>
      %dma_start3A_305 = tpu.memref_squeeze %dma_start3A_304 : memref<1x128xi32, #tpu.memory_space<vmem>> -> memref<128xi32, #tpu.memory_space<vmem>>
      %dma_start3A_306 = arith.constant 0 : i32
      %dma_start3A_307 = arith.constant 0 : i32
      %dma_start3A_308 = tpu.memref_slice %arg2[%dma_start3A_306, %dma_start3A_307] : memref<20000x128xf32, #tpu.memory_space<hbm>> -> memref<20000x128xf32, #tpu.memory_space<hbm>>
      tpu.enqueue_indirect_dma source(%dma_start3A_308 : memref<20000x128xf32, #tpu.memory_space<hbm>>) target(%arg12 : memref<128x128xf32, #tpu.memory_space<vmem>>) offsets(%dma_start3A_305 : memref<128xi32, #tpu.memory_space<vmem>>) semaphore(%arg15 : memref<!tpu.dma_semaphore, #tpu.memory_space<semaphore_mem>>)
      %mul3A_309 = arith.constant 2 : i32
      %mul3A_310 = arith.muli %mul3A_309, %scan3A_297 : i32
      %dma_wait3A_311 = arith.constant 0 : i32
      %dma_wait3A_312 = tpu.memref_slice %arg7[%mul3A_310, %dma_wait3A_311] : memref<32x128xi32, #tpu.memory_space<vmem>> -> memref<1x128xi32, #tpu.memory_space<vmem>>
      %dma_wait3A_313 = tpu.memref_squeeze %dma_wait3A_312 : memref<1x128xi32, #tpu.memory_space<vmem>> -> memref<128xi32, #tpu.memory_space<vmem>>
      %dma_wait3A_314 = arith.constant 0 : i32
      %dma_wait3A_315 = arith.constant 0 : i32
      %dma_wait3A_316 = tpu.memref_slice %arg2[%dma_wait3A_314, %dma_wait3A_315] : memref<20000x128xf32, #tpu.memory_space<hbm>> -> memref<20000x128xf32, #tpu.memory_space<hbm>>
      tpu.wait_indirect_dma semaphore(%arg14 : memref<!tpu.dma_semaphore, #tpu.memory_space<semaphore_mem>>) src(%dma_wait3A_316 : memref<20000x128xf32, #tpu.memory_space<hbm>>) dst(%arg11 : memref<128x128xf32, #tpu.memory_space<vmem>>)
      %mul3A_317 = arith.constant 2 : i32
      %mul3A_318 = arith.muli %mul3A_317, %scan3A_297 : i32
      "tpu.region"() ({
        %run_scoped3A_344 = tpu.sem_alloc : memref<!tpu.dma_semaphore, #tpu.memory_space<semaphore_mem>>
        %dma_start3A_345 = arith.constant 0 : i32
        %dma_start3A_346 = tpu.memref_slice %arg8[%mul3A_318, %dma_start3A_345] : memref<32x128xi32, #tpu.memory_space<vmem>> -> memref<1x128xi32, #tpu.memory_space<vmem>>
        %dma_start3A_347 = tpu.memref_squeeze %dma_start3A_346 : memref<1x128xi32, #tpu.memory_space<vmem>> -> memref<128xi32, #tpu.memory_space<vmem>>
        %dma_start3A_348 = arith.constant 0 : i32
        %dma_start3A_349 = arith.constant 0 : i32
        %dma_start3A_350 = tpu.memref_slice %arg13[%dma_start3A_348, %dma_start3A_349] : memref<10008x128xf32, #tpu.memory_space<vmem_shared>> -> memref<10008x128xf32, #tpu.memory_space<vmem_shared>>
        tpu.enqueue_indirect_dma source(%arg11 : memref<128x128xf32, #tpu.memory_space<vmem>>) target(%dma_start3A_350 : memref<10008x128xf32, #tpu.memory_space<vmem_shared>>) offsets(%dma_start3A_347 : memref<128xi32, #tpu.memory_space<vmem>>) semaphore(%run_scoped3A_344 : memref<!tpu.dma_semaphore, #tpu.memory_space<semaphore_mem>>) {add = true}
        %dma_wait3A_351 = arith.constant 0 : i32
        %dma_wait3A_352 = tpu.memref_slice %arg8[%mul3A_318, %dma_wait3A_351] : memref<32x128xi32, #tpu.memory_space<vmem>> -> memref<1x128xi32, #tpu.memory_space<vmem>>
        %dma_wait3A_353 = tpu.memref_squeeze %dma_wait3A_352 : memref<1x128xi32, #tpu.memory_space<vmem>> -> memref<128xi32, #tpu.memory_space<vmem>>
        %dma_wait3A_354 = arith.constant 0 : i32
        %dma_wait3A_355 = arith.constant 0 : i32
        %dma_wait3A_356 = tpu.memref_slice %arg13[%dma_wait3A_354, %dma_wait3A_355] : memref<10008x128xf32, #tpu.memory_space<vmem_shared>> -> memref<10008x128xf32, #tpu.memory_space<vmem_shared>>
        tpu.wait_indirect_dma semaphore(%run_scoped3A_344 : memref<!tpu.dma_semaphore, #tpu.memory_space<semaphore_mem>>) src(%arg11 : memref<128x128xf32, #tpu.memory_space<vmem>>) dst(%dma_wait3A_356 : memref<10008x128xf32, #tpu.memory_space<vmem_shared>>)
        tpu.yield
      }) : () -> ()
      %mul3A_319 = arith.constant 2 : i32
      %mul3A_320 = arith.muli %mul3A_319, %scan3A_297 : i32
      %add3A_321 = arith.constant 2 : i32
      %add3A_322 = arith.addi %mul3A_320, %add3A_321 : i32
      %dma_start3A_323 = arith.constant 0 : i32
      %dma_start3A_324 = tpu.memref_slice %arg7[%add3A_322, %dma_start3A_323] : memref<32x128xi32, #tpu.memory_space<vmem>> -> memref<1x128xi32, #tpu.memory_space<vmem>>
      %dma_start3A_325 = tpu.memref_squeeze %dma_start3A_324 : memref<1x128xi32, #tpu.memory_space<vmem>> -> memref<128xi32, #tpu.memory_space<vmem>>
      %dma_start3A_326 = arith.constant 0 : i32
      %dma_start3A_327 = arith.constant 0 : i32
      %dma_start3A_328 = tpu.memref_slice %arg2[%dma_start3A_326, %dma_start3A_327] : memref<20000x128xf32, #tpu.memory_space<hbm>> -> memref<20000x128xf32, #tpu.memory_space<hbm>>
      tpu.enqueue_indirect_dma source(%dma_start3A_328 : memref<20000x128xf32, #tpu.memory_space<hbm>>) target(%arg11 : memref<128x128xf32, #tpu.memory_space<vmem>>) offsets(%dma_start3A_325 : memref<128xi32, #tpu.memory_space<vmem>>) semaphore(%arg14 : memref<!tpu.dma_semaphore, #tpu.memory_space<semaphore_mem>>)
      %mul3A_329 = arith.constant 2 : i32
      %mul3A_330 = arith.muli %mul3A_329, %scan3A_297 : i32
      %add3A_331 = arith.constant 1 : i32
      %add3A_332 = arith.addi %mul3A_330, %add3A_331 : i32
      %dma_wait3A_333 = arith.constant 0 : i32
      %dma_wait3A_334 = tpu.memref_slice %arg7[%add3A_332, %dma_wait3A_333] : memref<32x128xi32, #tpu.memory_space<vmem>> -> memref<1x128xi32, #tpu.memory_space<vmem>>
      %dma_wait3A_335 = tpu.memref_squeeze %dma_wait3A_334 : memref<1x128xi32, #tpu.memory_space<vmem>> -> memref<128xi32, #tpu.memory_space<vmem>>
      %dma_wait3A_336 = arith.constant 0 : i32
      %dma_wait3A_337 = arith.constant 0 : i32
      %dma_wait3A_338 = tpu.memref_slice %arg2[%dma_wait3A_336, %dma_wait3A_337] : memref<20000x128xf32, #tpu.memory_space<hbm>> -> memref<20000x128xf32, #tpu.memory_space<hbm>>
      tpu.wait_indirect_dma semaphore(%arg15 : memref<!tpu.dma_semaphore, #tpu.memory_space<semaphore_mem>>) src(%dma_wait3A_338 : memref<20000x128xf32, #tpu.memory_space<hbm>>) dst(%arg12 : memref<128x128xf32, #tpu.memory_space<vmem>>)
      %mul3A_339 = arith.constant 2 : i32
      %mul3A_340 = arith.muli %mul3A_339, %scan3A_297 : i32
      %add3A_341 = arith.constant 1 : i32
      %add3A_342 = arith.addi %mul3A_340, %add3A_341 : i32
      "tpu.region"() ({
        %run_scoped3A_344 = tpu.sem_alloc : memref<!tpu.dma_semaphore, #tpu.memory_space<semaphore_mem>>
        %dma_start3A_345 = arith.constant 0 : i32
        %dma_start3A_346 = tpu.memref_slice %arg8[%add3A_342, %dma_start3A_345] : memref<32x128xi32, #tpu.memory_space<vmem>> -> memref<1x128xi32, #tpu.memory_space<vmem>>
        %dma_start3A_347 = tpu.memref_squeeze %dma_start3A_346 : memref<1x128xi32, #tpu.memory_space<vmem>> -> memref<128xi32, #tpu.memory_space<vmem>>
        %dma_start3A_348 = arith.constant 0 : i32
        %dma_start3A_349 = arith.constant 0 : i32
        %dma_start3A_350 = tpu.memref_slice %arg13[%dma_start3A_348, %dma_start3A_349] : memref<10008x128xf32, #tpu.memory_space<vmem_shared>> -> memref<10008x128xf32, #tpu.memory_space<vmem_shared>>
        tpu.enqueue_indirect_dma source(%arg12 : memref<128x128xf32, #tpu.memory_space<vmem>>) target(%dma_start3A_350 : memref<10008x128xf32, #tpu.memory_space<vmem_shared>>) offsets(%dma_start3A_347 : memref<128xi32, #tpu.memory_space<vmem>>) semaphore(%run_scoped3A_344 : memref<!tpu.dma_semaphore, #tpu.memory_space<semaphore_mem>>) {add = true}
        %dma_wait3A_351 = arith.constant 0 : i32
        %dma_wait3A_352 = tpu.memref_slice %arg8[%add3A_342, %dma_wait3A_351] : memref<32x128xi32, #tpu.memory_space<vmem>> -> memref<1x128xi32, #tpu.memory_space<vmem>>
        %dma_wait3A_353 = tpu.memref_squeeze %dma_wait3A_352 : memref<1x128xi32, #tpu.memory_space<vmem>> -> memref<128xi32, #tpu.memory_space<vmem>>
        %dma_wait3A_354 = arith.constant 0 : i32
        %dma_wait3A_355 = arith.constant 0 : i32
        %dma_wait3A_356 = tpu.memref_slice %arg13[%dma_wait3A_354, %dma_wait3A_355] : memref<10008x128xf32, #tpu.memory_space<vmem_shared>> -> memref<10008x128xf32, #tpu.memory_space<vmem_shared>>
        tpu.wait_indirect_dma semaphore(%run_scoped3A_344 : memref<!tpu.dma_semaphore, #tpu.memory_space<semaphore_mem>>) src(%arg12 : memref<128x128xf32, #tpu.memory_space<vmem>>) dst(%dma_wait3A_356 : memref<10008x128xf32, #tpu.memory_space<vmem_shared>>)
        tpu.yield
      }) : () -> ()
      %scan3A_343 = arith.constant 0 : i32
      scf.yield %scan3A_343 : i32
    }
    %scan3A_39 = arith.constant 15 : i32
    %dma_start3A_40 = arith.constant 31 : i32
    %dma_start3A_41 = arith.constant 0 : i32
    %dma_start3A_42 = tpu.memref_slice %arg7[%dma_start3A_40, %dma_start3A_41] : memref<32x128xi32, #tpu.memory_space<vmem>> -> memref<1x128xi32, #tpu.memory_space<vmem>>
    %dma_start3A_43 = tpu.memref_squeeze %dma_start3A_42 : memref<1x128xi32, #tpu.memory_space<vmem>> -> memref<128xi32, #tpu.memory_space<vmem>>
    %dma_start3A_44 = arith.constant 0 : i32
    %dma_start3A_45 = arith.constant 0 : i32
    %dma_start3A_46 = tpu.memref_slice %arg2[%dma_start3A_44, %dma_start3A_45] : memref<20000x128xf32, #tpu.memory_space<hbm>> -> memref<20000x128xf32, #tpu.memory_space<hbm>>
    tpu.enqueue_indirect_dma source(%dma_start3A_46 : memref<20000x128xf32, #tpu.memory_space<hbm>>) target(%arg12 : memref<128x128xf32, #tpu.memory_space<vmem>>) offsets(%dma_start3A_43 : memref<128xi32, #tpu.memory_space<vmem>>) semaphore(%arg15 : memref<!tpu.dma_semaphore, #tpu.memory_space<semaphore_mem>>)
    %dma_wait3A = arith.constant 30 : i32
    %dma_wait3A_47 = arith.constant 0 : i32
    %dma_wait3A_48 = tpu.memref_slice %arg7[%dma_wait3A, %dma_wait3A_47] : memref<32x128xi32, #tpu.memory_space<vmem>> -> memref<1x128xi32, #tpu.memory_space<vmem>>
    %dma_wait3A_49 = tpu.memref_squeeze %dma_wait3A_48 : memref<1x128xi32, #tpu.memory_space<vmem>> -> memref<128xi32, #tpu.memory_space<vmem>>
    %dma_wait3A_50 = arith.constant 0 : i32
    %dma_wait3A_51 = arith.constant 0 : i32
    %dma_wait3A_52 = tpu.memref_slice %arg2[%dma_wait3A_50, %dma_wait3A_51] : memref<20000x128xf32, #tpu.memory_space<hbm>> -> memref<20000x128xf32, #tpu.memory_space<hbm>>
    tpu.wait_indirect_dma semaphore(%arg14 : memref<!tpu.dma_semaphore, #tpu.memory_space<semaphore_mem>>) src(%dma_wait3A_52 : memref<20000x128xf32, #tpu.memory_space<hbm>>) dst(%arg11 : memref<128x128xf32, #tpu.memory_space<vmem>>)
    %run_scoped3A = arith.constant 30 : i32
    "tpu.region"() ({
      %run_scoped3A_297 = tpu.sem_alloc : memref<!tpu.dma_semaphore, #tpu.memory_space<semaphore_mem>>
      %dma_start3A_298 = arith.constant 0 : i32
      %dma_start3A_299 = tpu.memref_slice %arg8[%run_scoped3A, %dma_start3A_298] : memref<32x128xi32, #tpu.memory_space<vmem>> -> memref<1x128xi32, #tpu.memory_space<vmem>>
      %dma_start3A_300 = tpu.memref_squeeze %dma_start3A_299 : memref<1x128xi32, #tpu.memory_space<vmem>> -> memref<128xi32, #tpu.memory_space<vmem>>
      %dma_start3A_301 = arith.constant 0 : i32
      %dma_start3A_302 = arith.constant 0 : i32
      %dma_start3A_303 = tpu.memref_slice %arg13[%dma_start3A_301, %dma_start3A_302] : memref<10008x128xf32, #tpu.memory_space<vmem_shared>> -> memref<10008x128xf32, #tpu.memory_space<vmem_shared>>
      tpu.enqueue_indirect_dma source(%arg11 : memref<128x128xf32, #tpu.memory_space<vmem>>) target(%dma_start3A_303 : memref<10008x128xf32, #tpu.memory_space<vmem_shared>>) offsets(%dma_start3A_300 : memref<128xi32, #tpu.memory_space<vmem>>) semaphore(%run_scoped3A_297 : memref<!tpu.dma_semaphore, #tpu.memory_space<semaphore_mem>>) {add = true}
      %dma_wait3A_304 = arith.constant 0 : i32
      %dma_wait3A_305 = tpu.memref_slice %arg8[%run_scoped3A, %dma_wait3A_304] : memref<32x128xi32, #tpu.memory_space<vmem>> -> memref<1x128xi32, #tpu.memory_space<vmem>>
      %dma_wait3A_306 = tpu.memref_squeeze %dma_wait3A_305 : memref<1x128xi32, #tpu.memory_space<vmem>> -> memref<128xi32, #tpu.memory_space<vmem>>
      %dma_wait3A_307 = arith.constant 0 : i32
      %dma_wait3A_308 = arith.constant 0 : i32
      %dma_wait3A_309 = tpu.memref_slice %arg13[%dma_wait3A_307, %dma_wait3A_308] : memref<10008x128xf32, #tpu.memory_space<vmem_shared>> -> memref<10008x128xf32, #tpu.memory_space<vmem_shared>>
      tpu.wait_indirect_dma semaphore(%run_scoped3A_297 : memref<!tpu.dma_semaphore, #tpu.memory_space<semaphore_mem>>) src(%arg11 : memref<128x128xf32, #tpu.memory_space<vmem>>) dst(%dma_wait3A_309 : memref<10008x128xf32, #tpu.memory_space<vmem_shared>>)
      tpu.yield
    }) : () -> ()
    %dma_wait3A_53 = arith.constant 31 : i32
    %dma_wait3A_54 = arith.constant 0 : i32
    %dma_wait3A_55 = tpu.memref_slice %arg7[%dma_wait3A_53, %dma_wait3A_54] : memref<32x128xi32, #tpu.memory_space<vmem>> -> memref<1x128xi32, #tpu.memory_space<vmem>>
    %dma_wait3A_56 = tpu.memref_squeeze %dma_wait3A_55 : memref<1x128xi32, #tpu.memory_space<vmem>> -> memref<128xi32, #tpu.memory_space<vmem>>
    %dma_wait3A_57 = arith.constant 0 : i32
    %dma_wait3A_58 = arith.constant 0 : i32
    %dma_wait3A_59 = tpu.memref_slice %arg2[%dma_wait3A_57, %dma_wait3A_58] : memref<20000x128xf32, #tpu.memory_space<hbm>> -> memref<20000x128xf32, #tpu.memory_space<hbm>>
    tpu.wait_indirect_dma semaphore(%arg15 : memref<!tpu.dma_semaphore, #tpu.memory_space<semaphore_mem>>) src(%dma_wait3A_59 : memref<20000x128xf32, #tpu.memory_space<hbm>>) dst(%arg12 : memref<128x128xf32, #tpu.memory_space<vmem>>)
    %run_scoped3A_60 = arith.constant 31 : i32
    "tpu.region"() ({
      %run_scoped3A_297 = tpu.sem_alloc : memref<!tpu.dma_semaphore, #tpu.memory_space<semaphore_mem>>
      %dma_start3A_298 = arith.constant 0 : i32
      %dma_start3A_299 = tpu.memref_slice %arg8[%run_scoped3A_60, %dma_start3A_298] : memref<32x128xi32, #tpu.memory_space<vmem>> -> memref<1x128xi32, #tpu.memory_space<vmem>>
      %dma_start3A_300 = tpu.memref_squeeze %dma_start3A_299 : memref<1x128xi32, #tpu.memory_space<vmem>> -> memref<128xi32, #tpu.memory_space<vmem>>
      %dma_start3A_301 = arith.constant 0 : i32
      %dma_start3A_302 = arith.constant 0 : i32
      %dma_start3A_303 = tpu.memref_slice %arg13[%dma_start3A_301, %dma_start3A_302] : memref<10008x128xf32, #tpu.memory_space<vmem_shared>> -> memref<10008x128xf32, #tpu.memory_space<vmem_shared>>
      tpu.enqueue_indirect_dma source(%arg12 : memref<128x128xf32, #tpu.memory_space<vmem>>) target(%dma_start3A_303 : memref<10008x128xf32, #tpu.memory_space<vmem_shared>>) offsets(%dma_start3A_300 : memref<128xi32, #tpu.memory_space<vmem>>) semaphore(%run_scoped3A_297 : memref<!tpu.dma_semaphore, #tpu.memory_space<semaphore_mem>>) {add = true}
      %dma_wait3A_304 = arith.constant 0 : i32
      %dma_wait3A_305 = tpu.memref_slice %arg8[%run_scoped3A_60, %dma_wait3A_304] : memref<32x128xi32, #tpu.memory_space<vmem>> -> memref<1x128xi32, #tpu.memory_space<vmem>>
      %dma_wait3A_306 = tpu.memref_squeeze %dma_wait3A_305 : memref<1x128xi32, #tpu.memory_space<vmem>> -> memref<128xi32, #tpu.memory_space<vmem>>
      %dma_wait3A_307 = arith.constant 0 : i32
      %dma_wait3A_308 = arith.constant 0 : i32
      %dma_wait3A_309 = tpu.memref_slice %arg13[%dma_wait3A_307, %dma_wait3A_308] : memref<10008x128xf32, #tpu.memory_space<vmem_shared>> -> memref<10008x128xf32, #tpu.memory_space<vmem_shared>>
      tpu.wait_indirect_dma semaphore(%run_scoped3A_297 : memref<!tpu.dma_semaphore, #tpu.memory_space<semaphore_mem>>) src(%arg12 : memref<128x128xf32, #tpu.memory_space<vmem>>) dst(%dma_wait3A_309 : memref<10008x128xf32, #tpu.memory_space<vmem_shared>>)
      tpu.yield
    }) : () -> ()
    %dma_wait3A_61 = arith.constant 0 : i32
    %dma_wait3A_62 = tpu.memref_slice %arg4[%add3A_19, %dma_wait3A_61] : memref<5120x128xi32, #tpu.memory_space<hbm>> -> memref<32x128xi32, #tpu.memory_space<hbm>>
    %dma_wait3A_63 = arith.constant 0 : i32
    %dma_wait3A_64 = tpu.memref_slice %arg4[%add3A_19, %dma_wait3A_63] : memref<5120x128xi32, #tpu.memory_space<hbm>> -> memref<32x128xi32, #tpu.memory_space<hbm>>
    tpu.wait_dma2 semaphore(%arg16 : memref<!tpu.dma_semaphore, #tpu.memory_space<semaphore_mem>>) src(%dma_wait3A_64 : memref<32x128xi32, #tpu.memory_space<hbm>>) dst(%arg9 : memref<32x128xi32, #tpu.memory_space<vmem>>)
    %dma_wait3A_65 = arith.constant 0 : i32
    %dma_wait3A_66 = tpu.memref_slice %arg5[%add3A_16, %dma_wait3A_65] : memref<2560x128xi32, #tpu.memory_space<hbm>> -> memref<32x128xi32, #tpu.memory_space<hbm>>
    %dma_wait3A_67 = arith.constant 0 : i32
    %dma_wait3A_68 = tpu.memref_slice %arg5[%add3A_16, %dma_wait3A_67] : memref<2560x128xi32, #tpu.memory_space<hbm>> -> memref<32x128xi32, #tpu.memory_space<hbm>>
    tpu.wait_dma2 semaphore(%arg16 : memref<!tpu.dma_semaphore, #tpu.memory_space<semaphore_mem>>) src(%dma_wait3A_68 : memref<32x128xi32, #tpu.memory_space<hbm>>) dst(%arg10 : memref<32x128xi32, #tpu.memory_space<vmem>>)
    %mul3A_69 = arith.constant 160 : i32
    %mul3A_70 = arith.muli %arg1, %mul3A_69 : i32
    %add3A_71 = arith.constant 64 : i32
    %add3A_72 = arith.addi %mul3A_70, %add3A_71 : i32
    %mul3A_73 = arith.constant 2560 : i32
    %mul3A_74 = arith.muli %arg0, %mul3A_73 : i32
    %add3A_75 = arith.addi %mul3A_74, %add3A_72 : i32
    %dma_start3A_76 = arith.constant 0 : i32
    %dma_start3A_77 = tpu.memref_slice %arg4[%add3A_75, %dma_start3A_76] : memref<5120x128xi32, #tpu.memory_space<hbm>> -> memref<32x128xi32, #tpu.memory_space<hbm>>
    %dma_start3A_78 = arith.constant 0 : i32
    %dma_start3A_79 = tpu.memref_slice %arg4[%add3A_75, %dma_start3A_78] : memref<5120x128xi32, #tpu.memory_space<hbm>> -> memref<32x128xi32, #tpu.memory_space<hbm>>
    tpu.enqueue_dma source(%dma_start3A_79 : memref<32x128xi32, #tpu.memory_space<hbm>>) target(%arg7 : memref<32x128xi32, #tpu.memory_space<vmem>>) target_semaphore(%arg16 : memref<!tpu.dma_semaphore, #tpu.memory_space<semaphore_mem>>)
    %dma_start3A_80 = arith.constant 0 : i32
    %dma_start3A_81 = tpu.memref_slice %arg5[%add3A_72, %dma_start3A_80] : memref<2560x128xi32, #tpu.memory_space<hbm>> -> memref<32x128xi32, #tpu.memory_space<hbm>>
    %dma_start3A_82 = arith.constant 0 : i32
    %dma_start3A_83 = tpu.memref_slice %arg5[%add3A_72, %dma_start3A_82] : memref<2560x128xi32, #tpu.memory_space<hbm>> -> memref<32x128xi32, #tpu.memory_space<hbm>>
    tpu.enqueue_dma source(%dma_start3A_83 : memref<32x128xi32, #tpu.memory_space<hbm>>) target(%arg8 : memref<32x128xi32, #tpu.memory_space<vmem>>) target_semaphore(%arg16 : memref<!tpu.dma_semaphore, #tpu.memory_space<semaphore_mem>>)
    %dma_start3A_84 = arith.constant 0 : i32
    %dma_start3A_85 = arith.constant 0 : i32
    %dma_start3A_86 = tpu.memref_slice %arg9[%dma_start3A_84, %dma_start3A_85] : memref<32x128xi32, #tpu.memory_space<vmem>> -> memref<1x128xi32, #tpu.memory_space<vmem>>
    %dma_start3A_87 = tpu.memref_squeeze %dma_start3A_86 : memref<1x128xi32, #tpu.memory_space<vmem>> -> memref<128xi32, #tpu.memory_space<vmem>>
    %dma_start3A_88 = arith.constant 0 : i32
    %dma_start3A_89 = arith.constant 0 : i32
    %dma_start3A_90 = tpu.memref_slice %arg2[%dma_start3A_88, %dma_start3A_89] : memref<20000x128xf32, #tpu.memory_space<hbm>> -> memref<20000x128xf32, #tpu.memory_space<hbm>>
    tpu.enqueue_indirect_dma source(%dma_start3A_90 : memref<20000x128xf32, #tpu.memory_space<hbm>>) target(%arg11 : memref<128x128xf32, #tpu.memory_space<vmem>>) offsets(%dma_start3A_87 : memref<128xi32, #tpu.memory_space<vmem>>) semaphore(%arg14 : memref<!tpu.dma_semaphore, #tpu.memory_space<semaphore_mem>>)
    %scan3A_91 = arith.constant 0 : i32
    %scan3A_92 = arith.constant 0 : i32
    %scan3A_93 = arith.constant 15 : i32
    %scan3A_94 = arith.addi %scan3A_92, %scan3A_93 : i32
    %scan3A_95 = arith.constant 1 : i32
    %scan3A_96 = scf.for %scan3A_297 = %scan3A_92 to %scan3A_94 step %scan3A_95 iter_args(%scan3A_298 = %scan3A_91) -> (i32)  : i32 {
      %mul3A_299 = arith.constant 2 : i32
      %mul3A_300 = arith.muli %mul3A_299, %scan3A_297 : i32
      %add3A_301 = arith.constant 1 : i32
      %add3A_302 = arith.addi %mul3A_300, %add3A_301 : i32
      %dma_start3A_303 = arith.constant 0 : i32
      %dma_start3A_304 = tpu.memref_slice %arg9[%add3A_302, %dma_start3A_303] : memref<32x128xi32, #tpu.memory_space<vmem>> -> memref<1x128xi32, #tpu.memory_space<vmem>>
      %dma_start3A_305 = tpu.memref_squeeze %dma_start3A_304 : memref<1x128xi32, #tpu.memory_space<vmem>> -> memref<128xi32, #tpu.memory_space<vmem>>
      %dma_start3A_306 = arith.constant 0 : i32
      %dma_start3A_307 = arith.constant 0 : i32
      %dma_start3A_308 = tpu.memref_slice %arg2[%dma_start3A_306, %dma_start3A_307] : memref<20000x128xf32, #tpu.memory_space<hbm>> -> memref<20000x128xf32, #tpu.memory_space<hbm>>
      tpu.enqueue_indirect_dma source(%dma_start3A_308 : memref<20000x128xf32, #tpu.memory_space<hbm>>) target(%arg12 : memref<128x128xf32, #tpu.memory_space<vmem>>) offsets(%dma_start3A_305 : memref<128xi32, #tpu.memory_space<vmem>>) semaphore(%arg15 : memref<!tpu.dma_semaphore, #tpu.memory_space<semaphore_mem>>)
      %mul3A_309 = arith.constant 2 : i32
      %mul3A_310 = arith.muli %mul3A_309, %scan3A_297 : i32
      %dma_wait3A_311 = arith.constant 0 : i32
      %dma_wait3A_312 = tpu.memref_slice %arg9[%mul3A_310, %dma_wait3A_311] : memref<32x128xi32, #tpu.memory_space<vmem>> -> memref<1x128xi32, #tpu.memory_space<vmem>>
      %dma_wait3A_313 = tpu.memref_squeeze %dma_wait3A_312 : memref<1x128xi32, #tpu.memory_space<vmem>> -> memref<128xi32, #tpu.memory_space<vmem>>
      %dma_wait3A_314 = arith.constant 0 : i32
      %dma_wait3A_315 = arith.constant 0 : i32
      %dma_wait3A_316 = tpu.memref_slice %arg2[%dma_wait3A_314, %dma_wait3A_315] : memref<20000x128xf32, #tpu.memory_space<hbm>> -> memref<20000x128xf32, #tpu.memory_space<hbm>>
      tpu.wait_indirect_dma semaphore(%arg14 : memref<!tpu.dma_semaphore, #tpu.memory_space<semaphore_mem>>) src(%dma_wait3A_316 : memref<20000x128xf32, #tpu.memory_space<hbm>>) dst(%arg11 : memref<128x128xf32, #tpu.memory_space<vmem>>)
      %mul3A_317 = arith.constant 2 : i32
      %mul3A_318 = arith.muli %mul3A_317, %scan3A_297 : i32
      "tpu.region"() ({
        %run_scoped3A_344 = tpu.sem_alloc : memref<!tpu.dma_semaphore, #tpu.memory_space<semaphore_mem>>
        %dma_start3A_345 = arith.constant 0 : i32
        %dma_start3A_346 = tpu.memref_slice %arg10[%mul3A_318, %dma_start3A_345] : memref<32x128xi32, #tpu.memory_space<vmem>> -> memref<1x128xi32, #tpu.memory_space<vmem>>
        %dma_start3A_347 = tpu.memref_squeeze %dma_start3A_346 : memref<1x128xi32, #tpu.memory_space<vmem>> -> memref<128xi32, #tpu.memory_space<vmem>>
        %dma_start3A_348 = arith.constant 0 : i32
        %dma_start3A_349 = arith.constant 0 : i32
        %dma_start3A_350 = tpu.memref_slice %arg13[%dma_start3A_348, %dma_start3A_349] : memref<10008x128xf32, #tpu.memory_space<vmem_shared>> -> memref<10008x128xf32, #tpu.memory_space<vmem_shared>>
        tpu.enqueue_indirect_dma source(%arg11 : memref<128x128xf32, #tpu.memory_space<vmem>>) target(%dma_start3A_350 : memref<10008x128xf32, #tpu.memory_space<vmem_shared>>) offsets(%dma_start3A_347 : memref<128xi32, #tpu.memory_space<vmem>>) semaphore(%run_scoped3A_344 : memref<!tpu.dma_semaphore, #tpu.memory_space<semaphore_mem>>) {add = true}
        %dma_wait3A_351 = arith.constant 0 : i32
        %dma_wait3A_352 = tpu.memref_slice %arg10[%mul3A_318, %dma_wait3A_351] : memref<32x128xi32, #tpu.memory_space<vmem>> -> memref<1x128xi32, #tpu.memory_space<vmem>>
        %dma_wait3A_353 = tpu.memref_squeeze %dma_wait3A_352 : memref<1x128xi32, #tpu.memory_space<vmem>> -> memref<128xi32, #tpu.memory_space<vmem>>
        %dma_wait3A_354 = arith.constant 0 : i32
        %dma_wait3A_355 = arith.constant 0 : i32
        %dma_wait3A_356 = tpu.memref_slice %arg13[%dma_wait3A_354, %dma_wait3A_355] : memref<10008x128xf32, #tpu.memory_space<vmem_shared>> -> memref<10008x128xf32, #tpu.memory_space<vmem_shared>>
        tpu.wait_indirect_dma semaphore(%run_scoped3A_344 : memref<!tpu.dma_semaphore, #tpu.memory_space<semaphore_mem>>) src(%arg11 : memref<128x128xf32, #tpu.memory_space<vmem>>) dst(%dma_wait3A_356 : memref<10008x128xf32, #tpu.memory_space<vmem_shared>>)
        tpu.yield
      }) : () -> ()
      %mul3A_319 = arith.constant 2 : i32
      %mul3A_320 = arith.muli %mul3A_319, %scan3A_297 : i32
      %add3A_321 = arith.constant 2 : i32
      %add3A_322 = arith.addi %mul3A_320, %add3A_321 : i32
      %dma_start3A_323 = arith.constant 0 : i32
      %dma_start3A_324 = tpu.memref_slice %arg9[%add3A_322, %dma_start3A_323] : memref<32x128xi32, #tpu.memory_space<vmem>> -> memref<1x128xi32, #tpu.memory_space<vmem>>
      %dma_start3A_325 = tpu.memref_squeeze %dma_start3A_324 : memref<1x128xi32, #tpu.memory_space<vmem>> -> memref<128xi32, #tpu.memory_space<vmem>>
      %dma_start3A_326 = arith.constant 0 : i32
      %dma_start3A_327 = arith.constant 0 : i32
      %dma_start3A_328 = tpu.memref_slice %arg2[%dma_start3A_326, %dma_start3A_327] : memref<20000x128xf32, #tpu.memory_space<hbm>> -> memref<20000x128xf32, #tpu.memory_space<hbm>>
      tpu.enqueue_indirect_dma source(%dma_start3A_328 : memref<20000x128xf32, #tpu.memory_space<hbm>>) target(%arg11 : memref<128x128xf32, #tpu.memory_space<vmem>>) offsets(%dma_start3A_325 : memref<128xi32, #tpu.memory_space<vmem>>) semaphore(%arg14 : memref<!tpu.dma_semaphore, #tpu.memory_space<semaphore_mem>>)
      %mul3A_329 = arith.constant 2 : i32
      %mul3A_330 = arith.muli %mul3A_329, %scan3A_297 : i32
      %add3A_331 = arith.constant 1 : i32
      %add3A_332 = arith.addi %mul3A_330, %add3A_331 : i32
      %dma_wait3A_333 = arith.constant 0 : i32
      %dma_wait3A_334 = tpu.memref_slice %arg9[%add3A_332, %dma_wait3A_333] : memref<32x128xi32, #tpu.memory_space<vmem>> -> memref<1x128xi32, #tpu.memory_space<vmem>>
      %dma_wait3A_335 = tpu.memref_squeeze %dma_wait3A_334 : memref<1x128xi32, #tpu.memory_space<vmem>> -> memref<128xi32, #tpu.memory_space<vmem>>
      %dma_wait3A_336 = arith.constant 0 : i32
      %dma_wait3A_337 = arith.constant 0 : i32
      %dma_wait3A_338 = tpu.memref_slice %arg2[%dma_wait3A_336, %dma_wait3A_337] : memref<20000x128xf32, #tpu.memory_space<hbm>> -> memref<20000x128xf32, #tpu.memory_space<hbm>>
      tpu.wait_indirect_dma semaphore(%arg15 : memref<!tpu.dma_semaphore, #tpu.memory_space<semaphore_mem>>) src(%dma_wait3A_338 : memref<20000x128xf32, #tpu.memory_space<hbm>>) dst(%arg12 : memref<128x128xf32, #tpu.memory_space<vmem>>)
      %mul3A_339 = arith.constant 2 : i32
      %mul3A_340 = arith.muli %mul3A_339, %scan3A_297 : i32
      %add3A_341 = arith.constant 1 : i32
      %add3A_342 = arith.addi %mul3A_340, %add3A_341 : i32
      "tpu.region"() ({
        %run_scoped3A_344 = tpu.sem_alloc : memref<!tpu.dma_semaphore, #tpu.memory_space<semaphore_mem>>
        %dma_start3A_345 = arith.constant 0 : i32
        %dma_start3A_346 = tpu.memref_slice %arg10[%add3A_342, %dma_start3A_345] : memref<32x128xi32, #tpu.memory_space<vmem>> -> memref<1x128xi32, #tpu.memory_space<vmem>>
        %dma_start3A_347 = tpu.memref_squeeze %dma_start3A_346 : memref<1x128xi32, #tpu.memory_space<vmem>> -> memref<128xi32, #tpu.memory_space<vmem>>
        %dma_start3A_348 = arith.constant 0 : i32
        %dma_start3A_349 = arith.constant 0 : i32
        %dma_start3A_350 = tpu.memref_slice %arg13[%dma_start3A_348, %dma_start3A_349] : memref<10008x128xf32, #tpu.memory_space<vmem_shared>> -> memref<10008x128xf32, #tpu.memory_space<vmem_shared>>
        tpu.enqueue_indirect_dma source(%arg12 : memref<128x128xf32, #tpu.memory_space<vmem>>) target(%dma_start3A_350 : memref<10008x128xf32, #tpu.memory_space<vmem_shared>>) offsets(%dma_start3A_347 : memref<128xi32, #tpu.memory_space<vmem>>) semaphore(%run_scoped3A_344 : memref<!tpu.dma_semaphore, #tpu.memory_space<semaphore_mem>>) {add = true}
        %dma_wait3A_351 = arith.constant 0 : i32
        %dma_wait3A_352 = tpu.memref_slice %arg10[%add3A_342, %dma_wait3A_351] : memref<32x128xi32, #tpu.memory_space<vmem>> -> memref<1x128xi32, #tpu.memory_space<vmem>>
        %dma_wait3A_353 = tpu.memref_squeeze %dma_wait3A_352 : memref<1x128xi32, #tpu.memory_space<vmem>> -> memref<128xi32, #tpu.memory_space<vmem>>
        %dma_wait3A_354 = arith.constant 0 : i32
        %dma_wait3A_355 = arith.constant 0 : i32
        %dma_wait3A_356 = tpu.memref_slice %arg13[%dma_wait3A_354, %dma_wait3A_355] : memref<10008x128xf32, #tpu.memory_space<vmem_shared>> -> memref<10008x128xf32, #tpu.memory_space<vmem_shared>>
        tpu.wait_indirect_dma semaphore(%run_scoped3A_344 : memref<!tpu.dma_semaphore, #tpu.memory_space<semaphore_mem>>) src(%arg12 : memref<128x128xf32, #tpu.memory_space<vmem>>) dst(%dma_wait3A_356 : memref<10008x128xf32, #tpu.memory_space<vmem_shared>>)
        tpu.yield
      }) : () -> ()
      %scan3A_343 = arith.constant 0 : i32
      scf.yield %scan3A_343 : i32
    }
    %scan3A_97 = arith.constant 15 : i32
    %dma_start3A_98 = arith.constant 31 : i32
    %dma_start3A_99 = arith.constant 0 : i32
    %dma_start3A_100 = tpu.memref_slice %arg9[%dma_start3A_98, %dma_start3A_99] : memref<32x128xi32, #tpu.memory_space<vmem>> -> memref<1x128xi32, #tpu.memory_space<vmem>>
    %dma_start3A_101 = tpu.memref_squeeze %dma_start3A_100 : memref<1x128xi32, #tpu.memory_space<vmem>> -> memref<128xi32, #tpu.memory_space<vmem>>
    %dma_start3A_102 = arith.constant 0 : i32
    %dma_start3A_103 = arith.constant 0 : i32
    %dma_start3A_104 = tpu.memref_slice %arg2[%dma_start3A_102, %dma_start3A_103] : memref<20000x128xf32, #tpu.memory_space<hbm>> -> memref<20000x128xf32, #tpu.memory_space<hbm>>
    tpu.enqueue_indirect_dma source(%dma_start3A_104 : memref<20000x128xf32, #tpu.memory_space<hbm>>) target(%arg12 : memref<128x128xf32, #tpu.memory_space<vmem>>) offsets(%dma_start3A_101 : memref<128xi32, #tpu.memory_space<vmem>>) semaphore(%arg15 : memref<!tpu.dma_semaphore, #tpu.memory_space<semaphore_mem>>)
    %dma_wait3A_105 = arith.constant 30 : i32
    %dma_wait3A_106 = arith.constant 0 : i32
    %dma_wait3A_107 = tpu.memref_slice %arg9[%dma_wait3A_105, %dma_wait3A_106] : memref<32x128xi32, #tpu.memory_space<vmem>> -> memref<1x128xi32, #tpu.memory_space<vmem>>
    %dma_wait3A_108 = tpu.memref_squeeze %dma_wait3A_107 : memref<1x128xi32, #tpu.memory_space<vmem>> -> memref<128xi32, #tpu.memory_space<vmem>>
    %dma_wait3A_109 = arith.constant 0 : i32
    %dma_wait3A_110 = arith.constant 0 : i32
    %dma_wait3A_111 = tpu.memref_slice %arg2[%dma_wait3A_109, %dma_wait3A_110] : memref<20000x128xf32, #tpu.memory_space<hbm>> -> memref<20000x128xf32, #tpu.memory_space<hbm>>
    tpu.wait_indirect_dma semaphore(%arg14 : memref<!tpu.dma_semaphore, #tpu.memory_space<semaphore_mem>>) src(%dma_wait3A_111 : memref<20000x128xf32, #tpu.memory_space<hbm>>) dst(%arg11 : memref<128x128xf32, #tpu.memory_space<vmem>>)
    %run_scoped3A_112 = arith.constant 30 : i32
    "tpu.region"() ({
      %run_scoped3A_297 = tpu.sem_alloc : memref<!tpu.dma_semaphore, #tpu.memory_space<semaphore_mem>>
      %dma_start3A_298 = arith.constant 0 : i32
      %dma_start3A_299 = tpu.memref_slice %arg10[%run_scoped3A_112, %dma_start3A_298] : memref<32x128xi32, #tpu.memory_space<vmem>> -> memref<1x128xi32, #tpu.memory_space<vmem>>
      %dma_start3A_300 = tpu.memref_squeeze %dma_start3A_299 : memref<1x128xi32, #tpu.memory_space<vmem>> -> memref<128xi32, #tpu.memory_space<vmem>>
      %dma_start3A_301 = arith.constant 0 : i32
      %dma_start3A_302 = arith.constant 0 : i32
      %dma_start3A_303 = tpu.memref_slice %arg13[%dma_start3A_301, %dma_start3A_302] : memref<10008x128xf32, #tpu.memory_space<vmem_shared>> -> memref<10008x128xf32, #tpu.memory_space<vmem_shared>>
      tpu.enqueue_indirect_dma source(%arg11 : memref<128x128xf32, #tpu.memory_space<vmem>>) target(%dma_start3A_303 : memref<10008x128xf32, #tpu.memory_space<vmem_shared>>) offsets(%dma_start3A_300 : memref<128xi32, #tpu.memory_space<vmem>>) semaphore(%run_scoped3A_297 : memref<!tpu.dma_semaphore, #tpu.memory_space<semaphore_mem>>) {add = true}
      %dma_wait3A_304 = arith.constant 0 : i32
      %dma_wait3A_305 = tpu.memref_slice %arg10[%run_scoped3A_112, %dma_wait3A_304] : memref<32x128xi32, #tpu.memory_space<vmem>> -> memref<1x128xi32, #tpu.memory_space<vmem>>
      %dma_wait3A_306 = tpu.memref_squeeze %dma_wait3A_305 : memref<1x128xi32, #tpu.memory_space<vmem>> -> memref<128xi32, #tpu.memory_space<vmem>>
      %dma_wait3A_307 = arith.constant 0 : i32
      %dma_wait3A_308 = arith.constant 0 : i32
      %dma_wait3A_309 = tpu.memref_slice %arg13[%dma_wait3A_307, %dma_wait3A_308] : memref<10008x128xf32, #tpu.memory_space<vmem_shared>> -> memref<10008x128xf32, #tpu.memory_space<vmem_shared>>
      tpu.wait_indirect_dma semaphore(%run_scoped3A_297 : memref<!tpu.dma_semaphore, #tpu.memory_space<semaphore_mem>>) src(%arg11 : memref<128x128xf32, #tpu.memory_space<vmem>>) dst(%dma_wait3A_309 : memref<10008x128xf32, #tpu.memory_space<vmem_shared>>)
      tpu.yield
    }) : () -> ()
    %dma_wait3A_113 = arith.constant 31 : i32
    %dma_wait3A_114 = arith.constant 0 : i32
    %dma_wait3A_115 = tpu.memref_slice %arg9[%dma_wait3A_113, %dma_wait3A_114] : memref<32x128xi32, #tpu.memory_space<vmem>> -> memref<1x128xi32, #tpu.memory_space<vmem>>
    %dma_wait3A_116 = tpu.memref_squeeze %dma_wait3A_115 : memref<1x128xi32, #tpu.memory_space<vmem>> -> memref<128xi32, #tpu.memory_space<vmem>>
    %dma_wait3A_117 = arith.constant 0 : i32
    %dma_wait3A_118 = arith.constant 0 : i32
    %dma_wait3A_119 = tpu.memref_slice %arg2[%dma_wait3A_117, %dma_wait3A_118] : memref<20000x128xf32, #tpu.memory_space<hbm>> -> memref<20000x128xf32, #tpu.memory_space<hbm>>
    tpu.wait_indirect_dma semaphore(%arg15 : memref<!tpu.dma_semaphore, #tpu.memory_space<semaphore_mem>>) src(%dma_wait3A_119 : memref<20000x128xf32, #tpu.memory_space<hbm>>) dst(%arg12 : memref<128x128xf32, #tpu.memory_space<vmem>>)
    %run_scoped3A_120 = arith.constant 31 : i32
    "tpu.region"() ({
      %run_scoped3A_297 = tpu.sem_alloc : memref<!tpu.dma_semaphore, #tpu.memory_space<semaphore_mem>>
      %dma_start3A_298 = arith.constant 0 : i32
      %dma_start3A_299 = tpu.memref_slice %arg10[%run_scoped3A_120, %dma_start3A_298] : memref<32x128xi32, #tpu.memory_space<vmem>> -> memref<1x128xi32, #tpu.memory_space<vmem>>
      %dma_start3A_300 = tpu.memref_squeeze %dma_start3A_299 : memref<1x128xi32, #tpu.memory_space<vmem>> -> memref<128xi32, #tpu.memory_space<vmem>>
      %dma_start3A_301 = arith.constant 0 : i32
      %dma_start3A_302 = arith.constant 0 : i32
      %dma_start3A_303 = tpu.memref_slice %arg13[%dma_start3A_301, %dma_start3A_302] : memref<10008x128xf32, #tpu.memory_space<vmem_shared>> -> memref<10008x128xf32, #tpu.memory_space<vmem_shared>>
      tpu.enqueue_indirect_dma source(%arg12 : memref<128x128xf32, #tpu.memory_space<vmem>>) target(%dma_start3A_303 : memref<10008x128xf32, #tpu.memory_space<vmem_shared>>) offsets(%dma_start3A_300 : memref<128xi32, #tpu.memory_space<vmem>>) semaphore(%run_scoped3A_297 : memref<!tpu.dma_semaphore, #tpu.memory_space<semaphore_mem>>) {add = true}
      %dma_wait3A_304 = arith.constant 0 : i32
      %dma_wait3A_305 = tpu.memref_slice %arg10[%run_scoped3A_120, %dma_wait3A_304] : memref<32x128xi32, #tpu.memory_space<vmem>> -> memref<1x128xi32, #tpu.memory_space<vmem>>
      %dma_wait3A_306 = tpu.memref_squeeze %dma_wait3A_305 : memref<1x128xi32, #tpu.memory_space<vmem>> -> memref<128xi32, #tpu.memory_space<vmem>>
      %dma_wait3A_307 = arith.constant 0 : i32
      %dma_wait3A_308 = arith.constant 0 : i32
      %dma_wait3A_309 = tpu.memref_slice %arg13[%dma_wait3A_307, %dma_wait3A_308] : memref<10008x128xf32, #tpu.memory_space<vmem_shared>> -> memref<10008x128xf32, #tpu.memory_space<vmem_shared>>
      tpu.wait_indirect_dma semaphore(%run_scoped3A_297 : memref<!tpu.dma_semaphore, #tpu.memory_space<semaphore_mem>>) src(%arg12 : memref<128x128xf32, #tpu.memory_space<vmem>>) dst(%dma_wait3A_309 : memref<10008x128xf32, #tpu.memory_space<vmem_shared>>)
      tpu.yield
    }) : () -> ()
    %dma_wait3A_121 = arith.constant 0 : i32
    %dma_wait3A_122 = tpu.memref_slice %arg4[%add3A_75, %dma_wait3A_121] : memref<5120x128xi32, #tpu.memory_space<hbm>> -> memref<32x128xi32, #tpu.memory_space<hbm>>
    %dma_wait3A_123 = arith.constant 0 : i32
    %dma_wait3A_124 = tpu.memref_slice %arg4[%add3A_75, %dma_wait3A_123] : memref<5120x128xi32, #tpu.memory_space<hbm>> -> memref<32x128xi32, #tpu.memory_space<hbm>>
    tpu.wait_dma2 semaphore(%arg16 : memref<!tpu.dma_semaphore, #tpu.memory_space<semaphore_mem>>) src(%dma_wait3A_124 : memref<32x128xi32, #tpu.memory_space<hbm>>) dst(%arg7 : memref<32x128xi32, #tpu.memory_space<vmem>>)
    %dma_wait3A_125 = arith.constant 0 : i32
    %dma_wait3A_126 = tpu.memref_slice %arg5[%add3A_72, %dma_wait3A_125] : memref<2560x128xi32, #tpu.memory_space<hbm>> -> memref<32x128xi32, #tpu.memory_space<hbm>>
    %dma_wait3A_127 = arith.constant 0 : i32
    %dma_wait3A_128 = tpu.memref_slice %arg5[%add3A_72, %dma_wait3A_127] : memref<2560x128xi32, #tpu.memory_space<hbm>> -> memref<32x128xi32, #tpu.memory_space<hbm>>
    tpu.wait_dma2 semaphore(%arg16 : memref<!tpu.dma_semaphore, #tpu.memory_space<semaphore_mem>>) src(%dma_wait3A_128 : memref<32x128xi32, #tpu.memory_space<hbm>>) dst(%arg8 : memref<32x128xi32, #tpu.memory_space<vmem>>)
    %mul3A_129 = arith.constant 160 : i32
    %mul3A_130 = arith.muli %arg1, %mul3A_129 : i32
    %add3A_131 = arith.constant 96 : i32
    %add3A_132 = arith.addi %mul3A_130, %add3A_131 : i32
    %mul3A_133 = arith.constant 2560 : i32
    %mul3A_134 = arith.muli %arg0, %mul3A_133 : i32
    %add3A_135 = arith.addi %mul3A_134, %add3A_132 : i32
    %dma_start3A_136 = arith.constant 0 : i32
    %dma_start3A_137 = tpu.memref_slice %arg4[%add3A_135, %dma_start3A_136] : memref<5120x128xi32, #tpu.memory_space<hbm>> -> memref<32x128xi32, #tpu.memory_space<hbm>>
    %dma_start3A_138 = arith.constant 0 : i32
    %dma_start3A_139 = tpu.memref_slice %arg4[%add3A_135, %dma_start3A_138] : memref<5120x128xi32, #tpu.memory_space<hbm>> -> memref<32x128xi32, #tpu.memory_space<hbm>>
    tpu.enqueue_dma source(%dma_start3A_139 : memref<32x128xi32, #tpu.memory_space<hbm>>) target(%arg9 : memref<32x128xi32, #tpu.memory_space<vmem>>) target_semaphore(%arg16 : memref<!tpu.dma_semaphore, #tpu.memory_space<semaphore_mem>>)
    %dma_start3A_140 = arith.constant 0 : i32
    %dma_start3A_141 = tpu.memref_slice %arg5[%add3A_132, %dma_start3A_140] : memref<2560x128xi32, #tpu.memory_space<hbm>> -> memref<32x128xi32, #tpu.memory_space<hbm>>
    %dma_start3A_142 = arith.constant 0 : i32
    %dma_start3A_143 = tpu.memref_slice %arg5[%add3A_132, %dma_start3A_142] : memref<2560x128xi32, #tpu.memory_space<hbm>> -> memref<32x128xi32, #tpu.memory_space<hbm>>
    tpu.enqueue_dma source(%dma_start3A_143 : memref<32x128xi32, #tpu.memory_space<hbm>>) target(%arg10 : memref<32x128xi32, #tpu.memory_space<vmem>>) target_semaphore(%arg16 : memref<!tpu.dma_semaphore, #tpu.memory_space<semaphore_mem>>)
    %dma_start3A_144 = arith.constant 0 : i32
    %dma_start3A_145 = arith.constant 0 : i32
    %dma_start3A_146 = tpu.memref_slice %arg7[%dma_start3A_144, %dma_start3A_145] : memref<32x128xi32, #tpu.memory_space<vmem>> -> memref<1x128xi32, #tpu.memory_space<vmem>>
    %dma_start3A_147 = tpu.memref_squeeze %dma_start3A_146 : memref<1x128xi32, #tpu.memory_space<vmem>> -> memref<128xi32, #tpu.memory_space<vmem>>
    %dma_start3A_148 = arith.constant 0 : i32
    %dma_start3A_149 = arith.constant 0 : i32
    %dma_start3A_150 = tpu.memref_slice %arg2[%dma_start3A_148, %dma_start3A_149] : memref<20000x128xf32, #tpu.memory_space<hbm>> -> memref<20000x128xf32, #tpu.memory_space<hbm>>
    tpu.enqueue_indirect_dma source(%dma_start3A_150 : memref<20000x128xf32, #tpu.memory_space<hbm>>) target(%arg11 : memref<128x128xf32, #tpu.memory_space<vmem>>) offsets(%dma_start3A_147 : memref<128xi32, #tpu.memory_space<vmem>>) semaphore(%arg14 : memref<!tpu.dma_semaphore, #tpu.memory_space<semaphore_mem>>)
    %scan3A_151 = arith.constant 0 : i32
    %scan3A_152 = arith.constant 0 : i32
    %scan3A_153 = arith.constant 15 : i32
    %scan3A_154 = arith.addi %scan3A_152, %scan3A_153 : i32
    %scan3A_155 = arith.constant 1 : i32
    %scan3A_156 = scf.for %scan3A_297 = %scan3A_152 to %scan3A_154 step %scan3A_155 iter_args(%scan3A_298 = %scan3A_151) -> (i32)  : i32 {
      %mul3A_299 = arith.constant 2 : i32
      %mul3A_300 = arith.muli %mul3A_299, %scan3A_297 : i32
      %add3A_301 = arith.constant 1 : i32
      %add3A_302 = arith.addi %mul3A_300, %add3A_301 : i32
      %dma_start3A_303 = arith.constant 0 : i32
      %dma_start3A_304 = tpu.memref_slice %arg7[%add3A_302, %dma_start3A_303] : memref<32x128xi32, #tpu.memory_space<vmem>> -> memref<1x128xi32, #tpu.memory_space<vmem>>
      %dma_start3A_305 = tpu.memref_squeeze %dma_start3A_304 : memref<1x128xi32, #tpu.memory_space<vmem>> -> memref<128xi32, #tpu.memory_space<vmem>>
      %dma_start3A_306 = arith.constant 0 : i32
      %dma_start3A_307 = arith.constant 0 : i32
      %dma_start3A_308 = tpu.memref_slice %arg2[%dma_start3A_306, %dma_start3A_307] : memref<20000x128xf32, #tpu.memory_space<hbm>> -> memref<20000x128xf32, #tpu.memory_space<hbm>>
      tpu.enqueue_indirect_dma source(%dma_start3A_308 : memref<20000x128xf32, #tpu.memory_space<hbm>>) target(%arg12 : memref<128x128xf32, #tpu.memory_space<vmem>>) offsets(%dma_start3A_305 : memref<128xi32, #tpu.memory_space<vmem>>) semaphore(%arg15 : memref<!tpu.dma_semaphore, #tpu.memory_space<semaphore_mem>>)
      %mul3A_309 = arith.constant 2 : i32
      %mul3A_310 = arith.muli %mul3A_309, %scan3A_297 : i32
      %dma_wait3A_311 = arith.constant 0 : i32
      %dma_wait3A_312 = tpu.memref_slice %arg7[%mul3A_310, %dma_wait3A_311] : memref<32x128xi32, #tpu.memory_space<vmem>> -> memref<1x128xi32, #tpu.memory_space<vmem>>
      %dma_wait3A_313 = tpu.memref_squeeze %dma_wait3A_312 : memref<1x128xi32, #tpu.memory_space<vmem>> -> memref<128xi32, #tpu.memory_space<vmem>>
      %dma_wait3A_314 = arith.constant 0 : i32
      %dma_wait3A_315 = arith.constant 0 : i32
      %dma_wait3A_316 = tpu.memref_slice %arg2[%dma_wait3A_314, %dma_wait3A_315] : memref<20000x128xf32, #tpu.memory_space<hbm>> -> memref<20000x128xf32, #tpu.memory_space<hbm>>
      tpu.wait_indirect_dma semaphore(%arg14 : memref<!tpu.dma_semaphore, #tpu.memory_space<semaphore_mem>>) src(%dma_wait3A_316 : memref<20000x128xf32, #tpu.memory_space<hbm>>) dst(%arg11 : memref<128x128xf32, #tpu.memory_space<vmem>>)
      %mul3A_317 = arith.constant 2 : i32
      %mul3A_318 = arith.muli %mul3A_317, %scan3A_297 : i32
      "tpu.region"() ({
        %run_scoped3A_344 = tpu.sem_alloc : memref<!tpu.dma_semaphore, #tpu.memory_space<semaphore_mem>>
        %dma_start3A_345 = arith.constant 0 : i32
        %dma_start3A_346 = tpu.memref_slice %arg8[%mul3A_318, %dma_start3A_345] : memref<32x128xi32, #tpu.memory_space<vmem>> -> memref<1x128xi32, #tpu.memory_space<vmem>>
        %dma_start3A_347 = tpu.memref_squeeze %dma_start3A_346 : memref<1x128xi32, #tpu.memory_space<vmem>> -> memref<128xi32, #tpu.memory_space<vmem>>
        %dma_start3A_348 = arith.constant 0 : i32
        %dma_start3A_349 = arith.constant 0 : i32
        %dma_start3A_350 = tpu.memref_slice %arg13[%dma_start3A_348, %dma_start3A_349] : memref<10008x128xf32, #tpu.memory_space<vmem_shared>> -> memref<10008x128xf32, #tpu.memory_space<vmem_shared>>
        tpu.enqueue_indirect_dma source(%arg11 : memref<128x128xf32, #tpu.memory_space<vmem>>) target(%dma_start3A_350 : memref<10008x128xf32, #tpu.memory_space<vmem_shared>>) offsets(%dma_start3A_347 : memref<128xi32, #tpu.memory_space<vmem>>) semaphore(%run_scoped3A_344 : memref<!tpu.dma_semaphore, #tpu.memory_space<semaphore_mem>>) {add = true}
        %dma_wait3A_351 = arith.constant 0 : i32
        %dma_wait3A_352 = tpu.memref_slice %arg8[%mul3A_318, %dma_wait3A_351] : memref<32x128xi32, #tpu.memory_space<vmem>> -> memref<1x128xi32, #tpu.memory_space<vmem>>
        %dma_wait3A_353 = tpu.memref_squeeze %dma_wait3A_352 : memref<1x128xi32, #tpu.memory_space<vmem>> -> memref<128xi32, #tpu.memory_space<vmem>>
        %dma_wait3A_354 = arith.constant 0 : i32
        %dma_wait3A_355 = arith.constant 0 : i32
        %dma_wait3A_356 = tpu.memref_slice %arg13[%dma_wait3A_354, %dma_wait3A_355] : memref<10008x128xf32, #tpu.memory_space<vmem_shared>> -> memref<10008x128xf32, #tpu.memory_space<vmem_shared>>
        tpu.wait_indirect_dma semaphore(%run_scoped3A_344 : memref<!tpu.dma_semaphore, #tpu.memory_space<semaphore_mem>>) src(%arg11 : memref<128x128xf32, #tpu.memory_space<vmem>>) dst(%dma_wait3A_356 : memref<10008x128xf32, #tpu.memory_space<vmem_shared>>)
        tpu.yield
      }) : () -> ()
      %mul3A_319 = arith.constant 2 : i32
      %mul3A_320 = arith.muli %mul3A_319, %scan3A_297 : i32
      %add3A_321 = arith.constant 2 : i32
      %add3A_322 = arith.addi %mul3A_320, %add3A_321 : i32
      %dma_start3A_323 = arith.constant 0 : i32
      %dma_start3A_324 = tpu.memref_slice %arg7[%add3A_322, %dma_start3A_323] : memref<32x128xi32, #tpu.memory_space<vmem>> -> memref<1x128xi32, #tpu.memory_space<vmem>>
      %dma_start3A_325 = tpu.memref_squeeze %dma_start3A_324 : memref<1x128xi32, #tpu.memory_space<vmem>> -> memref<128xi32, #tpu.memory_space<vmem>>
      %dma_start3A_326 = arith.constant 0 : i32
      %dma_start3A_327 = arith.constant 0 : i32
      %dma_start3A_328 = tpu.memref_slice %arg2[%dma_start3A_326, %dma_start3A_327] : memref<20000x128xf32, #tpu.memory_space<hbm>> -> memref<20000x128xf32, #tpu.memory_space<hbm>>
      tpu.enqueue_indirect_dma source(%dma_start3A_328 : memref<20000x128xf32, #tpu.memory_space<hbm>>) target(%arg11 : memref<128x128xf32, #tpu.memory_space<vmem>>) offsets(%dma_start3A_325 : memref<128xi32, #tpu.memory_space<vmem>>) semaphore(%arg14 : memref<!tpu.dma_semaphore, #tpu.memory_space<semaphore_mem>>)
      %mul3A_329 = arith.constant 2 : i32
      %mul3A_330 = arith.muli %mul3A_329, %scan3A_297 : i32
      %add3A_331 = arith.constant 1 : i32
      %add3A_332 = arith.addi %mul3A_330, %add3A_331 : i32
      %dma_wait3A_333 = arith.constant 0 : i32
      %dma_wait3A_334 = tpu.memref_slice %arg7[%add3A_332, %dma_wait3A_333] : memref<32x128xi32, #tpu.memory_space<vmem>> -> memref<1x128xi32, #tpu.memory_space<vmem>>
      %dma_wait3A_335 = tpu.memref_squeeze %dma_wait3A_334 : memref<1x128xi32, #tpu.memory_space<vmem>> -> memref<128xi32, #tpu.memory_space<vmem>>
      %dma_wait3A_336 = arith.constant 0 : i32
      %dma_wait3A_337 = arith.constant 0 : i32
      %dma_wait3A_338 = tpu.memref_slice %arg2[%dma_wait3A_336, %dma_wait3A_337] : memref<20000x128xf32, #tpu.memory_space<hbm>> -> memref<20000x128xf32, #tpu.memory_space<hbm>>
      tpu.wait_indirect_dma semaphore(%arg15 : memref<!tpu.dma_semaphore, #tpu.memory_space<semaphore_mem>>) src(%dma_wait3A_338 : memref<20000x128xf32, #tpu.memory_space<hbm>>) dst(%arg12 : memref<128x128xf32, #tpu.memory_space<vmem>>)
      %mul3A_339 = arith.constant 2 : i32
      %mul3A_340 = arith.muli %mul3A_339, %scan3A_297 : i32
      %add3A_341 = arith.constant 1 : i32
      %add3A_342 = arith.addi %mul3A_340, %add3A_341 : i32
      "tpu.region"() ({
        %run_scoped3A_344 = tpu.sem_alloc : memref<!tpu.dma_semaphore, #tpu.memory_space<semaphore_mem>>
        %dma_start3A_345 = arith.constant 0 : i32
        %dma_start3A_346 = tpu.memref_slice %arg8[%add3A_342, %dma_start3A_345] : memref<32x128xi32, #tpu.memory_space<vmem>> -> memref<1x128xi32, #tpu.memory_space<vmem>>
        %dma_start3A_347 = tpu.memref_squeeze %dma_start3A_346 : memref<1x128xi32, #tpu.memory_space<vmem>> -> memref<128xi32, #tpu.memory_space<vmem>>
        %dma_start3A_348 = arith.constant 0 : i32
        %dma_start3A_349 = arith.constant 0 : i32
        %dma_start3A_350 = tpu.memref_slice %arg13[%dma_start3A_348, %dma_start3A_349] : memref<10008x128xf32, #tpu.memory_space<vmem_shared>> -> memref<10008x128xf32, #tpu.memory_space<vmem_shared>>
        tpu.enqueue_indirect_dma source(%arg12 : memref<128x128xf32, #tpu.memory_space<vmem>>) target(%dma_start3A_350 : memref<10008x128xf32, #tpu.memory_space<vmem_shared>>) offsets(%dma_start3A_347 : memref<128xi32, #tpu.memory_space<vmem>>) semaphore(%run_scoped3A_344 : memref<!tpu.dma_semaphore, #tpu.memory_space<semaphore_mem>>) {add = true}
        %dma_wait3A_351 = arith.constant 0 : i32
        %dma_wait3A_352 = tpu.memref_slice %arg8[%add3A_342, %dma_wait3A_351] : memref<32x128xi32, #tpu.memory_space<vmem>> -> memref<1x128xi32, #tpu.memory_space<vmem>>
        %dma_wait3A_353 = tpu.memref_squeeze %dma_wait3A_352 : memref<1x128xi32, #tpu.memory_space<vmem>> -> memref<128xi32, #tpu.memory_space<vmem>>
        %dma_wait3A_354 = arith.constant 0 : i32
        %dma_wait3A_355 = arith.constant 0 : i32
        %dma_wait3A_356 = tpu.memref_slice %arg13[%dma_wait3A_354, %dma_wait3A_355] : memref<10008x128xf32, #tpu.memory_space<vmem_shared>> -> memref<10008x128xf32, #tpu.memory_space<vmem_shared>>
        tpu.wait_indirect_dma semaphore(%run_scoped3A_344 : memref<!tpu.dma_semaphore, #tpu.memory_space<semaphore_mem>>) src(%arg12 : memref<128x128xf32, #tpu.memory_space<vmem>>) dst(%dma_wait3A_356 : memref<10008x128xf32, #tpu.memory_space<vmem_shared>>)
        tpu.yield
      }) : () -> ()
      %scan3A_343 = arith.constant 0 : i32
      scf.yield %scan3A_343 : i32
    }
    %scan3A_157 = arith.constant 15 : i32
    %dma_start3A_158 = arith.constant 31 : i32
    %dma_start3A_159 = arith.constant 0 : i32
    %dma_start3A_160 = tpu.memref_slice %arg7[%dma_start3A_158, %dma_start3A_159] : memref<32x128xi32, #tpu.memory_space<vmem>> -> memref<1x128xi32, #tpu.memory_space<vmem>>
    %dma_start3A_161 = tpu.memref_squeeze %dma_start3A_160 : memref<1x128xi32, #tpu.memory_space<vmem>> -> memref<128xi32, #tpu.memory_space<vmem>>
    %dma_start3A_162 = arith.constant 0 : i32
    %dma_start3A_163 = arith.constant 0 : i32
    %dma_start3A_164 = tpu.memref_slice %arg2[%dma_start3A_162, %dma_start3A_163] : memref<20000x128xf32, #tpu.memory_space<hbm>> -> memref<20000x128xf32, #tpu.memory_space<hbm>>
    tpu.enqueue_indirect_dma source(%dma_start3A_164 : memref<20000x128xf32, #tpu.memory_space<hbm>>) target(%arg12 : memref<128x128xf32, #tpu.memory_space<vmem>>) offsets(%dma_start3A_161 : memref<128xi32, #tpu.memory_space<vmem>>) semaphore(%arg15 : memref<!tpu.dma_semaphore, #tpu.memory_space<semaphore_mem>>)
    %dma_wait3A_165 = arith.constant 30 : i32
    %dma_wait3A_166 = arith.constant 0 : i32
    %dma_wait3A_167 = tpu.memref_slice %arg7[%dma_wait3A_165, %dma_wait3A_166] : memref<32x128xi32, #tpu.memory_space<vmem>> -> memref<1x128xi32, #tpu.memory_space<vmem>>
    %dma_wait3A_168 = tpu.memref_squeeze %dma_wait3A_167 : memref<1x128xi32, #tpu.memory_space<vmem>> -> memref<128xi32, #tpu.memory_space<vmem>>
    %dma_wait3A_169 = arith.constant 0 : i32
    %dma_wait3A_170 = arith.constant 0 : i32
    %dma_wait3A_171 = tpu.memref_slice %arg2[%dma_wait3A_169, %dma_wait3A_170] : memref<20000x128xf32, #tpu.memory_space<hbm>> -> memref<20000x128xf32, #tpu.memory_space<hbm>>
    tpu.wait_indirect_dma semaphore(%arg14 : memref<!tpu.dma_semaphore, #tpu.memory_space<semaphore_mem>>) src(%dma_wait3A_171 : memref<20000x128xf32, #tpu.memory_space<hbm>>) dst(%arg11 : memref<128x128xf32, #tpu.memory_space<vmem>>)
    %run_scoped3A_172 = arith.constant 30 : i32
    "tpu.region"() ({
      %run_scoped3A_297 = tpu.sem_alloc : memref<!tpu.dma_semaphore, #tpu.memory_space<semaphore_mem>>
      %dma_start3A_298 = arith.constant 0 : i32
      %dma_start3A_299 = tpu.memref_slice %arg8[%run_scoped3A_172, %dma_start3A_298] : memref<32x128xi32, #tpu.memory_space<vmem>> -> memref<1x128xi32, #tpu.memory_space<vmem>>
      %dma_start3A_300 = tpu.memref_squeeze %dma_start3A_299 : memref<1x128xi32, #tpu.memory_space<vmem>> -> memref<128xi32, #tpu.memory_space<vmem>>
      %dma_start3A_301 = arith.constant 0 : i32
      %dma_start3A_302 = arith.constant 0 : i32
      %dma_start3A_303 = tpu.memref_slice %arg13[%dma_start3A_301, %dma_start3A_302] : memref<10008x128xf32, #tpu.memory_space<vmem_shared>> -> memref<10008x128xf32, #tpu.memory_space<vmem_shared>>
      tpu.enqueue_indirect_dma source(%arg11 : memref<128x128xf32, #tpu.memory_space<vmem>>) target(%dma_start3A_303 : memref<10008x128xf32, #tpu.memory_space<vmem_shared>>) offsets(%dma_start3A_300 : memref<128xi32, #tpu.memory_space<vmem>>) semaphore(%run_scoped3A_297 : memref<!tpu.dma_semaphore, #tpu.memory_space<semaphore_mem>>) {add = true}
      %dma_wait3A_304 = arith.constant 0 : i32
      %dma_wait3A_305 = tpu.memref_slice %arg8[%run_scoped3A_172, %dma_wait3A_304] : memref<32x128xi32, #tpu.memory_space<vmem>> -> memref<1x128xi32, #tpu.memory_space<vmem>>
      %dma_wait3A_306 = tpu.memref_squeeze %dma_wait3A_305 : memref<1x128xi32, #tpu.memory_space<vmem>> -> memref<128xi32, #tpu.memory_space<vmem>>
      %dma_wait3A_307 = arith.constant 0 : i32
      %dma_wait3A_308 = arith.constant 0 : i32
      %dma_wait3A_309 = tpu.memref_slice %arg13[%dma_wait3A_307, %dma_wait3A_308] : memref<10008x128xf32, #tpu.memory_space<vmem_shared>> -> memref<10008x128xf32, #tpu.memory_space<vmem_shared>>
      tpu.wait_indirect_dma semaphore(%run_scoped3A_297 : memref<!tpu.dma_semaphore, #tpu.memory_space<semaphore_mem>>) src(%arg11 : memref<128x128xf32, #tpu.memory_space<vmem>>) dst(%dma_wait3A_309 : memref<10008x128xf32, #tpu.memory_space<vmem_shared>>)
      tpu.yield
    }) : () -> ()
    %dma_wait3A_173 = arith.constant 31 : i32
    %dma_wait3A_174 = arith.constant 0 : i32
    %dma_wait3A_175 = tpu.memref_slice %arg7[%dma_wait3A_173, %dma_wait3A_174] : memref<32x128xi32, #tpu.memory_space<vmem>> -> memref<1x128xi32, #tpu.memory_space<vmem>>
    %dma_wait3A_176 = tpu.memref_squeeze %dma_wait3A_175 : memref<1x128xi32, #tpu.memory_space<vmem>> -> memref<128xi32, #tpu.memory_space<vmem>>
    %dma_wait3A_177 = arith.constant 0 : i32
    %dma_wait3A_178 = arith.constant 0 : i32
    %dma_wait3A_179 = tpu.memref_slice %arg2[%dma_wait3A_177, %dma_wait3A_178] : memref<20000x128xf32, #tpu.memory_space<hbm>> -> memref<20000x128xf32, #tpu.memory_space<hbm>>
    tpu.wait_indirect_dma semaphore(%arg15 : memref<!tpu.dma_semaphore, #tpu.memory_space<semaphore_mem>>) src(%dma_wait3A_179 : memref<20000x128xf32, #tpu.memory_space<hbm>>) dst(%arg12 : memref<128x128xf32, #tpu.memory_space<vmem>>)
    %run_scoped3A_180 = arith.constant 31 : i32
    "tpu.region"() ({
      %run_scoped3A_297 = tpu.sem_alloc : memref<!tpu.dma_semaphore, #tpu.memory_space<semaphore_mem>>
      %dma_start3A_298 = arith.constant 0 : i32
      %dma_start3A_299 = tpu.memref_slice %arg8[%run_scoped3A_180, %dma_start3A_298] : memref<32x128xi32, #tpu.memory_space<vmem>> -> memref<1x128xi32, #tpu.memory_space<vmem>>
      %dma_start3A_300 = tpu.memref_squeeze %dma_start3A_299 : memref<1x128xi32, #tpu.memory_space<vmem>> -> memref<128xi32, #tpu.memory_space<vmem>>
      %dma_start3A_301 = arith.constant 0 : i32
      %dma_start3A_302 = arith.constant 0 : i32
      %dma_start3A_303 = tpu.memref_slice %arg13[%dma_start3A_301, %dma_start3A_302] : memref<10008x128xf32, #tpu.memory_space<vmem_shared>> -> memref<10008x128xf32, #tpu.memory_space<vmem_shared>>
      tpu.enqueue_indirect_dma source(%arg12 : memref<128x128xf32, #tpu.memory_space<vmem>>) target(%dma_start3A_303 : memref<10008x128xf32, #tpu.memory_space<vmem_shared>>) offsets(%dma_start3A_300 : memref<128xi32, #tpu.memory_space<vmem>>) semaphore(%run_scoped3A_297 : memref<!tpu.dma_semaphore, #tpu.memory_space<semaphore_mem>>) {add = true}
      %dma_wait3A_304 = arith.constant 0 : i32
      %dma_wait3A_305 = tpu.memref_slice %arg8[%run_scoped3A_180, %dma_wait3A_304] : memref<32x128xi32, #tpu.memory_space<vmem>> -> memref<1x128xi32, #tpu.memory_space<vmem>>
      %dma_wait3A_306 = tpu.memref_squeeze %dma_wait3A_305 : memref<1x128xi32, #tpu.memory_space<vmem>> -> memref<128xi32, #tpu.memory_space<vmem>>
      %dma_wait3A_307 = arith.constant 0 : i32
      %dma_wait3A_308 = arith.constant 0 : i32
      %dma_wait3A_309 = tpu.memref_slice %arg13[%dma_wait3A_307, %dma_wait3A_308] : memref<10008x128xf32, #tpu.memory_space<vmem_shared>> -> memref<10008x128xf32, #tpu.memory_space<vmem_shared>>
      tpu.wait_indirect_dma semaphore(%run_scoped3A_297 : memref<!tpu.dma_semaphore, #tpu.memory_space<semaphore_mem>>) src(%arg12 : memref<128x128xf32, #tpu.memory_space<vmem>>) dst(%dma_wait3A_309 : memref<10008x128xf32, #tpu.memory_space<vmem_shared>>)
      tpu.yield
    }) : () -> ()
    %dma_wait3A_181 = arith.constant 0 : i32
    %dma_wait3A_182 = tpu.memref_slice %arg4[%add3A_135, %dma_wait3A_181] : memref<5120x128xi32, #tpu.memory_space<hbm>> -> memref<32x128xi32, #tpu.memory_space<hbm>>
    %dma_wait3A_183 = arith.constant 0 : i32
    %dma_wait3A_184 = tpu.memref_slice %arg4[%add3A_135, %dma_wait3A_183] : memref<5120x128xi32, #tpu.memory_space<hbm>> -> memref<32x128xi32, #tpu.memory_space<hbm>>
    tpu.wait_dma2 semaphore(%arg16 : memref<!tpu.dma_semaphore, #tpu.memory_space<semaphore_mem>>) src(%dma_wait3A_184 : memref<32x128xi32, #tpu.memory_space<hbm>>) dst(%arg9 : memref<32x128xi32, #tpu.memory_space<vmem>>)
    %dma_wait3A_185 = arith.constant 0 : i32
    %dma_wait3A_186 = tpu.memref_slice %arg5[%add3A_132, %dma_wait3A_185] : memref<2560x128xi32, #tpu.memory_space<hbm>> -> memref<32x128xi32, #tpu.memory_space<hbm>>
    %dma_wait3A_187 = arith.constant 0 : i32
    %dma_wait3A_188 = tpu.memref_slice %arg5[%add3A_132, %dma_wait3A_187] : memref<2560x128xi32, #tpu.memory_space<hbm>> -> memref<32x128xi32, #tpu.memory_space<hbm>>
    tpu.wait_dma2 semaphore(%arg16 : memref<!tpu.dma_semaphore, #tpu.memory_space<semaphore_mem>>) src(%dma_wait3A_188 : memref<32x128xi32, #tpu.memory_space<hbm>>) dst(%arg10 : memref<32x128xi32, #tpu.memory_space<vmem>>)
    %mul3A_189 = arith.constant 160 : i32
    %mul3A_190 = arith.muli %arg1, %mul3A_189 : i32
    %add3A_191 = arith.constant 128 : i32
    %add3A_192 = arith.addi %mul3A_190, %add3A_191 : i32
    %mul3A_193 = arith.constant 2560 : i32
    %mul3A_194 = arith.muli %arg0, %mul3A_193 : i32
    %add3A_195 = arith.addi %mul3A_194, %add3A_192 : i32
    %dma_start3A_196 = arith.constant 0 : i32
    %dma_start3A_197 = tpu.memref_slice %arg4[%add3A_195, %dma_start3A_196] : memref<5120x128xi32, #tpu.memory_space<hbm>> -> memref<32x128xi32, #tpu.memory_space<hbm>>
    %dma_start3A_198 = arith.constant 0 : i32
    %dma_start3A_199 = tpu.memref_slice %arg4[%add3A_195, %dma_start3A_198] : memref<5120x128xi32, #tpu.memory_space<hbm>> -> memref<32x128xi32, #tpu.memory_space<hbm>>
    tpu.enqueue_dma source(%dma_start3A_199 : memref<32x128xi32, #tpu.memory_space<hbm>>) target(%arg7 : memref<32x128xi32, #tpu.memory_space<vmem>>) target_semaphore(%arg16 : memref<!tpu.dma_semaphore, #tpu.memory_space<semaphore_mem>>)
    %dma_start3A_200 = arith.constant 0 : i32
    %dma_start3A_201 = tpu.memref_slice %arg5[%add3A_192, %dma_start3A_200] : memref<2560x128xi32, #tpu.memory_space<hbm>> -> memref<32x128xi32, #tpu.memory_space<hbm>>
    %dma_start3A_202 = arith.constant 0 : i32
    %dma_start3A_203 = tpu.memref_slice %arg5[%add3A_192, %dma_start3A_202] : memref<2560x128xi32, #tpu.memory_space<hbm>> -> memref<32x128xi32, #tpu.memory_space<hbm>>
    tpu.enqueue_dma source(%dma_start3A_203 : memref<32x128xi32, #tpu.memory_space<hbm>>) target(%arg8 : memref<32x128xi32, #tpu.memory_space<vmem>>) target_semaphore(%arg16 : memref<!tpu.dma_semaphore, #tpu.memory_space<semaphore_mem>>)
    %dma_start3A_204 = arith.constant 0 : i32
    %dma_start3A_205 = arith.constant 0 : i32
    %dma_start3A_206 = tpu.memref_slice %arg9[%dma_start3A_204, %dma_start3A_205] : memref<32x128xi32, #tpu.memory_space<vmem>> -> memref<1x128xi32, #tpu.memory_space<vmem>>
    %dma_start3A_207 = tpu.memref_squeeze %dma_start3A_206 : memref<1x128xi32, #tpu.memory_space<vmem>> -> memref<128xi32, #tpu.memory_space<vmem>>
    %dma_start3A_208 = arith.constant 0 : i32
    %dma_start3A_209 = arith.constant 0 : i32
    %dma_start3A_210 = tpu.memref_slice %arg2[%dma_start3A_208, %dma_start3A_209] : memref<20000x128xf32, #tpu.memory_space<hbm>> -> memref<20000x128xf32, #tpu.memory_space<hbm>>
    tpu.enqueue_indirect_dma source(%dma_start3A_210 : memref<20000x128xf32, #tpu.memory_space<hbm>>) target(%arg11 : memref<128x128xf32, #tpu.memory_space<vmem>>) offsets(%dma_start3A_207 : memref<128xi32, #tpu.memory_space<vmem>>) semaphore(%arg14 : memref<!tpu.dma_semaphore, #tpu.memory_space<semaphore_mem>>)
    %scan3A_211 = arith.constant 0 : i32
    %scan3A_212 = arith.constant 0 : i32
    %scan3A_213 = arith.constant 15 : i32
    %scan3A_214 = arith.addi %scan3A_212, %scan3A_213 : i32
    %scan3A_215 = arith.constant 1 : i32
    %scan3A_216 = scf.for %scan3A_297 = %scan3A_212 to %scan3A_214 step %scan3A_215 iter_args(%scan3A_298 = %scan3A_211) -> (i32)  : i32 {
      %mul3A_299 = arith.constant 2 : i32
      %mul3A_300 = arith.muli %mul3A_299, %scan3A_297 : i32
      %add3A_301 = arith.constant 1 : i32
      %add3A_302 = arith.addi %mul3A_300, %add3A_301 : i32
      %dma_start3A_303 = arith.constant 0 : i32
      %dma_start3A_304 = tpu.memref_slice %arg9[%add3A_302, %dma_start3A_303] : memref<32x128xi32, #tpu.memory_space<vmem>> -> memref<1x128xi32, #tpu.memory_space<vmem>>
      %dma_start3A_305 = tpu.memref_squeeze %dma_start3A_304 : memref<1x128xi32, #tpu.memory_space<vmem>> -> memref<128xi32, #tpu.memory_space<vmem>>
      %dma_start3A_306 = arith.constant 0 : i32
      %dma_start3A_307 = arith.constant 0 : i32
      %dma_start3A_308 = tpu.memref_slice %arg2[%dma_start3A_306, %dma_start3A_307] : memref<20000x128xf32, #tpu.memory_space<hbm>> -> memref<20000x128xf32, #tpu.memory_space<hbm>>
      tpu.enqueue_indirect_dma source(%dma_start3A_308 : memref<20000x128xf32, #tpu.memory_space<hbm>>) target(%arg12 : memref<128x128xf32, #tpu.memory_space<vmem>>) offsets(%dma_start3A_305 : memref<128xi32, #tpu.memory_space<vmem>>) semaphore(%arg15 : memref<!tpu.dma_semaphore, #tpu.memory_space<semaphore_mem>>)
      %mul3A_309 = arith.constant 2 : i32
      %mul3A_310 = arith.muli %mul3A_309, %scan3A_297 : i32
      %dma_wait3A_311 = arith.constant 0 : i32
      %dma_wait3A_312 = tpu.memref_slice %arg9[%mul3A_310, %dma_wait3A_311] : memref<32x128xi32, #tpu.memory_space<vmem>> -> memref<1x128xi32, #tpu.memory_space<vmem>>
      %dma_wait3A_313 = tpu.memref_squeeze %dma_wait3A_312 : memref<1x128xi32, #tpu.memory_space<vmem>> -> memref<128xi32, #tpu.memory_space<vmem>>
      %dma_wait3A_314 = arith.constant 0 : i32
      %dma_wait3A_315 = arith.constant 0 : i32
      %dma_wait3A_316 = tpu.memref_slice %arg2[%dma_wait3A_314, %dma_wait3A_315] : memref<20000x128xf32, #tpu.memory_space<hbm>> -> memref<20000x128xf32, #tpu.memory_space<hbm>>
      tpu.wait_indirect_dma semaphore(%arg14 : memref<!tpu.dma_semaphore, #tpu.memory_space<semaphore_mem>>) src(%dma_wait3A_316 : memref<20000x128xf32, #tpu.memory_space<hbm>>) dst(%arg11 : memref<128x128xf32, #tpu.memory_space<vmem>>)
      %mul3A_317 = arith.constant 2 : i32
      %mul3A_318 = arith.muli %mul3A_317, %scan3A_297 : i32
      "tpu.region"() ({
        %run_scoped3A_344 = tpu.sem_alloc : memref<!tpu.dma_semaphore, #tpu.memory_space<semaphore_mem>>
        %dma_start3A_345 = arith.constant 0 : i32
        %dma_start3A_346 = tpu.memref_slice %arg10[%mul3A_318, %dma_start3A_345] : memref<32x128xi32, #tpu.memory_space<vmem>> -> memref<1x128xi32, #tpu.memory_space<vmem>>
        %dma_start3A_347 = tpu.memref_squeeze %dma_start3A_346 : memref<1x128xi32, #tpu.memory_space<vmem>> -> memref<128xi32, #tpu.memory_space<vmem>>
        %dma_start3A_348 = arith.constant 0 : i32
        %dma_start3A_349 = arith.constant 0 : i32
        %dma_start3A_350 = tpu.memref_slice %arg13[%dma_start3A_348, %dma_start3A_349] : memref<10008x128xf32, #tpu.memory_space<vmem_shared>> -> memref<10008x128xf32, #tpu.memory_space<vmem_shared>>
        tpu.enqueue_indirect_dma source(%arg11 : memref<128x128xf32, #tpu.memory_space<vmem>>) target(%dma_start3A_350 : memref<10008x128xf32, #tpu.memory_space<vmem_shared>>) offsets(%dma_start3A_347 : memref<128xi32, #tpu.memory_space<vmem>>) semaphore(%run_scoped3A_344 : memref<!tpu.dma_semaphore, #tpu.memory_space<semaphore_mem>>) {add = true}
        %dma_wait3A_351 = arith.constant 0 : i32
        %dma_wait3A_352 = tpu.memref_slice %arg10[%mul3A_318, %dma_wait3A_351] : memref<32x128xi32, #tpu.memory_space<vmem>> -> memref<1x128xi32, #tpu.memory_space<vmem>>
        %dma_wait3A_353 = tpu.memref_squeeze %dma_wait3A_352 : memref<1x128xi32, #tpu.memory_space<vmem>> -> memref<128xi32, #tpu.memory_space<vmem>>
        %dma_wait3A_354 = arith.constant 0 : i32
        %dma_wait3A_355 = arith.constant 0 : i32
        %dma_wait3A_356 = tpu.memref_slice %arg13[%dma_wait3A_354, %dma_wait3A_355] : memref<10008x128xf32, #tpu.memory_space<vmem_shared>> -> memref<10008x128xf32, #tpu.memory_space<vmem_shared>>
        tpu.wait_indirect_dma semaphore(%run_scoped3A_344 : memref<!tpu.dma_semaphore, #tpu.memory_space<semaphore_mem>>) src(%arg11 : memref<128x128xf32, #tpu.memory_space<vmem>>) dst(%dma_wait3A_356 : memref<10008x128xf32, #tpu.memory_space<vmem_shared>>)
        tpu.yield
      }) : () -> ()
      %mul3A_319 = arith.constant 2 : i32
      %mul3A_320 = arith.muli %mul3A_319, %scan3A_297 : i32
      %add3A_321 = arith.constant 2 : i32
      %add3A_322 = arith.addi %mul3A_320, %add3A_321 : i32
      %dma_start3A_323 = arith.constant 0 : i32
      %dma_start3A_324 = tpu.memref_slice %arg9[%add3A_322, %dma_start3A_323] : memref<32x128xi32, #tpu.memory_space<vmem>> -> memref<1x128xi32, #tpu.memory_space<vmem>>
      %dma_start3A_325 = tpu.memref_squeeze %dma_start3A_324 : memref<1x128xi32, #tpu.memory_space<vmem>> -> memref<128xi32, #tpu.memory_space<vmem>>
      %dma_start3A_326 = arith.constant 0 : i32
      %dma_start3A_327 = arith.constant 0 : i32
      %dma_start3A_328 = tpu.memref_slice %arg2[%dma_start3A_326, %dma_start3A_327] : memref<20000x128xf32, #tpu.memory_space<hbm>> -> memref<20000x128xf32, #tpu.memory_space<hbm>>
      tpu.enqueue_indirect_dma source(%dma_start3A_328 : memref<20000x128xf32, #tpu.memory_space<hbm>>) target(%arg11 : memref<128x128xf32, #tpu.memory_space<vmem>>) offsets(%dma_start3A_325 : memref<128xi32, #tpu.memory_space<vmem>>) semaphore(%arg14 : memref<!tpu.dma_semaphore, #tpu.memory_space<semaphore_mem>>)
      %mul3A_329 = arith.constant 2 : i32
      %mul3A_330 = arith.muli %mul3A_329, %scan3A_297 : i32
      %add3A_331 = arith.constant 1 : i32
      %add3A_332 = arith.addi %mul3A_330, %add3A_331 : i32
      %dma_wait3A_333 = arith.constant 0 : i32
      %dma_wait3A_334 = tpu.memref_slice %arg9[%add3A_332, %dma_wait3A_333] : memref<32x128xi32, #tpu.memory_space<vmem>> -> memref<1x128xi32, #tpu.memory_space<vmem>>
      %dma_wait3A_335 = tpu.memref_squeeze %dma_wait3A_334 : memref<1x128xi32, #tpu.memory_space<vmem>> -> memref<128xi32, #tpu.memory_space<vmem>>
      %dma_wait3A_336 = arith.constant 0 : i32
      %dma_wait3A_337 = arith.constant 0 : i32
      %dma_wait3A_338 = tpu.memref_slice %arg2[%dma_wait3A_336, %dma_wait3A_337] : memref<20000x128xf32, #tpu.memory_space<hbm>> -> memref<20000x128xf32, #tpu.memory_space<hbm>>
      tpu.wait_indirect_dma semaphore(%arg15 : memref<!tpu.dma_semaphore, #tpu.memory_space<semaphore_mem>>) src(%dma_wait3A_338 : memref<20000x128xf32, #tpu.memory_space<hbm>>) dst(%arg12 : memref<128x128xf32, #tpu.memory_space<vmem>>)
      %mul3A_339 = arith.constant 2 : i32
      %mul3A_340 = arith.muli %mul3A_339, %scan3A_297 : i32
      %add3A_341 = arith.constant 1 : i32
      %add3A_342 = arith.addi %mul3A_340, %add3A_341 : i32
      "tpu.region"() ({
        %run_scoped3A_344 = tpu.sem_alloc : memref<!tpu.dma_semaphore, #tpu.memory_space<semaphore_mem>>
        %dma_start3A_345 = arith.constant 0 : i32
        %dma_start3A_346 = tpu.memref_slice %arg10[%add3A_342, %dma_start3A_345] : memref<32x128xi32, #tpu.memory_space<vmem>> -> memref<1x128xi32, #tpu.memory_space<vmem>>
        %dma_start3A_347 = tpu.memref_squeeze %dma_start3A_346 : memref<1x128xi32, #tpu.memory_space<vmem>> -> memref<128xi32, #tpu.memory_space<vmem>>
        %dma_start3A_348 = arith.constant 0 : i32
        %dma_start3A_349 = arith.constant 0 : i32
        %dma_start3A_350 = tpu.memref_slice %arg13[%dma_start3A_348, %dma_start3A_349] : memref<10008x128xf32, #tpu.memory_space<vmem_shared>> -> memref<10008x128xf32, #tpu.memory_space<vmem_shared>>
        tpu.enqueue_indirect_dma source(%arg12 : memref<128x128xf32, #tpu.memory_space<vmem>>) target(%dma_start3A_350 : memref<10008x128xf32, #tpu.memory_space<vmem_shared>>) offsets(%dma_start3A_347 : memref<128xi32, #tpu.memory_space<vmem>>) semaphore(%run_scoped3A_344 : memref<!tpu.dma_semaphore, #tpu.memory_space<semaphore_mem>>) {add = true}
        %dma_wait3A_351 = arith.constant 0 : i32
        %dma_wait3A_352 = tpu.memref_slice %arg10[%add3A_342, %dma_wait3A_351] : memref<32x128xi32, #tpu.memory_space<vmem>> -> memref<1x128xi32, #tpu.memory_space<vmem>>
        %dma_wait3A_353 = tpu.memref_squeeze %dma_wait3A_352 : memref<1x128xi32, #tpu.memory_space<vmem>> -> memref<128xi32, #tpu.memory_space<vmem>>
        %dma_wait3A_354 = arith.constant 0 : i32
        %dma_wait3A_355 = arith.constant 0 : i32
        %dma_wait3A_356 = tpu.memref_slice %arg13[%dma_wait3A_354, %dma_wait3A_355] : memref<10008x128xf32, #tpu.memory_space<vmem_shared>> -> memref<10008x128xf32, #tpu.memory_space<vmem_shared>>
        tpu.wait_indirect_dma semaphore(%run_scoped3A_344 : memref<!tpu.dma_semaphore, #tpu.memory_space<semaphore_mem>>) src(%arg12 : memref<128x128xf32, #tpu.memory_space<vmem>>) dst(%dma_wait3A_356 : memref<10008x128xf32, #tpu.memory_space<vmem_shared>>)
        tpu.yield
      }) : () -> ()
      %scan3A_343 = arith.constant 0 : i32
      scf.yield %scan3A_343 : i32
    }
    %scan3A_217 = arith.constant 15 : i32
    %dma_start3A_218 = arith.constant 31 : i32
    %dma_start3A_219 = arith.constant 0 : i32
    %dma_start3A_220 = tpu.memref_slice %arg9[%dma_start3A_218, %dma_start3A_219] : memref<32x128xi32, #tpu.memory_space<vmem>> -> memref<1x128xi32, #tpu.memory_space<vmem>>
    %dma_start3A_221 = tpu.memref_squeeze %dma_start3A_220 : memref<1x128xi32, #tpu.memory_space<vmem>> -> memref<128xi32, #tpu.memory_space<vmem>>
    %dma_start3A_222 = arith.constant 0 : i32
    %dma_start3A_223 = arith.constant 0 : i32
    %dma_start3A_224 = tpu.memref_slice %arg2[%dma_start3A_222, %dma_start3A_223] : memref<20000x128xf32, #tpu.memory_space<hbm>> -> memref<20000x128xf32, #tpu.memory_space<hbm>>
    tpu.enqueue_indirect_dma source(%dma_start3A_224 : memref<20000x128xf32, #tpu.memory_space<hbm>>) target(%arg12 : memref<128x128xf32, #tpu.memory_space<vmem>>) offsets(%dma_start3A_221 : memref<128xi32, #tpu.memory_space<vmem>>) semaphore(%arg15 : memref<!tpu.dma_semaphore, #tpu.memory_space<semaphore_mem>>)
    %dma_wait3A_225 = arith.constant 30 : i32
    %dma_wait3A_226 = arith.constant 0 : i32
    %dma_wait3A_227 = tpu.memref_slice %arg9[%dma_wait3A_225, %dma_wait3A_226] : memref<32x128xi32, #tpu.memory_space<vmem>> -> memref<1x128xi32, #tpu.memory_space<vmem>>
    %dma_wait3A_228 = tpu.memref_squeeze %dma_wait3A_227 : memref<1x128xi32, #tpu.memory_space<vmem>> -> memref<128xi32, #tpu.memory_space<vmem>>
    %dma_wait3A_229 = arith.constant 0 : i32
    %dma_wait3A_230 = arith.constant 0 : i32
    %dma_wait3A_231 = tpu.memref_slice %arg2[%dma_wait3A_229, %dma_wait3A_230] : memref<20000x128xf32, #tpu.memory_space<hbm>> -> memref<20000x128xf32, #tpu.memory_space<hbm>>
    tpu.wait_indirect_dma semaphore(%arg14 : memref<!tpu.dma_semaphore, #tpu.memory_space<semaphore_mem>>) src(%dma_wait3A_231 : memref<20000x128xf32, #tpu.memory_space<hbm>>) dst(%arg11 : memref<128x128xf32, #tpu.memory_space<vmem>>)
    %run_scoped3A_232 = arith.constant 30 : i32
    "tpu.region"() ({
      %run_scoped3A_297 = tpu.sem_alloc : memref<!tpu.dma_semaphore, #tpu.memory_space<semaphore_mem>>
      %dma_start3A_298 = arith.constant 0 : i32
      %dma_start3A_299 = tpu.memref_slice %arg10[%run_scoped3A_232, %dma_start3A_298] : memref<32x128xi32, #tpu.memory_space<vmem>> -> memref<1x128xi32, #tpu.memory_space<vmem>>
      %dma_start3A_300 = tpu.memref_squeeze %dma_start3A_299 : memref<1x128xi32, #tpu.memory_space<vmem>> -> memref<128xi32, #tpu.memory_space<vmem>>
      %dma_start3A_301 = arith.constant 0 : i32
      %dma_start3A_302 = arith.constant 0 : i32
      %dma_start3A_303 = tpu.memref_slice %arg13[%dma_start3A_301, %dma_start3A_302] : memref<10008x128xf32, #tpu.memory_space<vmem_shared>> -> memref<10008x128xf32, #tpu.memory_space<vmem_shared>>
      tpu.enqueue_indirect_dma source(%arg11 : memref<128x128xf32, #tpu.memory_space<vmem>>) target(%dma_start3A_303 : memref<10008x128xf32, #tpu.memory_space<vmem_shared>>) offsets(%dma_start3A_300 : memref<128xi32, #tpu.memory_space<vmem>>) semaphore(%run_scoped3A_297 : memref<!tpu.dma_semaphore, #tpu.memory_space<semaphore_mem>>) {add = true}
      %dma_wait3A_304 = arith.constant 0 : i32
      %dma_wait3A_305 = tpu.memref_slice %arg10[%run_scoped3A_232, %dma_wait3A_304] : memref<32x128xi32, #tpu.memory_space<vmem>> -> memref<1x128xi32, #tpu.memory_space<vmem>>
      %dma_wait3A_306 = tpu.memref_squeeze %dma_wait3A_305 : memref<1x128xi32, #tpu.memory_space<vmem>> -> memref<128xi32, #tpu.memory_space<vmem>>
      %dma_wait3A_307 = arith.constant 0 : i32
      %dma_wait3A_308 = arith.constant 0 : i32
      %dma_wait3A_309 = tpu.memref_slice %arg13[%dma_wait3A_307, %dma_wait3A_308] : memref<10008x128xf32, #tpu.memory_space<vmem_shared>> -> memref<10008x128xf32, #tpu.memory_space<vmem_shared>>
      tpu.wait_indirect_dma semaphore(%run_scoped3A_297 : memref<!tpu.dma_semaphore, #tpu.memory_space<semaphore_mem>>) src(%arg11 : memref<128x128xf32, #tpu.memory_space<vmem>>) dst(%dma_wait3A_309 : memref<10008x128xf32, #tpu.memory_space<vmem_shared>>)
      tpu.yield
    }) : () -> ()
    %dma_wait3A_233 = arith.constant 31 : i32
    %dma_wait3A_234 = arith.constant 0 : i32
    %dma_wait3A_235 = tpu.memref_slice %arg9[%dma_wait3A_233, %dma_wait3A_234] : memref<32x128xi32, #tpu.memory_space<vmem>> -> memref<1x128xi32, #tpu.memory_space<vmem>>
    %dma_wait3A_236 = tpu.memref_squeeze %dma_wait3A_235 : memref<1x128xi32, #tpu.memory_space<vmem>> -> memref<128xi32, #tpu.memory_space<vmem>>
    %dma_wait3A_237 = arith.constant 0 : i32
    %dma_wait3A_238 = arith.constant 0 : i32
    %dma_wait3A_239 = tpu.memref_slice %arg2[%dma_wait3A_237, %dma_wait3A_238] : memref<20000x128xf32, #tpu.memory_space<hbm>> -> memref<20000x128xf32, #tpu.memory_space<hbm>>
    tpu.wait_indirect_dma semaphore(%arg15 : memref<!tpu.dma_semaphore, #tpu.memory_space<semaphore_mem>>) src(%dma_wait3A_239 : memref<20000x128xf32, #tpu.memory_space<hbm>>) dst(%arg12 : memref<128x128xf32, #tpu.memory_space<vmem>>)
    %run_scoped3A_240 = arith.constant 31 : i32
    "tpu.region"() ({
      %run_scoped3A_297 = tpu.sem_alloc : memref<!tpu.dma_semaphore, #tpu.memory_space<semaphore_mem>>
      %dma_start3A_298 = arith.constant 0 : i32
      %dma_start3A_299 = tpu.memref_slice %arg10[%run_scoped3A_240, %dma_start3A_298] : memref<32x128xi32, #tpu.memory_space<vmem>> -> memref<1x128xi32, #tpu.memory_space<vmem>>
      %dma_start3A_300 = tpu.memref_squeeze %dma_start3A_299 : memref<1x128xi32, #tpu.memory_space<vmem>> -> memref<128xi32, #tpu.memory_space<vmem>>
      %dma_start3A_301 = arith.constant 0 : i32
      %dma_start3A_302 = arith.constant 0 : i32
      %dma_start3A_303 = tpu.memref_slice %arg13[%dma_start3A_301, %dma_start3A_302] : memref<10008x128xf32, #tpu.memory_space<vmem_shared>> -> memref<10008x128xf32, #tpu.memory_space<vmem_shared>>
      tpu.enqueue_indirect_dma source(%arg12 : memref<128x128xf32, #tpu.memory_space<vmem>>) target(%dma_start3A_303 : memref<10008x128xf32, #tpu.memory_space<vmem_shared>>) offsets(%dma_start3A_300 : memref<128xi32, #tpu.memory_space<vmem>>) semaphore(%run_scoped3A_297 : memref<!tpu.dma_semaphore, #tpu.memory_space<semaphore_mem>>) {add = true}
      %dma_wait3A_304 = arith.constant 0 : i32
      %dma_wait3A_305 = tpu.memref_slice %arg10[%run_scoped3A_240, %dma_wait3A_304] : memref<32x128xi32, #tpu.memory_space<vmem>> -> memref<1x128xi32, #tpu.memory_space<vmem>>
      %dma_wait3A_306 = tpu.memref_squeeze %dma_wait3A_305 : memref<1x128xi32, #tpu.memory_space<vmem>> -> memref<128xi32, #tpu.memory_space<vmem>>
      %dma_wait3A_307 = arith.constant 0 : i32
      %dma_wait3A_308 = arith.constant 0 : i32
      %dma_wait3A_309 = tpu.memref_slice %arg13[%dma_wait3A_307, %dma_wait3A_308] : memref<10008x128xf32, #tpu.memory_space<vmem_shared>> -> memref<10008x128xf32, #tpu.memory_space<vmem_shared>>
      tpu.wait_indirect_dma semaphore(%run_scoped3A_297 : memref<!tpu.dma_semaphore, #tpu.memory_space<semaphore_mem>>) src(%arg12 : memref<128x128xf32, #tpu.memory_space<vmem>>) dst(%dma_wait3A_309 : memref<10008x128xf32, #tpu.memory_space<vmem_shared>>)
      tpu.yield
    }) : () -> ()
    %dma_wait3A_241 = arith.constant 0 : i32
    %dma_wait3A_242 = tpu.memref_slice %arg4[%add3A_195, %dma_wait3A_241] : memref<5120x128xi32, #tpu.memory_space<hbm>> -> memref<32x128xi32, #tpu.memory_space<hbm>>
    %dma_wait3A_243 = arith.constant 0 : i32
    %dma_wait3A_244 = tpu.memref_slice %arg4[%add3A_195, %dma_wait3A_243] : memref<5120x128xi32, #tpu.memory_space<hbm>> -> memref<32x128xi32, #tpu.memory_space<hbm>>
    tpu.wait_dma2 semaphore(%arg16 : memref<!tpu.dma_semaphore, #tpu.memory_space<semaphore_mem>>) src(%dma_wait3A_244 : memref<32x128xi32, #tpu.memory_space<hbm>>) dst(%arg7 : memref<32x128xi32, #tpu.memory_space<vmem>>)
    %dma_wait3A_245 = arith.constant 0 : i32
    %dma_wait3A_246 = tpu.memref_slice %arg5[%add3A_192, %dma_wait3A_245] : memref<2560x128xi32, #tpu.memory_space<hbm>> -> memref<32x128xi32, #tpu.memory_space<hbm>>
    %dma_wait3A_247 = arith.constant 0 : i32
    %dma_wait3A_248 = tpu.memref_slice %arg5[%add3A_192, %dma_wait3A_247] : memref<2560x128xi32, #tpu.memory_space<hbm>> -> memref<32x128xi32, #tpu.memory_space<hbm>>
    tpu.wait_dma2 semaphore(%arg16 : memref<!tpu.dma_semaphore, #tpu.memory_space<semaphore_mem>>) src(%dma_wait3A_248 : memref<32x128xi32, #tpu.memory_space<hbm>>) dst(%arg8 : memref<32x128xi32, #tpu.memory_space<vmem>>)
    %dma_start3A_249 = arith.constant 0 : i32
    %dma_start3A_250 = arith.constant 0 : i32
    %dma_start3A_251 = tpu.memref_slice %arg7[%dma_start3A_249, %dma_start3A_250] : memref<32x128xi32, #tpu.memory_space<vmem>> -> memref<1x128xi32, #tpu.memory_space<vmem>>
    %dma_start3A_252 = tpu.memref_squeeze %dma_start3A_251 : memref<1x128xi32, #tpu.memory_space<vmem>> -> memref<128xi32, #tpu.memory_space<vmem>>
    %dma_start3A_253 = arith.constant 0 : i32
    %dma_start3A_254 = arith.constant 0 : i32
    %dma_start3A_255 = tpu.memref_slice %arg2[%dma_start3A_253, %dma_start3A_254] : memref<20000x128xf32, #tpu.memory_space<hbm>> -> memref<20000x128xf32, #tpu.memory_space<hbm>>
    tpu.enqueue_indirect_dma source(%dma_start3A_255 : memref<20000x128xf32, #tpu.memory_space<hbm>>) target(%arg11 : memref<128x128xf32, #tpu.memory_space<vmem>>) offsets(%dma_start3A_252 : memref<128xi32, #tpu.memory_space<vmem>>) semaphore(%arg14 : memref<!tpu.dma_semaphore, #tpu.memory_space<semaphore_mem>>)
    %scan3A_256 = arith.constant 0 : i32
    %scan3A_257 = arith.constant 0 : i32
    %scan3A_258 = arith.constant 15 : i32
    %scan3A_259 = arith.addi %scan3A_257, %scan3A_258 : i32
    %scan3A_260 = arith.constant 1 : i32
    %scan3A_261 = scf.for %scan3A_297 = %scan3A_257 to %scan3A_259 step %scan3A_260 iter_args(%scan3A_298 = %scan3A_256) -> (i32)  : i32 {
      %mul3A_299 = arith.constant 2 : i32
      %mul3A_300 = arith.muli %mul3A_299, %scan3A_297 : i32
      %add3A_301 = arith.constant 1 : i32
      %add3A_302 = arith.addi %mul3A_300, %add3A_301 : i32
      %dma_start3A_303 = arith.constant 0 : i32
      %dma_start3A_304 = tpu.memref_slice %arg7[%add3A_302, %dma_start3A_303] : memref<32x128xi32, #tpu.memory_space<vmem>> -> memref<1x128xi32, #tpu.memory_space<vmem>>
      %dma_start3A_305 = tpu.memref_squeeze %dma_start3A_304 : memref<1x128xi32, #tpu.memory_space<vmem>> -> memref<128xi32, #tpu.memory_space<vmem>>
      %dma_start3A_306 = arith.constant 0 : i32
      %dma_start3A_307 = arith.constant 0 : i32
      %dma_start3A_308 = tpu.memref_slice %arg2[%dma_start3A_306, %dma_start3A_307] : memref<20000x128xf32, #tpu.memory_space<hbm>> -> memref<20000x128xf32, #tpu.memory_space<hbm>>
      tpu.enqueue_indirect_dma source(%dma_start3A_308 : memref<20000x128xf32, #tpu.memory_space<hbm>>) target(%arg12 : memref<128x128xf32, #tpu.memory_space<vmem>>) offsets(%dma_start3A_305 : memref<128xi32, #tpu.memory_space<vmem>>) semaphore(%arg15 : memref<!tpu.dma_semaphore, #tpu.memory_space<semaphore_mem>>)
      %mul3A_309 = arith.constant 2 : i32
      %mul3A_310 = arith.muli %mul3A_309, %scan3A_297 : i32
      %dma_wait3A_311 = arith.constant 0 : i32
      %dma_wait3A_312 = tpu.memref_slice %arg7[%mul3A_310, %dma_wait3A_311] : memref<32x128xi32, #tpu.memory_space<vmem>> -> memref<1x128xi32, #tpu.memory_space<vmem>>
      %dma_wait3A_313 = tpu.memref_squeeze %dma_wait3A_312 : memref<1x128xi32, #tpu.memory_space<vmem>> -> memref<128xi32, #tpu.memory_space<vmem>>
      %dma_wait3A_314 = arith.constant 0 : i32
      %dma_wait3A_315 = arith.constant 0 : i32
      %dma_wait3A_316 = tpu.memref_slice %arg2[%dma_wait3A_314, %dma_wait3A_315] : memref<20000x128xf32, #tpu.memory_space<hbm>> -> memref<20000x128xf32, #tpu.memory_space<hbm>>
      tpu.wait_indirect_dma semaphore(%arg14 : memref<!tpu.dma_semaphore, #tpu.memory_space<semaphore_mem>>) src(%dma_wait3A_316 : memref<20000x128xf32, #tpu.memory_space<hbm>>) dst(%arg11 : memref<128x128xf32, #tpu.memory_space<vmem>>)
      %mul3A_317 = arith.constant 2 : i32
      %mul3A_318 = arith.muli %mul3A_317, %scan3A_297 : i32
      "tpu.region"() ({
        %run_scoped3A_344 = tpu.sem_alloc : memref<!tpu.dma_semaphore, #tpu.memory_space<semaphore_mem>>
        %dma_start3A_345 = arith.constant 0 : i32
        %dma_start3A_346 = tpu.memref_slice %arg8[%mul3A_318, %dma_start3A_345] : memref<32x128xi32, #tpu.memory_space<vmem>> -> memref<1x128xi32, #tpu.memory_space<vmem>>
        %dma_start3A_347 = tpu.memref_squeeze %dma_start3A_346 : memref<1x128xi32, #tpu.memory_space<vmem>> -> memref<128xi32, #tpu.memory_space<vmem>>
        %dma_start3A_348 = arith.constant 0 : i32
        %dma_start3A_349 = arith.constant 0 : i32
        %dma_start3A_350 = tpu.memref_slice %arg13[%dma_start3A_348, %dma_start3A_349] : memref<10008x128xf32, #tpu.memory_space<vmem_shared>> -> memref<10008x128xf32, #tpu.memory_space<vmem_shared>>
        tpu.enqueue_indirect_dma source(%arg11 : memref<128x128xf32, #tpu.memory_space<vmem>>) target(%dma_start3A_350 : memref<10008x128xf32, #tpu.memory_space<vmem_shared>>) offsets(%dma_start3A_347 : memref<128xi32, #tpu.memory_space<vmem>>) semaphore(%run_scoped3A_344 : memref<!tpu.dma_semaphore, #tpu.memory_space<semaphore_mem>>) {add = true}
        %dma_wait3A_351 = arith.constant 0 : i32
        %dma_wait3A_352 = tpu.memref_slice %arg8[%mul3A_318, %dma_wait3A_351] : memref<32x128xi32, #tpu.memory_space<vmem>> -> memref<1x128xi32, #tpu.memory_space<vmem>>
        %dma_wait3A_353 = tpu.memref_squeeze %dma_wait3A_352 : memref<1x128xi32, #tpu.memory_space<vmem>> -> memref<128xi32, #tpu.memory_space<vmem>>
        %dma_wait3A_354 = arith.constant 0 : i32
        %dma_wait3A_355 = arith.constant 0 : i32
        %dma_wait3A_356 = tpu.memref_slice %arg13[%dma_wait3A_354, %dma_wait3A_355] : memref<10008x128xf32, #tpu.memory_space<vmem_shared>> -> memref<10008x128xf32, #tpu.memory_space<vmem_shared>>
        tpu.wait_indirect_dma semaphore(%run_scoped3A_344 : memref<!tpu.dma_semaphore, #tpu.memory_space<semaphore_mem>>) src(%arg11 : memref<128x128xf32, #tpu.memory_space<vmem>>) dst(%dma_wait3A_356 : memref<10008x128xf32, #tpu.memory_space<vmem_shared>>)
        tpu.yield
      }) : () -> ()
      %mul3A_319 = arith.constant 2 : i32
      %mul3A_320 = arith.muli %mul3A_319, %scan3A_297 : i32
      %add3A_321 = arith.constant 2 : i32
      %add3A_322 = arith.addi %mul3A_320, %add3A_321 : i32
      %dma_start3A_323 = arith.constant 0 : i32
      %dma_start3A_324 = tpu.memref_slice %arg7[%add3A_322, %dma_start3A_323] : memref<32x128xi32, #tpu.memory_space<vmem>> -> memref<1x128xi32, #tpu.memory_space<vmem>>
      %dma_start3A_325 = tpu.memref_squeeze %dma_start3A_324 : memref<1x128xi32, #tpu.memory_space<vmem>> -> memref<128xi32, #tpu.memory_space<vmem>>
      %dma_start3A_326 = arith.constant 0 : i32
      %dma_start3A_327 = arith.constant 0 : i32
      %dma_start3A_328 = tpu.memref_slice %arg2[%dma_start3A_326, %dma_start3A_327] : memref<20000x128xf32, #tpu.memory_space<hbm>> -> memref<20000x128xf32, #tpu.memory_space<hbm>>
      tpu.enqueue_indirect_dma source(%dma_start3A_328 : memref<20000x128xf32, #tpu.memory_space<hbm>>) target(%arg11 : memref<128x128xf32, #tpu.memory_space<vmem>>) offsets(%dma_start3A_325 : memref<128xi32, #tpu.memory_space<vmem>>) semaphore(%arg14 : memref<!tpu.dma_semaphore, #tpu.memory_space<semaphore_mem>>)
      %mul3A_329 = arith.constant 2 : i32
      %mul3A_330 = arith.muli %mul3A_329, %scan3A_297 : i32
      %add3A_331 = arith.constant 1 : i32
      %add3A_332 = arith.addi %mul3A_330, %add3A_331 : i32
      %dma_wait3A_333 = arith.constant 0 : i32
      %dma_wait3A_334 = tpu.memref_slice %arg7[%add3A_332, %dma_wait3A_333] : memref<32x128xi32, #tpu.memory_space<vmem>> -> memref<1x128xi32, #tpu.memory_space<vmem>>
      %dma_wait3A_335 = tpu.memref_squeeze %dma_wait3A_334 : memref<1x128xi32, #tpu.memory_space<vmem>> -> memref<128xi32, #tpu.memory_space<vmem>>
      %dma_wait3A_336 = arith.constant 0 : i32
      %dma_wait3A_337 = arith.constant 0 : i32
      %dma_wait3A_338 = tpu.memref_slice %arg2[%dma_wait3A_336, %dma_wait3A_337] : memref<20000x128xf32, #tpu.memory_space<hbm>> -> memref<20000x128xf32, #tpu.memory_space<hbm>>
      tpu.wait_indirect_dma semaphore(%arg15 : memref<!tpu.dma_semaphore, #tpu.memory_space<semaphore_mem>>) src(%dma_wait3A_338 : memref<20000x128xf32, #tpu.memory_space<hbm>>) dst(%arg12 : memref<128x128xf32, #tpu.memory_space<vmem>>)
      %mul3A_339 = arith.constant 2 : i32
      %mul3A_340 = arith.muli %mul3A_339, %scan3A_297 : i32
      %add3A_341 = arith.constant 1 : i32
      %add3A_342 = arith.addi %mul3A_340, %add3A_341 : i32
      "tpu.region"() ({
        %run_scoped3A_344 = tpu.sem_alloc : memref<!tpu.dma_semaphore, #tpu.memory_space<semaphore_mem>>
        %dma_start3A_345 = arith.constant 0 : i32
        %dma_start3A_346 = tpu.memref_slice %arg8[%add3A_342, %dma_start3A_345] : memref<32x128xi32, #tpu.memory_space<vmem>> -> memref<1x128xi32, #tpu.memory_space<vmem>>
        %dma_start3A_347 = tpu.memref_squeeze %dma_start3A_346 : memref<1x128xi32, #tpu.memory_space<vmem>> -> memref<128xi32, #tpu.memory_space<vmem>>
        %dma_start3A_348 = arith.constant 0 : i32
        %dma_start3A_349 = arith.constant 0 : i32
        %dma_start3A_350 = tpu.memref_slice %arg13[%dma_start3A_348, %dma_start3A_349] : memref<10008x128xf32, #tpu.memory_space<vmem_shared>> -> memref<10008x128xf32, #tpu.memory_space<vmem_shared>>
        tpu.enqueue_indirect_dma source(%arg12 : memref<128x128xf32, #tpu.memory_space<vmem>>) target(%dma_start3A_350 : memref<10008x128xf32, #tpu.memory_space<vmem_shared>>) offsets(%dma_start3A_347 : memref<128xi32, #tpu.memory_space<vmem>>) semaphore(%run_scoped3A_344 : memref<!tpu.dma_semaphore, #tpu.memory_space<semaphore_mem>>) {add = true}
        %dma_wait3A_351 = arith.constant 0 : i32
        %dma_wait3A_352 = tpu.memref_slice %arg8[%add3A_342, %dma_wait3A_351] : memref<32x128xi32, #tpu.memory_space<vmem>> -> memref<1x128xi32, #tpu.memory_space<vmem>>
        %dma_wait3A_353 = tpu.memref_squeeze %dma_wait3A_352 : memref<1x128xi32, #tpu.memory_space<vmem>> -> memref<128xi32, #tpu.memory_space<vmem>>
        %dma_wait3A_354 = arith.constant 0 : i32
        %dma_wait3A_355 = arith.constant 0 : i32
        %dma_wait3A_356 = tpu.memref_slice %arg13[%dma_wait3A_354, %dma_wait3A_355] : memref<10008x128xf32, #tpu.memory_space<vmem_shared>> -> memref<10008x128xf32, #tpu.memory_space<vmem_shared>>
        tpu.wait_indirect_dma semaphore(%run_scoped3A_344 : memref<!tpu.dma_semaphore, #tpu.memory_space<semaphore_mem>>) src(%arg12 : memref<128x128xf32, #tpu.memory_space<vmem>>) dst(%dma_wait3A_356 : memref<10008x128xf32, #tpu.memory_space<vmem_shared>>)
        tpu.yield
      }) : () -> ()
      %scan3A_343 = arith.constant 0 : i32
      scf.yield %scan3A_343 : i32
    }
    %scan3A_262 = arith.constant 15 : i32
    %dma_start3A_263 = arith.constant 31 : i32
    %dma_start3A_264 = arith.constant 0 : i32
    %dma_start3A_265 = tpu.memref_slice %arg7[%dma_start3A_263, %dma_start3A_264] : memref<32x128xi32, #tpu.memory_space<vmem>> -> memref<1x128xi32, #tpu.memory_space<vmem>>
    %dma_start3A_266 = tpu.memref_squeeze %dma_start3A_265 : memref<1x128xi32, #tpu.memory_space<vmem>> -> memref<128xi32, #tpu.memory_space<vmem>>
    %dma_start3A_267 = arith.constant 0 : i32
    %dma_start3A_268 = arith.constant 0 : i32
    %dma_start3A_269 = tpu.memref_slice %arg2[%dma_start3A_267, %dma_start3A_268] : memref<20000x128xf32, #tpu.memory_space<hbm>> -> memref<20000x128xf32, #tpu.memory_space<hbm>>
    tpu.enqueue_indirect_dma source(%dma_start3A_269 : memref<20000x128xf32, #tpu.memory_space<hbm>>) target(%arg12 : memref<128x128xf32, #tpu.memory_space<vmem>>) offsets(%dma_start3A_266 : memref<128xi32, #tpu.memory_space<vmem>>) semaphore(%arg15 : memref<!tpu.dma_semaphore, #tpu.memory_space<semaphore_mem>>)
    %dma_wait3A_270 = arith.constant 30 : i32
    %dma_wait3A_271 = arith.constant 0 : i32
    %dma_wait3A_272 = tpu.memref_slice %arg7[%dma_wait3A_270, %dma_wait3A_271] : memref<32x128xi32, #tpu.memory_space<vmem>> -> memref<1x128xi32, #tpu.memory_space<vmem>>
    %dma_wait3A_273 = tpu.memref_squeeze %dma_wait3A_272 : memref<1x128xi32, #tpu.memory_space<vmem>> -> memref<128xi32, #tpu.memory_space<vmem>>
    %dma_wait3A_274 = arith.constant 0 : i32
    %dma_wait3A_275 = arith.constant 0 : i32
    %dma_wait3A_276 = tpu.memref_slice %arg2[%dma_wait3A_274, %dma_wait3A_275] : memref<20000x128xf32, #tpu.memory_space<hbm>> -> memref<20000x128xf32, #tpu.memory_space<hbm>>
    tpu.wait_indirect_dma semaphore(%arg14 : memref<!tpu.dma_semaphore, #tpu.memory_space<semaphore_mem>>) src(%dma_wait3A_276 : memref<20000x128xf32, #tpu.memory_space<hbm>>) dst(%arg11 : memref<128x128xf32, #tpu.memory_space<vmem>>)
    %run_scoped3A_277 = arith.constant 30 : i32
    "tpu.region"() ({
      %run_scoped3A_297 = tpu.sem_alloc : memref<!tpu.dma_semaphore, #tpu.memory_space<semaphore_mem>>
      %dma_start3A_298 = arith.constant 0 : i32
      %dma_start3A_299 = tpu.memref_slice %arg8[%run_scoped3A_277, %dma_start3A_298] : memref<32x128xi32, #tpu.memory_space<vmem>> -> memref<1x128xi32, #tpu.memory_space<vmem>>
      %dma_start3A_300 = tpu.memref_squeeze %dma_start3A_299 : memref<1x128xi32, #tpu.memory_space<vmem>> -> memref<128xi32, #tpu.memory_space<vmem>>
      %dma_start3A_301 = arith.constant 0 : i32
      %dma_start3A_302 = arith.constant 0 : i32
      %dma_start3A_303 = tpu.memref_slice %arg13[%dma_start3A_301, %dma_start3A_302] : memref<10008x128xf32, #tpu.memory_space<vmem_shared>> -> memref<10008x128xf32, #tpu.memory_space<vmem_shared>>
      tpu.enqueue_indirect_dma source(%arg11 : memref<128x128xf32, #tpu.memory_space<vmem>>) target(%dma_start3A_303 : memref<10008x128xf32, #tpu.memory_space<vmem_shared>>) offsets(%dma_start3A_300 : memref<128xi32, #tpu.memory_space<vmem>>) semaphore(%run_scoped3A_297 : memref<!tpu.dma_semaphore, #tpu.memory_space<semaphore_mem>>) {add = true}
      %dma_wait3A_304 = arith.constant 0 : i32
      %dma_wait3A_305 = tpu.memref_slice %arg8[%run_scoped3A_277, %dma_wait3A_304] : memref<32x128xi32, #tpu.memory_space<vmem>> -> memref<1x128xi32, #tpu.memory_space<vmem>>
      %dma_wait3A_306 = tpu.memref_squeeze %dma_wait3A_305 : memref<1x128xi32, #tpu.memory_space<vmem>> -> memref<128xi32, #tpu.memory_space<vmem>>
      %dma_wait3A_307 = arith.constant 0 : i32
      %dma_wait3A_308 = arith.constant 0 : i32
      %dma_wait3A_309 = tpu.memref_slice %arg13[%dma_wait3A_307, %dma_wait3A_308] : memref<10008x128xf32, #tpu.memory_space<vmem_shared>> -> memref<10008x128xf32, #tpu.memory_space<vmem_shared>>
      tpu.wait_indirect_dma semaphore(%run_scoped3A_297 : memref<!tpu.dma_semaphore, #tpu.memory_space<semaphore_mem>>) src(%arg11 : memref<128x128xf32, #tpu.memory_space<vmem>>) dst(%dma_wait3A_309 : memref<10008x128xf32, #tpu.memory_space<vmem_shared>>)
      tpu.yield
    }) : () -> ()
    %dma_wait3A_278 = arith.constant 31 : i32
    %dma_wait3A_279 = arith.constant 0 : i32
    %dma_wait3A_280 = tpu.memref_slice %arg7[%dma_wait3A_278, %dma_wait3A_279] : memref<32x128xi32, #tpu.memory_space<vmem>> -> memref<1x128xi32, #tpu.memory_space<vmem>>
    %dma_wait3A_281 = tpu.memref_squeeze %dma_wait3A_280 : memref<1x128xi32, #tpu.memory_space<vmem>> -> memref<128xi32, #tpu.memory_space<vmem>>
    %dma_wait3A_282 = arith.constant 0 : i32
    %dma_wait3A_283 = arith.constant 0 : i32
    %dma_wait3A_284 = tpu.memref_slice %arg2[%dma_wait3A_282, %dma_wait3A_283] : memref<20000x128xf32, #tpu.memory_space<hbm>> -> memref<20000x128xf32, #tpu.memory_space<hbm>>
    tpu.wait_indirect_dma semaphore(%arg15 : memref<!tpu.dma_semaphore, #tpu.memory_space<semaphore_mem>>) src(%dma_wait3A_284 : memref<20000x128xf32, #tpu.memory_space<hbm>>) dst(%arg12 : memref<128x128xf32, #tpu.memory_space<vmem>>)
    %run_scoped3A_285 = arith.constant 31 : i32
    "tpu.region"() ({
      %run_scoped3A_297 = tpu.sem_alloc : memref<!tpu.dma_semaphore, #tpu.memory_space<semaphore_mem>>
      %dma_start3A_298 = arith.constant 0 : i32
      %dma_start3A_299 = tpu.memref_slice %arg8[%run_scoped3A_285, %dma_start3A_298] : memref<32x128xi32, #tpu.memory_space<vmem>> -> memref<1x128xi32, #tpu.memory_space<vmem>>
      %dma_start3A_300 = tpu.memref_squeeze %dma_start3A_299 : memref<1x128xi32, #tpu.memory_space<vmem>> -> memref<128xi32, #tpu.memory_space<vmem>>
      %dma_start3A_301 = arith.constant 0 : i32
      %dma_start3A_302 = arith.constant 0 : i32
      %dma_start3A_303 = tpu.memref_slice %arg13[%dma_start3A_301, %dma_start3A_302] : memref<10008x128xf32, #tpu.memory_space<vmem_shared>> -> memref<10008x128xf32, #tpu.memory_space<vmem_shared>>
      tpu.enqueue_indirect_dma source(%arg12 : memref<128x128xf32, #tpu.memory_space<vmem>>) target(%dma_start3A_303 : memref<10008x128xf32, #tpu.memory_space<vmem_shared>>) offsets(%dma_start3A_300 : memref<128xi32, #tpu.memory_space<vmem>>) semaphore(%run_scoped3A_297 : memref<!tpu.dma_semaphore, #tpu.memory_space<semaphore_mem>>) {add = true}
      %dma_wait3A_304 = arith.constant 0 : i32
      %dma_wait3A_305 = tpu.memref_slice %arg8[%run_scoped3A_285, %dma_wait3A_304] : memref<32x128xi32, #tpu.memory_space<vmem>> -> memref<1x128xi32, #tpu.memory_space<vmem>>
      %dma_wait3A_306 = tpu.memref_squeeze %dma_wait3A_305 : memref<1x128xi32, #tpu.memory_space<vmem>> -> memref<128xi32, #tpu.memory_space<vmem>>
      %dma_wait3A_307 = arith.constant 0 : i32
      %dma_wait3A_308 = arith.constant 0 : i32
      %dma_wait3A_309 = tpu.memref_slice %arg13[%dma_wait3A_307, %dma_wait3A_308] : memref<10008x128xf32, #tpu.memory_space<vmem_shared>> -> memref<10008x128xf32, #tpu.memory_space<vmem_shared>>
      tpu.wait_indirect_dma semaphore(%run_scoped3A_297 : memref<!tpu.dma_semaphore, #tpu.memory_space<semaphore_mem>>) src(%arg12 : memref<128x128xf32, #tpu.memory_space<vmem>>) dst(%dma_wait3A_309 : memref<10008x128xf32, #tpu.memory_space<vmem_shared>>)
      tpu.yield
    }) : () -> ()
    %barrier3A_286 = arith.constant 0 : index
    tpu.barrier barrier_id(%barrier3A_286)
    %lt3A_287 = arith.constant 15 : i32
    %lt3A_288 = arith.cmpi slt, %arg1, %lt3A_287 : i32
    %convert_element_type3A_289 = arith.extui %lt3A_288 : i1 to i32
    %cond3A_290 = arith.constant 0 : i32
    %cond3A_291 = arith.cmpi ne, %convert_element_type3A_289, %cond3A_290 : i32
    scf.if %cond3A_291 {
      %mul3A_297 = arith.constant 10000 : i32
      %mul3A_298 = arith.muli %arg0, %mul3A_297 : i32
      %add3A_299 = arith.addi %mul3A_298, %mul3A_0 : i32
      "tpu.region"() ({
        %run_scoped3A_300 = tpu.sem_alloc : memref<!tpu.dma_semaphore, #tpu.memory_space<semaphore_mem>>
        %dma_start3A_301 = arith.constant 0 : i32
        %dma_start3A_302 = tpu.memref_slice %arg6[%add3A_299, %dma_start3A_301] : memref<20000x128xf32, #tpu.memory_space<hbm>> -> memref<624x128xf32, #tpu.memory_space<hbm>>
        %dma_start3A_303 = arith.constant 0 : i32
        %dma_start3A_304 = tpu.memref_slice %arg13[%mul3A_0, %dma_start3A_303] : memref<10008x128xf32, #tpu.memory_space<vmem_shared>> -> memref<624x128xf32, #tpu.memory_space<vmem_shared>>
        tpu.enqueue_dma source(%dma_start3A_304 : memref<624x128xf32, #tpu.memory_space<vmem_shared>>) target(%dma_start3A_302 : memref<624x128xf32, #tpu.memory_space<hbm>>) target_semaphore(%run_scoped3A_300 : memref<!tpu.dma_semaphore, #tpu.memory_space<semaphore_mem>>)
        %dma_wait3A_305 = arith.constant 0 : i32
        %dma_wait3A_306 = tpu.memref_slice %arg6[%add3A_299, %dma_wait3A_305] : memref<20000x128xf32, #tpu.memory_space<hbm>> -> memref<624x128xf32, #tpu.memory_space<hbm>>
        %dma_wait3A_307 = arith.constant 0 : i32
        %dma_wait3A_308 = tpu.memref_slice %arg13[%mul3A_0, %dma_wait3A_307] : memref<10008x128xf32, #tpu.memory_space<vmem_shared>> -> memref<624x128xf32, #tpu.memory_space<vmem_shared>>
        tpu.wait_dma2 semaphore(%run_scoped3A_300 : memref<!tpu.dma_semaphore, #tpu.memory_space<semaphore_mem>>) src(%dma_wait3A_308 : memref<624x128xf32, #tpu.memory_space<vmem_shared>>) dst(%dma_wait3A_306 : memref<624x128xf32, #tpu.memory_space<hbm>>)
        tpu.yield
      }) : () -> ()
    } else {
    }
    %eq3A_292 = arith.constant 15 : i32
    %eq3A_293 = arith.cmpi eq, %arg1, %eq3A_292 : i32
    %convert_element_type3A_294 = arith.extui %eq3A_293 : i1 to i32
    %cond3A_295 = arith.constant 0 : i32
    %cond3A_296 = arith.cmpi ne, %convert_element_type3A_294, %cond3A_295 : i32
    scf.if %cond3A_296 {
      %mul3A_297 = arith.constant 10000 : i32
      %mul3A_298 = arith.muli %arg0, %mul3A_297 : i32
      %add3A_299 = arith.constant 9360 : i32
      %add3A_300 = arith.addi %mul3A_298, %add3A_299 : i32
      "tpu.region"() ({
        %run_scoped3A_301 = tpu.sem_alloc : memref<!tpu.dma_semaphore, #tpu.memory_space<semaphore_mem>>
        %dma_start3A_302 = arith.constant 0 : i32
        %dma_start3A_303 = tpu.memref_slice %arg6[%add3A_300, %dma_start3A_302] : memref<20000x128xf32, #tpu.memory_space<hbm>> -> memref<640x128xf32, #tpu.memory_space<hbm>>
        %dma_start3A_304 = arith.constant 9360 : i32
        %dma_start3A_305 = arith.constant 0 : i32
        %dma_start3A_306 = tpu.memref_slice %arg13[%dma_start3A_304, %dma_start3A_305] : memref<10008x128xf32, #tpu.memory_space<vmem_shared>> -> memref<640x128xf32, #tpu.memory_space<vmem_shared>>
        tpu.enqueue_dma source(%dma_start3A_306 : memref<640x128xf32, #tpu.memory_space<vmem_shared>>) target(%dma_start3A_303 : memref<640x128xf32, #tpu.memory_space<hbm>>) target_semaphore(%run_scoped3A_301 : memref<!tpu.dma_semaphore, #tpu.memory_space<semaphore_mem>>)
        %dma_wait3A_307 = arith.constant 0 : i32
        %dma_wait3A_308 = tpu.memref_slice %arg6[%add3A_300, %dma_wait3A_307] : memref<20000x128xf32, #tpu.memory_space<hbm>> -> memref<640x128xf32, #tpu.memory_space<hbm>>
        %dma_wait3A_309 = arith.constant 9360 : i32
        %dma_wait3A_310 = arith.constant 0 : i32
        %dma_wait3A_311 = tpu.memref_slice %arg13[%dma_wait3A_309, %dma_wait3A_310] : memref<10008x128xf32, #tpu.memory_space<vmem_shared>> -> memref<640x128xf32, #tpu.memory_space<vmem_shared>>
        tpu.wait_dma2 semaphore(%run_scoped3A_301 : memref<!tpu.dma_semaphore, #tpu.memory_space<semaphore_mem>>) src(%dma_wait3A_311 : memref<640x128xf32, #tpu.memory_space<vmem_shared>>) dst(%dma_wait3A_308 : memref<640x128xf32, #tpu.memory_space<hbm>>)
        tpu.yield
      }) : () -> ()
    } else {
    }
    return
  }
}

#map = affine_map<(d0, d1) -> (0, 0)>
module attributes {stable_mosaic.version = 14 : i64} {
  func.func @_scatter_body(%arg0: i32, %arg1: i32, %arg2: memref<20000x128xf32, #tpu.memory_space<hbm>>, %arg3: memref<10000x128xf32, #tpu.memory_space<hbm>>, %arg4: memref<5120x128xi32, #tpu.memory_space<hbm>>, %arg5: memref<2560x128xi32, #tpu.memory_space<hbm>>, %arg6: memref<20000x128xf32, #tpu.memory_space<hbm>>, %arg7: memref<32x128xi32, #tpu.memory_space<vmem>>, %arg8: memref<32x128xi32, #tpu.memory_space<vmem>>, %arg9: memref<32x128xi32, #tpu.memory_space<vmem>>, %arg10: memref<32x128xi32, #tpu.memory_space<vmem>>, %arg11: memref<128x128xf32, #tpu.memory_space<vmem>>, %arg12: memref<128x128xf32, #tpu.memory_space<vmem>>, %arg13: memref<10008x128xf32, #tpu.memory_space<vmem_shared>>, %arg14: memref<!tpu.dma_semaphore, #tpu.memory_space<semaphore_mem>>, %arg15: memref<!tpu.dma_semaphore, #tpu.memory_space<semaphore_mem>>, %arg16: memref<!tpu.dma_semaphore, #tpu.memory_space<semaphore_mem>>) attributes {dimension_semantics = [#tpu.dimension_semantics<core_parallel>, #tpu.dimension_semantics<subcore_parallel>], iteration_bounds = array<i64: 2, 16>, scalar_prefetch = 0 : i64, scratch_operands = 10 : i64, tpu.core_type = #tpu.core_type<sc_vector_subcore>, window_params = [{transform_indices = #map}, {transform_indices = #map}, {transform_indices = #map}, {transform_indices = #map}, {transform_indices = #map}]} {
    %mul3A = arith.constant 624 : i32
    %mul3A_0 = arith.muli %arg1, %mul3A : i32
    %lt3A = arith.constant 15 : i32
    %lt3A_1 = arith.cmpi slt, %arg1, %lt3A : i32
    %convert_element_type3A = arith.extui %lt3A_1 : i1 to i32
    %cond3A = arith.constant 0 : i32
    %cond3A_2 = arith.cmpi ne, %convert_element_type3A, %cond3A : i32
    scf.if %cond3A_2 {
      %eq3A_297 = arith.constant 0 : i32
      %eq3A_298 = arith.cmpi eq, %arg0, %eq3A_297 : i32
      %convert_element_type3A_299 = arith.extui %eq3A_298 : i1 to i32
      %cond3A_300 = arith.constant 0 : i32
      %cond3A_301 = arith.cmpi ne, %convert_element_type3A_299, %cond3A_300 : i32
      scf.if %cond3A_301 {
        "tpu.region"() ({
          %run_scoped3A_307 = tpu.sem_alloc : memref<!tpu.dma_semaphore, #tpu.memory_space<semaphore_mem>>
          %dma_start3A_308 = arith.constant 0 : i32
          %dma_start3A_309 = tpu.memref_slice %arg13[%mul3A_0, %dma_start3A_308] : memref<10008x128xf32, #tpu.memory_space<vmem_shared>> -> memref<624x128xf32, #tpu.memory_space<vmem_shared>>
          %dma_start3A_310 = arith.constant 0 : i32
          %dma_start3A_311 = tpu.memref_slice %arg3[%mul3A_0, %dma_start3A_310] : memref<10000x128xf32, #tpu.memory_space<hbm>> -> memref<624x128xf32, #tpu.memory_space<hbm>>
          tpu.enqueue_dma source(%dma_start3A_311 : memref<624x128xf32, #tpu.memory_space<hbm>>) target(%dma_start3A_309 : memref<624x128xf32, #tpu.memory_space<vmem_shared>>) target_semaphore(%run_scoped3A_307 : memref<!tpu.dma_semaphore, #tpu.memory_space<semaphore_mem>>)
          %dma_wait3A_312 = arith.constant 0 : i32
          %dma_wait3A_313 = tpu.memref_slice %arg13[%mul3A_0, %dma_wait3A_312] : memref<10008x128xf32, #tpu.memory_space<vmem_shared>> -> memref<624x128xf32, #tpu.memory_space<vmem_shared>>
          %dma_wait3A_314 = arith.constant 0 : i32
          %dma_wait3A_315 = tpu.memref_slice %arg3[%mul3A_0, %dma_wait3A_314] : memref<10000x128xf32, #tpu.memory_space<hbm>> -> memref<624x128xf32, #tpu.memory_space<hbm>>
          tpu.wait_dma2 semaphore(%run_scoped3A_307 : memref<!tpu.dma_semaphore, #tpu.memory_space<semaphore_mem>>) src(%dma_wait3A_315 : memref<624x128xf32, #tpu.memory_space<hbm>>) dst(%dma_wait3A_313 : memref<624x128xf32, #tpu.memory_space<vmem_shared>>)
          tpu.yield
        }) : () -> ()
      } else {
      }
      %eq3A_302 = arith.constant 1 : i32
      %eq3A_303 = arith.cmpi eq, %arg0, %eq3A_302 : i32
      %convert_element_type3A_304 = arith.extui %eq3A_303 : i1 to i32
      %cond3A_305 = arith.constant 0 : i32
      %cond3A_306 = arith.cmpi ne, %convert_element_type3A_304, %cond3A_305 : i32
      scf.if %cond3A_306 {
        %add3A_307 = arith.constant 10000 : i32
        %add3A_308 = arith.addi %add3A_307, %mul3A_0 : i32
        "tpu.region"() ({
          %run_scoped3A_309 = tpu.sem_alloc : memref<!tpu.dma_semaphore, #tpu.memory_space<semaphore_mem>>
          %dma_start3A_310 = arith.constant 0 : i32
          %dma_start3A_311 = tpu.memref_slice %arg13[%mul3A_0, %dma_start3A_310] : memref<10008x128xf32, #tpu.memory_space<vmem_shared>> -> memref<624x128xf32, #tpu.memory_space<vmem_shared>>
          %dma_start3A_312 = arith.constant 0 : i32
          %dma_start3A_313 = tpu.memref_slice %arg2[%add3A_308, %dma_start3A_312] : memref<20000x128xf32, #tpu.memory_space<hbm>> -> memref<624x128xf32, #tpu.memory_space<hbm>>
          tpu.enqueue_dma source(%dma_start3A_313 : memref<624x128xf32, #tpu.memory_space<hbm>>) target(%dma_start3A_311 : memref<624x128xf32, #tpu.memory_space<vmem_shared>>) target_semaphore(%run_scoped3A_309 : memref<!tpu.dma_semaphore, #tpu.memory_space<semaphore_mem>>)
          %dma_wait3A_314 = arith.constant 0 : i32
          %dma_wait3A_315 = tpu.memref_slice %arg13[%mul3A_0, %dma_wait3A_314] : memref<10008x128xf32, #tpu.memory_space<vmem_shared>> -> memref<624x128xf32, #tpu.memory_space<vmem_shared>>
          %dma_wait3A_316 = arith.constant 0 : i32
          %dma_wait3A_317 = tpu.memref_slice %arg2[%add3A_308, %dma_wait3A_316] : memref<20000x128xf32, #tpu.memory_space<hbm>> -> memref<624x128xf32, #tpu.memory_space<hbm>>
          tpu.wait_dma2 semaphore(%run_scoped3A_309 : memref<!tpu.dma_semaphore, #tpu.memory_space<semaphore_mem>>) src(%dma_wait3A_317 : memref<624x128xf32, #tpu.memory_space<hbm>>) dst(%dma_wait3A_315 : memref<624x128xf32, #tpu.memory_space<vmem_shared>>)
          tpu.yield
        }) : () -> ()
      } else {
      }
    } else {
    }
    %eq3A = arith.constant 15 : i32
    %eq3A_3 = arith.cmpi eq, %arg1, %eq3A : i32
    %convert_element_type3A_4 = arith.extui %eq3A_3 : i1 to i32
    %cond3A_5 = arith.constant 0 : i32
    %cond3A_6 = arith.cmpi ne, %convert_element_type3A_4, %cond3A_5 : i32
    scf.if %cond3A_6 {
      %eq3A_297 = arith.constant 0 : i32
      %eq3A_298 = arith.cmpi eq, %arg0, %eq3A_297 : i32
      %convert_element_type3A_299 = arith.extui %eq3A_298 : i1 to i32
      %cond3A_300 = arith.constant 0 : i32
      %cond3A_301 = arith.cmpi ne, %convert_element_type3A_299, %cond3A_300 : i32
      scf.if %cond3A_301 {
        "tpu.region"() ({
          %run_scoped3A_307 = tpu.sem_alloc : memref<!tpu.dma_semaphore, #tpu.memory_space<semaphore_mem>>
          %dma_start3A_308 = arith.constant 9360 : i32
          %dma_start3A_309 = arith.constant 0 : i32
          %dma_start3A_310 = tpu.memref_slice %arg13[%dma_start3A_308, %dma_start3A_309] : memref<10008x128xf32, #tpu.memory_space<vmem_shared>> -> memref<640x128xf32, #tpu.memory_space<vmem_shared>>
          %dma_start3A_311 = arith.constant 9360 : i32
          %dma_start3A_312 = arith.constant 0 : i32
          %dma_start3A_313 = tpu.memref_slice %arg3[%dma_start3A_311, %dma_start3A_312] : memref<10000x128xf32, #tpu.memory_space<hbm>> -> memref<640x128xf32, #tpu.memory_space<hbm>>
          tpu.enqueue_dma source(%dma_start3A_313 : memref<640x128xf32, #tpu.memory_space<hbm>>) target(%dma_start3A_310 : memref<640x128xf32, #tpu.memory_space<vmem_shared>>) target_semaphore(%run_scoped3A_307 : memref<!tpu.dma_semaphore, #tpu.memory_space<semaphore_mem>>)
          %dma_wait3A_314 = arith.constant 9360 : i32
          %dma_wait3A_315 = arith.constant 0 : i32
          %dma_wait3A_316 = tpu.memref_slice %arg13[%dma_wait3A_314, %dma_wait3A_315] : memref<10008x128xf32, #tpu.memory_space<vmem_shared>> -> memref<640x128xf32, #tpu.memory_space<vmem_shared>>
          %dma_wait3A_317 = arith.constant 9360 : i32
          %dma_wait3A_318 = arith.constant 0 : i32
          %dma_wait3A_319 = tpu.memref_slice %arg3[%dma_wait3A_317, %dma_wait3A_318] : memref<10000x128xf32, #tpu.memory_space<hbm>> -> memref<640x128xf32, #tpu.memory_space<hbm>>
          tpu.wait_dma2 semaphore(%run_scoped3A_307 : memref<!tpu.dma_semaphore, #tpu.memory_space<semaphore_mem>>) src(%dma_wait3A_319 : memref<640x128xf32, #tpu.memory_space<hbm>>) dst(%dma_wait3A_316 : memref<640x128xf32, #tpu.memory_space<vmem_shared>>)
          tpu.yield
        }) : () -> ()
      } else {
      }
      %eq3A_302 = arith.constant 1 : i32
      %eq3A_303 = arith.cmpi eq, %arg0, %eq3A_302 : i32
      %convert_element_type3A_304 = arith.extui %eq3A_303 : i1 to i32
      %cond3A_305 = arith.constant 0 : i32
      %cond3A_306 = arith.cmpi ne, %convert_element_type3A_304, %cond3A_305 : i32
      scf.if %cond3A_306 {
        "tpu.region"() ({
          %run_scoped3A_307 = tpu.sem_alloc : memref<!tpu.dma_semaphore, #tpu.memory_space<semaphore_mem>>
          %dma_start3A_308 = arith.constant 9360 : i32
          %dma_start3A_309 = arith.constant 0 : i32
          %dma_start3A_310 = tpu.memref_slice %arg13[%dma_start3A_308, %dma_start3A_309] : memref<10008x128xf32, #tpu.memory_space<vmem_shared>> -> memref<640x128xf32, #tpu.memory_space<vmem_shared>>
          %dma_start3A_311 = arith.constant 19360 : i32
          %dma_start3A_312 = arith.constant 0 : i32
          %dma_start3A_313 = tpu.memref_slice %arg2[%dma_start3A_311, %dma_start3A_312] : memref<20000x128xf32, #tpu.memory_space<hbm>> -> memref<640x128xf32, #tpu.memory_space<hbm>>
          tpu.enqueue_dma source(%dma_start3A_313 : memref<640x128xf32, #tpu.memory_space<hbm>>) target(%dma_start3A_310 : memref<640x128xf32, #tpu.memory_space<vmem_shared>>) target_semaphore(%run_scoped3A_307 : memref<!tpu.dma_semaphore, #tpu.memory_space<semaphore_mem>>)
          %dma_wait3A_314 = arith.constant 9360 : i32
          %dma_wait3A_315 = arith.constant 0 : i32
          %dma_wait3A_316 = tpu.memref_slice %arg13[%dma_wait3A_314, %dma_wait3A_315] : memref<10008x128xf32, #tpu.memory_space<vmem_shared>> -> memref<640x128xf32, #tpu.memory_space<vmem_shared>>
          %dma_wait3A_317 = arith.constant 19360 : i32
          %dma_wait3A_318 = arith.constant 0 : i32
          %dma_wait3A_319 = tpu.memref_slice %arg2[%dma_wait3A_317, %dma_wait3A_318] : memref<20000x128xf32, #tpu.memory_space<hbm>> -> memref<640x128xf32, #tpu.memory_space<hbm>>
          tpu.wait_dma2 semaphore(%run_scoped3A_307 : memref<!tpu.dma_semaphore, #tpu.memory_space<semaphore_mem>>) src(%dma_wait3A_319 : memref<640x128xf32, #tpu.memory_space<hbm>>) dst(%dma_wait3A_316 : memref<640x128xf32, #tpu.memory_space<vmem_shared>>)
          tpu.yield
        }) : () -> ()
      } else {
      }
    } else {
    }
    %barrier3A = arith.constant 0 : index
    tpu.barrier barrier_id(%barrier3A)
    %mul3A_7 = arith.constant 160 : i32
    %mul3A_8 = arith.muli %arg1, %mul3A_7 : i32
    %add3A = arith.constant 0 : i32
    %add3A_9 = arith.addi %mul3A_8, %add3A : i32
    %mul3A_10 = arith.constant 2560 : i32
    %mul3A_11 = arith.muli %arg0, %mul3A_10 : i32
    %add3A_12 = arith.addi %mul3A_11, %add3A_9 : i32
    "tpu.region"() ({
      %run_scoped3A_297 = tpu.sem_alloc : memref<!tpu.dma_semaphore, #tpu.memory_space<semaphore_mem>>
      %dma_start3A_298 = arith.constant 0 : i32
      %dma_start3A_299 = tpu.memref_slice %arg4[%add3A_12, %dma_start3A_298] : memref<5120x128xi32, #tpu.memory_space<hbm>> -> memref<32x128xi32, #tpu.memory_space<hbm>>
      %dma_start3A_300 = arith.constant 0 : i32
      %dma_start3A_301 = tpu.memref_slice %arg4[%add3A_12, %dma_start3A_300] : memref<5120x128xi32, #tpu.memory_space<hbm>> -> memref<32x128xi32, #tpu.memory_space<hbm>>
      tpu.enqueue_dma source(%dma_start3A_301 : memref<32x128xi32, #tpu.memory_space<hbm>>) target(%arg7 : memref<32x128xi32, #tpu.memory_space<vmem>>) target_semaphore(%run_scoped3A_297 : memref<!tpu.dma_semaphore, #tpu.memory_space<semaphore_mem>>)
      %dma_wait3A_302 = arith.constant 0 : i32
      %dma_wait3A_303 = tpu.memref_slice %arg4[%add3A_12, %dma_wait3A_302] : memref<5120x128xi32, #tpu.memory_space<hbm>> -> memref<32x128xi32, #tpu.memory_space<hbm>>
      %dma_wait3A_304 = arith.constant 0 : i32
      %dma_wait3A_305 = tpu.memref_slice %arg4[%add3A_12, %dma_wait3A_304] : memref<5120x128xi32, #tpu.memory_space<hbm>> -> memref<32x128xi32, #tpu.memory_space<hbm>>
      tpu.wait_dma2 semaphore(%run_scoped3A_297 : memref<!tpu.dma_semaphore, #tpu.memory_space<semaphore_mem>>) src(%dma_wait3A_305 : memref<32x128xi32, #tpu.memory_space<hbm>>) dst(%arg7 : memref<32x128xi32, #tpu.memory_space<vmem>>)
      tpu.yield
    }) : () -> ()
    "tpu.region"() ({
      %run_scoped3A_297 = tpu.sem_alloc : memref<!tpu.dma_semaphore, #tpu.memory_space<semaphore_mem>>
      %dma_start3A_298 = arith.constant 0 : i32
      %dma_start3A_299 = tpu.memref_slice %arg5[%add3A_9, %dma_start3A_298] : memref<2560x128xi32, #tpu.memory_space<hbm>> -> memref<32x128xi32, #tpu.memory_space<hbm>>
      %dma_start3A_300 = arith.constant 0 : i32
      %dma_start3A_301 = tpu.memref_slice %arg5[%add3A_9, %dma_start3A_300] : memref<2560x128xi32, #tpu.memory_space<hbm>> -> memref<32x128xi32, #tpu.memory_space<hbm>>
      tpu.enqueue_dma source(%dma_start3A_301 : memref<32x128xi32, #tpu.memory_space<hbm>>) target(%arg8 : memref<32x128xi32, #tpu.memory_space<vmem>>) target_semaphore(%run_scoped3A_297 : memref<!tpu.dma_semaphore, #tpu.memory_space<semaphore_mem>>)
      %dma_wait3A_302 = arith.constant 0 : i32
      %dma_wait3A_303 = tpu.memref_slice %arg5[%add3A_9, %dma_wait3A_302] : memref<2560x128xi32, #tpu.memory_space<hbm>> -> memref<32x128xi32, #tpu.memory_space<hbm>>
      %dma_wait3A_304 = arith.constant 0 : i32
      %dma_wait3A_305 = tpu.memref_slice %arg5[%add3A_9, %dma_wait3A_304] : memref<2560x128xi32, #tpu.memory_space<hbm>> -> memref<32x128xi32, #tpu.memory_space<hbm>>
      tpu.wait_dma2 semaphore(%run_scoped3A_297 : memref<!tpu.dma_semaphore, #tpu.memory_space<semaphore_mem>>) src(%dma_wait3A_305 : memref<32x128xi32, #tpu.memory_space<hbm>>) dst(%arg8 : memref<32x128xi32, #tpu.memory_space<vmem>>)
      tpu.yield
    }) : () -> ()
    %mul3A_13 = arith.constant 160 : i32
    %mul3A_14 = arith.muli %arg1, %mul3A_13 : i32
    %add3A_15 = arith.constant 32 : i32
    %add3A_16 = arith.addi %mul3A_14, %add3A_15 : i32
    %mul3A_17 = arith.constant 2560 : i32
    %mul3A_18 = arith.muli %arg0, %mul3A_17 : i32
    %add3A_19 = arith.addi %mul3A_18, %add3A_16 : i32
    %dma_start3A = arith.constant 0 : i32
    %dma_start3A_20 = tpu.memref_slice %arg4[%add3A_19, %dma_start3A] : memref<5120x128xi32, #tpu.memory_space<hbm>> -> memref<32x128xi32, #tpu.memory_space<hbm>>
    %dma_start3A_21 = arith.constant 0 : i32
    %dma_start3A_22 = tpu.memref_slice %arg4[%add3A_19, %dma_start3A_21] : memref<5120x128xi32, #tpu.memory_space<hbm>> -> memref<32x128xi32, #tpu.memory_space<hbm>>
    tpu.enqueue_dma source(%dma_start3A_22 : memref<32x128xi32, #tpu.memory_space<hbm>>) target(%arg9 : memref<32x128xi32, #tpu.memory_space<vmem>>) target_semaphore(%arg16 : memref<!tpu.dma_semaphore, #tpu.memory_space<semaphore_mem>>)
    %dma_start3A_23 = arith.constant 0 : i32
    %dma_start3A_24 = tpu.memref_slice %arg5[%add3A_16, %dma_start3A_23] : memref<2560x128xi32, #tpu.memory_space<hbm>> -> memref<32x128xi32, #tpu.memory_space<hbm>>
    %dma_start3A_25 = arith.constant 0 : i32
    %dma_start3A_26 = tpu.memref_slice %arg5[%add3A_16, %dma_start3A_25] : memref<2560x128xi32, #tpu.memory_space<hbm>> -> memref<32x128xi32, #tpu.memory_space<hbm>>
    tpu.enqueue_dma source(%dma_start3A_26 : memref<32x128xi32, #tpu.memory_space<hbm>>) target(%arg10 : memref<32x128xi32, #tpu.memory_space<vmem>>) target_semaphore(%arg16 : memref<!tpu.dma_semaphore, #tpu.memory_space<semaphore_mem>>)
    %dma_start3A_27 = arith.constant 0 : i32
    %dma_start3A_28 = arith.constant 0 : i32
    %dma_start3A_29 = tpu.memref_slice %arg7[%dma_start3A_27, %dma_start3A_28] : memref<32x128xi32, #tpu.memory_space<vmem>> -> memref<1x128xi32, #tpu.memory_space<vmem>>
    %dma_start3A_30 = tpu.memref_squeeze %dma_start3A_29 : memref<1x128xi32, #tpu.memory_space<vmem>> -> memref<128xi32, #tpu.memory_space<vmem>>
    %dma_start3A_31 = arith.constant 0 : i32
    %dma_start3A_32 = arith.constant 0 : i32
    %dma_start3A_33 = tpu.memref_slice %arg2[%dma_start3A_31, %dma_start3A_32] : memref<20000x128xf32, #tpu.memory_space<hbm>> -> memref<20000x128xf32, #tpu.memory_space<hbm>>
    tpu.enqueue_indirect_dma source(%dma_start3A_33 : memref<20000x128xf32, #tpu.memory_space<hbm>>) target(%arg11 : memref<128x128xf32, #tpu.memory_space<vmem>>) offsets(%dma_start3A_30 : memref<128xi32, #tpu.memory_space<vmem>>) semaphore(%arg14 : memref<!tpu.dma_semaphore, #tpu.memory_space<semaphore_mem>>)
    %scan3A = arith.constant 0 : i32
    %scan3A_34 = arith.constant 0 : i32
    %scan3A_35 = arith.constant 15 : i32
    %scan3A_36 = arith.addi %scan3A_34, %scan3A_35 : i32
    %scan3A_37 = arith.constant 1 : i32
    %scan3A_38 = scf.for %scan3A_297 = %scan3A_34 to %scan3A_36 step %scan3A_37 iter_args(%scan3A_298 = %scan3A) -> (i32)  : i32 {
      %mul3A_299 = arith.constant 2 : i32
      %mul3A_300 = arith.muli %mul3A_299, %scan3A_297 : i32
      %add3A_301 = arith.constant 1 : i32
      %add3A_302 = arith.addi %mul3A_300, %add3A_301 : i32
      %dma_start3A_303 = arith.constant 0 : i32
      %dma_start3A_304 = tpu.memref_slice %arg7[%add3A_302, %dma_start3A_303] : memref<32x128xi32, #tpu.memory_space<vmem>> -> memref<1x128xi32, #tpu.memory_space<vmem>>
      %dma_start3A_305 = tpu.memref_squeeze %dma_start3A_304 : memref<1x128xi32, #tpu.memory_space<vmem>> -> memref<128xi32, #tpu.memory_space<vmem>>
      %dma_start3A_306 = arith.constant 0 : i32
      %dma_start3A_307 = arith.constant 0 : i32
      %dma_start3A_308 = tpu.memref_slice %arg2[%dma_start3A_306, %dma_start3A_307] : memref<20000x128xf32, #tpu.memory_space<hbm>> -> memref<20000x128xf32, #tpu.memory_space<hbm>>
      tpu.enqueue_indirect_dma source(%dma_start3A_308 : memref<20000x128xf32, #tpu.memory_space<hbm>>) target(%arg12 : memref<128x128xf32, #tpu.memory_space<vmem>>) offsets(%dma_start3A_305 : memref<128xi32, #tpu.memory_space<vmem>>) semaphore(%arg15 : memref<!tpu.dma_semaphore, #tpu.memory_space<semaphore_mem>>)
      %mul3A_309 = arith.constant 2 : i32
      %mul3A_310 = arith.muli %mul3A_309, %scan3A_297 : i32
      %dma_wait3A_311 = arith.constant 0 : i32
      %dma_wait3A_312 = tpu.memref_slice %arg7[%mul3A_310, %dma_wait3A_311] : memref<32x128xi32, #tpu.memory_space<vmem>> -> memref<1x128xi32, #tpu.memory_space<vmem>>
      %dma_wait3A_313 = tpu.memref_squeeze %dma_wait3A_312 : memref<1x128xi32, #tpu.memory_space<vmem>> -> memref<128xi32, #tpu.memory_space<vmem>>
      %dma_wait3A_314 = arith.constant 0 : i32
      %dma_wait3A_315 = arith.constant 0 : i32
      %dma_wait3A_316 = tpu.memref_slice %arg2[%dma_wait3A_314, %dma_wait3A_315] : memref<20000x128xf32, #tpu.memory_space<hbm>> -> memref<20000x128xf32, #tpu.memory_space<hbm>>
      tpu.wait_indirect_dma semaphore(%arg14 : memref<!tpu.dma_semaphore, #tpu.memory_space<semaphore_mem>>) src(%dma_wait3A_316 : memref<20000x128xf32, #tpu.memory_space<hbm>>) dst(%arg11 : memref<128x128xf32, #tpu.memory_space<vmem>>)
      %mul3A_317 = arith.constant 2 : i32
      %mul3A_318 = arith.muli %mul3A_317, %scan3A_297 : i32
      "tpu.region"() ({
        %run_scoped3A_344 = tpu.sem_alloc : memref<!tpu.dma_semaphore, #tpu.memory_space<semaphore_mem>>
        %dma_start3A_345 = arith.constant 0 : i32
        %dma_start3A_346 = tpu.memref_slice %arg8[%mul3A_318, %dma_start3A_345] : memref<32x128xi32, #tpu.memory_space<vmem>> -> memref<1x128xi32, #tpu.memory_space<vmem>>
        %dma_start3A_347 = tpu.memref_squeeze %dma_start3A_346 : memref<1x128xi32, #tpu.memory_space<vmem>> -> memref<128xi32, #tpu.memory_space<vmem>>
        %dma_start3A_348 = arith.constant 0 : i32
        %dma_start3A_349 = arith.constant 0 : i32
        %dma_start3A_350 = tpu.memref_slice %arg13[%dma_start3A_348, %dma_start3A_349] : memref<10008x128xf32, #tpu.memory_space<vmem_shared>> -> memref<10008x128xf32, #tpu.memory_space<vmem_shared>>
        tpu.enqueue_indirect_dma source(%arg11 : memref<128x128xf32, #tpu.memory_space<vmem>>) target(%dma_start3A_350 : memref<10008x128xf32, #tpu.memory_space<vmem_shared>>) offsets(%dma_start3A_347 : memref<128xi32, #tpu.memory_space<vmem>>) semaphore(%run_scoped3A_344 : memref<!tpu.dma_semaphore, #tpu.memory_space<semaphore_mem>>) {add = true}
        %dma_wait3A_351 = arith.constant 0 : i32
        %dma_wait3A_352 = tpu.memref_slice %arg8[%mul3A_318, %dma_wait3A_351] : memref<32x128xi32, #tpu.memory_space<vmem>> -> memref<1x128xi32, #tpu.memory_space<vmem>>
        %dma_wait3A_353 = tpu.memref_squeeze %dma_wait3A_352 : memref<1x128xi32, #tpu.memory_space<vmem>> -> memref<128xi32, #tpu.memory_space<vmem>>
        %dma_wait3A_354 = arith.constant 0 : i32
        %dma_wait3A_355 = arith.constant 0 : i32
        %dma_wait3A_356 = tpu.memref_slice %arg13[%dma_wait3A_354, %dma_wait3A_355] : memref<10008x128xf32, #tpu.memory_space<vmem_shared>> -> memref<10008x128xf32, #tpu.memory_space<vmem_shared>>
        tpu.wait_indirect_dma semaphore(%run_scoped3A_344 : memref<!tpu.dma_semaphore, #tpu.memory_space<semaphore_mem>>) src(%arg11 : memref<128x128xf32, #tpu.memory_space<vmem>>) dst(%dma_wait3A_356 : memref<10008x128xf32, #tpu.memory_space<vmem_shared>>)
        tpu.yield
      }) : () -> ()
      %mul3A_319 = arith.constant 2 : i32
      %mul3A_320 = arith.muli %mul3A_319, %scan3A_297 : i32
      %add3A_321 = arith.constant 2 : i32
      %add3A_322 = arith.addi %mul3A_320, %add3A_321 : i32
      %dma_start3A_323 = arith.constant 0 : i32
      %dma_start3A_324 = tpu.memref_slice %arg7[%add3A_322, %dma_start3A_323] : memref<32x128xi32, #tpu.memory_space<vmem>> -> memref<1x128xi32, #tpu.memory_space<vmem>>
      %dma_start3A_325 = tpu.memref_squeeze %dma_start3A_324 : memref<1x128xi32, #tpu.memory_space<vmem>> -> memref<128xi32, #tpu.memory_space<vmem>>
      %dma_start3A_326 = arith.constant 0 : i32
      %dma_start3A_327 = arith.constant 0 : i32
      %dma_start3A_328 = tpu.memref_slice %arg2[%dma_start3A_326, %dma_start3A_327] : memref<20000x128xf32, #tpu.memory_space<hbm>> -> memref<20000x128xf32, #tpu.memory_space<hbm>>
      tpu.enqueue_indirect_dma source(%dma_start3A_328 : memref<20000x128xf32, #tpu.memory_space<hbm>>) target(%arg11 : memref<128x128xf32, #tpu.memory_space<vmem>>) offsets(%dma_start3A_325 : memref<128xi32, #tpu.memory_space<vmem>>) semaphore(%arg14 : memref<!tpu.dma_semaphore, #tpu.memory_space<semaphore_mem>>)
      %mul3A_329 = arith.constant 2 : i32
      %mul3A_330 = arith.muli %mul3A_329, %scan3A_297 : i32
      %add3A_331 = arith.constant 1 : i32
      %add3A_332 = arith.addi %mul3A_330, %add3A_331 : i32
      %dma_wait3A_333 = arith.constant 0 : i32
      %dma_wait3A_334 = tpu.memref_slice %arg7[%add3A_332, %dma_wait3A_333] : memref<32x128xi32, #tpu.memory_space<vmem>> -> memref<1x128xi32, #tpu.memory_space<vmem>>
      %dma_wait3A_335 = tpu.memref_squeeze %dma_wait3A_334 : memref<1x128xi32, #tpu.memory_space<vmem>> -> memref<128xi32, #tpu.memory_space<vmem>>
      %dma_wait3A_336 = arith.constant 0 : i32
      %dma_wait3A_337 = arith.constant 0 : i32
      %dma_wait3A_338 = tpu.memref_slice %arg2[%dma_wait3A_336, %dma_wait3A_337] : memref<20000x128xf32, #tpu.memory_space<hbm>> -> memref<20000x128xf32, #tpu.memory_space<hbm>>
      tpu.wait_indirect_dma semaphore(%arg15 : memref<!tpu.dma_semaphore, #tpu.memory_space<semaphore_mem>>) src(%dma_wait3A_338 : memref<20000x128xf32, #tpu.memory_space<hbm>>) dst(%arg12 : memref<128x128xf32, #tpu.memory_space<vmem>>)
      %mul3A_339 = arith.constant 2 : i32
      %mul3A_340 = arith.muli %mul3A_339, %scan3A_297 : i32
      %add3A_341 = arith.constant 1 : i32
      %add3A_342 = arith.addi %mul3A_340, %add3A_341 : i32
      "tpu.region"() ({
        %run_scoped3A_344 = tpu.sem_alloc : memref<!tpu.dma_semaphore, #tpu.memory_space<semaphore_mem>>
        %dma_start3A_345 = arith.constant 0 : i32
        %dma_start3A_346 = tpu.memref_slice %arg8[%add3A_342, %dma_start3A_345] : memref<32x128xi32, #tpu.memory_space<vmem>> -> memref<1x128xi32, #tpu.memory_space<vmem>>
        %dma_start3A_347 = tpu.memref_squeeze %dma_start3A_346 : memref<1x128xi32, #tpu.memory_space<vmem>> -> memref<128xi32, #tpu.memory_space<vmem>>
        %dma_start3A_348 = arith.constant 0 : i32
        %dma_start3A_349 = arith.constant 0 : i32
        %dma_start3A_350 = tpu.memref_slice %arg13[%dma_start3A_348, %dma_start3A_349] : memref<10008x128xf32, #tpu.memory_space<vmem_shared>> -> memref<10008x128xf32, #tpu.memory_space<vmem_shared>>
        tpu.enqueue_indirect_dma source(%arg12 : memref<128x128xf32, #tpu.memory_space<vmem>>) target(%dma_start3A_350 : memref<10008x128xf32, #tpu.memory_space<vmem_shared>>) offsets(%dma_start3A_347 : memref<128xi32, #tpu.memory_space<vmem>>) semaphore(%run_scoped3A_344 : memref<!tpu.dma_semaphore, #tpu.memory_space<semaphore_mem>>) {add = true}
        %dma_wait3A_351 = arith.constant 0 : i32
        %dma_wait3A_352 = tpu.memref_slice %arg8[%add3A_342, %dma_wait3A_351] : memref<32x128xi32, #tpu.memory_space<vmem>> -> memref<1x128xi32, #tpu.memory_space<vmem>>
        %dma_wait3A_353 = tpu.memref_squeeze %dma_wait3A_352 : memref<1x128xi32, #tpu.memory_space<vmem>> -> memref<128xi32, #tpu.memory_space<vmem>>
        %dma_wait3A_354 = arith.constant 0 : i32
        %dma_wait3A_355 = arith.constant 0 : i32
        %dma_wait3A_356 = tpu.memref_slice %arg13[%dma_wait3A_354, %dma_wait3A_355] : memref<10008x128xf32, #tpu.memory_space<vmem_shared>> -> memref<10008x128xf32, #tpu.memory_space<vmem_shared>>
        tpu.wait_indirect_dma semaphore(%run_scoped3A_344 : memref<!tpu.dma_semaphore, #tpu.memory_space<semaphore_mem>>) src(%arg12 : memref<128x128xf32, #tpu.memory_space<vmem>>) dst(%dma_wait3A_356 : memref<10008x128xf32, #tpu.memory_space<vmem_shared>>)
        tpu.yield
      }) : () -> ()
      %scan3A_343 = arith.constant 0 : i32
      scf.yield %scan3A_343 : i32
    }
    %scan3A_39 = arith.constant 15 : i32
    %dma_start3A_40 = arith.constant 31 : i32
    %dma_start3A_41 = arith.constant 0 : i32
    %dma_start3A_42 = tpu.memref_slice %arg7[%dma_start3A_40, %dma_start3A_41] : memref<32x128xi32, #tpu.memory_space<vmem>> -> memref<1x128xi32, #tpu.memory_space<vmem>>
    %dma_start3A_43 = tpu.memref_squeeze %dma_start3A_42 : memref<1x128xi32, #tpu.memory_space<vmem>> -> memref<128xi32, #tpu.memory_space<vmem>>
    %dma_start3A_44 = arith.constant 0 : i32
    %dma_start3A_45 = arith.constant 0 : i32
    %dma_start3A_46 = tpu.memref_slice %arg2[%dma_start3A_44, %dma_start3A_45] : memref<20000x128xf32, #tpu.memory_space<hbm>> -> memref<20000x128xf32, #tpu.memory_space<hbm>>
    tpu.enqueue_indirect_dma source(%dma_start3A_46 : memref<20000x128xf32, #tpu.memory_space<hbm>>) target(%arg12 : memref<128x128xf32, #tpu.memory_space<vmem>>) offsets(%dma_start3A_43 : memref<128xi32, #tpu.memory_space<vmem>>) semaphore(%arg15 : memref<!tpu.dma_semaphore, #tpu.memory_space<semaphore_mem>>)
    %dma_wait3A = arith.constant 30 : i32
    %dma_wait3A_47 = arith.constant 0 : i32
    %dma_wait3A_48 = tpu.memref_slice %arg7[%dma_wait3A, %dma_wait3A_47] : memref<32x128xi32, #tpu.memory_space<vmem>> -> memref<1x128xi32, #tpu.memory_space<vmem>>
    %dma_wait3A_49 = tpu.memref_squeeze %dma_wait3A_48 : memref<1x128xi32, #tpu.memory_space<vmem>> -> memref<128xi32, #tpu.memory_space<vmem>>
    %dma_wait3A_50 = arith.constant 0 : i32
    %dma_wait3A_51 = arith.constant 0 : i32
    %dma_wait3A_52 = tpu.memref_slice %arg2[%dma_wait3A_50, %dma_wait3A_51] : memref<20000x128xf32, #tpu.memory_space<hbm>> -> memref<20000x128xf32, #tpu.memory_space<hbm>>
    tpu.wait_indirect_dma semaphore(%arg14 : memref<!tpu.dma_semaphore, #tpu.memory_space<semaphore_mem>>) src(%dma_wait3A_52 : memref<20000x128xf32, #tpu.memory_space<hbm>>) dst(%arg11 : memref<128x128xf32, #tpu.memory_space<vmem>>)
    %run_scoped3A = arith.constant 30 : i32
    "tpu.region"() ({
      %run_scoped3A_297 = tpu.sem_alloc : memref<!tpu.dma_semaphore, #tpu.memory_space<semaphore_mem>>
      %dma_start3A_298 = arith.constant 0 : i32
      %dma_start3A_299 = tpu.memref_slice %arg8[%run_scoped3A, %dma_start3A_298] : memref<32x128xi32, #tpu.memory_space<vmem>> -> memref<1x128xi32, #tpu.memory_space<vmem>>
      %dma_start3A_300 = tpu.memref_squeeze %dma_start3A_299 : memref<1x128xi32, #tpu.memory_space<vmem>> -> memref<128xi32, #tpu.memory_space<vmem>>
      %dma_start3A_301 = arith.constant 0 : i32
      %dma_start3A_302 = arith.constant 0 : i32
      %dma_start3A_303 = tpu.memref_slice %arg13[%dma_start3A_301, %dma_start3A_302] : memref<10008x128xf32, #tpu.memory_space<vmem_shared>> -> memref<10008x128xf32, #tpu.memory_space<vmem_shared>>
      tpu.enqueue_indirect_dma source(%arg11 : memref<128x128xf32, #tpu.memory_space<vmem>>) target(%dma_start3A_303 : memref<10008x128xf32, #tpu.memory_space<vmem_shared>>) offsets(%dma_start3A_300 : memref<128xi32, #tpu.memory_space<vmem>>) semaphore(%run_scoped3A_297 : memref<!tpu.dma_semaphore, #tpu.memory_space<semaphore_mem>>) {add = true}
      %dma_wait3A_304 = arith.constant 0 : i32
      %dma_wait3A_305 = tpu.memref_slice %arg8[%run_scoped3A, %dma_wait3A_304] : memref<32x128xi32, #tpu.memory_space<vmem>> -> memref<1x128xi32, #tpu.memory_space<vmem>>
      %dma_wait3A_306 = tpu.memref_squeeze %dma_wait3A_305 : memref<1x128xi32, #tpu.memory_space<vmem>> -> memref<128xi32, #tpu.memory_space<vmem>>
      %dma_wait3A_307 = arith.constant 0 : i32
      %dma_wait3A_308 = arith.constant 0 : i32
      %dma_wait3A_309 = tpu.memref_slice %arg13[%dma_wait3A_307, %dma_wait3A_308] : memref<10008x128xf32, #tpu.memory_space<vmem_shared>> -> memref<10008x128xf32, #tpu.memory_space<vmem_shared>>
      tpu.wait_indirect_dma semaphore(%run_scoped3A_297 : memref<!tpu.dma_semaphore, #tpu.memory_space<semaphore_mem>>) src(%arg11 : memref<128x128xf32, #tpu.memory_space<vmem>>) dst(%dma_wait3A_309 : memref<10008x128xf32, #tpu.memory_space<vmem_shared>>)
      tpu.yield
    }) : () -> ()
    %dma_wait3A_53 = arith.constant 31 : i32
    %dma_wait3A_54 = arith.constant 0 : i32
    %dma_wait3A_55 = tpu.memref_slice %arg7[%dma_wait3A_53, %dma_wait3A_54] : memref<32x128xi32, #tpu.memory_space<vmem>> -> memref<1x128xi32, #tpu.memory_space<vmem>>
    %dma_wait3A_56 = tpu.memref_squeeze %dma_wait3A_55 : memref<1x128xi32, #tpu.memory_space<vmem>> -> memref<128xi32, #tpu.memory_space<vmem>>
    %dma_wait3A_57 = arith.constant 0 : i32
    %dma_wait3A_58 = arith.constant 0 : i32
    %dma_wait3A_59 = tpu.memref_slice %arg2[%dma_wait3A_57, %dma_wait3A_58] : memref<20000x128xf32, #tpu.memory_space<hbm>> -> memref<20000x128xf32, #tpu.memory_space<hbm>>
    tpu.wait_indirect_dma semaphore(%arg15 : memref<!tpu.dma_semaphore, #tpu.memory_space<semaphore_mem>>) src(%dma_wait3A_59 : memref<20000x128xf32, #tpu.memory_space<hbm>>) dst(%arg12 : memref<128x128xf32, #tpu.memory_space<vmem>>)
    %run_scoped3A_60 = arith.constant 31 : i32
    "tpu.region"() ({
      %run_scoped3A_297 = tpu.sem_alloc : memref<!tpu.dma_semaphore, #tpu.memory_space<semaphore_mem>>
      %dma_start3A_298 = arith.constant 0 : i32
      %dma_start3A_299 = tpu.memref_slice %arg8[%run_scoped3A_60, %dma_start3A_298] : memref<32x128xi32, #tpu.memory_space<vmem>> -> memref<1x128xi32, #tpu.memory_space<vmem>>
      %dma_start3A_300 = tpu.memref_squeeze %dma_start3A_299 : memref<1x128xi32, #tpu.memory_space<vmem>> -> memref<128xi32, #tpu.memory_space<vmem>>
      %dma_start3A_301 = arith.constant 0 : i32
      %dma_start3A_302 = arith.constant 0 : i32
      %dma_start3A_303 = tpu.memref_slice %arg13[%dma_start3A_301, %dma_start3A_302] : memref<10008x128xf32, #tpu.memory_space<vmem_shared>> -> memref<10008x128xf32, #tpu.memory_space<vmem_shared>>
      tpu.enqueue_indirect_dma source(%arg12 : memref<128x128xf32, #tpu.memory_space<vmem>>) target(%dma_start3A_303 : memref<10008x128xf32, #tpu.memory_space<vmem_shared>>) offsets(%dma_start3A_300 : memref<128xi32, #tpu.memory_space<vmem>>) semaphore(%run_scoped3A_297 : memref<!tpu.dma_semaphore, #tpu.memory_space<semaphore_mem>>) {add = true}
      %dma_wait3A_304 = arith.constant 0 : i32
      %dma_wait3A_305 = tpu.memref_slice %arg8[%run_scoped3A_60, %dma_wait3A_304] : memref<32x128xi32, #tpu.memory_space<vmem>> -> memref<1x128xi32, #tpu.memory_space<vmem>>
      %dma_wait3A_306 = tpu.memref_squeeze %dma_wait3A_305 : memref<1x128xi32, #tpu.memory_space<vmem>> -> memref<128xi32, #tpu.memory_space<vmem>>
      %dma_wait3A_307 = arith.constant 0 : i32
      %dma_wait3A_308 = arith.constant 0 : i32
      %dma_wait3A_309 = tpu.memref_slice %arg13[%dma_wait3A_307, %dma_wait3A_308] : memref<10008x128xf32, #tpu.memory_space<vmem_shared>> -> memref<10008x128xf32, #tpu.memory_space<vmem_shared>>
      tpu.wait_indirect_dma semaphore(%run_scoped3A_297 : memref<!tpu.dma_semaphore, #tpu.memory_space<semaphore_mem>>) src(%arg12 : memref<128x128xf32, #tpu.memory_space<vmem>>) dst(%dma_wait3A_309 : memref<10008x128xf32, #tpu.memory_space<vmem_shared>>)
      tpu.yield
    }) : () -> ()
    %dma_wait3A_61 = arith.constant 0 : i32
    %dma_wait3A_62 = tpu.memref_slice %arg4[%add3A_19, %dma_wait3A_61] : memref<5120x128xi32, #tpu.memory_space<hbm>> -> memref<32x128xi32, #tpu.memory_space<hbm>>
    %dma_wait3A_63 = arith.constant 0 : i32
    %dma_wait3A_64 = tpu.memref_slice %arg4[%add3A_19, %dma_wait3A_63] : memref<5120x128xi32, #tpu.memory_space<hbm>> -> memref<32x128xi32, #tpu.memory_space<hbm>>
    tpu.wait_dma2 semaphore(%arg16 : memref<!tpu.dma_semaphore, #tpu.memory_space<semaphore_mem>>) src(%dma_wait3A_64 : memref<32x128xi32, #tpu.memory_space<hbm>>) dst(%arg9 : memref<32x128xi32, #tpu.memory_space<vmem>>)
    %dma_wait3A_65 = arith.constant 0 : i32
    %dma_wait3A_66 = tpu.memref_slice %arg5[%add3A_16, %dma_wait3A_65] : memref<2560x128xi32, #tpu.memory_space<hbm>> -> memref<32x128xi32, #tpu.memory_space<hbm>>
    %dma_wait3A_67 = arith.constant 0 : i32
    %dma_wait3A_68 = tpu.memref_slice %arg5[%add3A_16, %dma_wait3A_67] : memref<2560x128xi32, #tpu.memory_space<hbm>> -> memref<32x128xi32, #tpu.memory_space<hbm>>
    tpu.wait_dma2 semaphore(%arg16 : memref<!tpu.dma_semaphore, #tpu.memory_space<semaphore_mem>>) src(%dma_wait3A_68 : memref<32x128xi32, #tpu.memory_space<hbm>>) dst(%arg10 : memref<32x128xi32, #tpu.memory_space<vmem>>)
    %mul3A_69 = arith.constant 160 : i32
    %mul3A_70 = arith.muli %arg1, %mul3A_69 : i32
    %add3A_71 = arith.constant 64 : i32
    %add3A_72 = arith.addi %mul3A_70, %add3A_71 : i32
    %mul3A_73 = arith.constant 2560 : i32
    %mul3A_74 = arith.muli %arg0, %mul3A_73 : i32
    %add3A_75 = arith.addi %mul3A_74, %add3A_72 : i32
    %dma_start3A_76 = arith.constant 0 : i32
    %dma_start3A_77 = tpu.memref_slice %arg4[%add3A_75, %dma_start3A_76] : memref<5120x128xi32, #tpu.memory_space<hbm>> -> memref<32x128xi32, #tpu.memory_space<hbm>>
    %dma_start3A_78 = arith.constant 0 : i32
    %dma_start3A_79 = tpu.memref_slice %arg4[%add3A_75, %dma_start3A_78] : memref<5120x128xi32, #tpu.memory_space<hbm>> -> memref<32x128xi32, #tpu.memory_space<hbm>>
    tpu.enqueue_dma source(%dma_start3A_79 : memref<32x128xi32, #tpu.memory_space<hbm>>) target(%arg7 : memref<32x128xi32, #tpu.memory_space<vmem>>) target_semaphore(%arg16 : memref<!tpu.dma_semaphore, #tpu.memory_space<semaphore_mem>>)
    %dma_start3A_80 = arith.constant 0 : i32
    %dma_start3A_81 = tpu.memref_slice %arg5[%add3A_72, %dma_start3A_80] : memref<2560x128xi32, #tpu.memory_space<hbm>> -> memref<32x128xi32, #tpu.memory_space<hbm>>
    %dma_start3A_82 = arith.constant 0 : i32
    %dma_start3A_83 = tpu.memref_slice %arg5[%add3A_72, %dma_start3A_82] : memref<2560x128xi32, #tpu.memory_space<hbm>> -> memref<32x128xi32, #tpu.memory_space<hbm>>
    tpu.enqueue_dma source(%dma_start3A_83 : memref<32x128xi32, #tpu.memory_space<hbm>>) target(%arg8 : memref<32x128xi32, #tpu.memory_space<vmem>>) target_semaphore(%arg16 : memref<!tpu.dma_semaphore, #tpu.memory_space<semaphore_mem>>)
    %dma_start3A_84 = arith.constant 0 : i32
    %dma_start3A_85 = arith.constant 0 : i32
    %dma_start3A_86 = tpu.memref_slice %arg9[%dma_start3A_84, %dma_start3A_85] : memref<32x128xi32, #tpu.memory_space<vmem>> -> memref<1x128xi32, #tpu.memory_space<vmem>>
    %dma_start3A_87 = tpu.memref_squeeze %dma_start3A_86 : memref<1x128xi32, #tpu.memory_space<vmem>> -> memref<128xi32, #tpu.memory_space<vmem>>
    %dma_start3A_88 = arith.constant 0 : i32
    %dma_start3A_89 = arith.constant 0 : i32
    %dma_start3A_90 = tpu.memref_slice %arg2[%dma_start3A_88, %dma_start3A_89] : memref<20000x128xf32, #tpu.memory_space<hbm>> -> memref<20000x128xf32, #tpu.memory_space<hbm>>
    tpu.enqueue_indirect_dma source(%dma_start3A_90 : memref<20000x128xf32, #tpu.memory_space<hbm>>) target(%arg11 : memref<128x128xf32, #tpu.memory_space<vmem>>) offsets(%dma_start3A_87 : memref<128xi32, #tpu.memory_space<vmem>>) semaphore(%arg14 : memref<!tpu.dma_semaphore, #tpu.memory_space<semaphore_mem>>)
    %scan3A_91 = arith.constant 0 : i32
    %scan3A_92 = arith.constant 0 : i32
    %scan3A_93 = arith.constant 15 : i32
    %scan3A_94 = arith.addi %scan3A_92, %scan3A_93 : i32
    %scan3A_95 = arith.constant 1 : i32
    %scan3A_96 = scf.for %scan3A_297 = %scan3A_92 to %scan3A_94 step %scan3A_95 iter_args(%scan3A_298 = %scan3A_91) -> (i32)  : i32 {
      %mul3A_299 = arith.constant 2 : i32
      %mul3A_300 = arith.muli %mul3A_299, %scan3A_297 : i32
      %add3A_301 = arith.constant 1 : i32
      %add3A_302 = arith.addi %mul3A_300, %add3A_301 : i32
      %dma_start3A_303 = arith.constant 0 : i32
      %dma_start3A_304 = tpu.memref_slice %arg9[%add3A_302, %dma_start3A_303] : memref<32x128xi32, #tpu.memory_space<vmem>> -> memref<1x128xi32, #tpu.memory_space<vmem>>
      %dma_start3A_305 = tpu.memref_squeeze %dma_start3A_304 : memref<1x128xi32, #tpu.memory_space<vmem>> -> memref<128xi32, #tpu.memory_space<vmem>>
      %dma_start3A_306 = arith.constant 0 : i32
      %dma_start3A_307 = arith.constant 0 : i32
      %dma_start3A_308 = tpu.memref_slice %arg2[%dma_start3A_306, %dma_start3A_307] : memref<20000x128xf32, #tpu.memory_space<hbm>> -> memref<20000x128xf32, #tpu.memory_space<hbm>>
      tpu.enqueue_indirect_dma source(%dma_start3A_308 : memref<20000x128xf32, #tpu.memory_space<hbm>>) target(%arg12 : memref<128x128xf32, #tpu.memory_space<vmem>>) offsets(%dma_start3A_305 : memref<128xi32, #tpu.memory_space<vmem>>) semaphore(%arg15 : memref<!tpu.dma_semaphore, #tpu.memory_space<semaphore_mem>>)
      %mul3A_309 = arith.constant 2 : i32
      %mul3A_310 = arith.muli %mul3A_309, %scan3A_297 : i32
      %dma_wait3A_311 = arith.constant 0 : i32
      %dma_wait3A_312 = tpu.memref_slice %arg9[%mul3A_310, %dma_wait3A_311] : memref<32x128xi32, #tpu.memory_space<vmem>> -> memref<1x128xi32, #tpu.memory_space<vmem>>
      %dma_wait3A_313 = tpu.memref_squeeze %dma_wait3A_312 : memref<1x128xi32, #tpu.memory_space<vmem>> -> memref<128xi32, #tpu.memory_space<vmem>>
      %dma_wait3A_314 = arith.constant 0 : i32
      %dma_wait3A_315 = arith.constant 0 : i32
      %dma_wait3A_316 = tpu.memref_slice %arg2[%dma_wait3A_314, %dma_wait3A_315] : memref<20000x128xf32, #tpu.memory_space<hbm>> -> memref<20000x128xf32, #tpu.memory_space<hbm>>
      tpu.wait_indirect_dma semaphore(%arg14 : memref<!tpu.dma_semaphore, #tpu.memory_space<semaphore_mem>>) src(%dma_wait3A_316 : memref<20000x128xf32, #tpu.memory_space<hbm>>) dst(%arg11 : memref<128x128xf32, #tpu.memory_space<vmem>>)
      %mul3A_317 = arith.constant 2 : i32
      %mul3A_318 = arith.muli %mul3A_317, %scan3A_297 : i32
      "tpu.region"() ({
        %run_scoped3A_344 = tpu.sem_alloc : memref<!tpu.dma_semaphore, #tpu.memory_space<semaphore_mem>>
        %dma_start3A_345 = arith.constant 0 : i32
        %dma_start3A_346 = tpu.memref_slice %arg10[%mul3A_318, %dma_start3A_345] : memref<32x128xi32, #tpu.memory_space<vmem>> -> memref<1x128xi32, #tpu.memory_space<vmem>>
        %dma_start3A_347 = tpu.memref_squeeze %dma_start3A_346 : memref<1x128xi32, #tpu.memory_space<vmem>> -> memref<128xi32, #tpu.memory_space<vmem>>
        %dma_start3A_348 = arith.constant 0 : i32
        %dma_start3A_349 = arith.constant 0 : i32
        %dma_start3A_350 = tpu.memref_slice %arg13[%dma_start3A_348, %dma_start3A_349] : memref<10008x128xf32, #tpu.memory_space<vmem_shared>> -> memref<10008x128xf32, #tpu.memory_space<vmem_shared>>
        tpu.enqueue_indirect_dma source(%arg11 : memref<128x128xf32, #tpu.memory_space<vmem>>) target(%dma_start3A_350 : memref<10008x128xf32, #tpu.memory_space<vmem_shared>>) offsets(%dma_start3A_347 : memref<128xi32, #tpu.memory_space<vmem>>) semaphore(%run_scoped3A_344 : memref<!tpu.dma_semaphore, #tpu.memory_space<semaphore_mem>>) {add = true}
        %dma_wait3A_351 = arith.constant 0 : i32
        %dma_wait3A_352 = tpu.memref_slice %arg10[%mul3A_318, %dma_wait3A_351] : memref<32x128xi32, #tpu.memory_space<vmem>> -> memref<1x128xi32, #tpu.memory_space<vmem>>
        %dma_wait3A_353 = tpu.memref_squeeze %dma_wait3A_352 : memref<1x128xi32, #tpu.memory_space<vmem>> -> memref<128xi32, #tpu.memory_space<vmem>>
        %dma_wait3A_354 = arith.constant 0 : i32
        %dma_wait3A_355 = arith.constant 0 : i32
        %dma_wait3A_356 = tpu.memref_slice %arg13[%dma_wait3A_354, %dma_wait3A_355] : memref<10008x128xf32, #tpu.memory_space<vmem_shared>> -> memref<10008x128xf32, #tpu.memory_space<vmem_shared>>
        tpu.wait_indirect_dma semaphore(%run_scoped3A_344 : memref<!tpu.dma_semaphore, #tpu.memory_space<semaphore_mem>>) src(%arg11 : memref<128x128xf32, #tpu.memory_space<vmem>>) dst(%dma_wait3A_356 : memref<10008x128xf32, #tpu.memory_space<vmem_shared>>)
        tpu.yield
      }) : () -> ()
      %mul3A_319 = arith.constant 2 : i32
      %mul3A_320 = arith.muli %mul3A_319, %scan3A_297 : i32
      %add3A_321 = arith.constant 2 : i32
      %add3A_322 = arith.addi %mul3A_320, %add3A_321 : i32
      %dma_start3A_323 = arith.constant 0 : i32
      %dma_start3A_324 = tpu.memref_slice %arg9[%add3A_322, %dma_start3A_323] : memref<32x128xi32, #tpu.memory_space<vmem>> -> memref<1x128xi32, #tpu.memory_space<vmem>>
      %dma_start3A_325 = tpu.memref_squeeze %dma_start3A_324 : memref<1x128xi32, #tpu.memory_space<vmem>> -> memref<128xi32, #tpu.memory_space<vmem>>
      %dma_start3A_326 = arith.constant 0 : i32
      %dma_start3A_327 = arith.constant 0 : i32
      %dma_start3A_328 = tpu.memref_slice %arg2[%dma_start3A_326, %dma_start3A_327] : memref<20000x128xf32, #tpu.memory_space<hbm>> -> memref<20000x128xf32, #tpu.memory_space<hbm>>
      tpu.enqueue_indirect_dma source(%dma_start3A_328 : memref<20000x128xf32, #tpu.memory_space<hbm>>) target(%arg11 : memref<128x128xf32, #tpu.memory_space<vmem>>) offsets(%dma_start3A_325 : memref<128xi32, #tpu.memory_space<vmem>>) semaphore(%arg14 : memref<!tpu.dma_semaphore, #tpu.memory_space<semaphore_mem>>)
      %mul3A_329 = arith.constant 2 : i32
      %mul3A_330 = arith.muli %mul3A_329, %scan3A_297 : i32
      %add3A_331 = arith.constant 1 : i32
      %add3A_332 = arith.addi %mul3A_330, %add3A_331 : i32
      %dma_wait3A_333 = arith.constant 0 : i32
      %dma_wait3A_334 = tpu.memref_slice %arg9[%add3A_332, %dma_wait3A_333] : memref<32x128xi32, #tpu.memory_space<vmem>> -> memref<1x128xi32, #tpu.memory_space<vmem>>
      %dma_wait3A_335 = tpu.memref_squeeze %dma_wait3A_334 : memref<1x128xi32, #tpu.memory_space<vmem>> -> memref<128xi32, #tpu.memory_space<vmem>>
      %dma_wait3A_336 = arith.constant 0 : i32
      %dma_wait3A_337 = arith.constant 0 : i32
      %dma_wait3A_338 = tpu.memref_slice %arg2[%dma_wait3A_336, %dma_wait3A_337] : memref<20000x128xf32, #tpu.memory_space<hbm>> -> memref<20000x128xf32, #tpu.memory_space<hbm>>
      tpu.wait_indirect_dma semaphore(%arg15 : memref<!tpu.dma_semaphore, #tpu.memory_space<semaphore_mem>>) src(%dma_wait3A_338 : memref<20000x128xf32, #tpu.memory_space<hbm>>) dst(%arg12 : memref<128x128xf32, #tpu.memory_space<vmem>>)
      %mul3A_339 = arith.constant 2 : i32
      %mul3A_340 = arith.muli %mul3A_339, %scan3A_297 : i32
      %add3A_341 = arith.constant 1 : i32
      %add3A_342 = arith.addi %mul3A_340, %add3A_341 : i32
      "tpu.region"() ({
        %run_scoped3A_344 = tpu.sem_alloc : memref<!tpu.dma_semaphore, #tpu.memory_space<semaphore_mem>>
        %dma_start3A_345 = arith.constant 0 : i32
        %dma_start3A_346 = tpu.memref_slice %arg10[%add3A_342, %dma_start3A_345] : memref<32x128xi32, #tpu.memory_space<vmem>> -> memref<1x128xi32, #tpu.memory_space<vmem>>
        %dma_start3A_347 = tpu.memref_squeeze %dma_start3A_346 : memref<1x128xi32, #tpu.memory_space<vmem>> -> memref<128xi32, #tpu.memory_space<vmem>>
        %dma_start3A_348 = arith.constant 0 : i32
        %dma_start3A_349 = arith.constant 0 : i32
        %dma_start3A_350 = tpu.memref_slice %arg13[%dma_start3A_348, %dma_start3A_349] : memref<10008x128xf32, #tpu.memory_space<vmem_shared>> -> memref<10008x128xf32, #tpu.memory_space<vmem_shared>>
        tpu.enqueue_indirect_dma source(%arg12 : memref<128x128xf32, #tpu.memory_space<vmem>>) target(%dma_start3A_350 : memref<10008x128xf32, #tpu.memory_space<vmem_shared>>) offsets(%dma_start3A_347 : memref<128xi32, #tpu.memory_space<vmem>>) semaphore(%run_scoped3A_344 : memref<!tpu.dma_semaphore, #tpu.memory_space<semaphore_mem>>) {add = true}
        %dma_wait3A_351 = arith.constant 0 : i32
        %dma_wait3A_352 = tpu.memref_slice %arg10[%add3A_342, %dma_wait3A_351] : memref<32x128xi32, #tpu.memory_space<vmem>> -> memref<1x128xi32, #tpu.memory_space<vmem>>
        %dma_wait3A_353 = tpu.memref_squeeze %dma_wait3A_352 : memref<1x128xi32, #tpu.memory_space<vmem>> -> memref<128xi32, #tpu.memory_space<vmem>>
        %dma_wait3A_354 = arith.constant 0 : i32
        %dma_wait3A_355 = arith.constant 0 : i32
        %dma_wait3A_356 = tpu.memref_slice %arg13[%dma_wait3A_354, %dma_wait3A_355] : memref<10008x128xf32, #tpu.memory_space<vmem_shared>> -> memref<10008x128xf32, #tpu.memory_space<vmem_shared>>
        tpu.wait_indirect_dma semaphore(%run_scoped3A_344 : memref<!tpu.dma_semaphore, #tpu.memory_space<semaphore_mem>>) src(%arg12 : memref<128x128xf32, #tpu.memory_space<vmem>>) dst(%dma_wait3A_356 : memref<10008x128xf32, #tpu.memory_space<vmem_shared>>)
        tpu.yield
      }) : () -> ()
      %scan3A_343 = arith.constant 0 : i32
      scf.yield %scan3A_343 : i32
    }
    %scan3A_97 = arith.constant 15 : i32
    %dma_start3A_98 = arith.constant 31 : i32
    %dma_start3A_99 = arith.constant 0 : i32
    %dma_start3A_100 = tpu.memref_slice %arg9[%dma_start3A_98, %dma_start3A_99] : memref<32x128xi32, #tpu.memory_space<vmem>> -> memref<1x128xi32, #tpu.memory_space<vmem>>
    %dma_start3A_101 = tpu.memref_squeeze %dma_start3A_100 : memref<1x128xi32, #tpu.memory_space<vmem>> -> memref<128xi32, #tpu.memory_space<vmem>>
    %dma_start3A_102 = arith.constant 0 : i32
    %dma_start3A_103 = arith.constant 0 : i32
    %dma_start3A_104 = tpu.memref_slice %arg2[%dma_start3A_102, %dma_start3A_103] : memref<20000x128xf32, #tpu.memory_space<hbm>> -> memref<20000x128xf32, #tpu.memory_space<hbm>>
    tpu.enqueue_indirect_dma source(%dma_start3A_104 : memref<20000x128xf32, #tpu.memory_space<hbm>>) target(%arg12 : memref<128x128xf32, #tpu.memory_space<vmem>>) offsets(%dma_start3A_101 : memref<128xi32, #tpu.memory_space<vmem>>) semaphore(%arg15 : memref<!tpu.dma_semaphore, #tpu.memory_space<semaphore_mem>>)
    %dma_wait3A_105 = arith.constant 30 : i32
    %dma_wait3A_106 = arith.constant 0 : i32
    %dma_wait3A_107 = tpu.memref_slice %arg9[%dma_wait3A_105, %dma_wait3A_106] : memref<32x128xi32, #tpu.memory_space<vmem>> -> memref<1x128xi32, #tpu.memory_space<vmem>>
    %dma_wait3A_108 = tpu.memref_squeeze %dma_wait3A_107 : memref<1x128xi32, #tpu.memory_space<vmem>> -> memref<128xi32, #tpu.memory_space<vmem>>
    %dma_wait3A_109 = arith.constant 0 : i32
    %dma_wait3A_110 = arith.constant 0 : i32
    %dma_wait3A_111 = tpu.memref_slice %arg2[%dma_wait3A_109, %dma_wait3A_110] : memref<20000x128xf32, #tpu.memory_space<hbm>> -> memref<20000x128xf32, #tpu.memory_space<hbm>>
    tpu.wait_indirect_dma semaphore(%arg14 : memref<!tpu.dma_semaphore, #tpu.memory_space<semaphore_mem>>) src(%dma_wait3A_111 : memref<20000x128xf32, #tpu.memory_space<hbm>>) dst(%arg11 : memref<128x128xf32, #tpu.memory_space<vmem>>)
    %run_scoped3A_112 = arith.constant 30 : i32
    "tpu.region"() ({
      %run_scoped3A_297 = tpu.sem_alloc : memref<!tpu.dma_semaphore, #tpu.memory_space<semaphore_mem>>
      %dma_start3A_298 = arith.constant 0 : i32
      %dma_start3A_299 = tpu.memref_slice %arg10[%run_scoped3A_112, %dma_start3A_298] : memref<32x128xi32, #tpu.memory_space<vmem>> -> memref<1x128xi32, #tpu.memory_space<vmem>>
      %dma_start3A_300 = tpu.memref_squeeze %dma_start3A_299 : memref<1x128xi32, #tpu.memory_space<vmem>> -> memref<128xi32, #tpu.memory_space<vmem>>
      %dma_start3A_301 = arith.constant 0 : i32
      %dma_start3A_302 = arith.constant 0 : i32
      %dma_start3A_303 = tpu.memref_slice %arg13[%dma_start3A_301, %dma_start3A_302] : memref<10008x128xf32, #tpu.memory_space<vmem_shared>> -> memref<10008x128xf32, #tpu.memory_space<vmem_shared>>
      tpu.enqueue_indirect_dma source(%arg11 : memref<128x128xf32, #tpu.memory_space<vmem>>) target(%dma_start3A_303 : memref<10008x128xf32, #tpu.memory_space<vmem_shared>>) offsets(%dma_start3A_300 : memref<128xi32, #tpu.memory_space<vmem>>) semaphore(%run_scoped3A_297 : memref<!tpu.dma_semaphore, #tpu.memory_space<semaphore_mem>>) {add = true}
      %dma_wait3A_304 = arith.constant 0 : i32
      %dma_wait3A_305 = tpu.memref_slice %arg10[%run_scoped3A_112, %dma_wait3A_304] : memref<32x128xi32, #tpu.memory_space<vmem>> -> memref<1x128xi32, #tpu.memory_space<vmem>>
      %dma_wait3A_306 = tpu.memref_squeeze %dma_wait3A_305 : memref<1x128xi32, #tpu.memory_space<vmem>> -> memref<128xi32, #tpu.memory_space<vmem>>
      %dma_wait3A_307 = arith.constant 0 : i32
      %dma_wait3A_308 = arith.constant 0 : i32
      %dma_wait3A_309 = tpu.memref_slice %arg13[%dma_wait3A_307, %dma_wait3A_308] : memref<10008x128xf32, #tpu.memory_space<vmem_shared>> -> memref<10008x128xf32, #tpu.memory_space<vmem_shared>>
      tpu.wait_indirect_dma semaphore(%run_scoped3A_297 : memref<!tpu.dma_semaphore, #tpu.memory_space<semaphore_mem>>) src(%arg11 : memref<128x128xf32, #tpu.memory_space<vmem>>) dst(%dma_wait3A_309 : memref<10008x128xf32, #tpu.memory_space<vmem_shared>>)
      tpu.yield
    }) : () -> ()
    %dma_wait3A_113 = arith.constant 31 : i32
    %dma_wait3A_114 = arith.constant 0 : i32
    %dma_wait3A_115 = tpu.memref_slice %arg9[%dma_wait3A_113, %dma_wait3A_114] : memref<32x128xi32, #tpu.memory_space<vmem>> -> memref<1x128xi32, #tpu.memory_space<vmem>>
    %dma_wait3A_116 = tpu.memref_squeeze %dma_wait3A_115 : memref<1x128xi32, #tpu.memory_space<vmem>> -> memref<128xi32, #tpu.memory_space<vmem>>
    %dma_wait3A_117 = arith.constant 0 : i32
    %dma_wait3A_118 = arith.constant 0 : i32
    %dma_wait3A_119 = tpu.memref_slice %arg2[%dma_wait3A_117, %dma_wait3A_118] : memref<20000x128xf32, #tpu.memory_space<hbm>> -> memref<20000x128xf32, #tpu.memory_space<hbm>>
    tpu.wait_indirect_dma semaphore(%arg15 : memref<!tpu.dma_semaphore, #tpu.memory_space<semaphore_mem>>) src(%dma_wait3A_119 : memref<20000x128xf32, #tpu.memory_space<hbm>>) dst(%arg12 : memref<128x128xf32, #tpu.memory_space<vmem>>)
    %run_scoped3A_120 = arith.constant 31 : i32
    "tpu.region"() ({
      %run_scoped3A_297 = tpu.sem_alloc : memref<!tpu.dma_semaphore, #tpu.memory_space<semaphore_mem>>
      %dma_start3A_298 = arith.constant 0 : i32
      %dma_start3A_299 = tpu.memref_slice %arg10[%run_scoped3A_120, %dma_start3A_298] : memref<32x128xi32, #tpu.memory_space<vmem>> -> memref<1x128xi32, #tpu.memory_space<vmem>>
      %dma_start3A_300 = tpu.memref_squeeze %dma_start3A_299 : memref<1x128xi32, #tpu.memory_space<vmem>> -> memref<128xi32, #tpu.memory_space<vmem>>
      %dma_start3A_301 = arith.constant 0 : i32
      %dma_start3A_302 = arith.constant 0 : i32
      %dma_start3A_303 = tpu.memref_slice %arg13[%dma_start3A_301, %dma_start3A_302] : memref<10008x128xf32, #tpu.memory_space<vmem_shared>> -> memref<10008x128xf32, #tpu.memory_space<vmem_shared>>
      tpu.enqueue_indirect_dma source(%arg12 : memref<128x128xf32, #tpu.memory_space<vmem>>) target(%dma_start3A_303 : memref<10008x128xf32, #tpu.memory_space<vmem_shared>>) offsets(%dma_start3A_300 : memref<128xi32, #tpu.memory_space<vmem>>) semaphore(%run_scoped3A_297 : memref<!tpu.dma_semaphore, #tpu.memory_space<semaphore_mem>>) {add = true}
      %dma_wait3A_304 = arith.constant 0 : i32
      %dma_wait3A_305 = tpu.memref_slice %arg10[%run_scoped3A_120, %dma_wait3A_304] : memref<32x128xi32, #tpu.memory_space<vmem>> -> memref<1x128xi32, #tpu.memory_space<vmem>>
      %dma_wait3A_306 = tpu.memref_squeeze %dma_wait3A_305 : memref<1x128xi32, #tpu.memory_space<vmem>> -> memref<128xi32, #tpu.memory_space<vmem>>
      %dma_wait3A_307 = arith.constant 0 : i32
      %dma_wait3A_308 = arith.constant 0 : i32
      %dma_wait3A_309 = tpu.memref_slice %arg13[%dma_wait3A_307, %dma_wait3A_308] : memref<10008x128xf32, #tpu.memory_space<vmem_shared>> -> memref<10008x128xf32, #tpu.memory_space<vmem_shared>>
      tpu.wait_indirect_dma semaphore(%run_scoped3A_297 : memref<!tpu.dma_semaphore, #tpu.memory_space<semaphore_mem>>) src(%arg12 : memref<128x128xf32, #tpu.memory_space<vmem>>) dst(%dma_wait3A_309 : memref<10008x128xf32, #tpu.memory_space<vmem_shared>>)
      tpu.yield
    }) : () -> ()
    %dma_wait3A_121 = arith.constant 0 : i32
    %dma_wait3A_122 = tpu.memref_slice %arg4[%add3A_75, %dma_wait3A_121] : memref<5120x128xi32, #tpu.memory_space<hbm>> -> memref<32x128xi32, #tpu.memory_space<hbm>>
    %dma_wait3A_123 = arith.constant 0 : i32
    %dma_wait3A_124 = tpu.memref_slice %arg4[%add3A_75, %dma_wait3A_123] : memref<5120x128xi32, #tpu.memory_space<hbm>> -> memref<32x128xi32, #tpu.memory_space<hbm>>
    tpu.wait_dma2 semaphore(%arg16 : memref<!tpu.dma_semaphore, #tpu.memory_space<semaphore_mem>>) src(%dma_wait3A_124 : memref<32x128xi32, #tpu.memory_space<hbm>>) dst(%arg7 : memref<32x128xi32, #tpu.memory_space<vmem>>)
    %dma_wait3A_125 = arith.constant 0 : i32
    %dma_wait3A_126 = tpu.memref_slice %arg5[%add3A_72, %dma_wait3A_125] : memref<2560x128xi32, #tpu.memory_space<hbm>> -> memref<32x128xi32, #tpu.memory_space<hbm>>
    %dma_wait3A_127 = arith.constant 0 : i32
    %dma_wait3A_128 = tpu.memref_slice %arg5[%add3A_72, %dma_wait3A_127] : memref<2560x128xi32, #tpu.memory_space<hbm>> -> memref<32x128xi32, #tpu.memory_space<hbm>>
    tpu.wait_dma2 semaphore(%arg16 : memref<!tpu.dma_semaphore, #tpu.memory_space<semaphore_mem>>) src(%dma_wait3A_128 : memref<32x128xi32, #tpu.memory_space<hbm>>) dst(%arg8 : memref<32x128xi32, #tpu.memory_space<vmem>>)
    %mul3A_129 = arith.constant 160 : i32
    %mul3A_130 = arith.muli %arg1, %mul3A_129 : i32
    %add3A_131 = arith.constant 96 : i32
    %add3A_132 = arith.addi %mul3A_130, %add3A_131 : i32
    %mul3A_133 = arith.constant 2560 : i32
    %mul3A_134 = arith.muli %arg0, %mul3A_133 : i32
    %add3A_135 = arith.addi %mul3A_134, %add3A_132 : i32
    %dma_start3A_136 = arith.constant 0 : i32
    %dma_start3A_137 = tpu.memref_slice %arg4[%add3A_135, %dma_start3A_136] : memref<5120x128xi32, #tpu.memory_space<hbm>> -> memref<32x128xi32, #tpu.memory_space<hbm>>
    %dma_start3A_138 = arith.constant 0 : i32
    %dma_start3A_139 = tpu.memref_slice %arg4[%add3A_135, %dma_start3A_138] : memref<5120x128xi32, #tpu.memory_space<hbm>> -> memref<32x128xi32, #tpu.memory_space<hbm>>
    tpu.enqueue_dma source(%dma_start3A_139 : memref<32x128xi32, #tpu.memory_space<hbm>>) target(%arg9 : memref<32x128xi32, #tpu.memory_space<vmem>>) target_semaphore(%arg16 : memref<!tpu.dma_semaphore, #tpu.memory_space<semaphore_mem>>)
    %dma_start3A_140 = arith.constant 0 : i32
    %dma_start3A_141 = tpu.memref_slice %arg5[%add3A_132, %dma_start3A_140] : memref<2560x128xi32, #tpu.memory_space<hbm>> -> memref<32x128xi32, #tpu.memory_space<hbm>>
    %dma_start3A_142 = arith.constant 0 : i32
    %dma_start3A_143 = tpu.memref_slice %arg5[%add3A_132, %dma_start3A_142] : memref<2560x128xi32, #tpu.memory_space<hbm>> -> memref<32x128xi32, #tpu.memory_space<hbm>>
    tpu.enqueue_dma source(%dma_start3A_143 : memref<32x128xi32, #tpu.memory_space<hbm>>) target(%arg10 : memref<32x128xi32, #tpu.memory_space<vmem>>) target_semaphore(%arg16 : memref<!tpu.dma_semaphore, #tpu.memory_space<semaphore_mem>>)
    %dma_start3A_144 = arith.constant 0 : i32
    %dma_start3A_145 = arith.constant 0 : i32
    %dma_start3A_146 = tpu.memref_slice %arg7[%dma_start3A_144, %dma_start3A_145] : memref<32x128xi32, #tpu.memory_space<vmem>> -> memref<1x128xi32, #tpu.memory_space<vmem>>
    %dma_start3A_147 = tpu.memref_squeeze %dma_start3A_146 : memref<1x128xi32, #tpu.memory_space<vmem>> -> memref<128xi32, #tpu.memory_space<vmem>>
    %dma_start3A_148 = arith.constant 0 : i32
    %dma_start3A_149 = arith.constant 0 : i32
    %dma_start3A_150 = tpu.memref_slice %arg2[%dma_start3A_148, %dma_start3A_149] : memref<20000x128xf32, #tpu.memory_space<hbm>> -> memref<20000x128xf32, #tpu.memory_space<hbm>>
    tpu.enqueue_indirect_dma source(%dma_start3A_150 : memref<20000x128xf32, #tpu.memory_space<hbm>>) target(%arg11 : memref<128x128xf32, #tpu.memory_space<vmem>>) offsets(%dma_start3A_147 : memref<128xi32, #tpu.memory_space<vmem>>) semaphore(%arg14 : memref<!tpu.dma_semaphore, #tpu.memory_space<semaphore_mem>>)
    %scan3A_151 = arith.constant 0 : i32
    %scan3A_152 = arith.constant 0 : i32
    %scan3A_153 = arith.constant 15 : i32
    %scan3A_154 = arith.addi %scan3A_152, %scan3A_153 : i32
    %scan3A_155 = arith.constant 1 : i32
    %scan3A_156 = scf.for %scan3A_297 = %scan3A_152 to %scan3A_154 step %scan3A_155 iter_args(%scan3A_298 = %scan3A_151) -> (i32)  : i32 {
      %mul3A_299 = arith.constant 2 : i32
      %mul3A_300 = arith.muli %mul3A_299, %scan3A_297 : i32
      %add3A_301 = arith.constant 1 : i32
      %add3A_302 = arith.addi %mul3A_300, %add3A_301 : i32
      %dma_start3A_303 = arith.constant 0 : i32
      %dma_start3A_304 = tpu.memref_slice %arg7[%add3A_302, %dma_start3A_303] : memref<32x128xi32, #tpu.memory_space<vmem>> -> memref<1x128xi32, #tpu.memory_space<vmem>>
      %dma_start3A_305 = tpu.memref_squeeze %dma_start3A_304 : memref<1x128xi32, #tpu.memory_space<vmem>> -> memref<128xi32, #tpu.memory_space<vmem>>
      %dma_start3A_306 = arith.constant 0 : i32
      %dma_start3A_307 = arith.constant 0 : i32
      %dma_start3A_308 = tpu.memref_slice %arg2[%dma_start3A_306, %dma_start3A_307] : memref<20000x128xf32, #tpu.memory_space<hbm>> -> memref<20000x128xf32, #tpu.memory_space<hbm>>
      tpu.enqueue_indirect_dma source(%dma_start3A_308 : memref<20000x128xf32, #tpu.memory_space<hbm>>) target(%arg12 : memref<128x128xf32, #tpu.memory_space<vmem>>) offsets(%dma_start3A_305 : memref<128xi32, #tpu.memory_space<vmem>>) semaphore(%arg15 : memref<!tpu.dma_semaphore, #tpu.memory_space<semaphore_mem>>)
      %mul3A_309 = arith.constant 2 : i32
      %mul3A_310 = arith.muli %mul3A_309, %scan3A_297 : i32
      %dma_wait3A_311 = arith.constant 0 : i32
      %dma_wait3A_312 = tpu.memref_slice %arg7[%mul3A_310, %dma_wait3A_311] : memref<32x128xi32, #tpu.memory_space<vmem>> -> memref<1x128xi32, #tpu.memory_space<vmem>>
      %dma_wait3A_313 = tpu.memref_squeeze %dma_wait3A_312 : memref<1x128xi32, #tpu.memory_space<vmem>> -> memref<128xi32, #tpu.memory_space<vmem>>
      %dma_wait3A_314 = arith.constant 0 : i32
      %dma_wait3A_315 = arith.constant 0 : i32
      %dma_wait3A_316 = tpu.memref_slice %arg2[%dma_wait3A_314, %dma_wait3A_315] : memref<20000x128xf32, #tpu.memory_space<hbm>> -> memref<20000x128xf32, #tpu.memory_space<hbm>>
      tpu.wait_indirect_dma semaphore(%arg14 : memref<!tpu.dma_semaphore, #tpu.memory_space<semaphore_mem>>) src(%dma_wait3A_316 : memref<20000x128xf32, #tpu.memory_space<hbm>>) dst(%arg11 : memref<128x128xf32, #tpu.memory_space<vmem>>)
      %mul3A_317 = arith.constant 2 : i32
      %mul3A_318 = arith.muli %mul3A_317, %scan3A_297 : i32
      "tpu.region"() ({
        %run_scoped3A_344 = tpu.sem_alloc : memref<!tpu.dma_semaphore, #tpu.memory_space<semaphore_mem>>
        %dma_start3A_345 = arith.constant 0 : i32
        %dma_start3A_346 = tpu.memref_slice %arg8[%mul3A_318, %dma_start3A_345] : memref<32x128xi32, #tpu.memory_space<vmem>> -> memref<1x128xi32, #tpu.memory_space<vmem>>
        %dma_start3A_347 = tpu.memref_squeeze %dma_start3A_346 : memref<1x128xi32, #tpu.memory_space<vmem>> -> memref<128xi32, #tpu.memory_space<vmem>>
        %dma_start3A_348 = arith.constant 0 : i32
        %dma_start3A_349 = arith.constant 0 : i32
        %dma_start3A_350 = tpu.memref_slice %arg13[%dma_start3A_348, %dma_start3A_349] : memref<10008x128xf32, #tpu.memory_space<vmem_shared>> -> memref<10008x128xf32, #tpu.memory_space<vmem_shared>>
        tpu.enqueue_indirect_dma source(%arg11 : memref<128x128xf32, #tpu.memory_space<vmem>>) target(%dma_start3A_350 : memref<10008x128xf32, #tpu.memory_space<vmem_shared>>) offsets(%dma_start3A_347 : memref<128xi32, #tpu.memory_space<vmem>>) semaphore(%run_scoped3A_344 : memref<!tpu.dma_semaphore, #tpu.memory_space<semaphore_mem>>) {add = true}
        %dma_wait3A_351 = arith.constant 0 : i32
        %dma_wait3A_352 = tpu.memref_slice %arg8[%mul3A_318, %dma_wait3A_351] : memref<32x128xi32, #tpu.memory_space<vmem>> -> memref<1x128xi32, #tpu.memory_space<vmem>>
        %dma_wait3A_353 = tpu.memref_squeeze %dma_wait3A_352 : memref<1x128xi32, #tpu.memory_space<vmem>> -> memref<128xi32, #tpu.memory_space<vmem>>
        %dma_wait3A_354 = arith.constant 0 : i32
        %dma_wait3A_355 = arith.constant 0 : i32
        %dma_wait3A_356 = tpu.memref_slice %arg13[%dma_wait3A_354, %dma_wait3A_355] : memref<10008x128xf32, #tpu.memory_space<vmem_shared>> -> memref<10008x128xf32, #tpu.memory_space<vmem_shared>>
        tpu.wait_indirect_dma semaphore(%run_scoped3A_344 : memref<!tpu.dma_semaphore, #tpu.memory_space<semaphore_mem>>) src(%arg11 : memref<128x128xf32, #tpu.memory_space<vmem>>) dst(%dma_wait3A_356 : memref<10008x128xf32, #tpu.memory_space<vmem_shared>>)
        tpu.yield
      }) : () -> ()
      %mul3A_319 = arith.constant 2 : i32
      %mul3A_320 = arith.muli %mul3A_319, %scan3A_297 : i32
      %add3A_321 = arith.constant 2 : i32
      %add3A_322 = arith.addi %mul3A_320, %add3A_321 : i32
      %dma_start3A_323 = arith.constant 0 : i32
      %dma_start3A_324 = tpu.memref_slice %arg7[%add3A_322, %dma_start3A_323] : memref<32x128xi32, #tpu.memory_space<vmem>> -> memref<1x128xi32, #tpu.memory_space<vmem>>
      %dma_start3A_325 = tpu.memref_squeeze %dma_start3A_324 : memref<1x128xi32, #tpu.memory_space<vmem>> -> memref<128xi32, #tpu.memory_space<vmem>>
      %dma_start3A_326 = arith.constant 0 : i32
      %dma_start3A_327 = arith.constant 0 : i32
      %dma_start3A_328 = tpu.memref_slice %arg2[%dma_start3A_326, %dma_start3A_327] : memref<20000x128xf32, #tpu.memory_space<hbm>> -> memref<20000x128xf32, #tpu.memory_space<hbm>>
      tpu.enqueue_indirect_dma source(%dma_start3A_328 : memref<20000x128xf32, #tpu.memory_space<hbm>>) target(%arg11 : memref<128x128xf32, #tpu.memory_space<vmem>>) offsets(%dma_start3A_325 : memref<128xi32, #tpu.memory_space<vmem>>) semaphore(%arg14 : memref<!tpu.dma_semaphore, #tpu.memory_space<semaphore_mem>>)
      %mul3A_329 = arith.constant 2 : i32
      %mul3A_330 = arith.muli %mul3A_329, %scan3A_297 : i32
      %add3A_331 = arith.constant 1 : i32
      %add3A_332 = arith.addi %mul3A_330, %add3A_331 : i32
      %dma_wait3A_333 = arith.constant 0 : i32
      %dma_wait3A_334 = tpu.memref_slice %arg7[%add3A_332, %dma_wait3A_333] : memref<32x128xi32, #tpu.memory_space<vmem>> -> memref<1x128xi32, #tpu.memory_space<vmem>>
      %dma_wait3A_335 = tpu.memref_squeeze %dma_wait3A_334 : memref<1x128xi32, #tpu.memory_space<vmem>> -> memref<128xi32, #tpu.memory_space<vmem>>
      %dma_wait3A_336 = arith.constant 0 : i32
      %dma_wait3A_337 = arith.constant 0 : i32
      %dma_wait3A_338 = tpu.memref_slice %arg2[%dma_wait3A_336, %dma_wait3A_337] : memref<20000x128xf32, #tpu.memory_space<hbm>> -> memref<20000x128xf32, #tpu.memory_space<hbm>>
      tpu.wait_indirect_dma semaphore(%arg15 : memref<!tpu.dma_semaphore, #tpu.memory_space<semaphore_mem>>) src(%dma_wait3A_338 : memref<20000x128xf32, #tpu.memory_space<hbm>>) dst(%arg12 : memref<128x128xf32, #tpu.memory_space<vmem>>)
      %mul3A_339 = arith.constant 2 : i32
      %mul3A_340 = arith.muli %mul3A_339, %scan3A_297 : i32
      %add3A_341 = arith.constant 1 : i32
      %add3A_342 = arith.addi %mul3A_340, %add3A_341 : i32
      "tpu.region"() ({
        %run_scoped3A_344 = tpu.sem_alloc : memref<!tpu.dma_semaphore, #tpu.memory_space<semaphore_mem>>
        %dma_start3A_345 = arith.constant 0 : i32
        %dma_start3A_346 = tpu.memref_slice %arg8[%add3A_342, %dma_start3A_345] : memref<32x128xi32, #tpu.memory_space<vmem>> -> memref<1x128xi32, #tpu.memory_space<vmem>>
        %dma_start3A_347 = tpu.memref_squeeze %dma_start3A_346 : memref<1x128xi32, #tpu.memory_space<vmem>> -> memref<128xi32, #tpu.memory_space<vmem>>
        %dma_start3A_348 = arith.constant 0 : i32
        %dma_start3A_349 = arith.constant 0 : i32
        %dma_start3A_350 = tpu.memref_slice %arg13[%dma_start3A_348, %dma_start3A_349] : memref<10008x128xf32, #tpu.memory_space<vmem_shared>> -> memref<10008x128xf32, #tpu.memory_space<vmem_shared>>
        tpu.enqueue_indirect_dma source(%arg12 : memref<128x128xf32, #tpu.memory_space<vmem>>) target(%dma_start3A_350 : memref<10008x128xf32, #tpu.memory_space<vmem_shared>>) offsets(%dma_start3A_347 : memref<128xi32, #tpu.memory_space<vmem>>) semaphore(%run_scoped3A_344 : memref<!tpu.dma_semaphore, #tpu.memory_space<semaphore_mem>>) {add = true}
        %dma_wait3A_351 = arith.constant 0 : i32
        %dma_wait3A_352 = tpu.memref_slice %arg8[%add3A_342, %dma_wait3A_351] : memref<32x128xi32, #tpu.memory_space<vmem>> -> memref<1x128xi32, #tpu.memory_space<vmem>>
        %dma_wait3A_353 = tpu.memref_squeeze %dma_wait3A_352 : memref<1x128xi32, #tpu.memory_space<vmem>> -> memref<128xi32, #tpu.memory_space<vmem>>
        %dma_wait3A_354 = arith.constant 0 : i32
        %dma_wait3A_355 = arith.constant 0 : i32
        %dma_wait3A_356 = tpu.memref_slice %arg13[%dma_wait3A_354, %dma_wait3A_355] : memref<10008x128xf32, #tpu.memory_space<vmem_shared>> -> memref<10008x128xf32, #tpu.memory_space<vmem_shared>>
        tpu.wait_indirect_dma semaphore(%run_scoped3A_344 : memref<!tpu.dma_semaphore, #tpu.memory_space<semaphore_mem>>) src(%arg12 : memref<128x128xf32, #tpu.memory_space<vmem>>) dst(%dma_wait3A_356 : memref<10008x128xf32, #tpu.memory_space<vmem_shared>>)
        tpu.yield
      }) : () -> ()
      %scan3A_343 = arith.constant 0 : i32
      scf.yield %scan3A_343 : i32
    }
    %scan3A_157 = arith.constant 15 : i32
    %dma_start3A_158 = arith.constant 31 : i32
    %dma_start3A_159 = arith.constant 0 : i32
    %dma_start3A_160 = tpu.memref_slice %arg7[%dma_start3A_158, %dma_start3A_159] : memref<32x128xi32, #tpu.memory_space<vmem>> -> memref<1x128xi32, #tpu.memory_space<vmem>>
    %dma_start3A_161 = tpu.memref_squeeze %dma_start3A_160 : memref<1x128xi32, #tpu.memory_space<vmem>> -> memref<128xi32, #tpu.memory_space<vmem>>
    %dma_start3A_162 = arith.constant 0 : i32
    %dma_start3A_163 = arith.constant 0 : i32
    %dma_start3A_164 = tpu.memref_slice %arg2[%dma_start3A_162, %dma_start3A_163] : memref<20000x128xf32, #tpu.memory_space<hbm>> -> memref<20000x128xf32, #tpu.memory_space<hbm>>
    tpu.enqueue_indirect_dma source(%dma_start3A_164 : memref<20000x128xf32, #tpu.memory_space<hbm>>) target(%arg12 : memref<128x128xf32, #tpu.memory_space<vmem>>) offsets(%dma_start3A_161 : memref<128xi32, #tpu.memory_space<vmem>>) semaphore(%arg15 : memref<!tpu.dma_semaphore, #tpu.memory_space<semaphore_mem>>)
    %dma_wait3A_165 = arith.constant 30 : i32
    %dma_wait3A_166 = arith.constant 0 : i32
    %dma_wait3A_167 = tpu.memref_slice %arg7[%dma_wait3A_165, %dma_wait3A_166] : memref<32x128xi32, #tpu.memory_space<vmem>> -> memref<1x128xi32, #tpu.memory_space<vmem>>
    %dma_wait3A_168 = tpu.memref_squeeze %dma_wait3A_167 : memref<1x128xi32, #tpu.memory_space<vmem>> -> memref<128xi32, #tpu.memory_space<vmem>>
    %dma_wait3A_169 = arith.constant 0 : i32
    %dma_wait3A_170 = arith.constant 0 : i32
    %dma_wait3A_171 = tpu.memref_slice %arg2[%dma_wait3A_169, %dma_wait3A_170] : memref<20000x128xf32, #tpu.memory_space<hbm>> -> memref<20000x128xf32, #tpu.memory_space<hbm>>
    tpu.wait_indirect_dma semaphore(%arg14 : memref<!tpu.dma_semaphore, #tpu.memory_space<semaphore_mem>>) src(%dma_wait3A_171 : memref<20000x128xf32, #tpu.memory_space<hbm>>) dst(%arg11 : memref<128x128xf32, #tpu.memory_space<vmem>>)
    %run_scoped3A_172 = arith.constant 30 : i32
    "tpu.region"() ({
      %run_scoped3A_297 = tpu.sem_alloc : memref<!tpu.dma_semaphore, #tpu.memory_space<semaphore_mem>>
      %dma_start3A_298 = arith.constant 0 : i32
      %dma_start3A_299 = tpu.memref_slice %arg8[%run_scoped3A_172, %dma_start3A_298] : memref<32x128xi32, #tpu.memory_space<vmem>> -> memref<1x128xi32, #tpu.memory_space<vmem>>
      %dma_start3A_300 = tpu.memref_squeeze %dma_start3A_299 : memref<1x128xi32, #tpu.memory_space<vmem>> -> memref<128xi32, #tpu.memory_space<vmem>>
      %dma_start3A_301 = arith.constant 0 : i32
      %dma_start3A_302 = arith.constant 0 : i32
      %dma_start3A_303 = tpu.memref_slice %arg13[%dma_start3A_301, %dma_start3A_302] : memref<10008x128xf32, #tpu.memory_space<vmem_shared>> -> memref<10008x128xf32, #tpu.memory_space<vmem_shared>>
      tpu.enqueue_indirect_dma source(%arg11 : memref<128x128xf32, #tpu.memory_space<vmem>>) target(%dma_start3A_303 : memref<10008x128xf32, #tpu.memory_space<vmem_shared>>) offsets(%dma_start3A_300 : memref<128xi32, #tpu.memory_space<vmem>>) semaphore(%run_scoped3A_297 : memref<!tpu.dma_semaphore, #tpu.memory_space<semaphore_mem>>) {add = true}
      %dma_wait3A_304 = arith.constant 0 : i32
      %dma_wait3A_305 = tpu.memref_slice %arg8[%run_scoped3A_172, %dma_wait3A_304] : memref<32x128xi32, #tpu.memory_space<vmem>> -> memref<1x128xi32, #tpu.memory_space<vmem>>
      %dma_wait3A_306 = tpu.memref_squeeze %dma_wait3A_305 : memref<1x128xi32, #tpu.memory_space<vmem>> -> memref<128xi32, #tpu.memory_space<vmem>>
      %dma_wait3A_307 = arith.constant 0 : i32
      %dma_wait3A_308 = arith.constant 0 : i32
      %dma_wait3A_309 = tpu.memref_slice %arg13[%dma_wait3A_307, %dma_wait3A_308] : memref<10008x128xf32, #tpu.memory_space<vmem_shared>> -> memref<10008x128xf32, #tpu.memory_space<vmem_shared>>
      tpu.wait_indirect_dma semaphore(%run_scoped3A_297 : memref<!tpu.dma_semaphore, #tpu.memory_space<semaphore_mem>>) src(%arg11 : memref<128x128xf32, #tpu.memory_space<vmem>>) dst(%dma_wait3A_309 : memref<10008x128xf32, #tpu.memory_space<vmem_shared>>)
      tpu.yield
    }) : () -> ()
    %dma_wait3A_173 = arith.constant 31 : i32
    %dma_wait3A_174 = arith.constant 0 : i32
    %dma_wait3A_175 = tpu.memref_slice %arg7[%dma_wait3A_173, %dma_wait3A_174] : memref<32x128xi32, #tpu.memory_space<vmem>> -> memref<1x128xi32, #tpu.memory_space<vmem>>
    %dma_wait3A_176 = tpu.memref_squeeze %dma_wait3A_175 : memref<1x128xi32, #tpu.memory_space<vmem>> -> memref<128xi32, #tpu.memory_space<vmem>>
    %dma_wait3A_177 = arith.constant 0 : i32
    %dma_wait3A_178 = arith.constant 0 : i32
    %dma_wait3A_179 = tpu.memref_slice %arg2[%dma_wait3A_177, %dma_wait3A_178] : memref<20000x128xf32, #tpu.memory_space<hbm>> -> memref<20000x128xf32, #tpu.memory_space<hbm>>
    tpu.wait_indirect_dma semaphore(%arg15 : memref<!tpu.dma_semaphore, #tpu.memory_space<semaphore_mem>>) src(%dma_wait3A_179 : memref<20000x128xf32, #tpu.memory_space<hbm>>) dst(%arg12 : memref<128x128xf32, #tpu.memory_space<vmem>>)
    %run_scoped3A_180 = arith.constant 31 : i32
    "tpu.region"() ({
      %run_scoped3A_297 = tpu.sem_alloc : memref<!tpu.dma_semaphore, #tpu.memory_space<semaphore_mem>>
      %dma_start3A_298 = arith.constant 0 : i32
      %dma_start3A_299 = tpu.memref_slice %arg8[%run_scoped3A_180, %dma_start3A_298] : memref<32x128xi32, #tpu.memory_space<vmem>> -> memref<1x128xi32, #tpu.memory_space<vmem>>
      %dma_start3A_300 = tpu.memref_squeeze %dma_start3A_299 : memref<1x128xi32, #tpu.memory_space<vmem>> -> memref<128xi32, #tpu.memory_space<vmem>>
      %dma_start3A_301 = arith.constant 0 : i32
      %dma_start3A_302 = arith.constant 0 : i32
      %dma_start3A_303 = tpu.memref_slice %arg13[%dma_start3A_301, %dma_start3A_302] : memref<10008x128xf32, #tpu.memory_space<vmem_shared>> -> memref<10008x128xf32, #tpu.memory_space<vmem_shared>>
      tpu.enqueue_indirect_dma source(%arg12 : memref<128x128xf32, #tpu.memory_space<vmem>>) target(%dma_start3A_303 : memref<10008x128xf32, #tpu.memory_space<vmem_shared>>) offsets(%dma_start3A_300 : memref<128xi32, #tpu.memory_space<vmem>>) semaphore(%run_scoped3A_297 : memref<!tpu.dma_semaphore, #tpu.memory_space<semaphore_mem>>) {add = true}
      %dma_wait3A_304 = arith.constant 0 : i32
      %dma_wait3A_305 = tpu.memref_slice %arg8[%run_scoped3A_180, %dma_wait3A_304] : memref<32x128xi32, #tpu.memory_space<vmem>> -> memref<1x128xi32, #tpu.memory_space<vmem>>
      %dma_wait3A_306 = tpu.memref_squeeze %dma_wait3A_305 : memref<1x128xi32, #tpu.memory_space<vmem>> -> memref<128xi32, #tpu.memory_space<vmem>>
      %dma_wait3A_307 = arith.constant 0 : i32
      %dma_wait3A_308 = arith.constant 0 : i32
      %dma_wait3A_309 = tpu.memref_slice %arg13[%dma_wait3A_307, %dma_wait3A_308] : memref<10008x128xf32, #tpu.memory_space<vmem_shared>> -> memref<10008x128xf32, #tpu.memory_space<vmem_shared>>
      tpu.wait_indirect_dma semaphore(%run_scoped3A_297 : memref<!tpu.dma_semaphore, #tpu.memory_space<semaphore_mem>>) src(%arg12 : memref<128x128xf32, #tpu.memory_space<vmem>>) dst(%dma_wait3A_309 : memref<10008x128xf32, #tpu.memory_space<vmem_shared>>)
      tpu.yield
    }) : () -> ()
    %dma_wait3A_181 = arith.constant 0 : i32
    %dma_wait3A_182 = tpu.memref_slice %arg4[%add3A_135, %dma_wait3A_181] : memref<5120x128xi32, #tpu.memory_space<hbm>> -> memref<32x128xi32, #tpu.memory_space<hbm>>
    %dma_wait3A_183 = arith.constant 0 : i32
    %dma_wait3A_184 = tpu.memref_slice %arg4[%add3A_135, %dma_wait3A_183] : memref<5120x128xi32, #tpu.memory_space<hbm>> -> memref<32x128xi32, #tpu.memory_space<hbm>>
    tpu.wait_dma2 semaphore(%arg16 : memref<!tpu.dma_semaphore, #tpu.memory_space<semaphore_mem>>) src(%dma_wait3A_184 : memref<32x128xi32, #tpu.memory_space<hbm>>) dst(%arg9 : memref<32x128xi32, #tpu.memory_space<vmem>>)
    %dma_wait3A_185 = arith.constant 0 : i32
    %dma_wait3A_186 = tpu.memref_slice %arg5[%add3A_132, %dma_wait3A_185] : memref<2560x128xi32, #tpu.memory_space<hbm>> -> memref<32x128xi32, #tpu.memory_space<hbm>>
    %dma_wait3A_187 = arith.constant 0 : i32
    %dma_wait3A_188 = tpu.memref_slice %arg5[%add3A_132, %dma_wait3A_187] : memref<2560x128xi32, #tpu.memory_space<hbm>> -> memref<32x128xi32, #tpu.memory_space<hbm>>
    tpu.wait_dma2 semaphore(%arg16 : memref<!tpu.dma_semaphore, #tpu.memory_space<semaphore_mem>>) src(%dma_wait3A_188 : memref<32x128xi32, #tpu.memory_space<hbm>>) dst(%arg10 : memref<32x128xi32, #tpu.memory_space<vmem>>)
    %mul3A_189 = arith.constant 160 : i32
    %mul3A_190 = arith.muli %arg1, %mul3A_189 : i32
    %add3A_191 = arith.constant 128 : i32
    %add3A_192 = arith.addi %mul3A_190, %add3A_191 : i32
    %mul3A_193 = arith.constant 2560 : i32
    %mul3A_194 = arith.muli %arg0, %mul3A_193 : i32
    %add3A_195 = arith.addi %mul3A_194, %add3A_192 : i32
    %dma_start3A_196 = arith.constant 0 : i32
    %dma_start3A_197 = tpu.memref_slice %arg4[%add3A_195, %dma_start3A_196] : memref<5120x128xi32, #tpu.memory_space<hbm>> -> memref<32x128xi32, #tpu.memory_space<hbm>>
    %dma_start3A_198 = arith.constant 0 : i32
    %dma_start3A_199 = tpu.memref_slice %arg4[%add3A_195, %dma_start3A_198] : memref<5120x128xi32, #tpu.memory_space<hbm>> -> memref<32x128xi32, #tpu.memory_space<hbm>>
    tpu.enqueue_dma source(%dma_start3A_199 : memref<32x128xi32, #tpu.memory_space<hbm>>) target(%arg7 : memref<32x128xi32, #tpu.memory_space<vmem>>) target_semaphore(%arg16 : memref<!tpu.dma_semaphore, #tpu.memory_space<semaphore_mem>>)
    %dma_start3A_200 = arith.constant 0 : i32
    %dma_start3A_201 = tpu.memref_slice %arg5[%add3A_192, %dma_start3A_200] : memref<2560x128xi32, #tpu.memory_space<hbm>> -> memref<32x128xi32, #tpu.memory_space<hbm>>
    %dma_start3A_202 = arith.constant 0 : i32
    %dma_start3A_203 = tpu.memref_slice %arg5[%add3A_192, %dma_start3A_202] : memref<2560x128xi32, #tpu.memory_space<hbm>> -> memref<32x128xi32, #tpu.memory_space<hbm>>
    tpu.enqueue_dma source(%dma_start3A_203 : memref<32x128xi32, #tpu.memory_space<hbm>>) target(%arg8 : memref<32x128xi32, #tpu.memory_space<vmem>>) target_semaphore(%arg16 : memref<!tpu.dma_semaphore, #tpu.memory_space<semaphore_mem>>)
    %dma_start3A_204 = arith.constant 0 : i32
    %dma_start3A_205 = arith.constant 0 : i32
    %dma_start3A_206 = tpu.memref_slice %arg9[%dma_start3A_204, %dma_start3A_205] : memref<32x128xi32, #tpu.memory_space<vmem>> -> memref<1x128xi32, #tpu.memory_space<vmem>>
    %dma_start3A_207 = tpu.memref_squeeze %dma_start3A_206 : memref<1x128xi32, #tpu.memory_space<vmem>> -> memref<128xi32, #tpu.memory_space<vmem>>
    %dma_start3A_208 = arith.constant 0 : i32
    %dma_start3A_209 = arith.constant 0 : i32
    %dma_start3A_210 = tpu.memref_slice %arg2[%dma_start3A_208, %dma_start3A_209] : memref<20000x128xf32, #tpu.memory_space<hbm>> -> memref<20000x128xf32, #tpu.memory_space<hbm>>
    tpu.enqueue_indirect_dma source(%dma_start3A_210 : memref<20000x128xf32, #tpu.memory_space<hbm>>) target(%arg11 : memref<128x128xf32, #tpu.memory_space<vmem>>) offsets(%dma_start3A_207 : memref<128xi32, #tpu.memory_space<vmem>>) semaphore(%arg14 : memref<!tpu.dma_semaphore, #tpu.memory_space<semaphore_mem>>)
    %scan3A_211 = arith.constant 0 : i32
    %scan3A_212 = arith.constant 0 : i32
    %scan3A_213 = arith.constant 15 : i32
    %scan3A_214 = arith.addi %scan3A_212, %scan3A_213 : i32
    %scan3A_215 = arith.constant 1 : i32
    %scan3A_216 = scf.for %scan3A_297 = %scan3A_212 to %scan3A_214 step %scan3A_215 iter_args(%scan3A_298 = %scan3A_211) -> (i32)  : i32 {
      %mul3A_299 = arith.constant 2 : i32
      %mul3A_300 = arith.muli %mul3A_299, %scan3A_297 : i32
      %add3A_301 = arith.constant 1 : i32
      %add3A_302 = arith.addi %mul3A_300, %add3A_301 : i32
      %dma_start3A_303 = arith.constant 0 : i32
      %dma_start3A_304 = tpu.memref_slice %arg9[%add3A_302, %dma_start3A_303] : memref<32x128xi32, #tpu.memory_space<vmem>> -> memref<1x128xi32, #tpu.memory_space<vmem>>
      %dma_start3A_305 = tpu.memref_squeeze %dma_start3A_304 : memref<1x128xi32, #tpu.memory_space<vmem>> -> memref<128xi32, #tpu.memory_space<vmem>>
      %dma_start3A_306 = arith.constant 0 : i32
      %dma_start3A_307 = arith.constant 0 : i32
      %dma_start3A_308 = tpu.memref_slice %arg2[%dma_start3A_306, %dma_start3A_307] : memref<20000x128xf32, #tpu.memory_space<hbm>> -> memref<20000x128xf32, #tpu.memory_space<hbm>>
      tpu.enqueue_indirect_dma source(%dma_start3A_308 : memref<20000x128xf32, #tpu.memory_space<hbm>>) target(%arg12 : memref<128x128xf32, #tpu.memory_space<vmem>>) offsets(%dma_start3A_305 : memref<128xi32, #tpu.memory_space<vmem>>) semaphore(%arg15 : memref<!tpu.dma_semaphore, #tpu.memory_space<semaphore_mem>>)
      %mul3A_309 = arith.constant 2 : i32
      %mul3A_310 = arith.muli %mul3A_309, %scan3A_297 : i32
      %dma_wait3A_311 = arith.constant 0 : i32
      %dma_wait3A_312 = tpu.memref_slice %arg9[%mul3A_310, %dma_wait3A_311] : memref<32x128xi32, #tpu.memory_space<vmem>> -> memref<1x128xi32, #tpu.memory_space<vmem>>
      %dma_wait3A_313 = tpu.memref_squeeze %dma_wait3A_312 : memref<1x128xi32, #tpu.memory_space<vmem>> -> memref<128xi32, #tpu.memory_space<vmem>>
      %dma_wait3A_314 = arith.constant 0 : i32
      %dma_wait3A_315 = arith.constant 0 : i32
      %dma_wait3A_316 = tpu.memref_slice %arg2[%dma_wait3A_314, %dma_wait3A_315] : memref<20000x128xf32, #tpu.memory_space<hbm>> -> memref<20000x128xf32, #tpu.memory_space<hbm>>
      tpu.wait_indirect_dma semaphore(%arg14 : memref<!tpu.dma_semaphore, #tpu.memory_space<semaphore_mem>>) src(%dma_wait3A_316 : memref<20000x128xf32, #tpu.memory_space<hbm>>) dst(%arg11 : memref<128x128xf32, #tpu.memory_space<vmem>>)
      %mul3A_317 = arith.constant 2 : i32
      %mul3A_318 = arith.muli %mul3A_317, %scan3A_297 : i32
      "tpu.region"() ({
        %run_scoped3A_344 = tpu.sem_alloc : memref<!tpu.dma_semaphore, #tpu.memory_space<semaphore_mem>>
        %dma_start3A_345 = arith.constant 0 : i32
        %dma_start3A_346 = tpu.memref_slice %arg10[%mul3A_318, %dma_start3A_345] : memref<32x128xi32, #tpu.memory_space<vmem>> -> memref<1x128xi32, #tpu.memory_space<vmem>>
        %dma_start3A_347 = tpu.memref_squeeze %dma_start3A_346 : memref<1x128xi32, #tpu.memory_space<vmem>> -> memref<128xi32, #tpu.memory_space<vmem>>
        %dma_start3A_348 = arith.constant 0 : i32
        %dma_start3A_349 = arith.constant 0 : i32
        %dma_start3A_350 = tpu.memref_slice %arg13[%dma_start3A_348, %dma_start3A_349] : memref<10008x128xf32, #tpu.memory_space<vmem_shared>> -> memref<10008x128xf32, #tpu.memory_space<vmem_shared>>
        tpu.enqueue_indirect_dma source(%arg11 : memref<128x128xf32, #tpu.memory_space<vmem>>) target(%dma_start3A_350 : memref<10008x128xf32, #tpu.memory_space<vmem_shared>>) offsets(%dma_start3A_347 : memref<128xi32, #tpu.memory_space<vmem>>) semaphore(%run_scoped3A_344 : memref<!tpu.dma_semaphore, #tpu.memory_space<semaphore_mem>>) {add = true}
        %dma_wait3A_351 = arith.constant 0 : i32
        %dma_wait3A_352 = tpu.memref_slice %arg10[%mul3A_318, %dma_wait3A_351] : memref<32x128xi32, #tpu.memory_space<vmem>> -> memref<1x128xi32, #tpu.memory_space<vmem>>
        %dma_wait3A_353 = tpu.memref_squeeze %dma_wait3A_352 : memref<1x128xi32, #tpu.memory_space<vmem>> -> memref<128xi32, #tpu.memory_space<vmem>>
        %dma_wait3A_354 = arith.constant 0 : i32
        %dma_wait3A_355 = arith.constant 0 : i32
        %dma_wait3A_356 = tpu.memref_slice %arg13[%dma_wait3A_354, %dma_wait3A_355] : memref<10008x128xf32, #tpu.memory_space<vmem_shared>> -> memref<10008x128xf32, #tpu.memory_space<vmem_shared>>
        tpu.wait_indirect_dma semaphore(%run_scoped3A_344 : memref<!tpu.dma_semaphore, #tpu.memory_space<semaphore_mem>>) src(%arg11 : memref<128x128xf32, #tpu.memory_space<vmem>>) dst(%dma_wait3A_356 : memref<10008x128xf32, #tpu.memory_space<vmem_shared>>)
        tpu.yield
      }) : () -> ()
      %mul3A_319 = arith.constant 2 : i32
      %mul3A_320 = arith.muli %mul3A_319, %scan3A_297 : i32
      %add3A_321 = arith.constant 2 : i32
      %add3A_322 = arith.addi %mul3A_320, %add3A_321 : i32
      %dma_start3A_323 = arith.constant 0 : i32
      %dma_start3A_324 = tpu.memref_slice %arg9[%add3A_322, %dma_start3A_323] : memref<32x128xi32, #tpu.memory_space<vmem>> -> memref<1x128xi32, #tpu.memory_space<vmem>>
      %dma_start3A_325 = tpu.memref_squeeze %dma_start3A_324 : memref<1x128xi32, #tpu.memory_space<vmem>> -> memref<128xi32, #tpu.memory_space<vmem>>
      %dma_start3A_326 = arith.constant 0 : i32
      %dma_start3A_327 = arith.constant 0 : i32
      %dma_start3A_328 = tpu.memref_slice %arg2[%dma_start3A_326, %dma_start3A_327] : memref<20000x128xf32, #tpu.memory_space<hbm>> -> memref<20000x128xf32, #tpu.memory_space<hbm>>
      tpu.enqueue_indirect_dma source(%dma_start3A_328 : memref<20000x128xf32, #tpu.memory_space<hbm>>) target(%arg11 : memref<128x128xf32, #tpu.memory_space<vmem>>) offsets(%dma_start3A_325 : memref<128xi32, #tpu.memory_space<vmem>>) semaphore(%arg14 : memref<!tpu.dma_semaphore, #tpu.memory_space<semaphore_mem>>)
      %mul3A_329 = arith.constant 2 : i32
      %mul3A_330 = arith.muli %mul3A_329, %scan3A_297 : i32
      %add3A_331 = arith.constant 1 : i32
      %add3A_332 = arith.addi %mul3A_330, %add3A_331 : i32
      %dma_wait3A_333 = arith.constant 0 : i32
      %dma_wait3A_334 = tpu.memref_slice %arg9[%add3A_332, %dma_wait3A_333] : memref<32x128xi32, #tpu.memory_space<vmem>> -> memref<1x128xi32, #tpu.memory_space<vmem>>
      %dma_wait3A_335 = tpu.memref_squeeze %dma_wait3A_334 : memref<1x128xi32, #tpu.memory_space<vmem>> -> memref<128xi32, #tpu.memory_space<vmem>>
      %dma_wait3A_336 = arith.constant 0 : i32
      %dma_wait3A_337 = arith.constant 0 : i32
      %dma_wait3A_338 = tpu.memref_slice %arg2[%dma_wait3A_336, %dma_wait3A_337] : memref<20000x128xf32, #tpu.memory_space<hbm>> -> memref<20000x128xf32, #tpu.memory_space<hbm>>
      tpu.wait_indirect_dma semaphore(%arg15 : memref<!tpu.dma_semaphore, #tpu.memory_space<semaphore_mem>>) src(%dma_wait3A_338 : memref<20000x128xf32, #tpu.memory_space<hbm>>) dst(%arg12 : memref<128x128xf32, #tpu.memory_space<vmem>>)
      %mul3A_339 = arith.constant 2 : i32
      %mul3A_340 = arith.muli %mul3A_339, %scan3A_297 : i32
      %add3A_341 = arith.constant 1 : i32
      %add3A_342 = arith.addi %mul3A_340, %add3A_341 : i32
      "tpu.region"() ({
        %run_scoped3A_344 = tpu.sem_alloc : memref<!tpu.dma_semaphore, #tpu.memory_space<semaphore_mem>>
        %dma_start3A_345 = arith.constant 0 : i32
        %dma_start3A_346 = tpu.memref_slice %arg10[%add3A_342, %dma_start3A_345] : memref<32x128xi32, #tpu.memory_space<vmem>> -> memref<1x128xi32, #tpu.memory_space<vmem>>
        %dma_start3A_347 = tpu.memref_squeeze %dma_start3A_346 : memref<1x128xi32, #tpu.memory_space<vmem>> -> memref<128xi32, #tpu.memory_space<vmem>>
        %dma_start3A_348 = arith.constant 0 : i32
        %dma_start3A_349 = arith.constant 0 : i32
        %dma_start3A_350 = tpu.memref_slice %arg13[%dma_start3A_348, %dma_start3A_349] : memref<10008x128xf32, #tpu.memory_space<vmem_shared>> -> memref<10008x128xf32, #tpu.memory_space<vmem_shared>>
        tpu.enqueue_indirect_dma source(%arg12 : memref<128x128xf32, #tpu.memory_space<vmem>>) target(%dma_start3A_350 : memref<10008x128xf32, #tpu.memory_space<vmem_shared>>) offsets(%dma_start3A_347 : memref<128xi32, #tpu.memory_space<vmem>>) semaphore(%run_scoped3A_344 : memref<!tpu.dma_semaphore, #tpu.memory_space<semaphore_mem>>) {add = true}
        %dma_wait3A_351 = arith.constant 0 : i32
        %dma_wait3A_352 = tpu.memref_slice %arg10[%add3A_342, %dma_wait3A_351] : memref<32x128xi32, #tpu.memory_space<vmem>> -> memref<1x128xi32, #tpu.memory_space<vmem>>
        %dma_wait3A_353 = tpu.memref_squeeze %dma_wait3A_352 : memref<1x128xi32, #tpu.memory_space<vmem>> -> memref<128xi32, #tpu.memory_space<vmem>>
        %dma_wait3A_354 = arith.constant 0 : i32
        %dma_wait3A_355 = arith.constant 0 : i32
        %dma_wait3A_356 = tpu.memref_slice %arg13[%dma_wait3A_354, %dma_wait3A_355] : memref<10008x128xf32, #tpu.memory_space<vmem_shared>> -> memref<10008x128xf32, #tpu.memory_space<vmem_shared>>
        tpu.wait_indirect_dma semaphore(%run_scoped3A_344 : memref<!tpu.dma_semaphore, #tpu.memory_space<semaphore_mem>>) src(%arg12 : memref<128x128xf32, #tpu.memory_space<vmem>>) dst(%dma_wait3A_356 : memref<10008x128xf32, #tpu.memory_space<vmem_shared>>)
        tpu.yield
      }) : () -> ()
      %scan3A_343 = arith.constant 0 : i32
      scf.yield %scan3A_343 : i32
    }
    %scan3A_217 = arith.constant 15 : i32
    %dma_start3A_218 = arith.constant 31 : i32
    %dma_start3A_219 = arith.constant 0 : i32
    %dma_start3A_220 = tpu.memref_slice %arg9[%dma_start3A_218, %dma_start3A_219] : memref<32x128xi32, #tpu.memory_space<vmem>> -> memref<1x128xi32, #tpu.memory_space<vmem>>
    %dma_start3A_221 = tpu.memref_squeeze %dma_start3A_220 : memref<1x128xi32, #tpu.memory_space<vmem>> -> memref<128xi32, #tpu.memory_space<vmem>>
    %dma_start3A_222 = arith.constant 0 : i32
    %dma_start3A_223 = arith.constant 0 : i32
    %dma_start3A_224 = tpu.memref_slice %arg2[%dma_start3A_222, %dma_start3A_223] : memref<20000x128xf32, #tpu.memory_space<hbm>> -> memref<20000x128xf32, #tpu.memory_space<hbm>>
    tpu.enqueue_indirect_dma source(%dma_start3A_224 : memref<20000x128xf32, #tpu.memory_space<hbm>>) target(%arg12 : memref<128x128xf32, #tpu.memory_space<vmem>>) offsets(%dma_start3A_221 : memref<128xi32, #tpu.memory_space<vmem>>) semaphore(%arg15 : memref<!tpu.dma_semaphore, #tpu.memory_space<semaphore_mem>>)
    %dma_wait3A_225 = arith.constant 30 : i32
    %dma_wait3A_226 = arith.constant 0 : i32
    %dma_wait3A_227 = tpu.memref_slice %arg9[%dma_wait3A_225, %dma_wait3A_226] : memref<32x128xi32, #tpu.memory_space<vmem>> -> memref<1x128xi32, #tpu.memory_space<vmem>>
    %dma_wait3A_228 = tpu.memref_squeeze %dma_wait3A_227 : memref<1x128xi32, #tpu.memory_space<vmem>> -> memref<128xi32, #tpu.memory_space<vmem>>
    %dma_wait3A_229 = arith.constant 0 : i32
    %dma_wait3A_230 = arith.constant 0 : i32
    %dma_wait3A_231 = tpu.memref_slice %arg2[%dma_wait3A_229, %dma_wait3A_230] : memref<20000x128xf32, #tpu.memory_space<hbm>> -> memref<20000x128xf32, #tpu.memory_space<hbm>>
    tpu.wait_indirect_dma semaphore(%arg14 : memref<!tpu.dma_semaphore, #tpu.memory_space<semaphore_mem>>) src(%dma_wait3A_231 : memref<20000x128xf32, #tpu.memory_space<hbm>>) dst(%arg11 : memref<128x128xf32, #tpu.memory_space<vmem>>)
    %run_scoped3A_232 = arith.constant 30 : i32
    "tpu.region"() ({
      %run_scoped3A_297 = tpu.sem_alloc : memref<!tpu.dma_semaphore, #tpu.memory_space<semaphore_mem>>
      %dma_start3A_298 = arith.constant 0 : i32
      %dma_start3A_299 = tpu.memref_slice %arg10[%run_scoped3A_232, %dma_start3A_298] : memref<32x128xi32, #tpu.memory_space<vmem>> -> memref<1x128xi32, #tpu.memory_space<vmem>>
      %dma_start3A_300 = tpu.memref_squeeze %dma_start3A_299 : memref<1x128xi32, #tpu.memory_space<vmem>> -> memref<128xi32, #tpu.memory_space<vmem>>
      %dma_start3A_301 = arith.constant 0 : i32
      %dma_start3A_302 = arith.constant 0 : i32
      %dma_start3A_303 = tpu.memref_slice %arg13[%dma_start3A_301, %dma_start3A_302] : memref<10008x128xf32, #tpu.memory_space<vmem_shared>> -> memref<10008x128xf32, #tpu.memory_space<vmem_shared>>
      tpu.enqueue_indirect_dma source(%arg11 : memref<128x128xf32, #tpu.memory_space<vmem>>) target(%dma_start3A_303 : memref<10008x128xf32, #tpu.memory_space<vmem_shared>>) offsets(%dma_start3A_300 : memref<128xi32, #tpu.memory_space<vmem>>) semaphore(%run_scoped3A_297 : memref<!tpu.dma_semaphore, #tpu.memory_space<semaphore_mem>>) {add = true}
      %dma_wait3A_304 = arith.constant 0 : i32
      %dma_wait3A_305 = tpu.memref_slice %arg10[%run_scoped3A_232, %dma_wait3A_304] : memref<32x128xi32, #tpu.memory_space<vmem>> -> memref<1x128xi32, #tpu.memory_space<vmem>>
      %dma_wait3A_306 = tpu.memref_squeeze %dma_wait3A_305 : memref<1x128xi32, #tpu.memory_space<vmem>> -> memref<128xi32, #tpu.memory_space<vmem>>
      %dma_wait3A_307 = arith.constant 0 : i32
      %dma_wait3A_308 = arith.constant 0 : i32
      %dma_wait3A_309 = tpu.memref_slice %arg13[%dma_wait3A_307, %dma_wait3A_308] : memref<10008x128xf32, #tpu.memory_space<vmem_shared>> -> memref<10008x128xf32, #tpu.memory_space<vmem_shared>>
      tpu.wait_indirect_dma semaphore(%run_scoped3A_297 : memref<!tpu.dma_semaphore, #tpu.memory_space<semaphore_mem>>) src(%arg11 : memref<128x128xf32, #tpu.memory_space<vmem>>) dst(%dma_wait3A_309 : memref<10008x128xf32, #tpu.memory_space<vmem_shared>>)
      tpu.yield
    }) : () -> ()
    %dma_wait3A_233 = arith.constant 31 : i32
    %dma_wait3A_234 = arith.constant 0 : i32
    %dma_wait3A_235 = tpu.memref_slice %arg9[%dma_wait3A_233, %dma_wait3A_234] : memref<32x128xi32, #tpu.memory_space<vmem>> -> memref<1x128xi32, #tpu.memory_space<vmem>>
    %dma_wait3A_236 = tpu.memref_squeeze %dma_wait3A_235 : memref<1x128xi32, #tpu.memory_space<vmem>> -> memref<128xi32, #tpu.memory_space<vmem>>
    %dma_wait3A_237 = arith.constant 0 : i32
    %dma_wait3A_238 = arith.constant 0 : i32
    %dma_wait3A_239 = tpu.memref_slice %arg2[%dma_wait3A_237, %dma_wait3A_238] : memref<20000x128xf32, #tpu.memory_space<hbm>> -> memref<20000x128xf32, #tpu.memory_space<hbm>>
    tpu.wait_indirect_dma semaphore(%arg15 : memref<!tpu.dma_semaphore, #tpu.memory_space<semaphore_mem>>) src(%dma_wait3A_239 : memref<20000x128xf32, #tpu.memory_space<hbm>>) dst(%arg12 : memref<128x128xf32, #tpu.memory_space<vmem>>)
    %run_scoped3A_240 = arith.constant 31 : i32
    "tpu.region"() ({
      %run_scoped3A_297 = tpu.sem_alloc : memref<!tpu.dma_semaphore, #tpu.memory_space<semaphore_mem>>
      %dma_start3A_298 = arith.constant 0 : i32
      %dma_start3A_299 = tpu.memref_slice %arg10[%run_scoped3A_240, %dma_start3A_298] : memref<32x128xi32, #tpu.memory_space<vmem>> -> memref<1x128xi32, #tpu.memory_space<vmem>>
      %dma_start3A_300 = tpu.memref_squeeze %dma_start3A_299 : memref<1x128xi32, #tpu.memory_space<vmem>> -> memref<128xi32, #tpu.memory_space<vmem>>
      %dma_start3A_301 = arith.constant 0 : i32
      %dma_start3A_302 = arith.constant 0 : i32
      %dma_start3A_303 = tpu.memref_slice %arg13[%dma_start3A_301, %dma_start3A_302] : memref<10008x128xf32, #tpu.memory_space<vmem_shared>> -> memref<10008x128xf32, #tpu.memory_space<vmem_shared>>
      tpu.enqueue_indirect_dma source(%arg12 : memref<128x128xf32, #tpu.memory_space<vmem>>) target(%dma_start3A_303 : memref<10008x128xf32, #tpu.memory_space<vmem_shared>>) offsets(%dma_start3A_300 : memref<128xi32, #tpu.memory_space<vmem>>) semaphore(%run_scoped3A_297 : memref<!tpu.dma_semaphore, #tpu.memory_space<semaphore_mem>>) {add = true}
      %dma_wait3A_304 = arith.constant 0 : i32
      %dma_wait3A_305 = tpu.memref_slice %arg10[%run_scoped3A_240, %dma_wait3A_304] : memref<32x128xi32, #tpu.memory_space<vmem>> -> memref<1x128xi32, #tpu.memory_space<vmem>>
      %dma_wait3A_306 = tpu.memref_squeeze %dma_wait3A_305 : memref<1x128xi32, #tpu.memory_space<vmem>> -> memref<128xi32, #tpu.memory_space<vmem>>
      %dma_wait3A_307 = arith.constant 0 : i32
      %dma_wait3A_308 = arith.constant 0 : i32
      %dma_wait3A_309 = tpu.memref_slice %arg13[%dma_wait3A_307, %dma_wait3A_308] : memref<10008x128xf32, #tpu.memory_space<vmem_shared>> -> memref<10008x128xf32, #tpu.memory_space<vmem_shared>>
      tpu.wait_indirect_dma semaphore(%run_scoped3A_297 : memref<!tpu.dma_semaphore, #tpu.memory_space<semaphore_mem>>) src(%arg12 : memref<128x128xf32, #tpu.memory_space<vmem>>) dst(%dma_wait3A_309 : memref<10008x128xf32, #tpu.memory_space<vmem_shared>>)
      tpu.yield
    }) : () -> ()
    %dma_wait3A_241 = arith.constant 0 : i32
    %dma_wait3A_242 = tpu.memref_slice %arg4[%add3A_195, %dma_wait3A_241] : memref<5120x128xi32, #tpu.memory_space<hbm>> -> memref<32x128xi32, #tpu.memory_space<hbm>>
    %dma_wait3A_243 = arith.constant 0 : i32
    %dma_wait3A_244 = tpu.memref_slice %arg4[%add3A_195, %dma_wait3A_243] : memref<5120x128xi32, #tpu.memory_space<hbm>> -> memref<32x128xi32, #tpu.memory_space<hbm>>
    tpu.wait_dma2 semaphore(%arg16 : memref<!tpu.dma_semaphore, #tpu.memory_space<semaphore_mem>>) src(%dma_wait3A_244 : memref<32x128xi32, #tpu.memory_space<hbm>>) dst(%arg7 : memref<32x128xi32, #tpu.memory_space<vmem>>)
    %dma_wait3A_245 = arith.constant 0 : i32
    %dma_wait3A_246 = tpu.memref_slice %arg5[%add3A_192, %dma_wait3A_245] : memref<2560x128xi32, #tpu.memory_space<hbm>> -> memref<32x128xi32, #tpu.memory_space<hbm>>
    %dma_wait3A_247 = arith.constant 0 : i32
    %dma_wait3A_248 = tpu.memref_slice %arg5[%add3A_192, %dma_wait3A_247] : memref<2560x128xi32, #tpu.memory_space<hbm>> -> memref<32x128xi32, #tpu.memory_space<hbm>>
    tpu.wait_dma2 semaphore(%arg16 : memref<!tpu.dma_semaphore, #tpu.memory_space<semaphore_mem>>) src(%dma_wait3A_248 : memref<32x128xi32, #tpu.memory_space<hbm>>) dst(%arg8 : memref<32x128xi32, #tpu.memory_space<vmem>>)
    %dma_start3A_249 = arith.constant 0 : i32
    %dma_start3A_250 = arith.constant 0 : i32
    %dma_start3A_251 = tpu.memref_slice %arg7[%dma_start3A_249, %dma_start3A_250] : memref<32x128xi32, #tpu.memory_space<vmem>> -> memref<1x128xi32, #tpu.memory_space<vmem>>
    %dma_start3A_252 = tpu.memref_squeeze %dma_start3A_251 : memref<1x128xi32, #tpu.memory_space<vmem>> -> memref<128xi32, #tpu.memory_space<vmem>>
    %dma_start3A_253 = arith.constant 0 : i32
    %dma_start3A_254 = arith.constant 0 : i32
    %dma_start3A_255 = tpu.memref_slice %arg2[%dma_start3A_253, %dma_start3A_254] : memref<20000x128xf32, #tpu.memory_space<hbm>> -> memref<20000x128xf32, #tpu.memory_space<hbm>>
    tpu.enqueue_indirect_dma source(%dma_start3A_255 : memref<20000x128xf32, #tpu.memory_space<hbm>>) target(%arg11 : memref<128x128xf32, #tpu.memory_space<vmem>>) offsets(%dma_start3A_252 : memref<128xi32, #tpu.memory_space<vmem>>) semaphore(%arg14 : memref<!tpu.dma_semaphore, #tpu.memory_space<semaphore_mem>>)
    %scan3A_256 = arith.constant 0 : i32
    %scan3A_257 = arith.constant 0 : i32
    %scan3A_258 = arith.constant 15 : i32
    %scan3A_259 = arith.addi %scan3A_257, %scan3A_258 : i32
    %scan3A_260 = arith.constant 1 : i32
    %scan3A_261 = scf.for %scan3A_297 = %scan3A_257 to %scan3A_259 step %scan3A_260 iter_args(%scan3A_298 = %scan3A_256) -> (i32)  : i32 {
      %mul3A_299 = arith.constant 2 : i32
      %mul3A_300 = arith.muli %mul3A_299, %scan3A_297 : i32
      %add3A_301 = arith.constant 1 : i32
      %add3A_302 = arith.addi %mul3A_300, %add3A_301 : i32
      %dma_start3A_303 = arith.constant 0 : i32
      %dma_start3A_304 = tpu.memref_slice %arg7[%add3A_302, %dma_start3A_303] : memref<32x128xi32, #tpu.memory_space<vmem>> -> memref<1x128xi32, #tpu.memory_space<vmem>>
      %dma_start3A_305 = tpu.memref_squeeze %dma_start3A_304 : memref<1x128xi32, #tpu.memory_space<vmem>> -> memref<128xi32, #tpu.memory_space<vmem>>
      %dma_start3A_306 = arith.constant 0 : i32
      %dma_start3A_307 = arith.constant 0 : i32
      %dma_start3A_308 = tpu.memref_slice %arg2[%dma_start3A_306, %dma_start3A_307] : memref<20000x128xf32, #tpu.memory_space<hbm>> -> memref<20000x128xf32, #tpu.memory_space<hbm>>
      tpu.enqueue_indirect_dma source(%dma_start3A_308 : memref<20000x128xf32, #tpu.memory_space<hbm>>) target(%arg12 : memref<128x128xf32, #tpu.memory_space<vmem>>) offsets(%dma_start3A_305 : memref<128xi32, #tpu.memory_space<vmem>>) semaphore(%arg15 : memref<!tpu.dma_semaphore, #tpu.memory_space<semaphore_mem>>)
      %mul3A_309 = arith.constant 2 : i32
      %mul3A_310 = arith.muli %mul3A_309, %scan3A_297 : i32
      %dma_wait3A_311 = arith.constant 0 : i32
      %dma_wait3A_312 = tpu.memref_slice %arg7[%mul3A_310, %dma_wait3A_311] : memref<32x128xi32, #tpu.memory_space<vmem>> -> memref<1x128xi32, #tpu.memory_space<vmem>>
      %dma_wait3A_313 = tpu.memref_squeeze %dma_wait3A_312 : memref<1x128xi32, #tpu.memory_space<vmem>> -> memref<128xi32, #tpu.memory_space<vmem>>
      %dma_wait3A_314 = arith.constant 0 : i32
      %dma_wait3A_315 = arith.constant 0 : i32
      %dma_wait3A_316 = tpu.memref_slice %arg2[%dma_wait3A_314, %dma_wait3A_315] : memref<20000x128xf32, #tpu.memory_space<hbm>> -> memref<20000x128xf32, #tpu.memory_space<hbm>>
      tpu.wait_indirect_dma semaphore(%arg14 : memref<!tpu.dma_semaphore, #tpu.memory_space<semaphore_mem>>) src(%dma_wait3A_316 : memref<20000x128xf32, #tpu.memory_space<hbm>>) dst(%arg11 : memref<128x128xf32, #tpu.memory_space<vmem>>)
      %mul3A_317 = arith.constant 2 : i32
      %mul3A_318 = arith.muli %mul3A_317, %scan3A_297 : i32
      "tpu.region"() ({
        %run_scoped3A_344 = tpu.sem_alloc : memref<!tpu.dma_semaphore, #tpu.memory_space<semaphore_mem>>
        %dma_start3A_345 = arith.constant 0 : i32
        %dma_start3A_346 = tpu.memref_slice %arg8[%mul3A_318, %dma_start3A_345] : memref<32x128xi32, #tpu.memory_space<vmem>> -> memref<1x128xi32, #tpu.memory_space<vmem>>
        %dma_start3A_347 = tpu.memref_squeeze %dma_start3A_346 : memref<1x128xi32, #tpu.memory_space<vmem>> -> memref<128xi32, #tpu.memory_space<vmem>>
        %dma_start3A_348 = arith.constant 0 : i32
        %dma_start3A_349 = arith.constant 0 : i32
        %dma_start3A_350 = tpu.memref_slice %arg13[%dma_start3A_348, %dma_start3A_349] : memref<10008x128xf32, #tpu.memory_space<vmem_shared>> -> memref<10008x128xf32, #tpu.memory_space<vmem_shared>>
        tpu.enqueue_indirect_dma source(%arg11 : memref<128x128xf32, #tpu.memory_space<vmem>>) target(%dma_start3A_350 : memref<10008x128xf32, #tpu.memory_space<vmem_shared>>) offsets(%dma_start3A_347 : memref<128xi32, #tpu.memory_space<vmem>>) semaphore(%run_scoped3A_344 : memref<!tpu.dma_semaphore, #tpu.memory_space<semaphore_mem>>) {add = true}
        %dma_wait3A_351 = arith.constant 0 : i32
        %dma_wait3A_352 = tpu.memref_slice %arg8[%mul3A_318, %dma_wait3A_351] : memref<32x128xi32, #tpu.memory_space<vmem>> -> memref<1x128xi32, #tpu.memory_space<vmem>>
        %dma_wait3A_353 = tpu.memref_squeeze %dma_wait3A_352 : memref<1x128xi32, #tpu.memory_space<vmem>> -> memref<128xi32, #tpu.memory_space<vmem>>
        %dma_wait3A_354 = arith.constant 0 : i32
        %dma_wait3A_355 = arith.constant 0 : i32
        %dma_wait3A_356 = tpu.memref_slice %arg13[%dma_wait3A_354, %dma_wait3A_355] : memref<10008x128xf32, #tpu.memory_space<vmem_shared>> -> memref<10008x128xf32, #tpu.memory_space<vmem_shared>>
        tpu.wait_indirect_dma semaphore(%run_scoped3A_344 : memref<!tpu.dma_semaphore, #tpu.memory_space<semaphore_mem>>) src(%arg11 : memref<128x128xf32, #tpu.memory_space<vmem>>) dst(%dma_wait3A_356 : memref<10008x128xf32, #tpu.memory_space<vmem_shared>>)
        tpu.yield
      }) : () -> ()
      %mul3A_319 = arith.constant 2 : i32
      %mul3A_320 = arith.muli %mul3A_319, %scan3A_297 : i32
      %add3A_321 = arith.constant 2 : i32
      %add3A_322 = arith.addi %mul3A_320, %add3A_321 : i32
      %dma_start3A_323 = arith.constant 0 : i32
      %dma_start3A_324 = tpu.memref_slice %arg7[%add3A_322, %dma_start3A_323] : memref<32x128xi32, #tpu.memory_space<vmem>> -> memref<1x128xi32, #tpu.memory_space<vmem>>
      %dma_start3A_325 = tpu.memref_squeeze %dma_start3A_324 : memref<1x128xi32, #tpu.memory_space<vmem>> -> memref<128xi32, #tpu.memory_space<vmem>>
      %dma_start3A_326 = arith.constant 0 : i32
      %dma_start3A_327 = arith.constant 0 : i32
      %dma_start3A_328 = tpu.memref_slice %arg2[%dma_start3A_326, %dma_start3A_327] : memref<20000x128xf32, #tpu.memory_space<hbm>> -> memref<20000x128xf32, #tpu.memory_space<hbm>>
      tpu.enqueue_indirect_dma source(%dma_start3A_328 : memref<20000x128xf32, #tpu.memory_space<hbm>>) target(%arg11 : memref<128x128xf32, #tpu.memory_space<vmem>>) offsets(%dma_start3A_325 : memref<128xi32, #tpu.memory_space<vmem>>) semaphore(%arg14 : memref<!tpu.dma_semaphore, #tpu.memory_space<semaphore_mem>>)
      %mul3A_329 = arith.constant 2 : i32
      %mul3A_330 = arith.muli %mul3A_329, %scan3A_297 : i32
      %add3A_331 = arith.constant 1 : i32
      %add3A_332 = arith.addi %mul3A_330, %add3A_331 : i32
      %dma_wait3A_333 = arith.constant 0 : i32
      %dma_wait3A_334 = tpu.memref_slice %arg7[%add3A_332, %dma_wait3A_333] : memref<32x128xi32, #tpu.memory_space<vmem>> -> memref<1x128xi32, #tpu.memory_space<vmem>>
      %dma_wait3A_335 = tpu.memref_squeeze %dma_wait3A_334 : memref<1x128xi32, #tpu.memory_space<vmem>> -> memref<128xi32, #tpu.memory_space<vmem>>
      %dma_wait3A_336 = arith.constant 0 : i32
      %dma_wait3A_337 = arith.constant 0 : i32
      %dma_wait3A_338 = tpu.memref_slice %arg2[%dma_wait3A_336, %dma_wait3A_337] : memref<20000x128xf32, #tpu.memory_space<hbm>> -> memref<20000x128xf32, #tpu.memory_space<hbm>>
      tpu.wait_indirect_dma semaphore(%arg15 : memref<!tpu.dma_semaphore, #tpu.memory_space<semaphore_mem>>) src(%dma_wait3A_338 : memref<20000x128xf32, #tpu.memory_space<hbm>>) dst(%arg12 : memref<128x128xf32, #tpu.memory_space<vmem>>)
      %mul3A_339 = arith.constant 2 : i32
      %mul3A_340 = arith.muli %mul3A_339, %scan3A_297 : i32
      %add3A_341 = arith.constant 1 : i32
      %add3A_342 = arith.addi %mul3A_340, %add3A_341 : i32
      "tpu.region"() ({
        %run_scoped3A_344 = tpu.sem_alloc : memref<!tpu.dma_semaphore, #tpu.memory_space<semaphore_mem>>
        %dma_start3A_345 = arith.constant 0 : i32
        %dma_start3A_346 = tpu.memref_slice %arg8[%add3A_342, %dma_start3A_345] : memref<32x128xi32, #tpu.memory_space<vmem>> -> memref<1x128xi32, #tpu.memory_space<vmem>>
        %dma_start3A_347 = tpu.memref_squeeze %dma_start3A_346 : memref<1x128xi32, #tpu.memory_space<vmem>> -> memref<128xi32, #tpu.memory_space<vmem>>
        %dma_start3A_348 = arith.constant 0 : i32
        %dma_start3A_349 = arith.constant 0 : i32
        %dma_start3A_350 = tpu.memref_slice %arg13[%dma_start3A_348, %dma_start3A_349] : memref<10008x128xf32, #tpu.memory_space<vmem_shared>> -> memref<10008x128xf32, #tpu.memory_space<vmem_shared>>
        tpu.enqueue_indirect_dma source(%arg12 : memref<128x128xf32, #tpu.memory_space<vmem>>) target(%dma_start3A_350 : memref<10008x128xf32, #tpu.memory_space<vmem_shared>>) offsets(%dma_start3A_347 : memref<128xi32, #tpu.memory_space<vmem>>) semaphore(%run_scoped3A_344 : memref<!tpu.dma_semaphore, #tpu.memory_space<semaphore_mem>>) {add = true}
        %dma_wait3A_351 = arith.constant 0 : i32
        %dma_wait3A_352 = tpu.memref_slice %arg8[%add3A_342, %dma_wait3A_351] : memref<32x128xi32, #tpu.memory_space<vmem>> -> memref<1x128xi32, #tpu.memory_space<vmem>>
        %dma_wait3A_353 = tpu.memref_squeeze %dma_wait3A_352 : memref<1x128xi32, #tpu.memory_space<vmem>> -> memref<128xi32, #tpu.memory_space<vmem>>
        %dma_wait3A_354 = arith.constant 0 : i32
        %dma_wait3A_355 = arith.constant 0 : i32
        %dma_wait3A_356 = tpu.memref_slice %arg13[%dma_wait3A_354, %dma_wait3A_355] : memref<10008x128xf32, #tpu.memory_space<vmem_shared>> -> memref<10008x128xf32, #tpu.memory_space<vmem_shared>>
        tpu.wait_indirect_dma semaphore(%run_scoped3A_344 : memref<!tpu.dma_semaphore, #tpu.memory_space<semaphore_mem>>) src(%arg12 : memref<128x128xf32, #tpu.memory_space<vmem>>) dst(%dma_wait3A_356 : memref<10008x128xf32, #tpu.memory_space<vmem_shared>>)
        tpu.yield
      }) : () -> ()
      %scan3A_343 = arith.constant 0 : i32
      scf.yield %scan3A_343 : i32
    }
    %scan3A_262 = arith.constant 15 : i32
    %dma_start3A_263 = arith.constant 31 : i32
    %dma_start3A_264 = arith.constant 0 : i32
    %dma_start3A_265 = tpu.memref_slice %arg7[%dma_start3A_263, %dma_start3A_264] : memref<32x128xi32, #tpu.memory_space<vmem>> -> memref<1x128xi32, #tpu.memory_space<vmem>>
    %dma_start3A_266 = tpu.memref_squeeze %dma_start3A_265 : memref<1x128xi32, #tpu.memory_space<vmem>> -> memref<128xi32, #tpu.memory_space<vmem>>
    %dma_start3A_267 = arith.constant 0 : i32
    %dma_start3A_268 = arith.constant 0 : i32
    %dma_start3A_269 = tpu.memref_slice %arg2[%dma_start3A_267, %dma_start3A_268] : memref<20000x128xf32, #tpu.memory_space<hbm>> -> memref<20000x128xf32, #tpu.memory_space<hbm>>
    tpu.enqueue_indirect_dma source(%dma_start3A_269 : memref<20000x128xf32, #tpu.memory_space<hbm>>) target(%arg12 : memref<128x128xf32, #tpu.memory_space<vmem>>) offsets(%dma_start3A_266 : memref<128xi32, #tpu.memory_space<vmem>>) semaphore(%arg15 : memref<!tpu.dma_semaphore, #tpu.memory_space<semaphore_mem>>)
    %dma_wait3A_270 = arith.constant 30 : i32
    %dma_wait3A_271 = arith.constant 0 : i32
    %dma_wait3A_272 = tpu.memref_slice %arg7[%dma_wait3A_270, %dma_wait3A_271] : memref<32x128xi32, #tpu.memory_space<vmem>> -> memref<1x128xi32, #tpu.memory_space<vmem>>
    %dma_wait3A_273 = tpu.memref_squeeze %dma_wait3A_272 : memref<1x128xi32, #tpu.memory_space<vmem>> -> memref<128xi32, #tpu.memory_space<vmem>>
    %dma_wait3A_274 = arith.constant 0 : i32
    %dma_wait3A_275 = arith.constant 0 : i32
    %dma_wait3A_276 = tpu.memref_slice %arg2[%dma_wait3A_274, %dma_wait3A_275] : memref<20000x128xf32, #tpu.memory_space<hbm>> -> memref<20000x128xf32, #tpu.memory_space<hbm>>
    tpu.wait_indirect_dma semaphore(%arg14 : memref<!tpu.dma_semaphore, #tpu.memory_space<semaphore_mem>>) src(%dma_wait3A_276 : memref<20000x128xf32, #tpu.memory_space<hbm>>) dst(%arg11 : memref<128x128xf32, #tpu.memory_space<vmem>>)
    %run_scoped3A_277 = arith.constant 30 : i32
    "tpu.region"() ({
      %run_scoped3A_297 = tpu.sem_alloc : memref<!tpu.dma_semaphore, #tpu.memory_space<semaphore_mem>>
      %dma_start3A_298 = arith.constant 0 : i32
      %dma_start3A_299 = tpu.memref_slice %arg8[%run_scoped3A_277, %dma_start3A_298] : memref<32x128xi32, #tpu.memory_space<vmem>> -> memref<1x128xi32, #tpu.memory_space<vmem>>
      %dma_start3A_300 = tpu.memref_squeeze %dma_start3A_299 : memref<1x128xi32, #tpu.memory_space<vmem>> -> memref<128xi32, #tpu.memory_space<vmem>>
      %dma_start3A_301 = arith.constant 0 : i32
      %dma_start3A_302 = arith.constant 0 : i32
      %dma_start3A_303 = tpu.memref_slice %arg13[%dma_start3A_301, %dma_start3A_302] : memref<10008x128xf32, #tpu.memory_space<vmem_shared>> -> memref<10008x128xf32, #tpu.memory_space<vmem_shared>>
      tpu.enqueue_indirect_dma source(%arg11 : memref<128x128xf32, #tpu.memory_space<vmem>>) target(%dma_start3A_303 : memref<10008x128xf32, #tpu.memory_space<vmem_shared>>) offsets(%dma_start3A_300 : memref<128xi32, #tpu.memory_space<vmem>>) semaphore(%run_scoped3A_297 : memref<!tpu.dma_semaphore, #tpu.memory_space<semaphore_mem>>) {add = true}
      %dma_wait3A_304 = arith.constant 0 : i32
      %dma_wait3A_305 = tpu.memref_slice %arg8[%run_scoped3A_277, %dma_wait3A_304] : memref<32x128xi32, #tpu.memory_space<vmem>> -> memref<1x128xi32, #tpu.memory_space<vmem>>
      %dma_wait3A_306 = tpu.memref_squeeze %dma_wait3A_305 : memref<1x128xi32, #tpu.memory_space<vmem>> -> memref<128xi32, #tpu.memory_space<vmem>>
      %dma_wait3A_307 = arith.constant 0 : i32
      %dma_wait3A_308 = arith.constant 0 : i32
      %dma_wait3A_309 = tpu.memref_slice %arg13[%dma_wait3A_307, %dma_wait3A_308] : memref<10008x128xf32, #tpu.memory_space<vmem_shared>> -> memref<10008x128xf32, #tpu.memory_space<vmem_shared>>
      tpu.wait_indirect_dma semaphore(%run_scoped3A_297 : memref<!tpu.dma_semaphore, #tpu.memory_space<semaphore_mem>>) src(%arg11 : memref<128x128xf32, #tpu.memory_space<vmem>>) dst(%dma_wait3A_309 : memref<10008x128xf32, #tpu.memory_space<vmem_shared>>)
      tpu.yield
    }) : () -> ()
    %dma_wait3A_278 = arith.constant 31 : i32
    %dma_wait3A_279 = arith.constant 0 : i32
    %dma_wait3A_280 = tpu.memref_slice %arg7[%dma_wait3A_278, %dma_wait3A_279] : memref<32x128xi32, #tpu.memory_space<vmem>> -> memref<1x128xi32, #tpu.memory_space<vmem>>
    %dma_wait3A_281 = tpu.memref_squeeze %dma_wait3A_280 : memref<1x128xi32, #tpu.memory_space<vmem>> -> memref<128xi32, #tpu.memory_space<vmem>>
    %dma_wait3A_282 = arith.constant 0 : i32
    %dma_wait3A_283 = arith.constant 0 : i32
    %dma_wait3A_284 = tpu.memref_slice %arg2[%dma_wait3A_282, %dma_wait3A_283] : memref<20000x128xf32, #tpu.memory_space<hbm>> -> memref<20000x128xf32, #tpu.memory_space<hbm>>
    tpu.wait_indirect_dma semaphore(%arg15 : memref<!tpu.dma_semaphore, #tpu.memory_space<semaphore_mem>>) src(%dma_wait3A_284 : memref<20000x128xf32, #tpu.memory_space<hbm>>) dst(%arg12 : memref<128x128xf32, #tpu.memory_space<vmem>>)
    %run_scoped3A_285 = arith.constant 31 : i32
    "tpu.region"() ({
      %run_scoped3A_297 = tpu.sem_alloc : memref<!tpu.dma_semaphore, #tpu.memory_space<semaphore_mem>>
      %dma_start3A_298 = arith.constant 0 : i32
      %dma_start3A_299 = tpu.memref_slice %arg8[%run_scoped3A_285, %dma_start3A_298] : memref<32x128xi32, #tpu.memory_space<vmem>> -> memref<1x128xi32, #tpu.memory_space<vmem>>
      %dma_start3A_300 = tpu.memref_squeeze %dma_start3A_299 : memref<1x128xi32, #tpu.memory_space<vmem>> -> memref<128xi32, #tpu.memory_space<vmem>>
      %dma_start3A_301 = arith.constant 0 : i32
      %dma_start3A_302 = arith.constant 0 : i32
      %dma_start3A_303 = tpu.memref_slice %arg13[%dma_start3A_301, %dma_start3A_302] : memref<10008x128xf32, #tpu.memory_space<vmem_shared>> -> memref<10008x128xf32, #tpu.memory_space<vmem_shared>>
      tpu.enqueue_indirect_dma source(%arg12 : memref<128x128xf32, #tpu.memory_space<vmem>>) target(%dma_start3A_303 : memref<10008x128xf32, #tpu.memory_space<vmem_shared>>) offsets(%dma_start3A_300 : memref<128xi32, #tpu.memory_space<vmem>>) semaphore(%run_scoped3A_297 : memref<!tpu.dma_semaphore, #tpu.memory_space<semaphore_mem>>) {add = true}
      %dma_wait3A_304 = arith.constant 0 : i32
      %dma_wait3A_305 = tpu.memref_slice %arg8[%run_scoped3A_285, %dma_wait3A_304] : memref<32x128xi32, #tpu.memory_space<vmem>> -> memref<1x128xi32, #tpu.memory_space<vmem>>
      %dma_wait3A_306 = tpu.memref_squeeze %dma_wait3A_305 : memref<1x128xi32, #tpu.memory_space<vmem>> -> memref<128xi32, #tpu.memory_space<vmem>>
      %dma_wait3A_307 = arith.constant 0 : i32
      %dma_wait3A_308 = arith.constant 0 : i32
      %dma_wait3A_309 = tpu.memref_slice %arg13[%dma_wait3A_307, %dma_wait3A_308] : memref<10008x128xf32, #tpu.memory_space<vmem_shared>> -> memref<10008x128xf32, #tpu.memory_space<vmem_shared>>
      tpu.wait_indirect_dma semaphore(%run_scoped3A_297 : memref<!tpu.dma_semaphore, #tpu.memory_space<semaphore_mem>>) src(%arg12 : memref<128x128xf32, #tpu.memory_space<vmem>>) dst(%dma_wait3A_309 : memref<10008x128xf32, #tpu.memory_space<vmem_shared>>)
      tpu.yield
    }) : () -> ()
    %barrier3A_286 = arith.constant 0 : index
    tpu.barrier barrier_id(%barrier3A_286)
    %lt3A_287 = arith.constant 15 : i32
    %lt3A_288 = arith.cmpi slt, %arg1, %lt3A_287 : i32
    %convert_element_type3A_289 = arith.extui %lt3A_288 : i1 to i32
    %cond3A_290 = arith.constant 0 : i32
    %cond3A_291 = arith.cmpi ne, %convert_element_type3A_289, %cond3A_290 : i32
    scf.if %cond3A_291 {
      %mul3A_297 = arith.constant 10000 : i32
      %mul3A_298 = arith.muli %arg0, %mul3A_297 : i32
      %add3A_299 = arith.addi %mul3A_298, %mul3A_0 : i32
      "tpu.region"() ({
        %run_scoped3A_300 = tpu.sem_alloc : memref<!tpu.dma_semaphore, #tpu.memory_space<semaphore_mem>>
        %dma_start3A_301 = arith.constant 0 : i32
        %dma_start3A_302 = tpu.memref_slice %arg6[%add3A_299, %dma_start3A_301] : memref<20000x128xf32, #tpu.memory_space<hbm>> -> memref<624x128xf32, #tpu.memory_space<hbm>>
        %dma_start3A_303 = arith.constant 0 : i32
        %dma_start3A_304 = tpu.memref_slice %arg13[%mul3A_0, %dma_start3A_303] : memref<10008x128xf32, #tpu.memory_space<vmem_shared>> -> memref<624x128xf32, #tpu.memory_space<vmem_shared>>
        tpu.enqueue_dma source(%dma_start3A_304 : memref<624x128xf32, #tpu.memory_space<vmem_shared>>) target(%dma_start3A_302 : memref<624x128xf32, #tpu.memory_space<hbm>>) target_semaphore(%run_scoped3A_300 : memref<!tpu.dma_semaphore, #tpu.memory_space<semaphore_mem>>)
        %dma_wait3A_305 = arith.constant 0 : i32
        %dma_wait3A_306 = tpu.memref_slice %arg6[%add3A_299, %dma_wait3A_305] : memref<20000x128xf32, #tpu.memory_space<hbm>> -> memref<624x128xf32, #tpu.memory_space<hbm>>
        %dma_wait3A_307 = arith.constant 0 : i32
        %dma_wait3A_308 = tpu.memref_slice %arg13[%mul3A_0, %dma_wait3A_307] : memref<10008x128xf32, #tpu.memory_space<vmem_shared>> -> memref<624x128xf32, #tpu.memory_space<vmem_shared>>
        tpu.wait_dma2 semaphore(%run_scoped3A_300 : memref<!tpu.dma_semaphore, #tpu.memory_space<semaphore_mem>>) src(%dma_wait3A_308 : memref<624x128xf32, #tpu.memory_space<vmem_shared>>) dst(%dma_wait3A_306 : memref<624x128xf32, #tpu.memory_space<hbm>>)
        tpu.yield
      }) : () -> ()
    } else {
    }
    %eq3A_292 = arith.constant 15 : i32
    %eq3A_293 = arith.cmpi eq, %arg1, %eq3A_292 : i32
    %convert_element_type3A_294 = arith.extui %eq3A_293 : i1 to i32
    %cond3A_295 = arith.constant 0 : i32
    %cond3A_296 = arith.cmpi ne, %convert_element_type3A_294, %cond3A_295 : i32
    scf.if %cond3A_296 {
      %mul3A_297 = arith.constant 10000 : i32
      %mul3A_298 = arith.muli %arg0, %mul3A_297 : i32
      %add3A_299 = arith.constant 9360 : i32
      %add3A_300 = arith.addi %mul3A_298, %add3A_299 : i32
      "tpu.region"() ({
        %run_scoped3A_301 = tpu.sem_alloc : memref<!tpu.dma_semaphore, #tpu.memory_space<semaphore_mem>>
        %dma_start3A_302 = arith.constant 0 : i32
        %dma_start3A_303 = tpu.memref_slice %arg6[%add3A_300, %dma_start3A_302] : memref<20000x128xf32, #tpu.memory_space<hbm>> -> memref<640x128xf32, #tpu.memory_space<hbm>>
        %dma_start3A_304 = arith.constant 9360 : i32
        %dma_start3A_305 = arith.constant 0 : i32
        %dma_start3A_306 = tpu.memref_slice %arg13[%dma_start3A_304, %dma_start3A_305] : memref<10008x128xf32, #tpu.memory_space<vmem_shared>> -> memref<640x128xf32, #tpu.memory_space<vmem_shared>>
        tpu.enqueue_dma source(%dma_start3A_306 : memref<640x128xf32, #tpu.memory_space<vmem_shared>>) target(%dma_start3A_303 : memref<640x128xf32, #tpu.memory_space<hbm>>) target_semaphore(%run_scoped3A_301 : memref<!tpu.dma_semaphore, #tpu.memory_space<semaphore_mem>>)
        %dma_wait3A_307 = arith.constant 0 : i32
        %dma_wait3A_308 = tpu.memref_slice %arg6[%add3A_300, %dma_wait3A_307] : memref<20000x128xf32, #tpu.memory_space<hbm>> -> memref<640x128xf32, #tpu.memory_space<hbm>>
        %dma_wait3A_309 = arith.constant 9360 : i32
        %dma_wait3A_310 = arith.constant 0 : i32
        %dma_wait3A_311 = tpu.memref_slice %arg13[%dma_wait3A_309, %dma_wait3A_310] : memref<10008x128xf32, #tpu.memory_space<vmem_shared>> -> memref<640x128xf32, #tpu.memory_space<vmem_shared>>
        tpu.wait_dma2 semaphore(%run_scoped3A_301 : memref<!tpu.dma_semaphore, #tpu.memory_space<semaphore_mem>>) src(%dma_wait3A_311 : memref<640x128xf32, #tpu.memory_space<vmem_shared>>) dst(%dma_wait3A_308 : memref<640x128xf32, #tpu.memory_space<hbm>>)
        tpu.yield
      }) : () -> ()
    } else {
    }
    return
  }
}

module attributes {stable_mosaic.version = 14 : i64} {
  func.func @_t1_body(%arg0: i32, %arg1: memref<2000x128xf32, #tpu.memory_space<vmem>>, %arg2: memref<128x128xf32, #tpu.memory_space<vmem>>, %arg3: memref<1x128xf32, #tpu.memory_space<vmem>>, %arg4: memref<128x128xf32, #tpu.memory_space<vmem>>, %arg5: memref<1x128xf32, #tpu.memory_space<vmem>>, %arg6: memref<128x128xf32, #tpu.memory_space<vmem>>, %arg7: memref<128x128xf32, #tpu.memory_space<vmem>>, %arg8: memref<128x128xf32, #tpu.memory_space<vmem>>, %arg9: memref<1x128xf32, #tpu.memory_space<vmem>>, %arg10: memref<1x1x2000xf32, #tpu.memory_space<vmem>>, %arg11: memref<2x2000x128xf32, #tpu.memory_space<vmem>>, %arg12: memref<2000x128xf32, #tpu.memory_space<vmem>>) attributes {dimension_semantics = [#tpu.dimension_semantics<arbitrary>], iteration_bounds = array<i64: 5>, scalar_prefetch = 0 : i64, scratch_operands = 0 : i64, tpu.core_type = #tpu.core_type<tc>, window_params = [{transform_indices = @transform_0, window_bounds = array<i64: 2000, 128>}, {pipeline_mode = #tpu.pipeline_mode<synchronous>, transform_indices = @transform_1, window_bounds = array<i64: 128, 128>}, {pipeline_mode = #tpu.pipeline_mode<synchronous>, transform_indices = @transform_2, window_bounds = array<i64: 1, 128>}, {pipeline_mode = #tpu.pipeline_mode<synchronous>, transform_indices = @transform_3, window_bounds = array<i64: 128, 128>}, {pipeline_mode = #tpu.pipeline_mode<synchronous>, transform_indices = @transform_4, window_bounds = array<i64: 1, 128>}, {pipeline_mode = #tpu.pipeline_mode<synchronous>, transform_indices = @transform_5, window_bounds = array<i64: 128, 128>}, {pipeline_mode = #tpu.pipeline_mode<synchronous>, transform_indices = @transform_6, window_bounds = array<i64: 128, 128>}, {pipeline_mode = #tpu.pipeline_mode<synchronous>, transform_indices = @transform_7, window_bounds = array<i64: 128, 128>}, {pipeline_mode = #tpu.pipeline_mode<synchronous>, transform_indices = @transform_8, window_bounds = array<i64: 1, 128>}, {transform_indices = @transform_9, window_bounds = array<i64: 1, 1, 2000>}, {transform_indices = @transform_10, window_bounds = array<i64: 2, 2000, 128>}, {transform_indices = @transform_11, window_bounds = array<i64: 2000, 128>}]} {
    %get3A = arith.constant 0 : index
    %get3A_0 = arith.constant 0 : index
    %get3A_1 = vector.load %arg1[%get3A, %get3A_0] : memref<2000x128xf32, #tpu.memory_space<vmem>>, vector<2000x128xf32>
    %get3A_2 = arith.constant 0 : index
    %get3A_3 = arith.constant 0 : index
    %get3A_4 = vector.load %arg2[%get3A_2, %get3A_3] : memref<128x128xf32, #tpu.memory_space<vmem>>, vector<128x128xf32>
    %dot_general3A = arith.constant dense<0.000000e+00> : vector<2000x128xf32>
    %dot_general3A_5 = tpu.matmul %get3A_1, %get3A_4, %dot_general3A {dimension_numbers = #tpu.dot_dimension_numbers<[1], [0], [0], [1], [0, 0, 1, 1], [], []>, transpose_lhs_hint = false} : vector<2000x128xf32>, vector<128x128xf32>, vector<2000x128xf32> -> vector<2000x128xf32>
    %get3A_6 = arith.constant 0 : index
    %get3A_7 = arith.constant 0 : index
    %get3A_8 = vector.load %arg3[%get3A_6, %get3A_7] : memref<1x128xf32, #tpu.memory_space<vmem>>, vector<1x128xf32>
    %add3A = vector.broadcast %get3A_8 : vector<1x128xf32> to vector<2000x128xf32>
    %add3A_9 = arith.addf %dot_general3A_5, %add3A : vector<2000x128xf32>
    %max3A = arith.constant 0.000000e+00 : f32
    %max3A_10 = vector.broadcast %max3A : f32 to vector<2000x128xf32>
    %max3A_11 = arith.maximumf %add3A_9, %max3A_10 : vector<2000x128xf32>
    %get3A_12 = arith.constant 0 : index
    %get3A_13 = arith.constant 0 : index
    %get3A_14 = vector.load %arg4[%get3A_12, %get3A_13] : memref<128x128xf32, #tpu.memory_space<vmem>>, vector<128x128xf32>
    %dot_general3A_15 = arith.constant dense<0.000000e+00> : vector<2000x128xf32>
    %dot_general3A_16 = tpu.matmul %max3A_11, %get3A_14, %dot_general3A_15 {dimension_numbers = #tpu.dot_dimension_numbers<[1], [0], [0], [1], [0, 0, 1, 1], [], []>, transpose_lhs_hint = false} : vector<2000x128xf32>, vector<128x128xf32>, vector<2000x128xf32> -> vector<2000x128xf32>
    %get3A_17 = arith.constant 0 : index
    %get3A_18 = arith.constant 0 : index
    %get3A_19 = vector.load %arg5[%get3A_17, %get3A_18] : memref<1x128xf32, #tpu.memory_space<vmem>>, vector<1x128xf32>
    %add3A_20 = vector.broadcast %get3A_19 : vector<1x128xf32> to vector<2000x128xf32>
    %add3A_21 = arith.addf %dot_general3A_16, %add3A_20 : vector<2000x128xf32>
    %get3A_22 = arith.constant 0 : index
    %get3A_23 = arith.constant 0 : index
    %get3A_24 = arith.constant 0 : index
    %get3A_25 = vector.load %arg10[%get3A_22, %get3A_23, %get3A_24] : memref<1x1x2000xf32, #tpu.memory_space<vmem>>, vector<1x1x2000xf32>
    %get3A_26 = vector.shape_cast %get3A_25 : vector<1x1x2000xf32> to vector<2000xf32>
    %get3A_27 = arith.constant 0 : index
    %get3A_28 = arith.constant 0 : index
    %get3A_29 = vector.load %arg6[%get3A_27, %get3A_28] : memref<128x128xf32, #tpu.memory_space<vmem>>, vector<128x128xf32>
    %get3A_30 = arith.constant 0 : index
    %get3A_31 = arith.constant 0 : index
    %get3A_32 = vector.load %arg7[%get3A_30, %get3A_31] : memref<128x128xf32, #tpu.memory_space<vmem>>, vector<128x128xf32>
    %get3A_33 = arith.constant 0 : index
    %get3A_34 = arith.constant 0 : index
    %get3A_35 = vector.load %arg8[%get3A_33, %get3A_34] : memref<128x128xf32, #tpu.memory_space<vmem>>, vector<128x128xf32>
    %get3A_36 = arith.constant 0 : index
    %get3A_37 = arith.constant 0 : index
    %get3A_38 = vector.load %arg9[%get3A_36, %get3A_37] : memref<1x128xf32, #tpu.memory_space<vmem>>, vector<1x128xf32>
    %add3A_39 = arith.constant 1.000000e+00 : f32
    %add3A_40 = vector.broadcast %add3A_39 : f32 to vector<2000xf32>
    %add3A_41 = arith.addf %get3A_26, %add3A_40 : vector<2000xf32>
    %rsqrt3A = math.rsqrt %add3A_41 : vector<2000xf32>
    %max3A_42 = arith.constant 1.000000e+00 : f32
    %max3A_43 = vector.broadcast %max3A_42 : f32 to vector<2000xf32>
    %max3A_44 = arith.maximumf %get3A_26, %max3A_43 : vector<2000xf32>
    %dot_general3A_45 = arith.constant dense<0.000000e+00> : vector<2000x128xf32>
    %dot_general3A_46 = tpu.matmul %add3A_21, %get3A_29, %dot_general3A_45 {dimension_numbers = #tpu.dot_dimension_numbers<[1], [0], [0], [1], [0, 0, 1, 1], [], []>, transpose_lhs_hint = false} : vector<2000x128xf32>, vector<128x128xf32>, vector<2000x128xf32> -> vector<2000x128xf32>
    %broadcast_in_dim3A = vector.shape_cast %rsqrt3A : vector<2000xf32> to vector<2000x1xf32>
    %mul3A = vector.broadcast %broadcast_in_dim3A : vector<2000x1xf32> to vector<2000x128xf32>
    %mul3A_47 = arith.mulf %dot_general3A_46, %mul3A : vector<2000x128xf32>
    %dot_general3A_48 = arith.constant dense<0.000000e+00> : vector<2000x128xf32>
    %dot_general3A_49 = tpu.matmul %add3A_21, %get3A_32, %dot_general3A_48 {dimension_numbers = #tpu.dot_dimension_numbers<[1], [0], [0], [1], [0, 0, 1, 1], [], []>, transpose_lhs_hint = false} : vector<2000x128xf32>, vector<128x128xf32>, vector<2000x128xf32> -> vector<2000x128xf32>
    %dot_general3A_50 = arith.constant dense<0.000000e+00> : vector<2000x128xf32>
    %dot_general3A_51 = tpu.matmul %add3A_21, %get3A_35, %dot_general3A_50 {dimension_numbers = #tpu.dot_dimension_numbers<[1], [0], [0], [1], [0, 0, 1, 1], [], []>, transpose_lhs_hint = false} : vector<2000x128xf32>, vector<128x128xf32>, vector<2000x128xf32> -> vector<2000x128xf32>
    %add3A_52 = vector.broadcast %get3A_38 : vector<1x128xf32> to vector<2000x128xf32>
    %add3A_53 = arith.addf %dot_general3A_51, %add3A_52 : vector<2000x128xf32>
    %broadcast_in_dim3A_54 = vector.shape_cast %max3A_44 : vector<2000xf32> to vector<2000x1xf32>
    %mul3A_55 = vector.broadcast %broadcast_in_dim3A_54 : vector<2000x1xf32> to vector<2000x128xf32>
    %mul3A_56 = arith.mulf %add3A_53, %mul3A_55 : vector<2000x128xf32>
    %swap3A = arith.constant 0 : index
    %swap3A_57 = arith.constant 0 : index
    %swap3A_58 = arith.constant 0 : index
    %swap3A_59 = vector.load %arg11[%swap3A, %swap3A_57, %swap3A_58] : memref<2x2000x128xf32, #tpu.memory_space<vmem>>, vector<1x2000x128xf32>
    %swap3A_60 = vector.shape_cast %swap3A_59 : vector<1x2000x128xf32> to vector<2000x128xf32>
    %swap3A_61 = vector.shape_cast %dot_general3A_49 : vector<2000x128xf32> to vector<1x2000x128xf32>
    tpu.vector_store %arg11[%swap3A, %swap3A_57, %swap3A_58], %swap3A_61 {strides = array<i32>} : memref<2x2000x128xf32, #tpu.memory_space<vmem>>, vector<1x2000x128xf32>,
    %swap3A_62 = arith.constant 1 : index
    %swap3A_63 = arith.constant 0 : index
    %swap3A_64 = arith.constant 0 : index
    %swap3A_65 = vector.load %arg11[%swap3A_62, %swap3A_63, %swap3A_64] : memref<2x2000x128xf32, #tpu.memory_space<vmem>>, vector<1x2000x128xf32>
    %swap3A_66 = vector.shape_cast %swap3A_65 : vector<1x2000x128xf32> to vector<2000x128xf32>
    %swap3A_67 = vector.shape_cast %mul3A_47 : vector<2000x128xf32> to vector<1x2000x128xf32>
    tpu.vector_store %arg11[%swap3A_62, %swap3A_63, %swap3A_64], %swap3A_67 {strides = array<i32>} : memref<2x2000x128xf32, #tpu.memory_space<vmem>>, vector<1x2000x128xf32>,
    %swap3A_68 = arith.constant 0 : index
    %swap3A_69 = arith.constant 0 : index
    %swap3A_70 = vector.load %arg12[%swap3A_68, %swap3A_69] : memref<2000x128xf32, #tpu.memory_space<vmem>>, vector<2000x128xf32>
    tpu.vector_store %arg12[%swap3A_68, %swap3A_69], %mul3A_56 {strides = array<i32>} : memref<2000x128xf32, #tpu.memory_space<vmem>>, vector<2000x128xf32>,
    return
  }
  func.func @transform_0(%arg0: i32) -> (i32, i32) {
    %c0_i32 = arith.constant 0 : i32
    %c0_i32_0 = arith.constant 0 : i32
    return %arg0, %c0_i32 : i32, i32
  }
  func.func @transform_1(%arg0: i32) -> (i32, i32) {
    %c0_i32 = arith.constant 0 : i32
    %c0_i32_0 = arith.constant 0 : i32
    %c0_i32_1 = arith.constant 0 : i32
    return %c0_i32, %c0_i32_0 : i32, i32
  }
  func.func @transform_2(%arg0: i32) -> (i32, i32) {
    %c0_i32 = arith.constant 0 : i32
    %c0_i32_0 = arith.constant 0 : i32
    %c0_i32_1 = arith.constant 0 : i32
    return %c0_i32, %c0_i32_0 : i32, i32
  }
  func.func @transform_3(%arg0: i32) -> (i32, i32) {
    %c0_i32 = arith.constant 0 : i32
    %c0_i32_0 = arith.constant 0 : i32
    %c0_i32_1 = arith.constant 0 : i32
    return %c0_i32, %c0_i32_0 : i32, i32
  }
  func.func @transform_4(%arg0: i32) -> (i32, i32) {
    %c0_i32 = arith.constant 0 : i32
    %c0_i32_0 = arith.constant 0 : i32
    %c0_i32_1 = arith.constant 0 : i32
    return %c0_i32, %c0_i32_0 : i32, i32
  }
  func.func @transform_5(%arg0: i32) -> (i32, i32) {
    %c0_i32 = arith.constant 0 : i32
    %c0_i32_0 = arith.constant 0 : i32
    %c0_i32_1 = arith.constant 0 : i32
    return %c0_i32, %c0_i32_0 : i32, i32
  }
  func.func @transform_6(%arg0: i32) -> (i32, i32) {
    %c0_i32 = arith.constant 0 : i32
    %c0_i32_0 = arith.constant 0 : i32
    %c0_i32_1 = arith.constant 0 : i32
    return %c0_i32, %c0_i32_0 : i32, i32
  }
  func.func @transform_7(%arg0: i32) -> (i32, i32) {
    %c0_i32 = arith.constant 0 : i32
    %c0_i32_0 = arith.constant 0 : i32
    %c0_i32_1 = arith.constant 0 : i32
    return %c0_i32, %c0_i32_0 : i32, i32
  }
  func.func @transform_8(%arg0: i32) -> (i32, i32) {
    %c0_i32 = arith.constant 0 : i32
    %c0_i32_0 = arith.constant 0 : i32
    %c0_i32_1 = arith.constant 0 : i32
    return %c0_i32, %c0_i32_0 : i32, i32
  }
  func.func @transform_9(%arg0: i32) -> (i32, i32, i32) {
    %c0_i32 = arith.constant 0 : i32
    %c0_i32_0 = arith.constant 0 : i32
    %c0_i32_1 = arith.constant 0 : i32
    return %arg0, %c0_i32, %c0_i32_0 : i32, i32, i32
  }
  func.func @transform_10(%arg0: i32) -> (i32, i32, i32) {
    %c0_i32 = arith.constant 0 : i32
    %c0_i32_0 = arith.constant 0 : i32
    %c0_i32_1 = arith.constant 0 : i32
    return %c0_i32, %arg0, %c0_i32_0 : i32, i32, i32
  }
  func.func @transform_11(%arg0: i32) -> (i32, i32) {
    %c0_i32 = arith.constant 0 : i32
    %c0_i32_0 = arith.constant 0 : i32
    return %arg0, %c0_i32 : i32, i32
  }
}

module attributes {stable_mosaic.version = 14 : i64} {
  func.func @_t2_body(%arg0: i32, %arg1: memref<2x2000x128xf32, #tpu.memory_space<vmem>>, %arg2: memref<1x1x2000xf32, #tpu.memory_space<vmem>>, %arg3: memref<16x128xf32, #tpu.memory_space<vmem>>, %arg4: memref<128x128xf32, #tpu.memory_space<vmem>>, %arg5: memref<128x128xf32, #tpu.memory_space<vmem>>, %arg6: memref<128x128xf32, #tpu.memory_space<vmem>>, %arg7: memref<1x128xf32, #tpu.memory_space<vmem>>, %arg8: memref<2000x128xf32, #tpu.memory_space<vmem>>, %arg9: memref<2x2000x128xf32, #tpu.memory_space<vmem>>, %arg10: memref<2000x128xf32, #tpu.memory_space<vmem>>) attributes {dimension_semantics = [#tpu.dimension_semantics<arbitrary>], iteration_bounds = array<i64: 5>, scalar_prefetch = 0 : i64, scratch_operands = 0 : i64, tpu.core_type = #tpu.core_type<tc>, window_params = [{transform_indices = @transform_0, window_bounds = array<i64: 2, 2000, 128>}, {transform_indices = @transform_1, window_bounds = array<i64: 1, 1, 2000>}, {pipeline_mode = #tpu.pipeline_mode<synchronous>, transform_indices = @transform_2, window_bounds = array<i64: 16, 128>}, {pipeline_mode = #tpu.pipeline_mode<synchronous>, transform_indices = @transform_3, window_bounds = array<i64: 128, 128>}, {pipeline_mode = #tpu.pipeline_mode<synchronous>, transform_indices = @transform_4, window_bounds = array<i64: 128, 128>}, {pipeline_mode = #tpu.pipeline_mode<synchronous>, transform_indices = @transform_5, window_bounds = array<i64: 128, 128>}, {pipeline_mode = #tpu.pipeline_mode<synchronous>, transform_indices = @transform_6, window_bounds = array<i64: 1, 128>}, {transform_indices = @transform_7, window_bounds = array<i64: 2000, 128>}, {transform_indices = @transform_8, window_bounds = array<i64: 2, 2000, 128>}, {transform_indices = @transform_9, window_bounds = array<i64: 2000, 128>}]} {
    %get3A = arith.constant 0 : index
    %get3A_0 = arith.constant 0 : index
    %get3A_1 = arith.constant 0 : index
    %get3A_2 = vector.load %arg1[%get3A, %get3A_0, %get3A_1] : memref<2x2000x128xf32, #tpu.memory_space<vmem>>, vector<1x2000x128xf32>
    %get3A_3 = vector.shape_cast %get3A_2 : vector<1x2000x128xf32> to vector<2000x128xf32>
    %get3A_4 = arith.constant 1 : index
    %get3A_5 = arith.constant 0 : index
    %get3A_6 = arith.constant 0 : index
    %get3A_7 = vector.load %arg1[%get3A_4, %get3A_5, %get3A_6] : memref<2x2000x128xf32, #tpu.memory_space<vmem>>, vector<1x2000x128xf32>
    %get3A_8 = vector.shape_cast %get3A_7 : vector<1x2000x128xf32> to vector<2000x128xf32>
    %get3A_9 = arith.constant 0 : index
    %get3A_10 = arith.constant 0 : index
    %get3A_11 = arith.constant 0 : index
    %get3A_12 = vector.load %arg2[%get3A_9, %get3A_10, %get3A_11] : memref<1x1x2000xf32, #tpu.memory_space<vmem>>, vector<1x1x2000xf32>
    %get3A_13 = vector.shape_cast %get3A_12 : vector<1x1x2000xf32> to vector<2000xf32>
    %add3A = arith.constant 1.000000e+00 : f32
    %add3A_14 = vector.broadcast %add3A : f32 to vector<2000xf32>
    %add3A_15 = arith.addf %get3A_13, %add3A_14 : vector<2000xf32>
    %rsqrt3A = math.rsqrt %add3A_15 : vector<2000xf32>
    %max3A = arith.constant 1.000000e+00 : f32
    %max3A_16 = vector.broadcast %max3A : f32 to vector<2000xf32>
    %max3A_17 = arith.maximumf %get3A_13, %max3A_16 : vector<2000xf32>
    %div3A = arith.constant 1.000000e+00 : f32
    %div3A_18 = vector.broadcast %div3A : f32 to vector<2000xf32>
    %div3A_19 = arith.divf %div3A_18, %max3A_17 : vector<2000xf32>
    %get3A_20 = arith.constant 0 : index
    %get3A_21 = arith.constant 0 : index
    %get3A_22 = vector.load %arg3[%get3A_20, %get3A_21] : memref<16x128xf32, #tpu.memory_space<vmem>>, vector<16x128xf32>
    %slice3A = vector.extract_strided_slice %get3A_22 {offsets = [0, 0], sizes = [1, 128], strides = [1, 1]} : vector<16x128xf32> to vector<1x128xf32>
    %slice3A_23 = vector.extract_strided_slice %get3A_22 {offsets = [1, 0], sizes = [1, 128], strides = [1, 1]} : vector<16x128xf32> to vector<1x128xf32>
    %slice3A_24 = vector.extract_strided_slice %get3A_22 {offsets = [2, 0], sizes = [1, 128], strides = [1, 1]} : vector<16x128xf32> to vector<1x128xf32>
    %slice3A_25 = vector.extract_strided_slice %get3A_22 {offsets = [3, 0], sizes = [1, 128], strides = [1, 1]} : vector<16x128xf32> to vector<1x128xf32>
    %slice3A_26 = vector.extract_strided_slice %get3A_22 {offsets = [4, 0], sizes = [1, 128], strides = [1, 1]} : vector<16x128xf32> to vector<1x128xf32>
    %slice3A_27 = vector.extract_strided_slice %get3A_22 {offsets = [5, 0], sizes = [1, 128], strides = [1, 1]} : vector<16x128xf32> to vector<1x128xf32>
    %slice3A_28 = vector.extract_strided_slice %get3A_22 {offsets = [6, 0], sizes = [1, 128], strides = [1, 1]} : vector<16x128xf32> to vector<1x128xf32>
    %slice3A_29 = vector.extract_strided_slice %get3A_22 {offsets = [7, 0], sizes = [1, 128], strides = [1, 1]} : vector<16x128xf32> to vector<1x128xf32>
    %slice3A_30 = vector.extract_strided_slice %get3A_22 {offsets = [8, 0], sizes = [1, 128], strides = [1, 1]} : vector<16x128xf32> to vector<1x128xf32>
    %broadcast_in_dim3A = vector.shape_cast %rsqrt3A : vector<2000xf32> to vector<2000x1xf32>
    %mul3A = vector.broadcast %broadcast_in_dim3A : vector<2000x1xf32> to vector<2000x128xf32>
    %mul3A_31 = arith.mulf %get3A_8, %mul3A : vector<2000x128xf32>
    %add3A_32 = vector.broadcast %slice3A : vector<1x128xf32> to vector<2000x128xf32>
    %add3A_33 = arith.addf %mul3A_31, %add3A_32 : vector<2000x128xf32>
    %mul3A_34 = vector.broadcast %slice3A_25 : vector<1x128xf32> to vector<2000x128xf32>
    %mul3A_35 = arith.mulf %mul3A_34, %add3A_33 : vector<2000x128xf32>
    %broadcast_in_dim3A_36 = vector.shape_cast %div3A_19 : vector<2000xf32> to vector<2000x1xf32>
    %mul3A_37 = vector.broadcast %broadcast_in_dim3A_36 : vector<2000x1xf32> to vector<2000x128xf32>
    %mul3A_38 = arith.mulf %get3A_3, %mul3A_37 : vector<2000x128xf32>
    %mul3A_39 = vector.broadcast %slice3A_26 : vector<1x128xf32> to vector<2000x128xf32>
    %mul3A_40 = arith.mulf %mul3A_39, %mul3A_38 : vector<2000x128xf32>
    %add3A_41 = arith.addf %mul3A_35, %mul3A_40 : vector<2000x128xf32>
    %reduce_sum3A = arith.constant dense<0.000000e+00> : vector<2000xf32>
    %reduce_sum3A_42 = vector.multi_reduction <add>, %add3A_41, %reduce_sum3A [1] : vector<2000x128xf32> to vector<2000xf32>
    %broadcast_in_dim3A_43 = vector.shape_cast %reduce_sum3A_42 : vector<2000xf32> to vector<2000x1xf32>
    %div3A_44 = arith.constant 1.280000e+02 : f32
    %div3A_45 = vector.broadcast %div3A_44 : f32 to vector<2000x1xf32>
    %div3A_46 = arith.divf %broadcast_in_dim3A_43, %div3A_45 : vector<2000x1xf32>
    %sub3A = vector.broadcast %div3A_46 : vector<2000x1xf32> to vector<2000x128xf32>
    %sub3A_47 = arith.subf %add3A_41, %sub3A : vector<2000x128xf32>
    %mul3A_48 = arith.mulf %sub3A_47, %sub3A_47 : vector<2000x128xf32>
    %reduce_sum3A_49 = arith.constant dense<0.000000e+00> : vector<2000xf32>
    %reduce_sum3A_50 = vector.multi_reduction <add>, %mul3A_48, %reduce_sum3A_49 [1] : vector<2000x128xf32> to vector<2000xf32>
    %broadcast_in_dim3A_51 = vector.shape_cast %reduce_sum3A_50 : vector<2000xf32> to vector<2000x1xf32>
    %div3A_52 = arith.constant 1.280000e+02 : f32
    %div3A_53 = vector.broadcast %div3A_52 : f32 to vector<2000x1xf32>
    %div3A_54 = arith.divf %broadcast_in_dim3A_51, %div3A_53 : vector<2000x1xf32>
    %add3A_55 = arith.constant 9.99999974E-6 : f32
    %add3A_56 = vector.broadcast %add3A_55 : f32 to vector<2000x1xf32>
    %add3A_57 = arith.addf %div3A_54, %add3A_56 : vector<2000x1xf32>
    %rsqrt3A_58 = math.rsqrt %add3A_57 : vector<2000x1xf32>
    %mul3A_59 = vector.broadcast %rsqrt3A_58 : vector<2000x1xf32> to vector<2000x128xf32>
    %mul3A_60 = arith.mulf %sub3A_47, %mul3A_59 : vector<2000x128xf32>
    %mul3A_61 = vector.broadcast %slice3A_23 : vector<1x128xf32> to vector<2000x128xf32>
    %mul3A_62 = arith.mulf %mul3A_60, %mul3A_61 : vector<2000x128xf32>
    %add3A_63 = vector.broadcast %slice3A_24 : vector<1x128xf32> to vector<2000x128xf32>
    %add3A_64 = arith.addf %mul3A_62, %add3A_63 : vector<2000x128xf32>
    %mul3A_65 = vector.broadcast %slice3A_27 : vector<1x128xf32> to vector<2000x128xf32>
    %mul3A_66 = arith.mulf %mul3A_65, %add3A_64 : vector<2000x128xf32>
    %mul3A_67 = vector.broadcast %slice3A_28 : vector<1x128xf32> to vector<2000x128xf32>
    %mul3A_68 = arith.mulf %mul3A_67, %add3A_41 : vector<2000x128xf32>
    %add3A_69 = arith.addf %mul3A_66, %mul3A_68 : vector<2000x128xf32>
    %max3A_70 = arith.constant 0.000000e+00 : f32
    %max3A_71 = vector.broadcast %max3A_70 : f32 to vector<2000x128xf32>
    %max3A_72 = arith.maximumf %add3A_69, %max3A_71 : vector<2000x128xf32>
    %mul3A_73 = vector.broadcast %slice3A_29 : vector<1x128xf32> to vector<2000x128xf32>
    %mul3A_74 = arith.mulf %mul3A_73, %max3A_72 : vector<2000x128xf32>
    %tanh3A = math.tanh %add3A_69 : vector<2000x128xf32>
    %mul3A_75 = vector.broadcast %slice3A_30 : vector<1x128xf32> to vector<2000x128xf32>
    %mul3A_76 = arith.mulf %mul3A_75, %tanh3A : vector<2000x128xf32>
    %add3A_77 = arith.addf %mul3A_74, %mul3A_76 : vector<2000x128xf32>
    %swap3A = arith.constant 0 : index
    %swap3A_78 = arith.constant 0 : index
    %swap3A_79 = vector.load %arg8[%swap3A, %swap3A_78] : memref<2000x128xf32, #tpu.memory_space<vmem>>, vector<2000x128xf32>
    tpu.vector_store %arg8[%swap3A, %swap3A_78], %add3A_77 {strides = array<i32>} : memref<2000x128xf32, #tpu.memory_space<vmem>>, vector<2000x128xf32>,
    %get3A_80 = arith.constant 0 : index
    %get3A_81 = arith.constant 0 : index
    %get3A_82 = arith.constant 0 : index
    %get3A_83 = vector.load %arg2[%get3A_80, %get3A_81, %get3A_82] : memref<1x1x2000xf32, #tpu.memory_space<vmem>>, vector<1x1x2000xf32>
    %get3A_84 = vector.shape_cast %get3A_83 : vector<1x1x2000xf32> to vector<2000xf32>
    %get3A_85 = arith.constant 0 : index
    %get3A_86 = arith.constant 0 : index
    %get3A_87 = vector.load %arg4[%get3A_85, %get3A_86] : memref<128x128xf32, #tpu.memory_space<vmem>>, vector<128x128xf32>
    %get3A_88 = arith.constant 0 : index
    %get3A_89 = arith.constant 0 : index
    %get3A_90 = vector.load %arg5[%get3A_88, %get3A_89] : memref<128x128xf32, #tpu.memory_space<vmem>>, vector<128x128xf32>
    %get3A_91 = arith.constant 0 : index
    %get3A_92 = arith.constant 0 : index
    %get3A_93 = vector.load %arg6[%get3A_91, %get3A_92] : memref<128x128xf32, #tpu.memory_space<vmem>>, vector<128x128xf32>
    %get3A_94 = arith.constant 0 : index
    %get3A_95 = arith.constant 0 : index
    %get3A_96 = vector.load %arg7[%get3A_94, %get3A_95] : memref<1x128xf32, #tpu.memory_space<vmem>>, vector<1x128xf32>
    %add3A_97 = arith.constant 1.000000e+00 : f32
    %add3A_98 = vector.broadcast %add3A_97 : f32 to vector<2000xf32>
    %add3A_99 = arith.addf %get3A_84, %add3A_98 : vector<2000xf32>
    %rsqrt3A_100 = math.rsqrt %add3A_99 : vector<2000xf32>
    %max3A_101 = arith.constant 1.000000e+00 : f32
    %max3A_102 = vector.broadcast %max3A_101 : f32 to vector<2000xf32>
    %max3A_103 = arith.maximumf %get3A_84, %max3A_102 : vector<2000xf32>
    %dot_general3A = arith.constant dense<0.000000e+00> : vector<2000x128xf32>
    %dot_general3A_104 = tpu.matmul %add3A_77, %get3A_87, %dot_general3A {dimension_numbers = #tpu.dot_dimension_numbers<[1], [0], [0], [1], [0, 0, 1, 1], [], []>, transpose_lhs_hint = false} : vector<2000x128xf32>, vector<128x128xf32>, vector<2000x128xf32> -> vector<2000x128xf32>
    %broadcast_in_dim3A_105 = vector.shape_cast %rsqrt3A_100 : vector<2000xf32> to vector<2000x1xf32>
    %mul3A_106 = vector.broadcast %broadcast_in_dim3A_105 : vector<2000x1xf32> to vector<2000x128xf32>
    %mul3A_107 = arith.mulf %dot_general3A_104, %mul3A_106 : vector<2000x128xf32>
    %dot_general3A_108 = arith.constant dense<0.000000e+00> : vector<2000x128xf32>
    %dot_general3A_109 = tpu.matmul %add3A_77, %get3A_90, %dot_general3A_108 {dimension_numbers = #tpu.dot_dimension_numbers<[1], [0], [0], [1], [0, 0, 1, 1], [], []>, transpose_lhs_hint = false} : vector<2000x128xf32>, vector<128x128xf32>, vector<2000x128xf32> -> vector<2000x128xf32>
    %dot_general3A_110 = arith.constant dense<0.000000e+00> : vector<2000x128xf32>
    %dot_general3A_111 = tpu.matmul %add3A_77, %get3A_93, %dot_general3A_110 {dimension_numbers = #tpu.dot_dimension_numbers<[1], [0], [0], [1], [0, 0, 1, 1], [], []>, transpose_lhs_hint = false} : vector<2000x128xf32>, vector<128x128xf32>, vector<2000x128xf32> -> vector<2000x128xf32>
    %add3A_112 = vector.broadcast %get3A_96 : vector<1x128xf32> to vector<2000x128xf32>
    %add3A_113 = arith.addf %dot_general3A_111, %add3A_112 : vector<2000x128xf32>
    %broadcast_in_dim3A_114 = vector.shape_cast %max3A_103 : vector<2000xf32> to vector<2000x1xf32>
    %mul3A_115 = vector.broadcast %broadcast_in_dim3A_114 : vector<2000x1xf32> to vector<2000x128xf32>
    %mul3A_116 = arith.mulf %add3A_113, %mul3A_115 : vector<2000x128xf32>
    %swap3A_117 = arith.constant 0 : index
    %swap3A_118 = arith.constant 0 : index
    %swap3A_119 = arith.constant 0 : index
    %swap3A_120 = vector.load %arg9[%swap3A_117, %swap3A_118, %swap3A_119] : memref<2x2000x128xf32, #tpu.memory_space<vmem>>, vector<1x2000x128xf32>
    %swap3A_121 = vector.shape_cast %swap3A_120 : vector<1x2000x128xf32> to vector<2000x128xf32>
    %swap3A_122 = vector.shape_cast %dot_general3A_109 : vector<2000x128xf32> to vector<1x2000x128xf32>
    tpu.vector_store %arg9[%swap3A_117, %swap3A_118, %swap3A_119], %swap3A_122 {strides = array<i32>} : memref<2x2000x128xf32, #tpu.memory_space<vmem>>, vector<1x2000x128xf32>,
    %swap3A_123 = arith.constant 1 : index
    %swap3A_124 = arith.constant 0 : index
    %swap3A_125 = arith.constant 0 : index
    %swap3A_126 = vector.load %arg9[%swap3A_123, %swap3A_124, %swap3A_125] : memref<2x2000x128xf32, #tpu.memory_space<vmem>>, vector<1x2000x128xf32>
    %swap3A_127 = vector.shape_cast %swap3A_126 : vector<1x2000x128xf32> to vector<2000x128xf32>
    %swap3A_128 = vector.shape_cast %mul3A_107 : vector<2000x128xf32> to vector<1x2000x128xf32>
    tpu.vector_store %arg9[%swap3A_123, %swap3A_124, %swap3A_125], %swap3A_128 {strides = array<i32>} : memref<2x2000x128xf32, #tpu.memory_space<vmem>>, vector<1x2000x128xf32>,
    %swap3A_129 = arith.constant 0 : index
    %swap3A_130 = arith.constant 0 : index
    %swap3A_131 = vector.load %arg10[%swap3A_129, %swap3A_130] : memref<2000x128xf32, #tpu.memory_space<vmem>>, vector<2000x128xf32>
    tpu.vector_store %arg10[%swap3A_129, %swap3A_130], %mul3A_116 {strides = array<i32>} : memref<2000x128xf32, #tpu.memory_space<vmem>>, vector<2000x128xf32>,
    return
  }
  func.func @transform_0(%arg0: i32) -> (i32, i32, i32) {
    %c0_i32 = arith.constant 0 : i32
    %c0_i32_0 = arith.constant 0 : i32
    %c0_i32_1 = arith.constant 0 : i32
    return %c0_i32, %arg0, %c0_i32_0 : i32, i32, i32
  }
  func.func @transform_1(%arg0: i32) -> (i32, i32, i32) {
    %c0_i32 = arith.constant 0 : i32
    %c0_i32_0 = arith.constant 0 : i32
    %c0_i32_1 = arith.constant 0 : i32
    return %arg0, %c0_i32, %c0_i32_0 : i32, i32, i32
  }
  func.func @transform_2(%arg0: i32) -> (i32, i32) {
    %c0_i32 = arith.constant 0 : i32
    %c0_i32_0 = arith.constant 0 : i32
    %c0_i32_1 = arith.constant 0 : i32
    return %c0_i32, %c0_i32_0 : i32, i32
  }
  func.func @transform_3(%arg0: i32) -> (i32, i32) {
    %c0_i32 = arith.constant 0 : i32
    %c0_i32_0 = arith.constant 0 : i32
    %c0_i32_1 = arith.constant 0 : i32
    return %c0_i32, %c0_i32_0 : i32, i32
  }
  func.func @transform_4(%arg0: i32) -> (i32, i32) {
    %c0_i32 = arith.constant 0 : i32
    %c0_i32_0 = arith.constant 0 : i32
    %c0_i32_1 = arith.constant 0 : i32
    return %c0_i32, %c0_i32_0 : i32, i32
  }
  func.func @transform_5(%arg0: i32) -> (i32, i32) {
    %c0_i32 = arith.constant 0 : i32
    %c0_i32_0 = arith.constant 0 : i32
    %c0_i32_1 = arith.constant 0 : i32
    return %c0_i32, %c0_i32_0 : i32, i32
  }
  func.func @transform_6(%arg0: i32) -> (i32, i32) {
    %c0_i32 = arith.constant 0 : i32
    %c0_i32_0 = arith.constant 0 : i32
    %c0_i32_1 = arith.constant 0 : i32
    return %c0_i32, %c0_i32_0 : i32, i32
  }
  func.func @transform_7(%arg0: i32) -> (i32, i32) {
    %c0_i32 = arith.constant 0 : i32
    %c0_i32_0 = arith.constant 0 : i32
    return %arg0, %c0_i32 : i32, i32
  }
  func.func @transform_8(%arg0: i32) -> (i32, i32, i32) {
    %c0_i32 = arith.constant 0 : i32
    %c0_i32_0 = arith.constant 0 : i32
    %c0_i32_1 = arith.constant 0 : i32
    return %c0_i32, %arg0, %c0_i32_0 : i32, i32, i32
  }
  func.func @transform_9(%arg0: i32) -> (i32, i32) {
    %c0_i32 = arith.constant 0 : i32
    %c0_i32_0 = arith.constant 0 : i32
    return %arg0, %c0_i32 : i32, i32
  }
}

module attributes {stable_mosaic.version = 14 : i64} {
  func.func @_t3_body(%arg0: i32, %arg1: memref<2x2000x128xf32, #tpu.memory_space<vmem>>, %arg2: memref<1x1x2000xf32, #tpu.memory_space<vmem>>, %arg3: memref<16x128xf32, #tpu.memory_space<vmem>>, %arg4: memref<2000x128xf32, #tpu.memory_space<vmem>>, %arg5: memref<1x1x2000xi32, #tpu.memory_space<vmem>>, %arg6: memref<128x128xf32, #tpu.memory_space<vmem>>, %arg7: memref<1x128xf32, #tpu.memory_space<vmem>>, %arg8: memref<128x128xf32, #tpu.memory_space<vmem>>, %arg9: memref<1x128xf32, #tpu.memory_space<vmem>>, %arg10: memref<128x128xf32, #tpu.memory_space<vmem>>, %arg11: memref<128x128xf32, #tpu.memory_space<vmem>>) attributes {dimension_semantics = [#tpu.dimension_semantics<arbitrary>], iteration_bounds = array<i64: 5>, scalar_prefetch = 0 : i64, scratch_operands = 1 : i64, tpu.core_type = #tpu.core_type<tc>, window_params = [{transform_indices = @transform_0, window_bounds = array<i64: 2, 2000, 128>}, {transform_indices = @transform_1, window_bounds = array<i64: 1, 1, 2000>}, {pipeline_mode = #tpu.pipeline_mode<synchronous>, transform_indices = @transform_2, window_bounds = array<i64: 16, 128>}, {transform_indices = @transform_3, window_bounds = array<i64: 2000, 128>}, {transform_indices = @transform_4, window_bounds = array<i64: 1, 1, 2000>}, {pipeline_mode = #tpu.pipeline_mode<synchronous>, transform_indices = @transform_5, window_bounds = array<i64: 128, 128>}, {pipeline_mode = #tpu.pipeline_mode<synchronous>, transform_indices = @transform_6, window_bounds = array<i64: 1, 128>}, {pipeline_mode = #tpu.pipeline_mode<synchronous>, transform_indices = @transform_7, window_bounds = array<i64: 128, 128>}, {pipeline_mode = #tpu.pipeline_mode<synchronous>, transform_indices = @transform_8, window_bounds = array<i64: 1, 128>}, {pipeline_mode = #tpu.pipeline_mode<synchronous>, transform_indices = @transform_9, window_bounds = array<i64: 128, 128>}]} {
    %get3A = arith.constant 0 : index
    %get3A_0 = arith.constant 0 : index
    %get3A_1 = arith.constant 0 : index
    %get3A_2 = vector.load %arg1[%get3A, %get3A_0, %get3A_1] : memref<2x2000x128xf32, #tpu.memory_space<vmem>>, vector<1x2000x128xf32>
    %get3A_3 = vector.shape_cast %get3A_2 : vector<1x2000x128xf32> to vector<2000x128xf32>
    %get3A_4 = arith.constant 1 : index
    %get3A_5 = arith.constant 0 : index
    %get3A_6 = arith.constant 0 : index
    %get3A_7 = vector.load %arg1[%get3A_4, %get3A_5, %get3A_6] : memref<2x2000x128xf32, #tpu.memory_space<vmem>>, vector<1x2000x128xf32>
    %get3A_8 = vector.shape_cast %get3A_7 : vector<1x2000x128xf32> to vector<2000x128xf32>
    %get3A_9 = arith.constant 0 : index
    %get3A_10 = arith.constant 0 : index
    %get3A_11 = arith.constant 0 : index
    %get3A_12 = vector.load %arg2[%get3A_9, %get3A_10, %get3A_11] : memref<1x1x2000xf32, #tpu.memory_space<vmem>>, vector<1x1x2000xf32>
    %get3A_13 = vector.shape_cast %get3A_12 : vector<1x1x2000xf32> to vector<2000xf32>
    %add3A = arith.constant 1.000000e+00 : f32
    %add3A_14 = vector.broadcast %add3A : f32 to vector<2000xf32>
    %add3A_15 = arith.addf %get3A_13, %add3A_14 : vector<2000xf32>
    %rsqrt3A = math.rsqrt %add3A_15 : vector<2000xf32>
    %max3A = arith.constant 1.000000e+00 : f32
    %max3A_16 = vector.broadcast %max3A : f32 to vector<2000xf32>
    %max3A_17 = arith.maximumf %get3A_13, %max3A_16 : vector<2000xf32>
    %div3A = arith.constant 1.000000e+00 : f32
    %div3A_18 = vector.broadcast %div3A : f32 to vector<2000xf32>
    %div3A_19 = arith.divf %div3A_18, %max3A_17 : vector<2000xf32>
    %get3A_20 = arith.constant 0 : index
    %get3A_21 = arith.constant 0 : index
    %get3A_22 = vector.load %arg3[%get3A_20, %get3A_21] : memref<16x128xf32, #tpu.memory_space<vmem>>, vector<16x128xf32>
    %slice3A = vector.extract_strided_slice %get3A_22 {offsets = [0, 0], sizes = [1, 128], strides = [1, 1]} : vector<16x128xf32> to vector<1x128xf32>
    %slice3A_23 = vector.extract_strided_slice %get3A_22 {offsets = [1, 0], sizes = [1, 128], strides = [1, 1]} : vector<16x128xf32> to vector<1x128xf32>
    %slice3A_24 = vector.extract_strided_slice %get3A_22 {offsets = [2, 0], sizes = [1, 128], strides = [1, 1]} : vector<16x128xf32> to vector<1x128xf32>
    %slice3A_25 = vector.extract_strided_slice %get3A_22 {offsets = [3, 0], sizes = [1, 128], strides = [1, 1]} : vector<16x128xf32> to vector<1x128xf32>
    %slice3A_26 = vector.extract_strided_slice %get3A_22 {offsets = [4, 0], sizes = [1, 128], strides = [1, 1]} : vector<16x128xf32> to vector<1x128xf32>
    %slice3A_27 = vector.extract_strided_slice %get3A_22 {offsets = [5, 0], sizes = [1, 128], strides = [1, 1]} : vector<16x128xf32> to vector<1x128xf32>
    %slice3A_28 = vector.extract_strided_slice %get3A_22 {offsets = [6, 0], sizes = [1, 128], strides = [1, 1]} : vector<16x128xf32> to vector<1x128xf32>
    %slice3A_29 = vector.extract_strided_slice %get3A_22 {offsets = [7, 0], sizes = [1, 128], strides = [1, 1]} : vector<16x128xf32> to vector<1x128xf32>
    %slice3A_30 = vector.extract_strided_slice %get3A_22 {offsets = [8, 0], sizes = [1, 128], strides = [1, 1]} : vector<16x128xf32> to vector<1x128xf32>
    %broadcast_in_dim3A = vector.shape_cast %rsqrt3A : vector<2000xf32> to vector<2000x1xf32>
    %mul3A = vector.broadcast %broadcast_in_dim3A : vector<2000x1xf32> to vector<2000x128xf32>
    %mul3A_31 = arith.mulf %get3A_8, %mul3A : vector<2000x128xf32>
    %add3A_32 = vector.broadcast %slice3A : vector<1x128xf32> to vector<2000x128xf32>
    %add3A_33 = arith.addf %mul3A_31, %add3A_32 : vector<2000x128xf32>
    %mul3A_34 = vector.broadcast %slice3A_25 : vector<1x128xf32> to vector<2000x128xf32>
    %mul3A_35 = arith.mulf %mul3A_34, %add3A_33 : vector<2000x128xf32>
    %broadcast_in_dim3A_36 = vector.shape_cast %div3A_19 : vector<2000xf32> to vector<2000x1xf32>
    %mul3A_37 = vector.broadcast %broadcast_in_dim3A_36 : vector<2000x1xf32> to vector<2000x128xf32>
    %mul3A_38 = arith.mulf %get3A_3, %mul3A_37 : vector<2000x128xf32>
    %mul3A_39 = vector.broadcast %slice3A_26 : vector<1x128xf32> to vector<2000x128xf32>
    %mul3A_40 = arith.mulf %mul3A_39, %mul3A_38 : vector<2000x128xf32>
    %add3A_41 = arith.addf %mul3A_35, %mul3A_40 : vector<2000x128xf32>
    %reduce_sum3A = arith.constant dense<0.000000e+00> : vector<2000xf32>
    %reduce_sum3A_42 = vector.multi_reduction <add>, %add3A_41, %reduce_sum3A [1] : vector<2000x128xf32> to vector<2000xf32>
    %broadcast_in_dim3A_43 = vector.shape_cast %reduce_sum3A_42 : vector<2000xf32> to vector<2000x1xf32>
    %div3A_44 = arith.constant 1.280000e+02 : f32
    %div3A_45 = vector.broadcast %div3A_44 : f32 to vector<2000x1xf32>
    %div3A_46 = arith.divf %broadcast_in_dim3A_43, %div3A_45 : vector<2000x1xf32>
    %sub3A = vector.broadcast %div3A_46 : vector<2000x1xf32> to vector<2000x128xf32>
    %sub3A_47 = arith.subf %add3A_41, %sub3A : vector<2000x128xf32>
    %mul3A_48 = arith.mulf %sub3A_47, %sub3A_47 : vector<2000x128xf32>
    %reduce_sum3A_49 = arith.constant dense<0.000000e+00> : vector<2000xf32>
    %reduce_sum3A_50 = vector.multi_reduction <add>, %mul3A_48, %reduce_sum3A_49 [1] : vector<2000x128xf32> to vector<2000xf32>
    %broadcast_in_dim3A_51 = vector.shape_cast %reduce_sum3A_50 : vector<2000xf32> to vector<2000x1xf32>
    %div3A_52 = arith.constant 1.280000e+02 : f32
    %div3A_53 = vector.broadcast %div3A_52 : f32 to vector<2000x1xf32>
    %div3A_54 = arith.divf %broadcast_in_dim3A_51, %div3A_53 : vector<2000x1xf32>
    %add3A_55 = arith.constant 9.99999974E-6 : f32
    %add3A_56 = vector.broadcast %add3A_55 : f32 to vector<2000x1xf32>
    %add3A_57 = arith.addf %div3A_54, %add3A_56 : vector<2000x1xf32>
    %rsqrt3A_58 = math.rsqrt %add3A_57 : vector<2000x1xf32>
    %mul3A_59 = vector.broadcast %rsqrt3A_58 : vector<2000x1xf32> to vector<2000x128xf32>
    %mul3A_60 = arith.mulf %sub3A_47, %mul3A_59 : vector<2000x128xf32>
    %mul3A_61 = vector.broadcast %slice3A_23 : vector<1x128xf32> to vector<2000x128xf32>
    %mul3A_62 = arith.mulf %mul3A_60, %mul3A_61 : vector<2000x128xf32>
    %add3A_63 = vector.broadcast %slice3A_24 : vector<1x128xf32> to vector<2000x128xf32>
    %add3A_64 = arith.addf %mul3A_62, %add3A_63 : vector<2000x128xf32>
    %mul3A_65 = vector.broadcast %slice3A_27 : vector<1x128xf32> to vector<2000x128xf32>
    %mul3A_66 = arith.mulf %mul3A_65, %add3A_64 : vector<2000x128xf32>
    %mul3A_67 = vector.broadcast %slice3A_28 : vector<1x128xf32> to vector<2000x128xf32>
    %mul3A_68 = arith.mulf %mul3A_67, %add3A_41 : vector<2000x128xf32>
    %add3A_69 = arith.addf %mul3A_66, %mul3A_68 : vector<2000x128xf32>
    %max3A_70 = arith.constant 0.000000e+00 : f32
    %max3A_71 = vector.broadcast %max3A_70 : f32 to vector<2000x128xf32>
    %max3A_72 = arith.maximumf %add3A_69, %max3A_71 : vector<2000x128xf32>
    %mul3A_73 = vector.broadcast %slice3A_29 : vector<1x128xf32> to vector<2000x128xf32>
    %mul3A_74 = arith.mulf %mul3A_73, %max3A_72 : vector<2000x128xf32>
    %tanh3A = math.tanh %add3A_69 : vector<2000x128xf32>
    %mul3A_75 = vector.broadcast %slice3A_30 : vector<1x128xf32> to vector<2000x128xf32>
    %mul3A_76 = arith.mulf %mul3A_75, %tanh3A : vector<2000x128xf32>
    %add3A_77 = arith.addf %mul3A_74, %mul3A_76 : vector<2000x128xf32>
    %get3A_78 = arith.constant 0 : index
    %get3A_79 = arith.constant 0 : index
    %get3A_80 = vector.load %arg4[%get3A_78, %get3A_79] : memref<2000x128xf32, #tpu.memory_space<vmem>>, vector<2000x128xf32>
    %add3A_81 = arith.addf %get3A_80, %add3A_77 : vector<2000x128xf32>
    %get3A_82 = arith.constant 0 : index
    %get3A_83 = arith.constant 0 : index
    %get3A_84 = arith.constant 0 : index
    %get3A_85 = vector.load %arg5[%get3A_82, %get3A_83, %get3A_84] : memref<1x1x2000xi32, #tpu.memory_space<vmem>>, vector<1x1x2000xi32>
    %get3A_86 = vector.shape_cast %get3A_85 : vector<1x1x2000xi32> to vector<2000xi32>
    %iota3A = tpu.iota {dimensions = array<i32: 0>} : vector<128x2000xi32>
    %broadcast_in_dim3A_87 = vector.shape_cast %get3A_86 : vector<2000xi32> to vector<1x2000xi32>
    %eq3A = vector.broadcast %broadcast_in_dim3A_87 : vector<1x2000xi32> to vector<128x2000xi32>
    %eq3A_88 = arith.cmpi eq, %iota3A, %eq3A : vector<128x2000xi32>
    %convert_element_type3A = arith.extui %eq3A_88 : vector<128x2000xi1> to vector<128x2000xi32>
    %convert_element_type3A_89 = arith.sitofp %convert_element_type3A : vector<128x2000xi32> to vector<128x2000xf32>
    %eq3A_90 = arith.constant 0 : i32
    %eq3A_91 = arith.cmpi eq, %arg0, %eq3A_90 : i32
    %convert_element_type3A_92 = arith.extui %eq3A_91 : i1 to i32
    %cond3A = arith.constant 0 : i32
    %cond3A_93 = arith.cmpi ne, %convert_element_type3A_92, %cond3A : i32
    scf.if %cond3A_93 {
      %broadcast_in_dim3A_106 = arith.constant 0.000000e+00 : f32
      %broadcast_in_dim3A_107 = vector.broadcast %broadcast_in_dim3A_106 : f32 to vector<128x128xf32>
      %swap3A_108 = arith.constant 0 : index
      %swap3A_109 = arith.constant 0 : index
      %swap3A_110 = vector.load %arg11[%swap3A_108, %swap3A_109] : memref<128x128xf32, #tpu.memory_space<vmem>>, vector<128x128xf32>
      tpu.vector_store %arg11[%swap3A_108, %swap3A_109], %broadcast_in_dim3A_107 {strides = array<i32>} : memref<128x128xf32, #tpu.memory_space<vmem>>, vector<128x128xf32>,
    } else {
    }
    %get3A_94 = arith.constant 0 : index
    %get3A_95 = arith.constant 0 : index
    %get3A_96 = vector.load %arg11[%get3A_94, %get3A_95] : memref<128x128xf32, #tpu.memory_space<vmem>>, vector<128x128xf32>
    %dot_general3A = arith.constant dense<0.000000e+00> : vector<128x128xf32>
    %dot_general3A_97 = tpu.matmul %convert_element_type3A_89, %add3A_81, %dot_general3A {dimension_numbers = #tpu.dot_dimension_numbers<[1], [0], [0], [1], [0, 0, 1, 1], [], []>, transpose_lhs_hint = false} : vector<128x2000xf32>, vector<2000x128xf32>, vector<128x128xf32> -> vector<128x128xf32>
    %add3A_98 = arith.addf %get3A_96, %dot_general3A_97 : vector<128x128xf32>
    %swap3A = arith.constant 0 : index
    %swap3A_99 = arith.constant 0 : index
    %swap3A_100 = vector.load %arg11[%swap3A, %swap3A_99] : memref<128x128xf32, #tpu.memory_space<vmem>>, vector<128x128xf32>
    tpu.vector_store %arg11[%swap3A, %swap3A_99], %add3A_98 {strides = array<i32>} : memref<128x128xf32, #tpu.memory_space<vmem>>, vector<128x128xf32>,
    %eq3A_101 = arith.constant 4 : i32
    %eq3A_102 = arith.cmpi eq, %arg0, %eq3A_101 : i32
    %convert_element_type3A_103 = arith.extui %eq3A_102 : i1 to i32
    %cond3A_104 = arith.constant 0 : i32
    %cond3A_105 = arith.cmpi ne, %convert_element_type3A_103, %cond3A_104 : i32
    scf.if %cond3A_105 {
      %get3A_106 = arith.constant 0 : index
      %get3A_107 = arith.constant 0 : index
      %get3A_108 = vector.load %arg11[%get3A_106, %get3A_107] : memref<128x128xf32, #tpu.memory_space<vmem>>, vector<128x128xf32>
      %get3A_109 = arith.constant 0 : index
      %get3A_110 = arith.constant 0 : index
      %get3A_111 = vector.load %arg6[%get3A_109, %get3A_110] : memref<128x128xf32, #tpu.memory_space<vmem>>, vector<128x128xf32>
      %dot_general3A_112 = arith.constant dense<0.000000e+00> : vector<128x128xf32>
      %dot_general3A_113 = tpu.matmul %get3A_108, %get3A_111, %dot_general3A_112 {dimension_numbers = #tpu.dot_dimension_numbers<[1], [0], [0], [1], [0, 0, 1, 1], [], []>, transpose_lhs_hint = false} : vector<128x128xf32>, vector<128x128xf32>, vector<128x128xf32> -> vector<128x128xf32>
      %get3A_114 = arith.constant 0 : index
      %get3A_115 = arith.constant 0 : index
      %get3A_116 = vector.load %arg7[%get3A_114, %get3A_115] : memref<1x128xf32, #tpu.memory_space<vmem>>, vector<1x128xf32>
      %add3A_117 = vector.broadcast %get3A_116 : vector<1x128xf32> to vector<128x128xf32>
      %add3A_118 = arith.addf %dot_general3A_113, %add3A_117 : vector<128x128xf32>
      %max3A_119 = arith.constant 0.000000e+00 : f32
      %max3A_120 = vector.broadcast %max3A_119 : f32 to vector<128x128xf32>
      %max3A_121 = arith.maximumf %add3A_118, %max3A_120 : vector<128x128xf32>
      %get3A_122 = arith.constant 0 : index
      %get3A_123 = arith.constant 0 : index
      %get3A_124 = vector.load %arg8[%get3A_122, %get3A_123] : memref<128x128xf32, #tpu.memory_space<vmem>>, vector<128x128xf32>
      %dot_general3A_125 = arith.constant dense<0.000000e+00> : vector<128x128xf32>
      %dot_general3A_126 = tpu.matmul %max3A_121, %get3A_124, %dot_general3A_125 {dimension_numbers = #tpu.dot_dimension_numbers<[1], [0], [0], [1], [0, 0, 1, 1], [], []>, transpose_lhs_hint = false} : vector<128x128xf32>, vector<128x128xf32>, vector<128x128xf32> -> vector<128x128xf32>
      %get3A_127 = arith.constant 0 : index
      %get3A_128 = arith.constant 0 : index
      %get3A_129 = vector.load %arg9[%get3A_127, %get3A_128] : memref<1x128xf32, #tpu.memory_space<vmem>>, vector<1x128xf32>
      %add3A_130 = vector.broadcast %get3A_129 : vector<1x128xf32> to vector<128x128xf32>
      %add3A_131 = arith.addf %dot_general3A_126, %add3A_130 : vector<128x128xf32>
      %swap3A_132 = arith.constant 0 : index
      %swap3A_133 = arith.constant 0 : index
      %swap3A_134 = vector.load %arg10[%swap3A_132, %swap3A_133] : memref<128x128xf32, #tpu.memory_space<vmem>>, vector<128x128xf32>
      tpu.vector_store %arg10[%swap3A_132, %swap3A_133], %add3A_131 {strides = array<i32>} : memref<128x128xf32, #tpu.memory_space<vmem>>, vector<128x128xf32>,
    } else {
    }
    return
  }
  func.func @transform_0(%arg0: i32) -> (i32, i32, i32) {
    %c0_i32 = arith.constant 0 : i32
    %c0_i32_0 = arith.constant 0 : i32
    %c0_i32_1 = arith.constant 0 : i32
    return %c0_i32, %arg0, %c0_i32_0 : i32, i32, i32
  }
  func.func @transform_1(%arg0: i32) -> (i32, i32, i32) {
    %c0_i32 = arith.constant 0 : i32
    %c0_i32_0 = arith.constant 0 : i32
    %c0_i32_1 = arith.constant 0 : i32
    return %arg0, %c0_i32, %c0_i32_0 : i32, i32, i32
  }
  func.func @transform_2(%arg0: i32) -> (i32, i32) {
    %c0_i32 = arith.constant 0 : i32
    %c0_i32_0 = arith.constant 0 : i32
    %c0_i32_1 = arith.constant 0 : i32
    return %c0_i32, %c0_i32_0 : i32, i32
  }
  func.func @transform_3(%arg0: i32) -> (i32, i32) {
    %c0_i32 = arith.constant 0 : i32
    %c0_i32_0 = arith.constant 0 : i32
    return %arg0, %c0_i32 : i32, i32
  }
  func.func @transform_4(%arg0: i32) -> (i32, i32, i32) {
    %c0_i32 = arith.constant 0 : i32
    %c0_i32_0 = arith.constant 0 : i32
    %c0_i32_1 = arith.constant 0 : i32
    return %arg0, %c0_i32, %c0_i32_0 : i32, i32, i32
  }
  func.func @transform_5(%arg0: i32) -> (i32, i32) {
    %c0_i32 = arith.constant 0 : i32
    %c0_i32_0 = arith.constant 0 : i32
    %c0_i32_1 = arith.constant 0 : i32
    return %c0_i32, %c0_i32_0 : i32, i32
  }
  func.func @transform_6(%arg0: i32) -> (i32, i32) {
    %c0_i32 = arith.constant 0 : i32
    %c0_i32_0 = arith.constant 0 : i32
    %c0_i32_1 = arith.constant 0 : i32
    return %c0_i32, %c0_i32_0 : i32, i32
  }
  func.func @transform_7(%arg0: i32) -> (i32, i32) {
    %c0_i32 = arith.constant 0 : i32
    %c0_i32_0 = arith.constant 0 : i32
    %c0_i32_1 = arith.constant 0 : i32
    return %c0_i32, %c0_i32_0 : i32, i32
  }
  func.func @transform_8(%arg0: i32) -> (i32, i32) {
    %c0_i32 = arith.constant 0 : i32
    %c0_i32_0 = arith.constant 0 : i32
    %c0_i32_1 = arith.constant 0 : i32
    return %c0_i32, %c0_i32_0 : i32, i32
  }
  func.func @transform_9(%arg0: i32) -> (i32, i32) {
    %c0_i32 = arith.constant 0 : i32
    %c0_i32_0 = arith.constant 0 : i32
    %c0_i32_1 = arith.constant 0 : i32
    return %c0_i32, %c0_i32_0 : i32, i32
  }
}

</mosaic_0001>

<sc_bundles>
// kernel: kernel.11.cloned.1.call-start
scs
__scs_entry_jumppad:
0x0: {  	(pc) =	sbr.rel $0x88, $3  }
0x1: {  	(tag) =	ssettag $0x0;
	lr =	simm.s32 $0x1  }
0x2: {  	[smem:$0x3F82] =	sst lr;
	_ =	strace $0xD0000000  }
0x3: {  	_ = 	snop  }
0x4: {  	_ = 	snop  }
0x5: {  	_ = 	snop  }
0x6: {  	_ = 	snop  }
0x7: {  	_ = 	snop  }
__scs_overlays_trampoline_lowered:
0x8: {  	[smem:$0x3F91] =	sst s0  }
0x9: {  	[smem:$0x3F92] =	sst s1  }
0xa: {  	[smem:$0x3F93] =	sst s2  }
0xb: {  	[smem:$0x3F94] =	sst s3  }
0xc: {  	[smem:$0x3F95] =	sst s4  }
0xd: {  	[smem:$0x3F96] =	sst s5  }
0xe: {  	[smem:$0x3F97] =	sst s6  }
0xf: {  	[smem:$0x3F98] =	sst s7  }
0x10: {  	[smem:$0x3F99] =	sst s8  }
0x11: {  	[smem:$0x3F9A] =	sst s9;
	s0 =	simm.s32 @!p0 $0x0  }
0x12: {  	s1 =	sld [smem:$0x3F80];
	s0 =	simm.s32 @p0 $0x1  }
0x13: {  	[smem:$0x3F9B] =	sst s0;
	s0 =	simm.s32 @!p1 $0x0  }
0x14: {  	s2 =	sld [smem:$0x3F7F];
	s0 =	simm.s32 @p1 $0x1  }
0x15: {  	[smem:$0x3F9C] =	sst s0;
	s0 =	simm.s32 @!p2 $0x0  }
0x16: {  	s3 =	sld [smem:$0x3FDB];
	s0 =	simm.s32 @p2 $0x1  }
0x17: {  	s4 =	simm.s32 $0x1BF5;
	[smem:$0x3F9E] =	sst s0  }
0x18: {  	s0 =	sld [smem:$0x3F81];
	_ =	swait.ge [sflag:s4], $0x0  }
0x19: {  	s7 =	sld [smem:$0x3F82]  }
0x1a: {  	s8 =	sadd.s32 $0xFFFFE003, lr  }
0x1b: {  	s9 =	sadd.s32 $0xFFFFFEF7, lr;
	s5 =	simm.s32 $0xFFFFFFFF;
	p2 =	slt.u32 s8, $0xFFFFF086  }
0x1c: {  	p1 =	slt.u32 s9, $0xF7A;
	s5 =	simm.s32 @!p2 $0x0  }
0x1d: {  	s5 =	simm.s32 @p1 $0x1;
	p0 =	seq.s32 s7, s2  }
0x1e: {  	s7 =	smul.u32 @!p0 $0xF7A, s2;
	p2 =	seq.s32 @!p0 s5, $0x0  }
0x1f: {  	s9 =	smul.u32 $0xF7A, s1;
	s8 =	simm.s32 @!p0 $0x1BF5;
	p2 =	por !p2, p0  }
0x20: {  	[sflag:s8] =	ssyncset.s32 @!p0 $0xFFFFF086;
	s6 =	sadd.s32 @!p0 s3, s7;
	s7 =	simm.s32 @!p0 $0x108  }
0x21: {  	s3 =	sadd.s32 s3, s9;
	s6 =	sadd.s32 @!p0 $0x88, s6;
	s7 =	simm.s32 @p2 $0x1082  }
0x22: {  	[simem:s7], [sflag:s8] =	dma.local @!p0 [hbm:s6], $0xF7A  }
0x23: {  	s9 =	sor.u32 $0xD0000000, s2;
	s6 =	simm.s32 $0x108;
	_ =	swait.ge @!p0 [sflag:s8], $0x0  }
0x24: {  	s3 =	sadd.s32 $0x88, s3;
	s6 =	simm.s32 @!p1 $0x1082;
	[sflag:s4] =	ssyncset.s32 $0xFFFFF086  }
0x25: {  	[simem:s6], [sflag:s4] =	dma.local [hbm:s3], $0xF7A  }
0x26: {  	[smem:$0x3F82] =	sst s1;
	(tag) =	ssettag s2;
	_ =	strace s9  }
0x27: {  	s1 =	sld [smem:$0x3F92]  }
0x28: {  	s2 =	sld [smem:$0x3F93]  }
0x29: {  	s4 =	sld [smem:$0x3F95]  }
0x2a: {  	p0 =	seq.s32 s5, $0x0;
	s5 =	sld [smem:$0x3F96]  }
0x2b: {  	s6 =	sld [smem:$0x3F97]  }
0x2c: {  	s7 =	sld [smem:$0x3F98]  }
0x2d: {  	s3 =	simm.s32 $0x108;
	s8 =	sld [smem:$0x3F99]  }
0x2e: {  	s3 =	simm.s32 @!p0 $0x1082;
	s9 =	sld [smem:$0x3F9A]  }
0x2f: {  	lr =	sadd.s32 s0, s3;
	s0 =	sld [smem:$0x3F91]  }
0x30: {  	s3 =	sld [smem:$0x3F94]  }
0x31: {  	[smem:$0x3F9D] =	sst s10  }
0x32: {  	s10 =	sld [smem:$0x3F9B];
	_ =	sdelay $0x3  }
0x33: {  	p0 =	seq.s32 s10, $0x1;
	s10 =	sld [smem:$0x3F9D];
	_ =	sdelay $0x3  }
0x34: {  	[smem:$0x3F9D] =	sst s10  }
0x35: {  	s10 =	sld [smem:$0x3F9C];
	_ =	sdelay $0x3  }
0x36: {  	p1 =	seq.s32 s10, $0x1;
	s10 =	sld [smem:$0x3F9D];
	_ =	sdelay $0x3  }
0x37: {  	[smem:$0x3F9D] =	sst s10  }
0x38: {  	s10 =	sld [smem:$0x3F9E]  }
0x39: {  	_ = 	snop;
	(pc) =	sbr.ind lr, $3  }
0x3a: {  	_ = 	snop  }
0x3b: {  	_ = 	snop  }
0x3c: {  	p2 =	seq.s32 s10, $0x1;
	s10 =	sld [smem:$0x3F9D]  }
0x3d: {  	_ =	shalt  }
0x3e: {  	_ =	shalt  }
0x3f: {  	_ =	shalt  }
0x40: {  	_ =	shalt  }
0x41: {  	_ =	shalt  }
0x42: {  	_ =	shalt  }
0x43: {  	_ =	shalt  }
0x44: {  	_ =	shalt  }
0x45: {  	_ =	shalt  }
0x46: {  	_ =	shalt  }
0x47: {  	_ =	shalt  }
0x48: {  	_ =	shalt  }
0x49: {  	_ =	shalt  }
0x4a: {  	_ =	shalt  }
0x4b: {  	_ =	shalt  }
0x4c: {  	_ =	shalt  }
0x4d: {  	_ =	shalt  }
0x4e: {  	_ =	shalt  }
0x4f: {  	_ =	shalt  }
0x50: {  	_ =	shalt  }
0x51: {  	_ =	shalt  }
0x52: {  	_ =	shalt  }
0x53: {  	_ =	shalt  }
0x54: {  	_ =	shalt  }
0x55: {  	_ =	shalt  }
0x56: {  	_ =	shalt  }
0x57: {  	_ =	shalt  }
0x58: {  	_ =	shalt  }
0x59: {  	_ =	shalt  }
0x5a: {  	_ =	shalt  }
0x5b: {  	_ =	shalt  }
0x5c: {  	_ =	shalt  }
0x5d: {  	_ =	shalt  }
0x5e: {  	_ =	shalt  }
0x5f: {  	_ =	shalt  }
0x60: {  	_ =	shalt  }
0x61: {  	_ =	shalt  }
0x62: {  	_ =	shalt  }
0x63: {  	_ =	shalt  }
0x64: {  	_ =	shalt  }
0x65: {  	_ =	shalt  }
0x66: {  	_ =	shalt  }
0x67: {  	_ =	shalt  }
0x68: {  	_ =	shalt  }
0x69: {  	_ =	shalt  }
0x6a: {  	_ =	shalt  }
0x6b: {  	_ =	shalt  }
0x6c: {  	_ =	shalt  }
0x6d: {  	_ =	shalt  }
0x6e: {  	_ =	shalt  }
0x6f: {  	_ =	shalt  }
0x70: {  	_ =	shalt  }
0x71: {  	_ =	shalt  }
0x72: {  	_ =	shalt  }
0x73: {  	_ =	shalt  }
0x74: {  	_ =	shalt  }
0x75: {  	_ =	shalt  }
0x76: {  	_ =	shalt  }
0x77: {  	_ =	shalt  }
0x78: {  	_ =	shalt  }
0x79: {  	_ =	shalt  }
0x7a: {  	_ =	shalt  }
0x7b: {  	_ =	shalt  }
0x7c: {  	_ =	shalt  }
0x7d: {  	_ =	shalt  }
0x7e: {  	_ =	shalt  }
0x7f: {  	_ =	shalt  }
0x80: {  	_ =	shalt  }
0x81: {  	_ =	shalt  }
0x82: {  	_ =	shalt  }
0x83: {  	_ =	shalt  }
0x84: {  	_ =	shalt  }
0x85: {  	_ =	shalt  }
0x86: {  	_ =	shalt  }
0x87: {  	_ =	shalt  }
.Lfunc_end0:
.L_simem_size_0:
called_computation.1_lowered:
.L_overlay_start_0:
0x88: {  	s2 =	sld [smem:$0x3FD9]  }
0x89: {  	s3 =	sld [smem:$0x3FFE];
	_ =	sdelay $0x1  }
0x8a: {  	s1 =	srdreg.scid  }
0x8b: {  	s0 =	sand.u32 $0x1, s1  }
0x8c: {  	s16 =	sshll.u32 s0, $0xA;
	s2 =	sadd.s32 s3, s2  }
0x8d: {  	s2 =	sadd.s32 s2, s16  }
0x8e: {  	[smem:$0x3FA9] =	sst s2  }
0x8f: {  	_ = 	snop  }
0x90: {  	(tm) =	ssettm $0x1  }
0x91: {  	s17 =	sld [smem:$0x3FFB];
	_ =	sdelay $0x3  }
0x92: {  	_ =	strace s17  }
0x93: {  	s2 =	sld [smem:$0x3FFC];
	_ =	sdelay $0x3  }
0x94: {  	_ =	strace s2  }
0x95: {  	s2 =	sld [smem:$0x3FFD];
	_ =	sdelay $0x3  }
0x96: {  	_ =	strace s2  }
0x97: {  	_ =	strace $0x8FFFFFFF  }
0x98: {  	s18 =	sld [smem:$0x3FDB];
	_ =	sdelay $0x1  }
0x99: {  	s19 =	simm.s32 $_scs_section_size  }
0x9a: {  	s4 =	simm.s32 $_size__tile_overlayer_lowered;
	s5 =	simm.s32 $_tile_overlayer_lowered  }
0x9b: {  	s22 =	simm.s32 $0x1BFF;
	s21 =	sshll.u32 s5, $0x1;
	s2 =	sadd.s32 s19, s18  }
0x9c: {  	s6 =	simm.s32 $0x0;
	s20 =	sshll.u32 s4, $0x1;
	s4 =	sadd.s32 s21, s2  }
0x9d: {  	[timem:s6], [sflag:s22] =	dma.local [hbm:s4], s20  }
0x9e: {  	_ =	swait.ge [sflag:s22], s20  }
0x9f: {  	s3 =	ssub.s32 $0x0, s20;
	[sflag:s22] =	ssyncset.done $0x0  }
0xa0: {  	[sflag:s22] =	ssyncadd.s32 s3;
	_ =	sdelay $0x1  }
0xa1: {  	s23 =	simm.s32 $0x1B8B  }
0xa2: {  	_ =	swait.ge [sflag:s23], $0x1  }
0xa3: {  	[sflag:s23] =	ssyncset.done $0x0  }
0xa4: {  	s25 =	simm.s32 $0x1B8E;
	s24 =	sld [smem:$0x3FFE];
	[sflag:s23] =	ssyncadd.s32 $0xFFFFFFFF  }
0xa5: {  	s26 =	simm.s32 $execute0_lowered;
	[smem:$0x3FD2] =	sst s25  }
0xa6: {  	s4 =	sshll.u32 s26, $0x1;
	_ =	strace $0x80000049;
	[dreg:$0x1] =	wrdreg $0xFFFFFFFF  }
0xa7: {  	s28 =	simm.s32 $_size_execute0_lowered;
	s2 =	sadd.s32 s2, s4;
	[dreg:$0x0] =	wrdreg $0x0  }
0xa8: {  	s4 =	sshll.u32 s28, $0x1;
	[dreg:$0x2] =	wrdreg s2  }
0xa9: {  	[dreg:$0x3] =	wrdreg s4  }
0xaa: {  	[dreg:$0x4] =	wrdreg $0xC0  }
0xab: {  	_ =	task [dreg:s6], $0x5FFFF  }
0xac: {  	[dreg:$0x1] =	wrdreg $0xFFFFFFFF  }
0xad: {  	[dreg:$0x0] =	wrdreg $0x60  }
0xae: {  	[dreg:$0x2] =	wrdreg s24  }
0xaf: {  	[dreg:$0x3] =	wrdreg $0xC0000  }
0xb0: {  	[dreg:$0x4] =	wrdreg $0x9  }
0xb1: {  	_ =	task.clear_ibuf [dreg:s6], $0x5FFFF;
	_ =	strace $0x90000049  }
0xb2: {  	s29 =	simm.s32 $0x9;
	_ =	strace $0x8000004B  }
0xb3: {  	_ =	swait.ge [sflag:s29], $0x1  }
0xb4: {  	[sflag:s29] =	ssyncadd.s32 $0xFFFFFFFF  }
0xb5: {  	_ =	strace $0x9000004B  }
0xb6: {  	_ =	sfence  }
0xb7: {  	s30 =	sld [smem:$0x0];
	_ =	sdelay $0x2  }
0xb8: {  	s31 =	sshll.u32 s1, $0xD;
	s1 =	sshrl.u32 s1, $0x2  }
0xb9: {  	s3 =	sand.u32 $0x4000, s31;
	s1 =	sadd.s32 s1, s30  }
0xba: {  	s0 =	sor.u32 s3, s0;
	s1 =	sshll.u32 s1, $0x11  }
0xbb: {  	s0 =	sor.u32 s1, s0  }
0xbc: {  	s0 =	sadd.s32 $0x8F2B, s0  }
0xbd: {  	[sflag:s0] =	ssyncadd.remote.s32 $0x1  }
0xbe: {  	_ =	sfence.sel $0xFFFF  }
0xbf: {  	[dreg:$0x0] =	wrdreg $0xFFFFFFFF;
	(pc) =	sbr.abs _section_cstart, $3  }
0xc0: {  	[dreg:$0x1] =	wrdreg $0xFFFFFFFF  }
0xc1: {  	_ =	task.clear_ibuf [dreg:s6], $0x2FFFF;
	_ =	strace $0x9FFFFFFF  }
0xc2: {  	(tm) =	ssettm $0x7FFFFFFF  }
0xc3: {  	_ =	shalt  }
tec
execute0_lowered:
.L_overlay_start_1:
0x0: {  	(tag) =	ssettag $0x1  }
0x1: {  	s0 =	rddreg [dreg:$0x0]  }
0x2: {  	s2 =	rddreg [dreg:$0x1]  }
0x3: {  	s1 =	stileid.u32;
	s3 =	simm.s32 $0x0;
	s5 =	srdreg.scid  }
0x4: {  	s28 =	simm.s32 $0x3000;
	s29 =	simm.s32 $0x80;
	s6 =	smul.u32 $0x2700, s1  }
0x5: {  	s30 =	simm.s32 $0x4000;
	s31 =	simm.s32 $0x8000;
	s9 =	smul.u32 $0x4E000, s1  }
0x6: {  	[smem:$0x7FF] =	sst s3;
	s4 =	sadd.s32 $0x1FE00, s0;
	s12 =	smul.u32 $0x13800, s1  }
0x7: {  	s8 =	sadd.s32 $0xBE00, s0;
	s10 =	sadd.s32 $0x1E00, s0;
	s13 =	smul.u32 $0xA0, s1  }
0x8: {  	s11 =	sand.u32 $0x1, s5;
	s14 =	sadd.s32 $0x95200, s0;
	s21 =	smul.u32 $0xA00, s1  }
0x9: {  	p0 =	seq.s32 s1, $0xF;
	_ =	strace $0x8000004A;
	s16 =	smul.u32 $0xA00, s11  }
0xa: {  	s5 =	ssub.s32 $0x2, s11;
	p4 =	seq.s32 s11, $0x1;
	s24 =	smul.u32 $0x27100, s11  }
0xb: {  	s7 =	sadd.s32 s6, s0;
	s15 =	sshrl.u32 s5, $0x1;
	s9 =	sshrl.u32 s9, $0x2  }
0xc: {  	s17 =	sshrl.u32 s12, $0x3;
	s12 =	sadd.s32 $0x20, s13;
	p1 =	por !p4, !p0  }
0xd: {  	p2 =	por p4, !p0;
	p3 =	por !p4, p0;
	p4 =	por p4, p0  }
0xe: {  	s15 =	ssub.s32 s5, s15;
	s5 =	sadd.s32 s9, s2;
	s7 =	sadd.s32 $0x6E000, s7  }
0xf: {  	s18 =	sadd.s32 s13, s16;
	s20 =	sadd.s32 s16, s12;
	s6 =	sadd.s32 s6, s24  }
0x10: {  	[dreg:$0x3] =	wrdreg s7;
	s7 =	sadd.s32 s4, s17;
	s9 =	sshll.u32 s18, $0x4  }
0x11: {  	s17 =	sadd.s32 $0x40, s13;
	s7 =	sadd.s32 $0x27100, s7;
	s19 =	sadd.s32 s8, s9  }
0x12: {  	s22 =	sadd.s32 s16, s17;
	s9 =	sadd.s32 s10, s21;
	[dreg:$0x4] =	wrdreg s7  }
0x13: {  	s21 =	smul.u32 $0x138800, s11;
	s11 =	simm.s32 $0x2F80;
	[dreg:$0x5] =	wrdreg s19  }
0x14: {  	s7 =	sshll.u32 s20, $0x4;
	s19 =	sadd.s32 $0x60, s13;
	s20 =	sadd.s32 $0x80, s13  }
0x15: {  	s13 =	sadd.s32 $0x124800, s2;
	[dreg:$0xc] =	wrdreg s9;
	s9 =	simm.s32 $0x1F80  }
0x16: {  	s7 =	sadd.s32 s8, s7;
	s18 =	sadd.s32 s16, s19;
	s16 =	sadd.s32 s16, s20  }
0x17: {  	s24 =	sshll.u32 s20, $0x4;
	[dreg:$0x6] =	wrdreg s7;
	s7 =	sshll.u32 s22, $0x4  }
0x18: {  	s23 =	sshll.u32 s18, $0x4;
	s26 =	sshll.u32 s16, $0x4;
	s7 =	sadd.s32 s8, s7  }
0x19: {  	s18 =	sshll.u32 s17, $0x4;
	s25 =	sadd.s32 s8, s23;
	[dreg:$0x7] =	wrdreg s7  }
0x1a: {  	s16 =	sshll.u32 s12, $0x4;
	s22 =	sadd.s32 s10, s18;
	[dreg:$0x8] =	wrdreg s25  }
0x1b: {  	s12 =	simm.s32 $0x3F00;
	s7 =	sadd.s32 s8, s26;
	[dreg:$0xe] =	wrdreg s22  }
0x1c: {  	s23 =	sshll.u32 s19, $0x4;
	s8 =	sadd.s32 $0x92900, s0;
	[dreg:$0x9] =	wrdreg s7  }
0x1d: {  	s0 =	sadd.s32 $0x6B800, s0;
	s25 =	sshrl.u32 s21, $0x3;
	[dreg:$0xa] =	wrdreg s8  }
0x1e: {  	s21 =	sadd.s32 s14, s6;
	s6 =	simm.s32 $0x2;
	[dreg:$0xb] =	wrdreg s0  }
0x1f: {  	s0 =	sadd.s32 s10, s16;
	s26 =	sadd.s32 s14, s25;
	s25 =	simm.s32 $0x1000  }
0x20: {  	s7 =	simm.s32 $0xF80;
	s8 =	simm.s32 $0x1F00;
	s14 =	simm.s32 $0x3F80  }
0x21: {  	[dreg:$0xd] =	wrdreg s0;
	s0 =	sadd.s32 s10, s23;
	s22 =	sadd.s32 $0x24900, s26  }
0x22: {  	s23 =	smax.u32 s15, $0x1;
	s26 =	simm.s32 $0x2000;
	s15 =	simm.s32 $0x0  }
0x23: {  	[dreg:$0xf] =	wrdreg s0;
	s0 =	sadd.s32 s10, s24;
	s24 =	simm.s32 $0x4  }
0x24: {  	s10 =	simm.s32 $0x3;
	[dreg:$0x10] =	wrdreg s0;
	s0 =	simm.s32 $0x1  }
.LBB2_1:
0x25: {  	s16 =	sshrl.u32 @!p1 s13, $0x3;
	s17 =	simm.s32 @!p1 $0x1FC4;
	s18 =	rddreg [dreg:$0xb]  }
0x26: {  	[spmem:s16], [sflag:s17] =	dma.local @!p1 [hbm:s18], $0x2800  }
0x27: {  	s16 =	simm.s32 @!p1 $0x4  }
0x28: {  	_ =	swait.ge @!p1 [sflag:s16], $0x2800  }
0x29: {  	s17 =	simm.s32 @!p2 $0x1FC4;
	[sflag:s16] =	ssyncset.done @!p1 $0x0  }
0x2a: {  	s18 =	rddreg [dreg:$0xa];
	[sflag:s16] =	ssyncadd.s32 @!p1 $0xFFFFD800;
	s16 =	sshrl.u32 @!p2 s13, $0x3  }
0x2b: {  	[spmem:s16], [sflag:s17] =	dma.local @!p2 [hbm:s18], $0x2800  }
0x2c: {  	s16 =	simm.s32 @!p2 $0x4  }
0x2d: {  	_ =	swait.ge @!p2 [sflag:s16], $0x2800  }
0x2e: {  	s17 =	sshll.u32 @!p3 s1, $0x6;
	[sflag:s16] =	ssyncset.done @!p2 $0x0;
	s18 =	rddreg [dreg:$0x4]  }
0x2f: {  	[sflag:s16] =	ssyncadd.s32 @!p2 $0xFFFFD800;
	s16 =	sor.u32 @!p3 $0x1C04, s17;
	s17 =	sshrl.u32 @!p3 s5, $0x3  }
0x30: {  	[spmem:s17], [sflag:s16] =	dma.local @!p3 [hbm:s18], $0x2700  }
0x31: {  	s16 =	simm.s32 @!p3 $0x4  }
0x32: {  	_ =	swait.ge @!p3 [sflag:s16], $0x2700  }
0x33: {  	s17 =	sshll.u32 @!p4 s1, $0x6;
	[sflag:s16] =	ssyncset.done @!p3 $0x0;
	s18 =	rddreg [dreg:$0x3]  }
0x34: {  	[sflag:s16] =	ssyncadd.s32 @!p3 $0xFFFFD900;
	s16 =	sor.u32 @!p4 $0x1C04, s17;
	s17 =	sshrl.u32 @!p4 s5, $0x3  }
0x35: {  	[spmem:s17], [sflag:s16] =	dma.local @!p4 [hbm:s18], $0x2700  }
0x36: {  	s16 =	simm.s32 @!p4 $0x4  }
0x37: {  	_ =	swait.ge @!p4 [sflag:s16], $0x2700  }
0x38: {  	[sflag:s16] =	ssyncset.done @!p4 $0x0  }
0x39: {  	[sflag:s16] =	ssyncadd.s32 @!p4 $0xFFFFD900  }
0x3a: {  	[bflag:$0x0] =	sbarrier.arrive $0xFFFF  }
0x3b: {  	s17 =	rddreg [dreg:$0x5]  }
0x3c: {  	[tilespmem:s3], [sflag:$0x4] =	stream.linear.gather [hbm4b:s17+s3], $0x1000, $0x38;
	[tilespmem:$0x1F8C0] =	vst v63  }
0x3d: {  	_ =	swait.ge [sflag:s24], $0x1000  }
0x3e: {  	[sflag:s24] =	ssyncset.done $0x0  }
0x3f: {  	s18 =	rddreg [dreg:$0xc];
	[sflag:s24] =	ssyncadd.s32 $0xFFFFF000  }
0x40: {  	[tilespmem:s25], [sflag:$0x4] =	stream.linear.gather [hbm4b:s18+s3], $0x1000, $0x38;
	[tilespmem:$0x1F8C0] =	vst v63  }
0x41: {  	_ =	swait.ge [sflag:s24], $0x1000  }
0x42: {  	[sflag:s24] =	ssyncset.done $0x0  }
0x43: {  	s19 =	rddreg [dreg:$0x6];
	[sflag:s24] =	ssyncadd.s32 $0xFFFFF000  }
0x44: {  	[tilespmem:s26], [sflag:$0x3] =	stream.linear.gather [hbm4b:s19+s3], $0x1000, $0x38;
	[tilespmem:$0x1F8C0] =	vst v63  }
0x45: {  	s20 =	rddreg [dreg:$0xd]  }
0x46: {  	[tilespmem:s28], [sflag:$0x3] =	stream.linear.gather [hbm4b:s20+s3], $0x1000, $0x38;
	[tilespmem:$0x1F8C0] =	vst v63  }
0x47: {  	_ = 	snop  }
0x48: {  	[tilespmem:s30], [sflag:$0x1] =	stream.indirect.gather [hbm4b:s4+s29], $0x80, s3, s29, $0xb8;
	[tilespmem:$0x1F8C0] =	vst v63  }
0x49: {  	s17 =	simm.s32 $0x80  }
0x4a: {  	[tilespmem:s31], [sflag:$0x2] =	stream.indirect.gather [hbm4b:s4+s29], $0x80, s17, s29, $0xb8;
	[tilespmem:$0x1F8C0] =	vst v63  }
0x4b: {  	_ =	swait.ge [sflag:s0], $0x4000  }
0x4c: {  	[sflag:s0] =	ssyncset.done $0x0  }
0x4d: {  	s18 =	simm.s32 $0x1000;
	[sflag:s0] =	ssyncadd.s32 $0xFFFFC000  }
0x4e: {  	[spmem:s2] =	stream.indirect.scatter.add.f32 [tilespmem:s30], [sflag:$0x4], $0x80, s18, s29, $0xb8;
	[tilespmem:$0x1F8C0] =	vst v63  }
0x4f: {  	_ =	swait.ge [sflag:s24], $0x4000  }
0x50: {  	[sflag:s24] =	ssyncset.done $0x0  }
0x51: {  	s19 =	simm.s32 $0x100;
	[sflag:s24] =	ssyncadd.s32 $0xFFFFC000  }
0x52: {  	[tilespmem:s30], [sflag:$0x1] =	stream.indirect.gather [hbm4b:s4+s29], $0x80, s19, s29, $0xb8;
	[tilespmem:$0x1F8C0] =	vst v63  }
0x53: {  	_ =	swait.ge [sflag:s6], $0x4000  }
0x54: {  	[sflag:s6] =	ssyncset.done $0x0  }
0x55: {  	s20 =	simm.s32 $0x1080;
	[sflag:s6] =	ssyncadd.s32 $0xFFFFC000  }
0x56: {  	[spmem:s2] =	stream.indirect.scatter.add.f32 [tilespmem:s31], [sflag:$0x4], $0x80, s20, s29, $0xb8;
	[tilespmem:$0x1F8C0] =	vst v63  }
0x57: {  	_ =	swait.ge [sflag:s24], $0x4000  }
0x58: {  	s16 =	simm.s32 $0x100;
	s17 =	simm.s32 $0x800;
	[sflag:s24] =	ssyncset.done $0x0  }
.LBB2_2:
0x59: {  	s18 =	sadd.s32 $0x80, s16  }
0x5a: {  	[sflag:s24] =	ssyncadd.s32 $0xFFFFC000;
	s19 =	smov.u32 s17;
	s20 =	sadd.s32 $0x400, s17  }
0x5b: {  	[tilespmem:s31], [sflag:$0x2] =	stream.indirect.gather [hbm4b:s4+s29], $0x80, s18, s29, $0xb8;
	[tilespmem:$0x1F8C0] =	vst v63  }
0x5c: {  	p5 =	sne.s32 s17, $0x3800;
	_ =	swait.ge [sflag:s0], $0x4000  }
0x5d: {  	[sflag:s0] =	ssyncset.done $0x0  }
0x5e: {  	s17 =	sadd.s32 $0x1000, s16;
	[sflag:s0] =	ssyncadd.s32 $0xFFFFC000  }
0x5f: {  	[spmem:s2] =	stream.indirect.scatter.add.f32 [tilespmem:s30], [sflag:$0x4], $0x80, s17, s29, $0xb8;
	[tilespmem:$0x1F8C0] =	vst v63  }
0x60: {  	_ =	swait.ge [sflag:s24], $0x4000  }
0x61: {  	[sflag:s24] =	ssyncset.done $0x0  }
0x62: {  	s17 =	sadd.s32 $0x100, s16;
	[sflag:s24] =	ssyncadd.s32 $0xFFFFC000  }
0x63: {  	[tilespmem:s30], [sflag:$0x1] =	stream.indirect.gather [hbm4b:s4+s29], $0x80, s17, s29, $0xb8;
	[tilespmem:$0x1F8C0] =	vst v63  }
0x64: {  	_ =	swait.ge [sflag:s6], $0x4000  }
.Ltmp0:
0x65: {  	[sflag:s6] =	ssyncset.done $0x0;
	(pc) =	sbr.rel @p5 .LBB2_2-.Ltmp0, $4  }
0x66: {  	s16 =	sadd.s32 $0x1080, s16;
	[sflag:s6] =	ssyncadd.s32 $0xFFFFC000  }
0x67: {  	[spmem:s2] =	stream.indirect.scatter.add.f32 [tilespmem:s31], [sflag:$0x4], $0x80, s16, s29, $0xb8;
	[tilespmem:$0x1F8C0] =	vst v63  }
0x68: {  	_ =	swait.ge [sflag:s24], $0x4000  }
0x69: {  	s17 =	smov.u32 s20;
	s16 =	sshra.s32 s19, $0x2;
	[sflag:s24] =	ssyncset.done $0x0  }
0x6a: {  	s17 =	sadd.s32 $0x80, s16;
	[sflag:s24] =	ssyncadd.s32 $0xFFFFC000  }
0x6b: {  	[tilespmem:s31], [sflag:$0x2] =	stream.indirect.gather [hbm4b:s4+s29], $0x80, s17, s29, $0xb8;
	[tilespmem:$0x1F8C0] =	vst v63  }
0x6c: {  	_ =	swait.ge [sflag:s0], $0x4000  }
0x6d: {  	[sflag:s0] =	ssyncset.done $0x0  }
0x6e: {  	s19 =	sadd.s32 $0x1000, s16;
	[sflag:s0] =	ssyncadd.s32 $0xFFFFC000  }
0x6f: {  	[spmem:s2] =	stream.indirect.scatter.add.f32 [tilespmem:s30], [sflag:$0x4], $0x80, s19, s29, $0xb8;
	[tilespmem:$0x1F8C0] =	vst v63  }
0x70: {  	_ =	swait.ge [sflag:s24], $0x4000  }
0x71: {  	[sflag:s24] =	ssyncset.done $0x0  }
0x72: {  	s20 =	sadd.s32 $0x100, s16;
	[sflag:s24] =	ssyncadd.s32 $0xFFFFC000  }
0x73: {  	[tilespmem:s30], [sflag:$0x1] =	stream.indirect.gather [hbm4b:s4+s29], $0x80, s20, s29, $0xb8;
	[tilespmem:$0x1F8C0] =	vst v63  }
0x74: {  	_ =	swait.ge [sflag:s6], $0x4000  }
0x75: {  	[sflag:s6] =	ssyncset.done $0x0  }
0x76: {  	s17 =	sadd.s32 $0x1080, s16;
	[sflag:s6] =	ssyncadd.s32 $0xFFFFC000  }
0x77: {  	[spmem:s2] =	stream.indirect.scatter.add.f32 [tilespmem:s31], [sflag:$0x4], $0x80, s17, s29, $0xb8;
	[tilespmem:$0x1F8C0] =	vst v63  }
0x78: {  	_ =	swait.ge [sflag:s24], $0x4000  }
0x79: {  	[sflag:s24] =	ssyncset.done $0x0  }
0x7a: {  	[sflag:s24] =	ssyncadd.s32 $0xFFFFC000  }
0x7b: {  	[tilespmem:s31], [sflag:$0x2] =	stream.indirect.gather [hbm4b:s4+s29], $0x80, s7, s29, $0xb8;
	[tilespmem:$0x1F8C0] =	vst v63  }
0x7c: {  	_ =	swait.ge [sflag:s0], $0x4000  }
0x7d: {  	[sflag:s0] =	ssyncset.done $0x0  }
0x7e: {  	[sflag:s0] =	ssyncadd.s32 $0xFFFFC000  }
0x7f: {  	[spmem:s2] =	stream.indirect.scatter.add.f32 [tilespmem:s30], [sflag:$0x4], $0x80, s8, s29, $0xb8;
	[tilespmem:$0x1F8C0] =	vst v63  }
0x80: {  	_ =	swait.ge [sflag:s24], $0x4000  }
0x81: {  	[sflag:s24] =	ssyncset.done $0x0  }
0x82: {  	[sflag:s24] =	ssyncadd.s32 $0xFFFFC000  }
0x83: {  	_ =	swait.ge [sflag:s6], $0x4000  }
0x84: {  	[sflag:s6] =	ssyncset.done $0x0  }
0x85: {  	[sflag:s6] =	ssyncadd.s32 $0xFFFFC000  }
0x86: {  	[spmem:s2] =	stream.indirect.scatter.add.f32 [tilespmem:s31], [sflag:$0x4], $0x80, s9, s29, $0xb8;
	[tilespmem:$0x1F8C0] =	vst v63  }
0x87: {  	_ =	swait.ge [sflag:s24], $0x4000  }
0x88: {  	[sflag:s24] =	ssyncset.done $0x0  }
0x89: {  	[sflag:s24] =	ssyncadd.s32 $0xFFFFC000  }
0x8a: {  	_ =	swait.ge [sflag:s10], $0x1000  }
0x8b: {  	[sflag:s10] =	ssyncset.done $0x0  }
0x8c: {  	[sflag:s10] =	ssyncadd.s32 $0xFFFFF000  }
0x8d: {  	_ =	swait.ge [sflag:s10], $0x1000  }
0x8e: {  	[sflag:s10] =	ssyncset.done $0x0  }
0x8f: {  	s18 =	simm.s32 $0x0;
	s19 =	rddreg [dreg:$0x7];
	[sflag:s10] =	ssyncadd.s32 $0xFFFFF000  }
0x90: {  	[tilespmem:s18], [sflag:$0x3] =	stream.linear.gather [hbm4b:s19+s18], $0x1000, $0x38;
	[tilespmem:$0x1F8C0] =	vst v63  }
0x91: {  	s20 =	rddreg [dreg:$0xe]  }
0x92: {  	[tilespmem:s25], [sflag:$0x3] =	stream.linear.gather [hbm4b:s20+s18], $0x1000, $0x38;
	[tilespmem:$0x1F8C0] =	vst v63  }
0x93: {  	_ = 	snop  }
0x94: {  	[tilespmem:s30], [sflag:$0x1] =	stream.indirect.gather [hbm4b:s4+s29], $0x80, s26, s29, $0xb8;
	[tilespmem:$0x1F8C0] =	vst v63  }
0x95: {  	s17 =	simm.s32 $0x2080  }
0x96: {  	[tilespmem:s31], [sflag:$0x2] =	stream.indirect.gather [hbm4b:s4+s29], $0x80, s17, s29, $0xb8;
	[tilespmem:$0x1F8C0] =	vst v63  }
0x97: {  	_ =	swait.ge [sflag:s0], $0x4000  }
0x98: {  	[sflag:s0] =	ssyncset.done $0x0  }
0x99: {  	s18 =	simm.s32 $0x3000;
	[sflag:s0] =	ssyncadd.s32 $0xFFFFC000  }
0x9a: {  	[spmem:s2] =	stream.indirect.scatter.add.f32 [tilespmem:s30], [sflag:$0x4], $0x80, s18, s29, $0xb8;
	[tilespmem:$0x1F8C0] =	vst v63  }
0x9b: {  	_ =	swait.ge [sflag:s24], $0x4000  }
0x9c: {  	[sflag:s24] =	ssyncset.done $0x0  }
0x9d: {  	s19 =	simm.s32 $0x2100;
	[sflag:s24] =	ssyncadd.s32 $0xFFFFC000  }
0x9e: {  	[tilespmem:s30], [sflag:$0x1] =	stream.indirect.gather [hbm4b:s4+s29], $0x80, s19, s29, $0xb8;
	[tilespmem:$0x1F8C0] =	vst v63  }
0x9f: {  	_ =	swait.ge [sflag:s6], $0x4000  }
0xa0: {  	[sflag:s6] =	ssyncset.done $0x0  }
0xa1: {  	s20 =	simm.s32 $0x3080;
	[sflag:s6] =	ssyncadd.s32 $0xFFFFC000  }
0xa2: {  	[spmem:s2] =	stream.indirect.scatter.add.f32 [tilespmem:s31], [sflag:$0x4], $0x80, s20, s29, $0xb8;
	[tilespmem:$0x1F8C0] =	vst v63  }
0xa3: {  	_ =	swait.ge [sflag:s24], $0x4000  }
0xa4: {  	s16 =	simm.s32 $0x100;
	s17 =	simm.s32 $0x800;
	[sflag:s24] =	ssyncset.done $0x0  }
.LBB2_4:
0xa5: {  	s18 =	sadd.s32 $0x2080, s16  }
0xa6: {  	[sflag:s24] =	ssyncadd.s32 $0xFFFFC000;
	s19 =	smov.u32 s17;
	s20 =	sadd.s32 $0x400, s17  }
0xa7: {  	[tilespmem:s31], [sflag:$0x2] =	stream.indirect.gather [hbm4b:s4+s29], $0x80, s18, s29, $0xb8;
	[tilespmem:$0x1F8C0] =	vst v63  }
0xa8: {  	p5 =	sne.s32 s17, $0x3800;
	_ =	swait.ge [sflag:s0], $0x4000  }
0xa9: {  	[sflag:s0] =	ssyncset.done $0x0  }
0xaa: {  	s17 =	sadd.s32 $0x3000, s16;
	[sflag:s0] =	ssyncadd.s32 $0xFFFFC000  }
0xab: {  	[spmem:s2] =	stream.indirect.scatter.add.f32 [tilespmem:s30], [sflag:$0x4], $0x80, s17, s29, $0xb8;
	[tilespmem:$0x1F8C0] =	vst v63  }
0xac: {  	_ =	swait.ge [sflag:s24], $0x4000  }
0xad: {  	[sflag:s24] =	ssyncset.done $0x0  }
0xae: {  	s17 =	sadd.s32 $0x2100, s16;
	[sflag:s24] =	ssyncadd.s32 $0xFFFFC000  }
0xaf: {  	[tilespmem:s30], [sflag:$0x1] =	stream.indirect.gather [hbm4b:s4+s29], $0x80, s17, s29, $0xb8;
	[tilespmem:$0x1F8C0] =	vst v63  }
0xb0: {  	_ =	swait.ge [sflag:s6], $0x4000  }
.Ltmp1:
0xb1: {  	[sflag:s6] =	ssyncset.done $0x0;
	(pc) =	sbr.rel @p5 .LBB2_4-.Ltmp1, $4  }
0xb2: {  	s16 =	sadd.s32 $0x3080, s16;
	[sflag:s6] =	ssyncadd.s32 $0xFFFFC000  }
0xb3: {  	[spmem:s2] =	stream.indirect.scatter.add.f32 [tilespmem:s31], [sflag:$0x4], $0x80, s16, s29, $0xb8;
	[tilespmem:$0x1F8C0] =	vst v63  }
0xb4: {  	_ =	swait.ge [sflag:s24], $0x4000  }
0xb5: {  	s17 =	smov.u32 s20;
	s16 =	sshra.s32 s19, $0x2;
	[sflag:s24] =	ssyncset.done $0x0  }
0xb6: {  	s17 =	sadd.s32 $0x2080, s16;
	[sflag:s24] =	ssyncadd.s32 $0xFFFFC000  }
0xb7: {  	[tilespmem:s31], [sflag:$0x2] =	stream.indirect.gather [hbm4b:s4+s29], $0x80, s17, s29, $0xb8;
	[tilespmem:$0x1F8C0] =	vst v63  }
0xb8: {  	_ =	swait.ge [sflag:s0], $0x4000  }
0xb9: {  	[sflag:s0] =	ssyncset.done $0x0  }
0xba: {  	s19 =	sadd.s32 $0x3000, s16;
	[sflag:s0] =	ssyncadd.s32 $0xFFFFC000  }
0xbb: {  	[spmem:s2] =	stream.indirect.scatter.add.f32 [tilespmem:s30], [sflag:$0x4], $0x80, s19, s29, $0xb8;
	[tilespmem:$0x1F8C0] =	vst v63  }
0xbc: {  	_ =	swait.ge [sflag:s24], $0x4000  }
0xbd: {  	[sflag:s24] =	ssyncset.done $0x0  }
0xbe: {  	s20 =	sadd.s32 $0x2100, s16;
	[sflag:s24] =	ssyncadd.s32 $0xFFFFC000  }
0xbf: {  	[tilespmem:s30], [sflag:$0x1] =	stream.indirect.gather [hbm4b:s4+s29], $0x80, s20, s29, $0xb8;
	[tilespmem:$0x1F8C0] =	vst v63  }
0xc0: {  	_ =	swait.ge [sflag:s6], $0x4000  }
0xc1: {  	[sflag:s6] =	ssyncset.done $0x0  }
0xc2: {  	s17 =	sadd.s32 $0x3080, s16;
	[sflag:s6] =	ssyncadd.s32 $0xFFFFC000  }
0xc3: {  	[spmem:s2] =	stream.indirect.scatter.add.f32 [tilespmem:s31], [sflag:$0x4], $0x80, s17, s29, $0xb8;
	[tilespmem:$0x1F8C0] =	vst v63  }
0xc4: {  	_ =	swait.ge [sflag:s24], $0x4000  }
0xc5: {  	[sflag:s24] =	ssyncset.done $0x0  }
0xc6: {  	[sflag:s24] =	ssyncadd.s32 $0xFFFFC000  }
0xc7: {  	[tilespmem:s31], [sflag:$0x2] =	stream.indirect.gather [hbm4b:s4+s29], $0x80, s11, s29, $0xb8;
	[tilespmem:$0x1F8C0] =	vst v63  }
0xc8: {  	_ =	swait.ge [sflag:s0], $0x4000  }
0xc9: {  	[sflag:s0] =	ssyncset.done $0x0  }
0xca: {  	[sflag:s0] =	ssyncadd.s32 $0xFFFFC000  }
0xcb: {  	[spmem:s2] =	stream.indirect.scatter.add.f32 [tilespmem:s30], [sflag:$0x4], $0x80, s12, s29, $0xb8;
	[tilespmem:$0x1F8C0] =	vst v63  }
0xcc: {  	_ =	swait.ge [sflag:s24], $0x4000  }
0xcd: {  	[sflag:s24] =	ssyncset.done $0x0  }
0xce: {  	[sflag:s24] =	ssyncadd.s32 $0xFFFFC000  }
0xcf: {  	_ =	swait.ge [sflag:s6], $0x4000  }
0xd0: {  	[sflag:s6] =	ssyncset.done $0x0  }
0xd1: {  	[sflag:s6] =	ssyncadd.s32 $0xFFFFC000  }
0xd2: {  	[spmem:s2] =	stream.indirect.scatter.add.f32 [tilespmem:s31], [sflag:$0x4], $0x80, s14, s29, $0xb8;
	[tilespmem:$0x1F8C0] =	vst v63  }
0xd3: {  	_ =	swait.ge [sflag:s24], $0x4000  }
0xd4: {  	[sflag:s24] =	ssyncset.done $0x0  }
0xd5: {  	[sflag:s24] =	ssyncadd.s32 $0xFFFFC000  }
0xd6: {  	_ =	swait.ge [sflag:s10], $0x1000  }
0xd7: {  	[sflag:s10] =	ssyncset.done $0x0  }
0xd8: {  	[sflag:s10] =	ssyncadd.s32 $0xFFFFF000  }
0xd9: {  	_ =	swait.ge [sflag:s10], $0x1000  }
0xda: {  	[sflag:s10] =	ssyncset.done $0x0  }
0xdb: {  	s18 =	simm.s32 $0x0;
	s19 =	rddreg [dreg:$0x8];
	[sflag:s10] =	ssyncadd.s32 $0xFFFFF000  }
0xdc: {  	[tilespmem:s26], [sflag:$0x3] =	stream.linear.gather [hbm4b:s19+s18], $0x1000, $0x38;
	[tilespmem:$0x1F8C0] =	vst v63  }
0xdd: {  	s20 =	rddreg [dreg:$0xf]  }
0xde: {  	[tilespmem:s28], [sflag:$0x3] =	stream.linear.gather [hbm4b:s20+s18], $0x1000, $0x38;
	[tilespmem:$0x1F8C0] =	vst v63  }
0xdf: {  	_ = 	snop  }
0xe0: {  	[tilespmem:s30], [sflag:$0x1] =	stream.indirect.gather [hbm4b:s4+s29], $0x80, s18, s29, $0xb8;
	[tilespmem:$0x1F8C0] =	vst v63  }
0xe1: {  	s17 =	simm.s32 $0x80  }
0xe2: {  	[tilespmem:s31], [sflag:$0x2] =	stream.indirect.gather [hbm4b:s4+s29], $0x80, s17, s29, $0xb8;
	[tilespmem:$0x1F8C0] =	vst v63  }
0xe3: {  	_ =	swait.ge [sflag:s0], $0x4000  }
0xe4: {  	[sflag:s0] =	ssyncset.done $0x0  }
0xe5: {  	s18 =	simm.s32 $0x1000;
	[sflag:s0] =	ssyncadd.s32 $0xFFFFC000  }
0xe6: {  	[spmem:s2] =	stream.indirect.scatter.add.f32 [tilespmem:s30], [sflag:$0x4], $0x80, s18, s29, $0xb8;
	[tilespmem:$0x1F8C0] =	vst v63  }
0xe7: {  	_ =	swait.ge [sflag:s24], $0x4000  }
0xe8: {  	[sflag:s24] =	ssyncset.done $0x0  }
0xe9: {  	s19 =	simm.s32 $0x100;
	[sflag:s24] =	ssyncadd.s32 $0xFFFFC000  }
0xea: {  	[tilespmem:s30], [sflag:$0x1] =	stream.indirect.gather [hbm4b:s4+s29], $0x80, s19, s29, $0xb8;
	[tilespmem:$0x1F8C0] =	vst v63  }
0xeb: {  	_ =	swait.ge [sflag:s6], $0x4000  }
0xec: {  	[sflag:s6] =	ssyncset.done $0x0  }
0xed: {  	s20 =	simm.s32 $0x1080;
	[sflag:s6] =	ssyncadd.s32 $0xFFFFC000  }
0xee: {  	[spmem:s2] =	stream.indirect.scatter.add.f32 [tilespmem:s31], [sflag:$0x4], $0x80, s20, s29, $0xb8;
	[tilespmem:$0x1F8C0] =	vst v63  }
0xef: {  	_ =	swait.ge [sflag:s24], $0x4000  }
0xf0: {  	s16 =	simm.s32 $0x100;
	s17 =	simm.s32 $0x800;
	[sflag:s24] =	ssyncset.done $0x0  }
.LBB2_6:
0xf1: {  	s18 =	sadd.s32 $0x80, s16  }
0xf2: {  	[sflag:s24] =	ssyncadd.s32 $0xFFFFC000;
	s19 =	smov.u32 s17;
	s20 =	sadd.s32 $0x400, s17  }
0xf3: {  	[tilespmem:s31], [sflag:$0x2] =	stream.indirect.gather [hbm4b:s4+s29], $0x80, s18, s29, $0xb8;
	[tilespmem:$0x1F8C0] =	vst v63  }
0xf4: {  	p5 =	sne.s32 s17, $0x3800;
	_ =	swait.ge [sflag:s0], $0x4000  }
0xf5: {  	[sflag:s0] =	ssyncset.done $0x0  }
0xf6: {  	s17 =	sadd.s32 $0x1000, s16;
	[sflag:s0] =	ssyncadd.s32 $0xFFFFC000  }
0xf7: {  	[spmem:s2] =	stream.indirect.scatter.add.f32 [tilespmem:s30], [sflag:$0x4], $0x80, s17, s29, $0xb8;
	[tilespmem:$0x1F8C0] =	vst v63  }
0xf8: {  	_ =	swait.ge [sflag:s24], $0x4000  }
0xf9: {  	[sflag:s24] =	ssyncset.done $0x0  }
0xfa: {  	s17 =	sadd.s32 $0x100, s16;
	[sflag:s24] =	ssyncadd.s32 $0xFFFFC000  }
0xfb: {  	[tilespmem:s30], [sflag:$0x1] =	stream.indirect.gather [hbm4b:s4+s29], $0x80, s17, s29, $0xb8;
	[tilespmem:$0x1F8C0] =	vst v63  }
0xfc: {  	_ =	swait.ge [sflag:s6], $0x4000  }
.Ltmp2:
0xfd: {  	[sflag:s6] =	ssyncset.done $0x0;
	(pc) =	sbr.rel @p5 .LBB2_6-.Ltmp2, $4  }
0xfe: {  	s16 =	sadd.s32 $0x1080, s16;
	[sflag:s6] =	ssyncadd.s32 $0xFFFFC000  }
0xff: {  	[spmem:s2] =	stream.indirect.scatter.add.f32 [tilespmem:s31], [sflag:$0x4], $0x80, s16, s29, $0xb8;
	[tilespmem:$0x1F8C0] =	vst v63  }
0x100: {  	_ =	swait.ge [sflag:s24], $0x4000  }
0x101: {  	s17 =	smov.u32 s20;
	s16 =	sshra.s32 s19, $0x2;
	[sflag:s24] =	ssyncset.done $0x0  }
0x102: {  	s17 =	sadd.s32 $0x80, s16;
	[sflag:s24] =	ssyncadd.s32 $0xFFFFC000  }
0x103: {  	[tilespmem:s31], [sflag:$0x2] =	stream.indirect.gather [hbm4b:s4+s29], $0x80, s17, s29, $0xb8;
	[tilespmem:$0x1F8C0] =	vst v63  }
0x104: {  	_ =	swait.ge [sflag:s0], $0x4000  }
0x105: {  	[sflag:s0] =	ssyncset.done $0x0  }
0x106: {  	s19 =	sadd.s32 $0x1000, s16;
	[sflag:s0] =	ssyncadd.s32 $0xFFFFC000  }
0x107: {  	[spmem:s2] =	stream.indirect.scatter.add.f32 [tilespmem:s30], [sflag:$0x4], $0x80, s19, s29, $0xb8;
	[tilespmem:$0x1F8C0] =	vst v63  }
0x108: {  	_ =	swait.ge [sflag:s24], $0x4000  }
0x109: {  	[sflag:s24] =	ssyncset.done $0x0  }
0x10a: {  	s20 =	sadd.s32 $0x100, s16;
	[sflag:s24] =	ssyncadd.s32 $0xFFFFC000  }
0x10b: {  	[tilespmem:s30], [sflag:$0x1] =	stream.indirect.gather [hbm4b:s4+s29], $0x80, s20, s29, $0xb8;
	[tilespmem:$0x1F8C0] =	vst v63  }
0x10c: {  	_ =	swait.ge [sflag:s6], $0x4000  }
0x10d: {  	[sflag:s6] =	ssyncset.done $0x0  }
0x10e: {  	s17 =	sadd.s32 $0x1080, s16;
	[sflag:s6] =	ssyncadd.s32 $0xFFFFC000  }
0x10f: {  	[spmem:s2] =	stream.indirect.scatter.add.f32 [tilespmem:s31], [sflag:$0x4], $0x80, s17, s29, $0xb8;
	[tilespmem:$0x1F8C0] =	vst v63  }
0x110: {  	_ =	swait.ge [sflag:s24], $0x4000  }
0x111: {  	[sflag:s24] =	ssyncset.done $0x0  }
0x112: {  	[sflag:s24] =	ssyncadd.s32 $0xFFFFC000  }
0x113: {  	[tilespmem:s31], [sflag:$0x2] =	stream.indirect.gather [hbm4b:s4+s29], $0x80, s7, s29, $0xb8;
	[tilespmem:$0x1F8C0] =	vst v63  }
0x114: {  	_ =	swait.ge [sflag:s0], $0x4000  }
0x115: {  	[sflag:s0] =	ssyncset.done $0x0  }
0x116: {  	[sflag:s0] =	ssyncadd.s32 $0xFFFFC000  }
0x117: {  	[spmem:s2] =	stream.indirect.scatter.add.f32 [tilespmem:s30], [sflag:$0x4], $0x80, s8, s29, $0xb8;
	[tilespmem:$0x1F8C0] =	vst v63  }
0x118: {  	_ =	swait.ge [sflag:s24], $0x4000  }
0x119: {  	[sflag:s24] =	ssyncset.done $0x0  }
0x11a: {  	[sflag:s24] =	ssyncadd.s32 $0xFFFFC000  }
0x11b: {  	_ =	swait.ge [sflag:s6], $0x4000  }
0x11c: {  	[sflag:s6] =	ssyncset.done $0x0  }
0x11d: {  	[sflag:s6] =	ssyncadd.s32 $0xFFFFC000  }
0x11e: {  	[spmem:s2] =	stream.indirect.scatter.add.f32 [tilespmem:s31], [sflag:$0x4], $0x80, s9, s29, $0xb8;
	[tilespmem:$0x1F8C0] =	vst v63  }
0x11f: {  	_ =	swait.ge [sflag:s24], $0x4000  }
0x120: {  	[sflag:s24] =	ssyncset.done $0x0  }
0x121: {  	[sflag:s24] =	ssyncadd.s32 $0xFFFFC000  }
0x122: {  	_ =	swait.ge [sflag:s10], $0x1000  }
0x123: {  	[sflag:s10] =	ssyncset.done $0x0  }
0x124: {  	[sflag:s10] =	ssyncadd.s32 $0xFFFFF000  }
0x125: {  	_ =	swait.ge [sflag:s10], $0x1000  }
0x126: {  	[sflag:s10] =	ssyncset.done $0x0  }
0x127: {  	s18 =	simm.s32 $0x0;
	s19 =	rddreg [dreg:$0x9];
	[sflag:s10] =	ssyncadd.s32 $0xFFFFF000  }
0x128: {  	[tilespmem:s18], [sflag:$0x3] =	stream.linear.gather [hbm4b:s19+s18], $0x1000, $0x38;
	[tilespmem:$0x1F8C0] =	vst v63  }
0x129: {  	s20 =	rddreg [dreg:$0x10]  }
0x12a: {  	[tilespmem:s25], [sflag:$0x3] =	stream.linear.gather [hbm4b:s20+s18], $0x1000, $0x38;
	[tilespmem:$0x1F8C0] =	vst v63  }
0x12b: {  	_ = 	snop  }
0x12c: {  	[tilespmem:s30], [sflag:$0x1] =	stream.indirect.gather [hbm4b:s4+s29], $0x80, s26, s29, $0xb8;
	[tilespmem:$0x1F8C0] =	vst v63  }
0x12d: {  	s17 =	simm.s32 $0x2080  }
0x12e: {  	[tilespmem:s31], [sflag:$0x2] =	stream.indirect.gather [hbm4b:s4+s29], $0x80, s17, s29, $0xb8;
	[tilespmem:$0x1F8C0] =	vst v63  }
0x12f: {  	_ =	swait.ge [sflag:s0], $0x4000  }
0x130: {  	[sflag:s0] =	ssyncset.done $0x0  }
0x131: {  	s18 =	simm.s32 $0x3000;
	[sflag:s0] =	ssyncadd.s32 $0xFFFFC000  }
0x132: {  	[spmem:s2] =	stream.indirect.scatter.add.f32 [tilespmem:s30], [sflag:$0x4], $0x80, s18, s29, $0xb8;
	[tilespmem:$0x1F8C0] =	vst v63  }
0x133: {  	_ =	swait.ge [sflag:s24], $0x4000  }
0x134: {  	[sflag:s24] =	ssyncset.done $0x0  }
0x135: {  	s19 =	simm.s32 $0x2100;
	[sflag:s24] =	ssyncadd.s32 $0xFFFFC000  }
0x136: {  	[tilespmem:s30], [sflag:$0x1] =	stream.indirect.gather [hbm4b:s4+s29], $0x80, s19, s29, $0xb8;
	[tilespmem:$0x1F8C0] =	vst v63  }
0x137: {  	_ =	swait.ge [sflag:s6], $0x4000  }
0x138: {  	[sflag:s6] =	ssyncset.done $0x0  }
0x139: {  	s20 =	simm.s32 $0x3080;
	[sflag:s6] =	ssyncadd.s32 $0xFFFFC000  }
0x13a: {  	[spmem:s2] =	stream.indirect.scatter.add.f32 [tilespmem:s31], [sflag:$0x4], $0x80, s20, s29, $0xb8;
	[tilespmem:$0x1F8C0] =	vst v63  }
0x13b: {  	_ =	swait.ge [sflag:s24], $0x4000  }
0x13c: {  	s16 =	simm.s32 $0x100;
	s17 =	simm.s32 $0x800;
	[sflag:s24] =	ssyncset.done $0x0  }
.LBB2_8:
0x13d: {  	s18 =	sadd.s32 $0x2080, s16  }
0x13e: {  	[sflag:s24] =	ssyncadd.s32 $0xFFFFC000;
	s19 =	smov.u32 s17;
	s20 =	sadd.s32 $0x400, s17  }
0x13f: {  	[tilespmem:s31], [sflag:$0x2] =	stream.indirect.gather [hbm4b:s4+s29], $0x80, s18, s29, $0xb8;
	[tilespmem:$0x1F8C0] =	vst v63  }
0x140: {  	p5 =	sne.s32 s17, $0x3800;
	_ =	swait.ge [sflag:s0], $0x4000  }
0x141: {  	[sflag:s0] =	ssyncset.done $0x0  }
0x142: {  	s17 =	sadd.s32 $0x3000, s16;
	[sflag:s0] =	ssyncadd.s32 $0xFFFFC000  }
0x143: {  	[spmem:s2] =	stream.indirect.scatter.add.f32 [tilespmem:s30], [sflag:$0x4], $0x80, s17, s29, $0xb8;
	[tilespmem:$0x1F8C0] =	vst v63  }
0x144: {  	_ =	swait.ge [sflag:s24], $0x4000  }
0x145: {  	[sflag:s24] =	ssyncset.done $0x0  }
0x146: {  	s17 =	sadd.s32 $0x2100, s16;
	[sflag:s24] =	ssyncadd.s32 $0xFFFFC000  }
0x147: {  	[tilespmem:s30], [sflag:$0x1] =	stream.indirect.gather [hbm4b:s4+s29], $0x80, s17, s29, $0xb8;
	[tilespmem:$0x1F8C0] =	vst v63  }
0x148: {  	_ =	swait.ge [sflag:s6], $0x4000  }
.Ltmp3:
0x149: {  	[sflag:s6] =	ssyncset.done $0x0;
	(pc) =	sbr.rel @p5 .LBB2_8-.Ltmp3, $4  }
0x14a: {  	s16 =	sadd.s32 $0x3080, s16;
	[sflag:s6] =	ssyncadd.s32 $0xFFFFC000  }
0x14b: {  	[spmem:s2] =	stream.indirect.scatter.add.f32 [tilespmem:s31], [sflag:$0x4], $0x80, s16, s29, $0xb8;
	[tilespmem:$0x1F8C0] =	vst v63  }
0x14c: {  	_ =	swait.ge [sflag:s24], $0x4000  }
0x14d: {  	s17 =	smov.u32 s20;
	s16 =	sshra.s32 s19, $0x2;
	[sflag:s24] =	ssyncset.done $0x0  }
0x14e: {  	s17 =	sadd.s32 $0x2080, s16;
	[sflag:s24] =	ssyncadd.s32 $0xFFFFC000  }
0x14f: {  	[tilespmem:s31], [sflag:$0x2] =	stream.indirect.gather [hbm4b:s4+s29], $0x80, s17, s29, $0xb8;
	[tilespmem:$0x1F8C0] =	vst v63  }
0x150: {  	_ =	swait.ge [sflag:s0], $0x4000  }
0x151: {  	[sflag:s0] =	ssyncset.done $0x0  }
0x152: {  	s20 =	sadd.s32 $0x3000, s16;
	[sflag:s0] =	ssyncadd.s32 $0xFFFFC000  }
0x153: {  	[spmem:s2] =	stream.indirect.scatter.add.f32 [tilespmem:s30], [sflag:$0x4], $0x80, s20, s29, $0xb8;
	[tilespmem:$0x1F8C0] =	vst v63  }
0x154: {  	_ =	swait.ge [sflag:s24], $0x4000  }
0x155: {  	[sflag:s24] =	ssyncset.done $0x0  }
0x156: {  	s18 =	sadd.s32 $0x2100, s16;
	[sflag:s24] =	ssyncadd.s32 $0xFFFFC000  }
0x157: {  	[tilespmem:s30], [sflag:$0x1] =	stream.indirect.gather [hbm4b:s4+s29], $0x80, s18, s29, $0xb8;
	[tilespmem:$0x1F8C0] =	vst v63  }
0x158: {  	_ =	swait.ge [sflag:s6], $0x4000  }
0x159: {  	[sflag:s6] =	ssyncset.done $0x0  }
0x15a: {  	s19 =	sadd.s32 $0x3080, s16;
	[sflag:s6] =	ssyncadd.s32 $0xFFFFC000  }
0x15b: {  	[spmem:s2] =	stream.indirect.scatter.add.f32 [tilespmem:s31], [sflag:$0x4], $0x80, s19, s29, $0xb8;
	[tilespmem:$0x1F8C0] =	vst v63  }
0x15c: {  	_ =	swait.ge [sflag:s24], $0x4000  }
0x15d: {  	[sflag:s24] =	ssyncset.done $0x0  }
0x15e: {  	[sflag:s24] =	ssyncadd.s32 $0xFFFFC000  }
0x15f: {  	[tilespmem:s31], [sflag:$0x2] =	stream.indirect.gather [hbm4b:s4+s29], $0x80, s11, s29, $0xb8;
	[tilespmem:$0x1F8C0] =	vst v63  }
0x160: {  	_ =	swait.ge [sflag:s0], $0x4000  }
0x161: {  	[sflag:s0] =	ssyncset.done $0x0  }
0x162: {  	[sflag:s0] =	ssyncadd.s32 $0xFFFFC000  }
0x163: {  	[spmem:s2] =	stream.indirect.scatter.add.f32 [tilespmem:s30], [sflag:$0x4], $0x80, s12, s29, $0xb8;
	[tilespmem:$0x1F8C0] =	vst v63  }
0x164: {  	_ =	swait.ge [sflag:s24], $0x4000  }
0x165: {  	[sflag:s24] =	ssyncset.done $0x0  }
0x166: {  	[sflag:s24] =	ssyncadd.s32 $0xFFFFC000  }
0x167: {  	_ =	swait.ge [sflag:s6], $0x4000  }
0x168: {  	[sflag:s6] =	ssyncset.done $0x0  }
0x169: {  	[sflag:s6] =	ssyncadd.s32 $0xFFFFC000  }
0x16a: {  	[spmem:s2] =	stream.indirect.scatter.add.f32 [tilespmem:s31], [sflag:$0x4], $0x80, s14, s29, $0xb8;
	[tilespmem:$0x1F8C0] =	vst v63  }
0x16b: {  	_ =	swait.ge [sflag:s24], $0x4000  }
0x16c: {  	[sflag:s24] =	ssyncset.done $0x0  }
0x16d: {  	[sflag:s24] =	ssyncadd.s32 $0xFFFFC000  }
0x16e: {  	_ =	swait.ge [sflag:s10], $0x1000  }
0x16f: {  	[sflag:s10] =	ssyncset.done $0x0  }
0x170: {  	[sflag:s10] =	ssyncadd.s32 $0xFFFFF000  }
0x171: {  	_ =	swait.ge [sflag:s10], $0x1000  }
0x172: {  	[sflag:s10] =	ssyncset.done $0x0  }
0x173: {  	s20 =	simm.s32 $0x0;
	[sflag:s10] =	ssyncadd.s32 $0xFFFFF000  }
0x174: {  	[tilespmem:s30], [sflag:$0x1] =	stream.indirect.gather [hbm4b:s4+s29], $0x80, s20, s29, $0xb8;
	[tilespmem:$0x1F8C0] =	vst v63  }
0x175: {  	s17 =	simm.s32 $0x80  }
0x176: {  	[tilespmem:s31], [sflag:$0x2] =	stream.indirect.gather [hbm4b:s4+s29], $0x80, s17, s29, $0xb8;
	[tilespmem:$0x1F8C0] =	vst v63  }
0x177: {  	_ =	swait.ge [sflag:s0], $0x4000  }
0x178: {  	[sflag:s0] =	ssyncset.done $0x0  }
0x179: {  	s18 =	simm.s32 $0x1000;
	[sflag:s0] =	ssyncadd.s32 $0xFFFFC000  }
0x17a: {  	[spmem:s2] =	stream.indirect.scatter.add.f32 [tilespmem:s30], [sflag:$0x4], $0x80, s18, s29, $0xb8;
	[tilespmem:$0x1F8C0] =	vst v63  }
0x17b: {  	_ =	swait.ge [sflag:s24], $0x4000  }
0x17c: {  	[sflag:s24] =	ssyncset.done $0x0  }
0x17d: {  	s19 =	simm.s32 $0x100;
	[sflag:s24] =	ssyncadd.s32 $0xFFFFC000  }
0x17e: {  	[tilespmem:s30], [sflag:$0x1] =	stream.indirect.gather [hbm4b:s4+s29], $0x80, s19, s29, $0xb8;
	[tilespmem:$0x1F8C0] =	vst v63  }
0x17f: {  	_ =	swait.ge [sflag:s6], $0x4000  }
0x180: {  	[sflag:s6] =	ssyncset.done $0x0  }
0x181: {  	s20 =	simm.s32 $0x1080;
	[sflag:s6] =	ssyncadd.s32 $0xFFFFC000  }
0x182: {  	[spmem:s2] =	stream.indirect.scatter.add.f32 [tilespmem:s31], [sflag:$0x4], $0x80, s20, s29, $0xb8;
	[tilespmem:$0x1F8C0] =	vst v63  }
0x183: {  	_ =	swait.ge [sflag:s24], $0x4000  }
0x184: {  	s16 =	simm.s32 $0x100;
	s17 =	simm.s32 $0x800;
	[sflag:s24] =	ssyncset.done $0x0  }
.LBB2_10:
0x185: {  	s18 =	sadd.s32 $0x80, s16  }
0x186: {  	[sflag:s24] =	ssyncadd.s32 $0xFFFFC000;
	s19 =	smov.u32 s17;
	s20 =	sadd.s32 $0x400, s17  }
0x187: {  	[tilespmem:s31], [sflag:$0x2] =	stream.indirect.gather [hbm4b:s4+s29], $0x80, s18, s29, $0xb8;
	[tilespmem:$0x1F8C0] =	vst v63  }
0x188: {  	p5 =	sne.s32 s17, $0x3800;
	_ =	swait.ge [sflag:s0], $0x4000  }
0x189: {  	[sflag:s0] =	ssyncset.done $0x0  }
0x18a: {  	s17 =	sadd.s32 $0x1000, s16;
	[sflag:s0] =	ssyncadd.s32 $0xFFFFC000  }
0x18b: {  	[spmem:s2] =	stream.indirect.scatter.add.f32 [tilespmem:s30], [sflag:$0x4], $0x80, s17, s29, $0xb8;
	[tilespmem:$0x1F8C0] =	vst v63  }
0x18c: {  	_ =	swait.ge [sflag:s24], $0x4000  }
0x18d: {  	[sflag:s24] =	ssyncset.done $0x0  }
0x18e: {  	s17 =	sadd.s32 $0x100, s16;
	[sflag:s24] =	ssyncadd.s32 $0xFFFFC000  }
0x18f: {  	[tilespmem:s30], [sflag:$0x1] =	stream.indirect.gather [hbm4b:s4+s29], $0x80, s17, s29, $0xb8;
	[tilespmem:$0x1F8C0] =	vst v63  }
0x190: {  	_ =	swait.ge [sflag:s6], $0x4000  }
.Ltmp4:
0x191: {  	[sflag:s6] =	ssyncset.done $0x0;
	(pc) =	sbr.rel @p5 .LBB2_10-.Ltmp4, $4  }
0x192: {  	s16 =	sadd.s32 $0x1080, s16;
	[sflag:s6] =	ssyncadd.s32 $0xFFFFC000  }
0x193: {  	[spmem:s2] =	stream.indirect.scatter.add.f32 [tilespmem:s31], [sflag:$0x4], $0x80, s16, s29, $0xb8;
	[tilespmem:$0x1F8C0] =	vst v63  }
0x194: {  	_ =	swait.ge [sflag:s24], $0x4000  }
0x195: {  	s17 =	smov.u32 s20;
	s16 =	sshra.s32 s19, $0x2;
	[sflag:s24] =	ssyncset.done $0x0  }
0x196: {  	s17 =	sadd.s32 $0x80, s16;
	[sflag:s24] =	ssyncadd.s32 $0xFFFFC000  }
0x197: {  	[tilespmem:s31], [sflag:$0x2] =	stream.indirect.gather [hbm4b:s4+s29], $0x80, s17, s29, $0xb8;
	[tilespmem:$0x1F8C0] =	vst v63  }
0x198: {  	_ =	swait.ge [sflag:s0], $0x4000  }
0x199: {  	[sflag:s0] =	ssyncset.done $0x0  }
0x19a: {  	s18 =	sadd.s32 $0x1000, s16;
	[sflag:s0] =	ssyncadd.s32 $0xFFFFC000  }
0x19b: {  	[spmem:s2] =	stream.indirect.scatter.add.f32 [tilespmem:s30], [sflag:$0x4], $0x80, s18, s29, $0xb8;
	[tilespmem:$0x1F8C0] =	vst v63  }
0x19c: {  	_ =	swait.ge [sflag:s24], $0x4000  }
0x19d: {  	[sflag:s24] =	ssyncset.done $0x0  }
0x19e: {  	s19 =	sadd.s32 $0x100, s16;
	[sflag:s24] =	ssyncadd.s32 $0xFFFFC000  }
0x19f: {  	[tilespmem:s30], [sflag:$0x1] =	stream.indirect.gather [hbm4b:s4+s29], $0x80, s19, s29, $0xb8;
	[tilespmem:$0x1F8C0] =	vst v63  }
0x1a0: {  	_ =	swait.ge [sflag:s6], $0x4000  }
0x1a1: {  	[sflag:s6] =	ssyncset.done $0x0  }
0x1a2: {  	s20 =	sadd.s32 $0x1080, s16;
	[sflag:s6] =	ssyncadd.s32 $0xFFFFC000  }
0x1a3: {  	[spmem:s2] =	stream.indirect.scatter.add.f32 [tilespmem:s31], [sflag:$0x4], $0x80, s20, s29, $0xb8;
	[tilespmem:$0x1F8C0] =	vst v63  }
0x1a4: {  	_ =	swait.ge [sflag:s24], $0x4000  }
0x1a5: {  	[sflag:s24] =	ssyncset.done $0x0  }
0x1a6: {  	[sflag:s24] =	ssyncadd.s32 $0xFFFFC000  }
0x1a7: {  	[tilespmem:s31], [sflag:$0x2] =	stream.indirect.gather [hbm4b:s4+s29], $0x80, s7, s29, $0xb8;
	[tilespmem:$0x1F8C0] =	vst v63  }
0x1a8: {  	_ =	swait.ge [sflag:s0], $0x4000  }
0x1a9: {  	[sflag:s0] =	ssyncset.done $0x0  }
0x1aa: {  	[sflag:s0] =	ssyncadd.s32 $0xFFFFC000  }
0x1ab: {  	[spmem:s2] =	stream.indirect.scatter.add.f32 [tilespmem:s30], [sflag:$0x4], $0x80, s8, s29, $0xb8;
	[tilespmem:$0x1F8C0] =	vst v63  }
0x1ac: {  	_ =	swait.ge [sflag:s24], $0x4000  }
0x1ad: {  	[sflag:s24] =	ssyncset.done $0x0  }
0x1ae: {  	[sflag:s24] =	ssyncadd.s32 $0xFFFFC000  }
0x1af: {  	_ =	swait.ge [sflag:s6], $0x4000  }
0x1b0: {  	[sflag:s6] =	ssyncset.done $0x0  }
0x1b1: {  	[sflag:s6] =	ssyncadd.s32 $0xFFFFC000  }
0x1b2: {  	[spmem:s2] =	stream.indirect.scatter.add.f32 [tilespmem:s31], [sflag:$0x4], $0x80, s9, s29, $0xb8;
	[tilespmem:$0x1F8C0] =	vst v63  }
0x1b3: {  	_ =	swait.ge [sflag:s24], $0x4000  }
0x1b4: {  	[sflag:s24] =	ssyncset.done $0x0  }
0x1b5: {  	[sflag:s24] =	ssyncadd.s32 $0xFFFFC000  }
0x1b6: {  	s16 =	sshrl.u32 @p0 s13, $0x3;
	s17 =	simm.s32 @p0 $0x1FC4;
	[bflag:$0x0] =	sbarrier.arrive $0xFFFF  }
0x1b7: {  	[hbm:s22], [sflag:s17] =	dma.local @p0 [spmem:s16], $0x2800  }
0x1b8: {  	s16 =	simm.s32 @p0 $0x4  }
0x1b9: {  	s15 =	sadd.s32 $0x1, s15;
	_ =	swait.ge @p0 [sflag:s16], $0x2800  }
0x1ba: {  	p5 =	sne.s32 s15, s23;
	s17 =	sshll.u32 @!p0 s1, $0x6;
	[sflag:s16] =	ssyncset.done @p0 $0x0  }
0x1bb: {  	[sflag:s16] =	ssyncadd.s32 @p0 $0xFFFFD800;
	s16 =	sor.u32 @!p0 $0x1C04, s17;
	s17 =	sshrl.u32 @!p0 s5, $0x3  }
0x1bc: {  	[hbm:s21], [sflag:s16] =	dma.local @!p0 [spmem:s17], $0x2700  }
.Ltmp5:
0x1bd: {  	_ = 	snop;
	(pc) =	sbr.rel @p5 .LBB2_1-.Ltmp5, $4  }
0x1be: {  	s16 =	simm.s32 @!p0 $0x4  }
0x1bf: {  	_ =	swait.ge @!p0 [sflag:s16], $0x2700  }
0x1c0: {  	[sflag:s16] =	ssyncset.done @!p0 $0x0  }
0x1c1: {  	[sflag:s16] =	ssyncadd.s32 @!p0 $0xFFFFD900  }
0x1c2: {  	_ =	sfence.sel $0x180000  }
0x1c3: {  	[bflag:$0x0] =	sbarrier.arrive $0xFFFF  }
0x1c4: {  	_ =	strace $0x9000004A  }
0x1c5: {  	[bflag:$0x2] =	sbarrier.arrive $0xFFFF  }
0x1c6: {  	p0 =	sne.s32 s1, $0x0;
	s0 =	rddreg [dreg:$0x2]  }
0x1c7: {  	s0 =	sadd.s32 @!p0 $0x100000, s0  }
0x1c8: {  	[sflag:s0] =	ssyncadd.tile.s32 @!p0 $0x1;
	_ =	shalt  }
.Lfunc_end2:
_tile_overlayer_lowered:
.L_overlay_start_2:
0x1c9: {  	(tag) =	ssettag $0x2  }
0x1ca: {  	s0 =	rddreg [dreg:$0x0];
	s2 =	stileid.u32  }
0x1cb: {  	s1 =	rddreg [dreg:$0x1];
	p0 =	sne.s32 s2, $0x0  }
0x1cc: {  	s3 =	rddreg [dreg:$0x2];
	[bflag:$0x3] =	sbarrier.arrive $0xFFFF;
	s2 =	simm.s32 @!p0 $0x1C04  }
0x1cd: {  	[timem:s3], [sflag:s2] =	dma.local @!p0 [hbm:s0], s1  }
0x1ce: {  	s0 =	simm.s32 @!p0 $0x4  }
0x1cf: {  	_ =	swait.ge @!p0 [sflag:s0], s1  }
0x1d0: {  	s1 =	ssub.s32 @!p0 $0x0, s1;
	[sflag:s0] =	ssyncset.done @!p0 $0x0  }
0x1d1: {  	[sflag:s0] =	ssyncadd.s32 @!p0 s1  }
0x1d2: {  	[bflag:$0x3] =	sbarrier.arrive $0xFFFF  }
0x1d3: {  	_ =	shalt  }

// kernel: kernel.14.cloned.1.call-start
scs
__scs_entry_jumppad:
0x0: {  	(pc) =	sbr.rel $0x88, $3  }
0x1: {  	(tag) =	ssettag $0x0;
	lr =	simm.s32 $0x1  }
0x2: {  	[smem:$0x3F82] =	sst lr;
	_ =	strace $0xD0000000  }
0x3: {  	_ = 	snop  }
0x4: {  	_ = 	snop  }
0x5: {  	_ = 	snop  }
0x6: {  	_ = 	snop  }
0x7: {  	_ = 	snop  }
__scs_overlays_trampoline_lowered:
0x8: {  	[smem:$0x3F91] =	sst s0  }
0x9: {  	[smem:$0x3F92] =	sst s1  }
0xa: {  	[smem:$0x3F93] =	sst s2  }
0xb: {  	[smem:$0x3F94] =	sst s3  }
0xc: {  	[smem:$0x3F95] =	sst s4  }
0xd: {  	[smem:$0x3F96] =	sst s5  }
0xe: {  	[smem:$0x3F97] =	sst s6  }
0xf: {  	[smem:$0x3F98] =	sst s7  }
0x10: {  	[smem:$0x3F99] =	sst s8  }
0x11: {  	[smem:$0x3F9A] =	sst s9;
	s0 =	simm.s32 @!p0 $0x0  }
0x12: {  	s1 =	sld [smem:$0x3F80];
	s0 =	simm.s32 @p0 $0x1  }
0x13: {  	[smem:$0x3F9B] =	sst s0;
	s0 =	simm.s32 @!p1 $0x0  }
0x14: {  	s2 =	sld [smem:$0x3F7F];
	s0 =	simm.s32 @p1 $0x1  }
0x15: {  	[smem:$0x3F9C] =	sst s0;
	s0 =	simm.s32 @!p2 $0x0  }
0x16: {  	s3 =	sld [smem:$0x3FDB];
	s0 =	simm.s32 @p2 $0x1  }
0x17: {  	s4 =	simm.s32 $0x1BF5;
	[smem:$0x3F9E] =	sst s0  }
0x18: {  	s0 =	sld [smem:$0x3F81];
	_ =	swait.ge [sflag:s4], $0x0  }
0x19: {  	s7 =	sld [smem:$0x3F82]  }
0x1a: {  	s8 =	sadd.s32 $0xFFFFE003, lr  }
0x1b: {  	s9 =	sadd.s32 $0xFFFFFEF7, lr;
	s5 =	simm.s32 $0xFFFFFFFF;
	p2 =	slt.u32 s8, $0xFFFFF086  }
0x1c: {  	p1 =	slt.u32 s9, $0xF7A;
	s5 =	simm.s32 @!p2 $0x0  }
0x1d: {  	s5 =	simm.s32 @p1 $0x1;
	p0 =	seq.s32 s7, s2  }
0x1e: {  	s7 =	smul.u32 @!p0 $0xF7A, s2;
	p2 =	seq.s32 @!p0 s5, $0x0  }
0x1f: {  	s9 =	smul.u32 $0xF7A, s1;
	s8 =	simm.s32 @!p0 $0x1BF5;
	p2 =	por !p2, p0  }
0x20: {  	[sflag:s8] =	ssyncset.s32 @!p0 $0xFFFFF086;
	s6 =	sadd.s32 @!p0 s3, s7;
	s7 =	simm.s32 @!p0 $0x108  }
0x21: {  	s3 =	sadd.s32 s3, s9;
	s6 =	sadd.s32 @!p0 $0x88, s6;
	s7 =	simm.s32 @p2 $0x1082  }
0x22: {  	[simem:s7], [sflag:s8] =	dma.local @!p0 [hbm:s6], $0xF7A  }
0x23: {  	s9 =	sor.u32 $0xD0000000, s2;
	s6 =	simm.s32 $0x108;
	_ =	swait.ge @!p0 [sflag:s8], $0x0  }
0x24: {  	s3 =	sadd.s32 $0x88, s3;
	s6 =	simm.s32 @!p1 $0x1082;
	[sflag:s4] =	ssyncset.s32 $0xFFFFF086  }
0x25: {  	[simem:s6], [sflag:s4] =	dma.local [hbm:s3], $0xF7A  }
0x26: {  	[smem:$0x3F82] =	sst s1;
	(tag) =	ssettag s2;
	_ =	strace s9  }
0x27: {  	s1 =	sld [smem:$0x3F92]  }
0x28: {  	s2 =	sld [smem:$0x3F93]  }
0x29: {  	s4 =	sld [smem:$0x3F95]  }
0x2a: {  	p0 =	seq.s32 s5, $0x0;
	s5 =	sld [smem:$0x3F96]  }
0x2b: {  	s6 =	sld [smem:$0x3F97]  }
0x2c: {  	s7 =	sld [smem:$0x3F98]  }
0x2d: {  	s3 =	simm.s32 $0x108;
	s8 =	sld [smem:$0x3F99]  }
0x2e: {  	s3 =	simm.s32 @!p0 $0x1082;
	s9 =	sld [smem:$0x3F9A]  }
0x2f: {  	lr =	sadd.s32 s0, s3;
	s0 =	sld [smem:$0x3F91]  }
0x30: {  	s3 =	sld [smem:$0x3F94]  }
0x31: {  	[smem:$0x3F9D] =	sst s10  }
0x32: {  	s10 =	sld [smem:$0x3F9B];
	_ =	sdelay $0x3  }
0x33: {  	p0 =	seq.s32 s10, $0x1;
	s10 =	sld [smem:$0x3F9D];
	_ =	sdelay $0x3  }
0x34: {  	[smem:$0x3F9D] =	sst s10  }
0x35: {  	s10 =	sld [smem:$0x3F9C];
	_ =	sdelay $0x3  }
0x36: {  	p1 =	seq.s32 s10, $0x1;
	s10 =	sld [smem:$0x3F9D];
	_ =	sdelay $0x3  }
0x37: {  	[smem:$0x3F9D] =	sst s10  }
0x38: {  	s10 =	sld [smem:$0x3F9E]  }
0x39: {  	_ = 	snop;
	(pc) =	sbr.ind lr, $3  }
0x3a: {  	_ = 	snop  }
0x3b: {  	_ = 	snop  }
0x3c: {  	p2 =	seq.s32 s10, $0x1;
	s10 =	sld [smem:$0x3F9D]  }
0x3d: {  	_ =	shalt  }
0x3e: {  	_ =	shalt  }
0x3f: {  	_ =	shalt  }
0x40: {  	_ =	shalt  }
0x41: {  	_ =	shalt  }
0x42: {  	_ =	shalt  }
0x43: {  	_ =	shalt  }
0x44: {  	_ =	shalt  }
0x45: {  	_ =	shalt  }
0x46: {  	_ =	shalt  }
0x47: {  	_ =	shalt  }
0x48: {  	_ =	shalt  }
0x49: {  	_ =	shalt  }
0x4a: {  	_ =	shalt  }
0x4b: {  	_ =	shalt  }
0x4c: {  	_ =	shalt  }
0x4d: {  	_ =	shalt  }
0x4e: {  	_ =	shalt  }
0x4f: {  	_ =	shalt  }
0x50: {  	_ =	shalt  }
0x51: {  	_ =	shalt  }
0x52: {  	_ =	shalt  }
0x53: {  	_ =	shalt  }
0x54: {  	_ =	shalt  }
0x55: {  	_ =	shalt  }
0x56: {  	_ =	shalt  }
0x57: {  	_ =	shalt  }
0x58: {  	_ =	shalt  }
0x59: {  	_ =	shalt  }
0x5a: {  	_ =	shalt  }
0x5b: {  	_ =	shalt  }
0x5c: {  	_ =	shalt  }
0x5d: {  	_ =	shalt  }
0x5e: {  	_ =	shalt  }
0x5f: {  	_ =	shalt  }
0x60: {  	_ =	shalt  }
0x61: {  	_ =	shalt  }
0x62: {  	_ =	shalt  }
0x63: {  	_ =	shalt  }
0x64: {  	_ =	shalt  }
0x65: {  	_ =	shalt  }
0x66: {  	_ =	shalt  }
0x67: {  	_ =	shalt  }
0x68: {  	_ =	shalt  }
0x69: {  	_ =	shalt  }
0x6a: {  	_ =	shalt  }
0x6b: {  	_ =	shalt  }
0x6c: {  	_ =	shalt  }
0x6d: {  	_ =	shalt  }
0x6e: {  	_ =	shalt  }
0x6f: {  	_ =	shalt  }
0x70: {  	_ =	shalt  }
0x71: {  	_ =	shalt  }
0x72: {  	_ =	shalt  }
0x73: {  	_ =	shalt  }
0x74: {  	_ =	shalt  }
0x75: {  	_ =	shalt  }
0x76: {  	_ =	shalt  }
0x77: {  	_ =	shalt  }
0x78: {  	_ =	shalt  }
0x79: {  	_ =	shalt  }
0x7a: {  	_ =	shalt  }
0x7b: {  	_ =	shalt  }
0x7c: {  	_ =	shalt  }
0x7d: {  	_ =	shalt  }
0x7e: {  	_ =	shalt  }
0x7f: {  	_ =	shalt  }
0x80: {  	_ =	shalt  }
0x81: {  	_ =	shalt  }
0x82: {  	_ =	shalt  }
0x83: {  	_ =	shalt  }
0x84: {  	_ =	shalt  }
0x85: {  	_ =	shalt  }
0x86: {  	_ =	shalt  }
0x87: {  	_ =	shalt  }
.Lfunc_end0:
.L_simem_size_0:
called_computation.2_lowered:
.L_overlay_start_0:
0x88: {  	s2 =	sld [smem:$0x3FD9]  }
0x89: {  	s3 =	sld [smem:$0x3FFE];
	_ =	sdelay $0x1  }
0x8a: {  	s1 =	srdreg.scid  }
0x8b: {  	s0 =	sand.u32 $0x1, s1  }
0x8c: {  	s16 =	sshll.u32 s0, $0xA;
	s2 =	sadd.s32 s3, s2  }
0x8d: {  	s2 =	sadd.s32 s2, s16  }
0x8e: {  	[smem:$0x3FA9] =	sst s2  }
0x8f: {  	_ = 	snop  }
0x90: {  	(tm) =	ssettm $0x1  }
0x91: {  	s17 =	sld [smem:$0x3FFB];
	_ =	sdelay $0x3  }
0x92: {  	_ =	strace s17  }
0x93: {  	s2 =	sld [smem:$0x3FFC];
	_ =	sdelay $0x3  }
0x94: {  	_ =	strace s2  }
0x95: {  	s2 =	sld [smem:$0x3FFD];
	_ =	sdelay $0x3  }
0x96: {  	_ =	strace s2  }
0x97: {  	_ =	strace $0x8FFFFFFF  }
0x98: {  	s18 =	sld [smem:$0x3FDB];
	_ =	sdelay $0x1  }
0x99: {  	s19 =	simm.s32 $_scs_section_size  }
0x9a: {  	s4 =	simm.s32 $_size__tile_overlayer_lowered;
	s5 =	simm.s32 $_tile_overlayer_lowered  }
0x9b: {  	s22 =	simm.s32 $0x1BFF;
	s21 =	sshll.u32 s5, $0x1;
	s2 =	sadd.s32 s19, s18  }
0x9c: {  	s6 =	simm.s32 $0x0;
	s20 =	sshll.u32 s4, $0x1;
	s4 =	sadd.s32 s21, s2  }
0x9d: {  	[timem:s6], [sflag:s22] =	dma.local [hbm:s4], s20  }
0x9e: {  	_ =	swait.ge [sflag:s22], s20  }
0x9f: {  	s3 =	ssub.s32 $0x0, s20;
	[sflag:s22] =	ssyncset.done $0x0  }
0xa0: {  	[sflag:s22] =	ssyncadd.s32 s3;
	_ =	sdelay $0x1  }
0xa1: {  	s23 =	simm.s32 $0x1B8B  }
0xa2: {  	_ =	swait.ge [sflag:s23], $0x1  }
0xa3: {  	[sflag:s23] =	ssyncset.done $0x0  }
0xa4: {  	s25 =	simm.s32 $0x1B8E;
	s24 =	sld [smem:$0x3FFE];
	[sflag:s23] =	ssyncadd.s32 $0xFFFFFFFF  }
0xa5: {  	s26 =	simm.s32 $execute0_lowered;
	[smem:$0x3FD2] =	sst s25  }
0xa6: {  	s4 =	sshll.u32 s26, $0x1;
	_ =	strace $0x8000004C;
	[dreg:$0x1] =	wrdreg $0xFFFFFFFF  }
0xa7: {  	s28 =	simm.s32 $_size_execute0_lowered;
	s2 =	sadd.s32 s2, s4;
	[dreg:$0x0] =	wrdreg $0x0  }
0xa8: {  	s4 =	sshll.u32 s28, $0x1;
	[dreg:$0x2] =	wrdreg s2  }
0xa9: {  	[dreg:$0x3] =	wrdreg s4  }
0xaa: {  	[dreg:$0x4] =	wrdreg $0xC0  }
0xab: {  	_ =	task [dreg:s6], $0x5FFFF  }
0xac: {  	[dreg:$0x1] =	wrdreg $0xFFFFFFFF  }
0xad: {  	[dreg:$0x0] =	wrdreg $0x60  }
0xae: {  	[dreg:$0x2] =	wrdreg s24  }
0xaf: {  	[dreg:$0x3] =	wrdreg $0xC0000  }
0xb0: {  	[dreg:$0x4] =	wrdreg $0x9  }
0xb1: {  	_ =	task.clear_ibuf [dreg:s6], $0x5FFFF;
	_ =	strace $0x9000004C  }
0xb2: {  	s29 =	simm.s32 $0x9;
	_ =	strace $0x8000004E  }
0xb3: {  	_ =	swait.ge [sflag:s29], $0x1  }
0xb4: {  	[sflag:s29] =	ssyncadd.s32 $0xFFFFFFFF  }
0xb5: {  	_ =	strace $0x9000004E  }
0xb6: {  	_ =	sfence  }
0xb7: {  	s30 =	sld [smem:$0x0];
	_ =	sdelay $0x2  }
0xb8: {  	s31 =	sshll.u32 s1, $0xD;
	s1 =	sshrl.u32 s1, $0x2  }
0xb9: {  	s3 =	sand.u32 $0x4000, s31;
	s1 =	sadd.s32 s1, s30  }
0xba: {  	s0 =	sor.u32 s3, s0;
	s1 =	sshll.u32 s1, $0x11  }
0xbb: {  	s0 =	sor.u32 s1, s0  }
0xbc: {  	s0 =	sadd.s32 $0x8F2B, s0  }
0xbd: {  	[sflag:s0] =	ssyncadd.remote.s32 $0x1  }
0xbe: {  	_ =	sfence.sel $0xFFFF  }
0xbf: {  	[dreg:$0x0] =	wrdreg $0xFFFFFFFF;
	(pc) =	sbr.abs _section_cstart, $3  }
0xc0: {  	[dreg:$0x1] =	wrdreg $0xFFFFFFFF  }
0xc1: {  	_ =	task.clear_ibuf [dreg:s6], $0x2FFFF;
	_ =	strace $0x9FFFFFFF  }
0xc2: {  	(tm) =	ssettm $0x7FFFFFFF  }
0xc3: {  	_ =	shalt  }
tec
execute0_lowered:
.L_overlay_start_1:
0x0: {  	(tag) =	ssettag $0x1  }
0x1: {  	s0 =	rddreg [dreg:$0x0]  }
0x2: {  	s2 =	rddreg [dreg:$0x1]  }
0x3: {  	s1 =	stileid.u32;
	s3 =	simm.s32 $0x0;
	s5 =	srdreg.scid  }
0x4: {  	s28 =	simm.s32 $0x3000;
	s29 =	simm.s32 $0x80;
	s6 =	smul.u32 $0x2700, s1  }
0x5: {  	s30 =	simm.s32 $0x4000;
	s31 =	simm.s32 $0x8000;
	s9 =	smul.u32 $0x4E000, s1  }
0x6: {  	[smem:$0x7FF] =	sst s3;
	s4 =	sadd.s32 $0x1FE00, s0;
	s12 =	smul.u32 $0x13800, s1  }
0x7: {  	s8 =	sadd.s32 $0xBE00, s0;
	s10 =	sadd.s32 $0x1E00, s0;
	s13 =	smul.u32 $0xA0, s1  }
0x8: {  	s11 =	sand.u32 $0x1, s5;
	s14 =	sadd.s32 $0x95200, s0;
	s21 =	smul.u32 $0xA00, s1  }
0x9: {  	p0 =	seq.s32 s1, $0xF;
	_ =	strace $0x8000004D;
	s16 =	smul.u32 $0xA00, s11  }
0xa: {  	s5 =	ssub.s32 $0x2, s11;
	p4 =	seq.s32 s11, $0x1;
	s24 =	smul.u32 $0x27100, s11  }
0xb: {  	s7 =	sadd.s32 s6, s0;
	s15 =	sshrl.u32 s5, $0x1;
	s9 =	sshrl.u32 s9, $0x2  }
0xc: {  	s17 =	sshrl.u32 s12, $0x3;
	s12 =	sadd.s32 $0x20, s13;
	p1 =	por !p4, !p0  }
0xd: {  	p2 =	por p4, !p0;
	p3 =	por !p4, p0;
	p4 =	por p4, p0  }
0xe: {  	s15 =	ssub.s32 s5, s15;
	s5 =	sadd.s32 s9, s2;
	s7 =	sadd.s32 $0x6E000, s7  }
0xf: {  	s18 =	sadd.s32 s13, s16;
	s20 =	sadd.s32 s16, s12;
	s6 =	sadd.s32 s6, s24  }
0x10: {  	[dreg:$0x3] =	wrdreg s7;
	s7 =	sadd.s32 s4, s17;
	s9 =	sshll.u32 s18, $0x4  }
0x11: {  	s17 =	sadd.s32 $0x40, s13;
	s7 =	sadd.s32 $0x27100, s7;
	s19 =	sadd.s32 s8, s9  }
0x12: {  	s22 =	sadd.s32 s16, s17;
	s9 =	sadd.s32 s10, s21;
	[dreg:$0x4] =	wrdreg s7  }
0x13: {  	s21 =	smul.u32 $0x138800, s11;
	s11 =	simm.s32 $0x2F80;
	[dreg:$0x5] =	wrdreg s19  }
0x14: {  	s7 =	sshll.u32 s20, $0x4;
	s19 =	sadd.s32 $0x60, s13;
	s20 =	sadd.s32 $0x80, s13  }
0x15: {  	s13 =	sadd.s32 $0x124800, s2;
	[dreg:$0xc] =	wrdreg s9;
	s9 =	simm.s32 $0x1F80  }
0x16: {  	s7 =	sadd.s32 s8, s7;
	s18 =	sadd.s32 s16, s19;
	s16 =	sadd.s32 s16, s20  }
0x17: {  	s24 =	sshll.u32 s20, $0x4;
	[dreg:$0x6] =	wrdreg s7;
	s7 =	sshll.u32 s22, $0x4  }
0x18: {  	s23 =	sshll.u32 s18, $0x4;
	s26 =	sshll.u32 s16, $0x4;
	s7 =	sadd.s32 s8, s7  }
0x19: {  	s18 =	sshll.u32 s17, $0x4;
	s25 =	sadd.s32 s8, s23;
	[dreg:$0x7] =	wrdreg s7  }
0x1a: {  	s16 =	sshll.u32 s12, $0x4;
	s22 =	sadd.s32 s10, s18;
	[dreg:$0x8] =	wrdreg s25  }
0x1b: {  	s12 =	simm.s32 $0x3F00;
	s7 =	sadd.s32 s8, s26;
	[dreg:$0xe] =	wrdreg s22  }
0x1c: {  	s23 =	sshll.u32 s19, $0x4;
	s8 =	sadd.s32 $0x92900, s0;
	[dreg:$0x9] =	wrdreg s7  }
0x1d: {  	s0 =	sadd.s32 $0x6B800, s0;
	s25 =	sshrl.u32 s21, $0x3;
	[dreg:$0xa] =	wrdreg s8  }
0x1e: {  	s21 =	sadd.s32 s14, s6;
	s6 =	simm.s32 $0x2;
	[dreg:$0xb] =	wrdreg s0  }
0x1f: {  	s0 =	sadd.s32 s10, s16;
	s26 =	sadd.s32 s14, s25;
	s25 =	simm.s32 $0x1000  }
0x20: {  	s7 =	simm.s32 $0xF80;
	s8 =	simm.s32 $0x1F00;
	s14 =	simm.s32 $0x3F80  }
0x21: {  	[dreg:$0xd] =	wrdreg s0;
	s0 =	sadd.s32 s10, s23;
	s22 =	sadd.s32 $0x24900, s26  }
0x22: {  	s23 =	smax.u32 s15, $0x1;
	s26 =	simm.s32 $0x2000;
	s15 =	simm.s32 $0x0  }
0x23: {  	[dreg:$0xf] =	wrdreg s0;
	s0 =	sadd.s32 s10, s24;
	s24 =	simm.s32 $0x4  }
0x24: {  	s10 =	simm.s32 $0x3;
	[dreg:$0x10] =	wrdreg s0;
	s0 =	simm.s32 $0x1  }
.LBB2_1:
0x25: {  	s16 =	sshrl.u32 @!p1 s13, $0x3;
	s17 =	simm.s32 @!p1 $0x1FC4;
	s18 =	rddreg [dreg:$0xb]  }
0x26: {  	[spmem:s16], [sflag:s17] =	dma.local @!p1 [hbm:s18], $0x2800  }
0x27: {  	s16 =	simm.s32 @!p1 $0x4  }
0x28: {  	_ =	swait.ge @!p1 [sflag:s16], $0x2800  }
0x29: {  	s17 =	simm.s32 @!p2 $0x1FC4;
	[sflag:s16] =	ssyncset.done @!p1 $0x0  }
0x2a: {  	s18 =	rddreg [dreg:$0xa];
	[sflag:s16] =	ssyncadd.s32 @!p1 $0xFFFFD800;
	s16 =	sshrl.u32 @!p2 s13, $0x3  }
0x2b: {  	[spmem:s16], [sflag:s17] =	dma.local @!p2 [hbm:s18], $0x2800  }
0x2c: {  	s16 =	simm.s32 @!p2 $0x4  }
0x2d: {  	_ =	swait.ge @!p2 [sflag:s16], $0x2800  }
0x2e: {  	s17 =	sshll.u32 @!p3 s1, $0x6;
	[sflag:s16] =	ssyncset.done @!p2 $0x0;
	s18 =	rddreg [dreg:$0x4]  }
0x2f: {  	[sflag:s16] =	ssyncadd.s32 @!p2 $0xFFFFD800;
	s16 =	sor.u32 @!p3 $0x1C04, s17;
	s17 =	sshrl.u32 @!p3 s5, $0x3  }
0x30: {  	[spmem:s17], [sflag:s16] =	dma.local @!p3 [hbm:s18], $0x2700  }
0x31: {  	s16 =	simm.s32 @!p3 $0x4  }
0x32: {  	_ =	swait.ge @!p3 [sflag:s16], $0x2700  }
0x33: {  	s17 =	sshll.u32 @!p4 s1, $0x6;
	[sflag:s16] =	ssyncset.done @!p3 $0x0;
	s18 =	rddreg [dreg:$0x3]  }
0x34: {  	[sflag:s16] =	ssyncadd.s32 @!p3 $0xFFFFD900;
	s16 =	sor.u32 @!p4 $0x1C04, s17;
	s17 =	sshrl.u32 @!p4 s5, $0x3  }
0x35: {  	[spmem:s17], [sflag:s16] =	dma.local @!p4 [hbm:s18], $0x2700  }
0x36: {  	s16 =	simm.s32 @!p4 $0x4  }
0x37: {  	_ =	swait.ge @!p4 [sflag:s16], $0x2700  }
0x38: {  	[sflag:s16] =	ssyncset.done @!p4 $0x0  }
0x39: {  	[sflag:s16] =	ssyncadd.s32 @!p4 $0xFFFFD900  }
0x3a: {  	[bflag:$0x0] =	sbarrier.arrive $0xFFFF  }
0x3b: {  	s17 =	rddreg [dreg:$0x5]  }
0x3c: {  	[tilespmem:s3], [sflag:$0x4] =	stream.linear.gather [hbm4b:s17+s3], $0x1000, $0x38;
	[tilespmem:$0x1F8C0] =	vst v63  }
0x3d: {  	_ =	swait.ge [sflag:s24], $0x1000  }
0x3e: {  	[sflag:s24] =	ssyncset.done $0x0  }
0x3f: {  	s18 =	rddreg [dreg:$0xc];
	[sflag:s24] =	ssyncadd.s32 $0xFFFFF000  }
0x40: {  	[tilespmem:s25], [sflag:$0x4] =	stream.linear.gather [hbm4b:s18+s3], $0x1000, $0x38;
	[tilespmem:$0x1F8C0] =	vst v63  }
0x41: {  	_ =	swait.ge [sflag:s24], $0x1000  }
0x42: {  	[sflag:s24] =	ssyncset.done $0x0  }
0x43: {  	s19 =	rddreg [dreg:$0x6];
	[sflag:s24] =	ssyncadd.s32 $0xFFFFF000  }
0x44: {  	[tilespmem:s26], [sflag:$0x3] =	stream.linear.gather [hbm4b:s19+s3], $0x1000, $0x38;
	[tilespmem:$0x1F8C0] =	vst v63  }
0x45: {  	s20 =	rddreg [dreg:$0xd]  }
0x46: {  	[tilespmem:s28], [sflag:$0x3] =	stream.linear.gather [hbm4b:s20+s3], $0x1000, $0x38;
	[tilespmem:$0x1F8C0] =	vst v63  }
0x47: {  	_ = 	snop  }
0x48: {  	[tilespmem:s30], [sflag:$0x1] =	stream.indirect.gather [hbm4b:s4+s29], $0x80, s3, s29, $0xb8;
	[tilespmem:$0x1F8C0] =	vst v63  }
0x49: {  	s17 =	simm.s32 $0x80  }
0x4a: {  	[tilespmem:s31], [sflag:$0x2] =	stream.indirect.gather [hbm4b:s4+s29], $0x80, s17, s29, $0xb8;
	[tilespmem:$0x1F8C0] =	vst v63  }
0x4b: {  	_ =	swait.ge [sflag:s0], $0x4000  }
0x4c: {  	[sflag:s0] =	ssyncset.done $0x0  }
0x4d: {  	s18 =	simm.s32 $0x1000;
	[sflag:s0] =	ssyncadd.s32 $0xFFFFC000  }
0x4e: {  	[spmem:s2] =	stream.indirect.scatter.add.f32 [tilespmem:s30], [sflag:$0x4], $0x80, s18, s29, $0xb8;
	[tilespmem:$0x1F8C0] =	vst v63  }
0x4f: {  	_ =	swait.ge [sflag:s24], $0x4000  }
0x50: {  	[sflag:s24] =	ssyncset.done $0x0  }
0x51: {  	s19 =	simm.s32 $0x100;
	[sflag:s24] =	ssyncadd.s32 $0xFFFFC000  }
0x52: {  	[tilespmem:s30], [sflag:$0x1] =	stream.indirect.gather [hbm4b:s4+s29], $0x80, s19, s29, $0xb8;
	[tilespmem:$0x1F8C0] =	vst v63  }
0x53: {  	_ =	swait.ge [sflag:s6], $0x4000  }
0x54: {  	[sflag:s6] =	ssyncset.done $0x0  }
0x55: {  	s20 =	simm.s32 $0x1080;
	[sflag:s6] =	ssyncadd.s32 $0xFFFFC000  }
0x56: {  	[spmem:s2] =	stream.indirect.scatter.add.f32 [tilespmem:s31], [sflag:$0x4], $0x80, s20, s29, $0xb8;
	[tilespmem:$0x1F8C0] =	vst v63  }
0x57: {  	_ =	swait.ge [sflag:s24], $0x4000  }
0x58: {  	s16 =	simm.s32 $0x100;
	s17 =	simm.s32 $0x800;
	[sflag:s24] =	ssyncset.done $0x0  }
.LBB2_2:
0x59: {  	s18 =	sadd.s32 $0x80, s16  }
0x5a: {  	[sflag:s24] =	ssyncadd.s32 $0xFFFFC000;
	s19 =	smov.u32 s17;
	s20 =	sadd.s32 $0x400, s17  }
0x5b: {  	[tilespmem:s31], [sflag:$0x2] =	stream.indirect.gather [hbm4b:s4+s29], $0x80, s18, s29, $0xb8;
	[tilespmem:$0x1F8C0] =	vst v63  }
0x5c: {  	p5 =	sne.s32 s17, $0x3800;
	_ =	swait.ge [sflag:s0], $0x4000  }
0x5d: {  	[sflag:s0] =	ssyncset.done $0x0  }
0x5e: {  	s17 =	sadd.s32 $0x1000, s16;
	[sflag:s0] =	ssyncadd.s32 $0xFFFFC000  }
0x5f: {  	[spmem:s2] =	stream.indirect.scatter.add.f32 [tilespmem:s30], [sflag:$0x4], $0x80, s17, s29, $0xb8;
	[tilespmem:$0x1F8C0] =	vst v63  }
0x60: {  	_ =	swait.ge [sflag:s24], $0x4000  }
0x61: {  	[sflag:s24] =	ssyncset.done $0x0  }
0x62: {  	s17 =	sadd.s32 $0x100, s16;
	[sflag:s24] =	ssyncadd.s32 $0xFFFFC000  }
0x63: {  	[tilespmem:s30], [sflag:$0x1] =	stream.indirect.gather [hbm4b:s4+s29], $0x80, s17, s29, $0xb8;
	[tilespmem:$0x1F8C0] =	vst v63  }
0x64: {  	_ =	swait.ge [sflag:s6], $0x4000  }
.Ltmp0:
0x65: {  	[sflag:s6] =	ssyncset.done $0x0;
	(pc) =	sbr.rel @p5 .LBB2_2-.Ltmp0, $4  }
0x66: {  	s16 =	sadd.s32 $0x1080, s16;
	[sflag:s6] =	ssyncadd.s32 $0xFFFFC000  }
0x67: {  	[spmem:s2] =	stream.indirect.scatter.add.f32 [tilespmem:s31], [sflag:$0x4], $0x80, s16, s29, $0xb8;
	[tilespmem:$0x1F8C0] =	vst v63  }
0x68: {  	_ =	swait.ge [sflag:s24], $0x4000  }
0x69: {  	s17 =	smov.u32 s20;
	s16 =	sshra.s32 s19, $0x2;
	[sflag:s24] =	ssyncset.done $0x0  }
0x6a: {  	s17 =	sadd.s32 $0x80, s16;
	[sflag:s24] =	ssyncadd.s32 $0xFFFFC000  }
0x6b: {  	[tilespmem:s31], [sflag:$0x2] =	stream.indirect.gather [hbm4b:s4+s29], $0x80, s17, s29, $0xb8;
	[tilespmem:$0x1F8C0] =	vst v63  }
0x6c: {  	_ =	swait.ge [sflag:s0], $0x4000  }
0x6d: {  	[sflag:s0] =	ssyncset.done $0x0  }
0x6e: {  	s19 =	sadd.s32 $0x1000, s16;
	[sflag:s0] =	ssyncadd.s32 $0xFFFFC000  }
0x6f: {  	[spmem:s2] =	stream.indirect.scatter.add.f32 [tilespmem:s30], [sflag:$0x4], $0x80, s19, s29, $0xb8;
	[tilespmem:$0x1F8C0] =	vst v63  }
0x70: {  	_ =	swait.ge [sflag:s24], $0x4000  }
0x71: {  	[sflag:s24] =	ssyncset.done $0x0  }
0x72: {  	s20 =	sadd.s32 $0x100, s16;
	[sflag:s24] =	ssyncadd.s32 $0xFFFFC000  }
0x73: {  	[tilespmem:s30], [sflag:$0x1] =	stream.indirect.gather [hbm4b:s4+s29], $0x80, s20, s29, $0xb8;
	[tilespmem:$0x1F8C0] =	vst v63  }
0x74: {  	_ =	swait.ge [sflag:s6], $0x4000  }
0x75: {  	[sflag:s6] =	ssyncset.done $0x0  }
0x76: {  	s17 =	sadd.s32 $0x1080, s16;
	[sflag:s6] =	ssyncadd.s32 $0xFFFFC000  }
0x77: {  	[spmem:s2] =	stream.indirect.scatter.add.f32 [tilespmem:s31], [sflag:$0x4], $0x80, s17, s29, $0xb8;
	[tilespmem:$0x1F8C0] =	vst v63  }
0x78: {  	_ =	swait.ge [sflag:s24], $0x4000  }
0x79: {  	[sflag:s24] =	ssyncset.done $0x0  }
0x7a: {  	[sflag:s24] =	ssyncadd.s32 $0xFFFFC000  }
0x7b: {  	[tilespmem:s31], [sflag:$0x2] =	stream.indirect.gather [hbm4b:s4+s29], $0x80, s7, s29, $0xb8;
	[tilespmem:$0x1F8C0] =	vst v63  }
0x7c: {  	_ =	swait.ge [sflag:s0], $0x4000  }
0x7d: {  	[sflag:s0] =	ssyncset.done $0x0  }
0x7e: {  	[sflag:s0] =	ssyncadd.s32 $0xFFFFC000  }
0x7f: {  	[spmem:s2] =	stream.indirect.scatter.add.f32 [tilespmem:s30], [sflag:$0x4], $0x80, s8, s29, $0xb8;
	[tilespmem:$0x1F8C0] =	vst v63  }
0x80: {  	_ =	swait.ge [sflag:s24], $0x4000  }
0x81: {  	[sflag:s24] =	ssyncset.done $0x0  }
0x82: {  	[sflag:s24] =	ssyncadd.s32 $0xFFFFC000  }
0x83: {  	_ =	swait.ge [sflag:s6], $0x4000  }
0x84: {  	[sflag:s6] =	ssyncset.done $0x0  }
0x85: {  	[sflag:s6] =	ssyncadd.s32 $0xFFFFC000  }
0x86: {  	[spmem:s2] =	stream.indirect.scatter.add.f32 [tilespmem:s31], [sflag:$0x4], $0x80, s9, s29, $0xb8;
	[tilespmem:$0x1F8C0] =	vst v63  }
0x87: {  	_ =	swait.ge [sflag:s24], $0x4000  }
0x88: {  	[sflag:s24] =	ssyncset.done $0x0  }
0x89: {  	[sflag:s24] =	ssyncadd.s32 $0xFFFFC000  }
0x8a: {  	_ =	swait.ge [sflag:s10], $0x1000  }
0x8b: {  	[sflag:s10] =	ssyncset.done $0x0  }
0x8c: {  	[sflag:s10] =	ssyncadd.s32 $0xFFFFF000  }
0x8d: {  	_ =	swait.ge [sflag:s10], $0x1000  }
0x8e: {  	[sflag:s10] =	ssyncset.done $0x0  }
0x8f: {  	s18 =	simm.s32 $0x0;
	s19 =	rddreg [dreg:$0x7];
	[sflag:s10] =	ssyncadd.s32 $0xFFFFF000  }
0x90: {  	[tilespmem:s18], [sflag:$0x3] =	stream.linear.gather [hbm4b:s19+s18], $0x1000, $0x38;
	[tilespmem:$0x1F8C0] =	vst v63  }
0x91: {  	s20 =	rddreg [dreg:$0xe]  }
0x92: {  	[tilespmem:s25], [sflag:$0x3] =	stream.linear.gather [hbm4b:s20+s18], $0x1000, $0x38;
	[tilespmem:$0x1F8C0] =	vst v63  }
0x93: {  	_ = 	snop  }
0x94: {  	[tilespmem:s30], [sflag:$0x1] =	stream.indirect.gather [hbm4b:s4+s29], $0x80, s26, s29, $0xb8;
	[tilespmem:$0x1F8C0] =	vst v63  }
0x95: {  	s17 =	simm.s32 $0x2080  }
0x96: {  	[tilespmem:s31], [sflag:$0x2] =	stream.indirect.gather [hbm4b:s4+s29], $0x80, s17, s29, $0xb8;
	[tilespmem:$0x1F8C0] =	vst v63  }
0x97: {  	_ =	swait.ge [sflag:s0], $0x4000  }
0x98: {  	[sflag:s0] =	ssyncset.done $0x0  }
0x99: {  	s18 =	simm.s32 $0x3000;
	[sflag:s0] =	ssyncadd.s32 $0xFFFFC000  }
0x9a: {  	[spmem:s2] =	stream.indirect.scatter.add.f32 [tilespmem:s30], [sflag:$0x4], $0x80, s18, s29, $0xb8;
	[tilespmem:$0x1F8C0] =	vst v63  }
0x9b: {  	_ =	swait.ge [sflag:s24], $0x4000  }
0x9c: {  	[sflag:s24] =	ssyncset.done $0x0  }
0x9d: {  	s19 =	simm.s32 $0x2100;
	[sflag:s24] =	ssyncadd.s32 $0xFFFFC000  }
0x9e: {  	[tilespmem:s30], [sflag:$0x1] =	stream.indirect.gather [hbm4b:s4+s29], $0x80, s19, s29, $0xb8;
	[tilespmem:$0x1F8C0] =	vst v63  }
0x9f: {  	_ =	swait.ge [sflag:s6], $0x4000  }
0xa0: {  	[sflag:s6] =	ssyncset.done $0x0  }
0xa1: {  	s20 =	simm.s32 $0x3080;
	[sflag:s6] =	ssyncadd.s32 $0xFFFFC000  }
0xa2: {  	[spmem:s2] =	stream.indirect.scatter.add.f32 [tilespmem:s31], [sflag:$0x4], $0x80, s20, s29, $0xb8;
	[tilespmem:$0x1F8C0] =	vst v63  }
0xa3: {  	_ =	swait.ge [sflag:s24], $0x4000  }
0xa4: {  	s16 =	simm.s32 $0x100;
	s17 =	simm.s32 $0x800;
	[sflag:s24] =	ssyncset.done $0x0  }
.LBB2_4:
0xa5: {  	s18 =	sadd.s32 $0x2080, s16  }
0xa6: {  	[sflag:s24] =	ssyncadd.s32 $0xFFFFC000;
	s19 =	smov.u32 s17;
	s20 =	sadd.s32 $0x400, s17  }
0xa7: {  	[tilespmem:s31], [sflag:$0x2] =	stream.indirect.gather [hbm4b:s4+s29], $0x80, s18, s29, $0xb8;
	[tilespmem:$0x1F8C0] =	vst v63  }
0xa8: {  	p5 =	sne.s32 s17, $0x3800;
	_ =	swait.ge [sflag:s0], $0x4000  }
0xa9: {  	[sflag:s0] =	ssyncset.done $0x0  }
0xaa: {  	s17 =	sadd.s32 $0x3000, s16;
	[sflag:s0] =	ssyncadd.s32 $0xFFFFC000  }
0xab: {  	[spmem:s2] =	stream.indirect.scatter.add.f32 [tilespmem:s30], [sflag:$0x4], $0x80, s17, s29, $0xb8;
	[tilespmem:$0x1F8C0] =	vst v63  }
0xac: {  	_ =	swait.ge [sflag:s24], $0x4000  }
0xad: {  	[sflag:s24] =	ssyncset.done $0x0  }
0xae: {  	s17 =	sadd.s32 $0x2100, s16;
	[sflag:s24] =	ssyncadd.s32 $0xFFFFC000  }
0xaf: {  	[tilespmem:s30], [sflag:$0x1] =	stream.indirect.gather [hbm4b:s4+s29], $0x80, s17, s29, $0xb8;
	[tilespmem:$0x1F8C0] =	vst v63  }
0xb0: {  	_ =	swait.ge [sflag:s6], $0x4000  }
.Ltmp1:
0xb1: {  	[sflag:s6] =	ssyncset.done $0x0;
	(pc) =	sbr.rel @p5 .LBB2_4-.Ltmp1, $4  }
0xb2: {  	s16 =	sadd.s32 $0x3080, s16;
	[sflag:s6] =	ssyncadd.s32 $0xFFFFC000  }
0xb3: {  	[spmem:s2] =	stream.indirect.scatter.add.f32 [tilespmem:s31], [sflag:$0x4], $0x80, s16, s29, $0xb8;
	[tilespmem:$0x1F8C0] =	vst v63  }
0xb4: {  	_ =	swait.ge [sflag:s24], $0x4000  }
0xb5: {  	s17 =	smov.u32 s20;
	s16 =	sshra.s32 s19, $0x2;
	[sflag:s24] =	ssyncset.done $0x0  }
0xb6: {  	s17 =	sadd.s32 $0x2080, s16;
	[sflag:s24] =	ssyncadd.s32 $0xFFFFC000  }
0xb7: {  	[tilespmem:s31], [sflag:$0x2] =	stream.indirect.gather [hbm4b:s4+s29], $0x80, s17, s29, $0xb8;
	[tilespmem:$0x1F8C0] =	vst v63  }
0xb8: {  	_ =	swait.ge [sflag:s0], $0x4000  }
0xb9: {  	[sflag:s0] =	ssyncset.done $0x0  }
0xba: {  	s19 =	sadd.s32 $0x3000, s16;
	[sflag:s0] =	ssyncadd.s32 $0xFFFFC000  }
0xbb: {  	[spmem:s2] =	stream.indirect.scatter.add.f32 [tilespmem:s30], [sflag:$0x4], $0x80, s19, s29, $0xb8;
	[tilespmem:$0x1F8C0] =	vst v63  }
0xbc: {  	_ =	swait.ge [sflag:s24], $0x4000  }
0xbd: {  	[sflag:s24] =	ssyncset.done $0x0  }
0xbe: {  	s20 =	sadd.s32 $0x2100, s16;
	[sflag:s24] =	ssyncadd.s32 $0xFFFFC000  }
0xbf: {  	[tilespmem:s30], [sflag:$0x1] =	stream.indirect.gather [hbm4b:s4+s29], $0x80, s20, s29, $0xb8;
	[tilespmem:$0x1F8C0] =	vst v63  }
0xc0: {  	_ =	swait.ge [sflag:s6], $0x4000  }
0xc1: {  	[sflag:s6] =	ssyncset.done $0x0  }
0xc2: {  	s17 =	sadd.s32 $0x3080, s16;
	[sflag:s6] =	ssyncadd.s32 $0xFFFFC000  }
0xc3: {  	[spmem:s2] =	stream.indirect.scatter.add.f32 [tilespmem:s31], [sflag:$0x4], $0x80, s17, s29, $0xb8;
	[tilespmem:$0x1F8C0] =	vst v63  }
0xc4: {  	_ =	swait.ge [sflag:s24], $0x4000  }
0xc5: {  	[sflag:s24] =	ssyncset.done $0x0  }
0xc6: {  	[sflag:s24] =	ssyncadd.s32 $0xFFFFC000  }
0xc7: {  	[tilespmem:s31], [sflag:$0x2] =	stream.indirect.gather [hbm4b:s4+s29], $0x80, s11, s29, $0xb8;
	[tilespmem:$0x1F8C0] =	vst v63  }
0xc8: {  	_ =	swait.ge [sflag:s0], $0x4000  }
0xc9: {  	[sflag:s0] =	ssyncset.done $0x0  }
0xca: {  	[sflag:s0] =	ssyncadd.s32 $0xFFFFC000  }
0xcb: {  	[spmem:s2] =	stream.indirect.scatter.add.f32 [tilespmem:s30], [sflag:$0x4], $0x80, s12, s29, $0xb8;
	[tilespmem:$0x1F8C0] =	vst v63  }
0xcc: {  	_ =	swait.ge [sflag:s24], $0x4000  }
0xcd: {  	[sflag:s24] =	ssyncset.done $0x0  }
0xce: {  	[sflag:s24] =	ssyncadd.s32 $0xFFFFC000  }
0xcf: {  	_ =	swait.ge [sflag:s6], $0x4000  }
0xd0: {  	[sflag:s6] =	ssyncset.done $0x0  }
0xd1: {  	[sflag:s6] =	ssyncadd.s32 $0xFFFFC000  }
0xd2: {  	[spmem:s2] =	stream.indirect.scatter.add.f32 [tilespmem:s31], [sflag:$0x4], $0x80, s14, s29, $0xb8;
	[tilespmem:$0x1F8C0] =	vst v63  }
0xd3: {  	_ =	swait.ge [sflag:s24], $0x4000  }
0xd4: {  	[sflag:s24] =	ssyncset.done $0x0  }
0xd5: {  	[sflag:s24] =	ssyncadd.s32 $0xFFFFC000  }
0xd6: {  	_ =	swait.ge [sflag:s10], $0x1000  }
0xd7: {  	[sflag:s10] =	ssyncset.done $0x0  }
0xd8: {  	[sflag:s10] =	ssyncadd.s32 $0xFFFFF000  }
0xd9: {  	_ =	swait.ge [sflag:s10], $0x1000  }
0xda: {  	[sflag:s10] =	ssyncset.done $0x0  }
0xdb: {  	s18 =	simm.s32 $0x0;
	s19 =	rddreg [dreg:$0x8];
	[sflag:s10] =	ssyncadd.s32 $0xFFFFF000  }
0xdc: {  	[tilespmem:s26], [sflag:$0x3] =	stream.linear.gather [hbm4b:s19+s18], $0x1000, $0x38;
	[tilespmem:$0x1F8C0] =	vst v63  }
0xdd: {  	s20 =	rddreg [dreg:$0xf]  }
0xde: {  	[tilespmem:s28], [sflag:$0x3] =	stream.linear.gather [hbm4b:s20+s18], $0x1000, $0x38;
	[tilespmem:$0x1F8C0] =	vst v63  }
0xdf: {  	_ = 	snop  }
0xe0: {  	[tilespmem:s30], [sflag:$0x1] =	stream.indirect.gather [hbm4b:s4+s29], $0x80, s18, s29, $0xb8;
	[tilespmem:$0x1F8C0] =	vst v63  }
0xe1: {  	s17 =	simm.s32 $0x80  }
0xe2: {  	[tilespmem:s31], [sflag:$0x2] =	stream.indirect.gather [hbm4b:s4+s29], $0x80, s17, s29, $0xb8;
	[tilespmem:$0x1F8C0] =	vst v63  }
0xe3: {  	_ =	swait.ge [sflag:s0], $0x4000  }
0xe4: {  	[sflag:s0] =	ssyncset.done $0x0  }
0xe5: {  	s18 =	simm.s32 $0x1000;
	[sflag:s0] =	ssyncadd.s32 $0xFFFFC000  }
0xe6: {  	[spmem:s2] =	stream.indirect.scatter.add.f32 [tilespmem:s30], [sflag:$0x4], $0x80, s18, s29, $0xb8;
	[tilespmem:$0x1F8C0] =	vst v63  }
0xe7: {  	_ =	swait.ge [sflag:s24], $0x4000  }
0xe8: {  	[sflag:s24] =	ssyncset.done $0x0  }
0xe9: {  	s19 =	simm.s32 $0x100;
	[sflag:s24] =	ssyncadd.s32 $0xFFFFC000  }
0xea: {  	[tilespmem:s30], [sflag:$0x1] =	stream.indirect.gather [hbm4b:s4+s29], $0x80, s19, s29, $0xb8;
	[tilespmem:$0x1F8C0] =	vst v63  }
0xeb: {  	_ =	swait.ge [sflag:s6], $0x4000  }
0xec: {  	[sflag:s6] =	ssyncset.done $0x0  }
0xed: {  	s20 =	simm.s32 $0x1080;
	[sflag:s6] =	ssyncadd.s32 $0xFFFFC000  }
0xee: {  	[spmem:s2] =	stream.indirect.scatter.add.f32 [tilespmem:s31], [sflag:$0x4], $0x80, s20, s29, $0xb8;
	[tilespmem:$0x1F8C0] =	vst v63  }
0xef: {  	_ =	swait.ge [sflag:s24], $0x4000  }
0xf0: {  	s16 =	simm.s32 $0x100;
	s17 =	simm.s32 $0x800;
	[sflag:s24] =	ssyncset.done $0x0  }
.LBB2_6:
0xf1: {  	s18 =	sadd.s32 $0x80, s16  }
0xf2: {  	[sflag:s24] =	ssyncadd.s32 $0xFFFFC000;
	s19 =	smov.u32 s17;
	s20 =	sadd.s32 $0x400, s17  }
0xf3: {  	[tilespmem:s31], [sflag:$0x2] =	stream.indirect.gather [hbm4b:s4+s29], $0x80, s18, s29, $0xb8;
	[tilespmem:$0x1F8C0] =	vst v63  }
0xf4: {  	p5 =	sne.s32 s17, $0x3800;
	_ =	swait.ge [sflag:s0], $0x4000  }
0xf5: {  	[sflag:s0] =	ssyncset.done $0x0  }
0xf6: {  	s17 =	sadd.s32 $0x1000, s16;
	[sflag:s0] =	ssyncadd.s32 $0xFFFFC000  }
0xf7: {  	[spmem:s2] =	stream.indirect.scatter.add.f32 [tilespmem:s30], [sflag:$0x4], $0x80, s17, s29, $0xb8;
	[tilespmem:$0x1F8C0] =	vst v63  }
0xf8: {  	_ =	swait.ge [sflag:s24], $0x4000  }
0xf9: {  	[sflag:s24] =	ssyncset.done $0x0  }
0xfa: {  	s17 =	sadd.s32 $0x100, s16;
	[sflag:s24] =	ssyncadd.s32 $0xFFFFC000  }
0xfb: {  	[tilespmem:s30], [sflag:$0x1] =	stream.indirect.gather [hbm4b:s4+s29], $0x80, s17, s29, $0xb8;
	[tilespmem:$0x1F8C0] =	vst v63  }
0xfc: {  	_ =	swait.ge [sflag:s6], $0x4000  }
.Ltmp2:
0xfd: {  	[sflag:s6] =	ssyncset.done $0x0;
	(pc) =	sbr.rel @p5 .LBB2_6-.Ltmp2, $4  }
0xfe: {  	s16 =	sadd.s32 $0x1080, s16;
	[sflag:s6] =	ssyncadd.s32 $0xFFFFC000  }
0xff: {  	[spmem:s2] =	stream.indirect.scatter.add.f32 [tilespmem:s31], [sflag:$0x4], $0x80, s16, s29, $0xb8;
	[tilespmem:$0x1F8C0] =	vst v63  }
0x100: {  	_ =	swait.ge [sflag:s24], $0x4000  }
0x101: {  	s17 =	smov.u32 s20;
	s16 =	sshra.s32 s19, $0x2;
	[sflag:s24] =	ssyncset.done $0x0  }
0x102: {  	s17 =	sadd.s32 $0x80, s16;
	[sflag:s24] =	ssyncadd.s32 $0xFFFFC000  }
0x103: {  	[tilespmem:s31], [sflag:$0x2] =	stream.indirect.gather [hbm4b:s4+s29], $0x80, s17, s29, $0xb8;
	[tilespmem:$0x1F8C0] =	vst v63  }
0x104: {  	_ =	swait.ge [sflag:s0], $0x4000  }
0x105: {  	[sflag:s0] =	ssyncset.done $0x0  }
0x106: {  	s19 =	sadd.s32 $0x1000, s16;
	[sflag:s0] =	ssyncadd.s32 $0xFFFFC000  }
0x107: {  	[spmem:s2] =	stream.indirect.scatter.add.f32 [tilespmem:s30], [sflag:$0x4], $0x80, s19, s29, $0xb8;
	[tilespmem:$0x1F8C0] =	vst v63  }
0x108: {  	_ =	swait.ge [sflag:s24], $0x4000  }
0x109: {  	[sflag:s24] =	ssyncset.done $0x0  }
0x10a: {  	s20 =	sadd.s32 $0x100, s16;
	[sflag:s24] =	ssyncadd.s32 $0xFFFFC000  }
0x10b: {  	[tilespmem:s30], [sflag:$0x1] =	stream.indirect.gather [hbm4b:s4+s29], $0x80, s20, s29, $0xb8;
	[tilespmem:$0x1F8C0] =	vst v63  }
0x10c: {  	_ =	swait.ge [sflag:s6], $0x4000  }
0x10d: {  	[sflag:s6] =	ssyncset.done $0x0  }
0x10e: {  	s17 =	sadd.s32 $0x1080, s16;
	[sflag:s6] =	ssyncadd.s32 $0xFFFFC000  }
0x10f: {  	[spmem:s2] =	stream.indirect.scatter.add.f32 [tilespmem:s31], [sflag:$0x4], $0x80, s17, s29, $0xb8;
	[tilespmem:$0x1F8C0] =	vst v63  }
0x110: {  	_ =	swait.ge [sflag:s24], $0x4000  }
0x111: {  	[sflag:s24] =	ssyncset.done $0x0  }
0x112: {  	[sflag:s24] =	ssyncadd.s32 $0xFFFFC000  }
0x113: {  	[tilespmem:s31], [sflag:$0x2] =	stream.indirect.gather [hbm4b:s4+s29], $0x80, s7, s29, $0xb8;
	[tilespmem:$0x1F8C0] =	vst v63  }
0x114: {  	_ =	swait.ge [sflag:s0], $0x4000  }
0x115: {  	[sflag:s0] =	ssyncset.done $0x0  }
0x116: {  	[sflag:s0] =	ssyncadd.s32 $0xFFFFC000  }
0x117: {  	[spmem:s2] =	stream.indirect.scatter.add.f32 [tilespmem:s30], [sflag:$0x4], $0x80, s8, s29, $0xb8;
	[tilespmem:$0x1F8C0] =	vst v63  }
0x118: {  	_ =	swait.ge [sflag:s24], $0x4000  }
0x119: {  	[sflag:s24] =	ssyncset.done $0x0  }
0x11a: {  	[sflag:s24] =	ssyncadd.s32 $0xFFFFC000  }
0x11b: {  	_ =	swait.ge [sflag:s6], $0x4000  }
0x11c: {  	[sflag:s6] =	ssyncset.done $0x0  }
0x11d: {  	[sflag:s6] =	ssyncadd.s32 $0xFFFFC000  }
0x11e: {  	[spmem:s2] =	stream.indirect.scatter.add.f32 [tilespmem:s31], [sflag:$0x4], $0x80, s9, s29, $0xb8;
	[tilespmem:$0x1F8C0] =	vst v63  }
0x11f: {  	_ =	swait.ge [sflag:s24], $0x4000  }
0x120: {  	[sflag:s24] =	ssyncset.done $0x0  }
0x121: {  	[sflag:s24] =	ssyncadd.s32 $0xFFFFC000  }
0x122: {  	_ =	swait.ge [sflag:s10], $0x1000  }
0x123: {  	[sflag:s10] =	ssyncset.done $0x0  }
0x124: {  	[sflag:s10] =	ssyncadd.s32 $0xFFFFF000  }
0x125: {  	_ =	swait.ge [sflag:s10], $0x1000  }
0x126: {  	[sflag:s10] =	ssyncset.done $0x0  }
0x127: {  	s18 =	simm.s32 $0x0;
	s19 =	rddreg [dreg:$0x9];
	[sflag:s10] =	ssyncadd.s32 $0xFFFFF000  }
0x128: {  	[tilespmem:s18], [sflag:$0x3] =	stream.linear.gather [hbm4b:s19+s18], $0x1000, $0x38;
	[tilespmem:$0x1F8C0] =	vst v63  }
0x129: {  	s20 =	rddreg [dreg:$0x10]  }
0x12a: {  	[tilespmem:s25], [sflag:$0x3] =	stream.linear.gather [hbm4b:s20+s18], $0x1000, $0x38;
	[tilespmem:$0x1F8C0] =	vst v63  }
0x12b: {  	_ = 	snop  }
0x12c: {  	[tilespmem:s30], [sflag:$0x1] =	stream.indirect.gather [hbm4b:s4+s29], $0x80, s26, s29, $0xb8;
	[tilespmem:$0x1F8C0] =	vst v63  }
0x12d: {  	s17 =	simm.s32 $0x2080  }
0x12e: {  	[tilespmem:s31], [sflag:$0x2] =	stream.indirect.gather [hbm4b:s4+s29], $0x80, s17, s29, $0xb8;
	[tilespmem:$0x1F8C0] =	vst v63  }
0x12f: {  	_ =	swait.ge [sflag:s0], $0x4000  }
0x130: {  	[sflag:s0] =	ssyncset.done $0x0  }
0x131: {  	s18 =	simm.s32 $0x3000;
	[sflag:s0] =	ssyncadd.s32 $0xFFFFC000  }
0x132: {  	[spmem:s2] =	stream.indirect.scatter.add.f32 [tilespmem:s30], [sflag:$0x4], $0x80, s18, s29, $0xb8;
	[tilespmem:$0x1F8C0] =	vst v63  }
0x133: {  	_ =	swait.ge [sflag:s24], $0x4000  }
0x134: {  	[sflag:s24] =	ssyncset.done $0x0  }
0x135: {  	s19 =	simm.s32 $0x2100;
	[sflag:s24] =	ssyncadd.s32 $0xFFFFC000  }
0x136: {  	[tilespmem:s30], [sflag:$0x1] =	stream.indirect.gather [hbm4b:s4+s29], $0x80, s19, s29, $0xb8;
	[tilespmem:$0x1F8C0] =	vst v63  }
0x137: {  	_ =	swait.ge [sflag:s6], $0x4000  }
0x138: {  	[sflag:s6] =	ssyncset.done $0x0  }
0x139: {  	s20 =	simm.s32 $0x3080;
	[sflag:s6] =	ssyncadd.s32 $0xFFFFC000  }
0x13a: {  	[spmem:s2] =	stream.indirect.scatter.add.f32 [tilespmem:s31], [sflag:$0x4], $0x80, s20, s29, $0xb8;
	[tilespmem:$0x1F8C0] =	vst v63  }
0x13b: {  	_ =	swait.ge [sflag:s24], $0x4000  }
0x13c: {  	s16 =	simm.s32 $0x100;
	s17 =	simm.s32 $0x800;
	[sflag:s24] =	ssyncset.done $0x0  }
.LBB2_8:
0x13d: {  	s18 =	sadd.s32 $0x2080, s16  }
0x13e: {  	[sflag:s24] =	ssyncadd.s32 $0xFFFFC000;
	s19 =	smov.u32 s17;
	s20 =	sadd.s32 $0x400, s17  }
0x13f: {  	[tilespmem:s31], [sflag:$0x2] =	stream.indirect.gather [hbm4b:s4+s29], $0x80, s18, s29, $0xb8;
	[tilespmem:$0x1F8C0] =	vst v63  }
0x140: {  	p5 =	sne.s32 s17, $0x3800;
	_ =	swait.ge [sflag:s0], $0x4000  }
0x141: {  	[sflag:s0] =	ssyncset.done $0x0  }
0x142: {  	s17 =	sadd.s32 $0x3000, s16;
	[sflag:s0] =	ssyncadd.s32 $0xFFFFC000  }
0x143: {  	[spmem:s2] =	stream.indirect.scatter.add.f32 [tilespmem:s30], [sflag:$0x4], $0x80, s17, s29, $0xb8;
	[tilespmem:$0x1F8C0] =	vst v63  }
0x144: {  	_ =	swait.ge [sflag:s24], $0x4000  }
0x145: {  	[sflag:s24] =	ssyncset.done $0x0  }
0x146: {  	s17 =	sadd.s32 $0x2100, s16;
	[sflag:s24] =	ssyncadd.s32 $0xFFFFC000  }
0x147: {  	[tilespmem:s30], [sflag:$0x1] =	stream.indirect.gather [hbm4b:s4+s29], $0x80, s17, s29, $0xb8;
	[tilespmem:$0x1F8C0] =	vst v63  }
0x148: {  	_ =	swait.ge [sflag:s6], $0x4000  }
.Ltmp3:
0x149: {  	[sflag:s6] =	ssyncset.done $0x0;
	(pc) =	sbr.rel @p5 .LBB2_8-.Ltmp3, $4  }
0x14a: {  	s16 =	sadd.s32 $0x3080, s16;
	[sflag:s6] =	ssyncadd.s32 $0xFFFFC000  }
0x14b: {  	[spmem:s2] =	stream.indirect.scatter.add.f32 [tilespmem:s31], [sflag:$0x4], $0x80, s16, s29, $0xb8;
	[tilespmem:$0x1F8C0] =	vst v63  }
0x14c: {  	_ =	swait.ge [sflag:s24], $0x4000  }
0x14d: {  	s17 =	smov.u32 s20;
	s16 =	sshra.s32 s19, $0x2;
	[sflag:s24] =	ssyncset.done $0x0  }
0x14e: {  	s17 =	sadd.s32 $0x2080, s16;
	[sflag:s24] =	ssyncadd.s32 $0xFFFFC000  }
0x14f: {  	[tilespmem:s31], [sflag:$0x2] =	stream.indirect.gather [hbm4b:s4+s29], $0x80, s17, s29, $0xb8;
	[tilespmem:$0x1F8C0] =	vst v63  }
0x150: {  	_ =	swait.ge [sflag:s0], $0x4000  }
0x151: {  	[sflag:s0] =	ssyncset.done $0x0  }
0x152: {  	s20 =	sadd.s32 $0x3000, s16;
	[sflag:s0] =	ssyncadd.s32 $0xFFFFC000  }
0x153: {  	[spmem:s2] =	stream.indirect.scatter.add.f32 [tilespmem:s30], [sflag:$0x4], $0x80, s20, s29, $0xb8;
	[tilespmem:$0x1F8C0] =	vst v63  }
0x154: {  	_ =	swait.ge [sflag:s24], $0x4000  }
0x155: {  	[sflag:s24] =	ssyncset.done $0x0  }
0x156: {  	s18 =	sadd.s32 $0x2100, s16;
	[sflag:s24] =	ssyncadd.s32 $0xFFFFC000  }
0x157: {  	[tilespmem:s30], [sflag:$0x1] =	stream.indirect.gather [hbm4b:s4+s29], $0x80, s18, s29, $0xb8;
	[tilespmem:$0x1F8C0] =	vst v63  }
0x158: {  	_ =	swait.ge [sflag:s6], $0x4000  }
0x159: {  	[sflag:s6] =	ssyncset.done $0x0  }
0x15a: {  	s19 =	sadd.s32 $0x3080, s16;
	[sflag:s6] =	ssyncadd.s32 $0xFFFFC000  }
0x15b: {  	[spmem:s2] =	stream.indirect.scatter.add.f32 [tilespmem:s31], [sflag:$0x4], $0x80, s19, s29, $0xb8;
	[tilespmem:$0x1F8C0] =	vst v63  }
0x15c: {  	_ =	swait.ge [sflag:s24], $0x4000  }
0x15d: {  	[sflag:s24] =	ssyncset.done $0x0  }
0x15e: {  	[sflag:s24] =	ssyncadd.s32 $0xFFFFC000  }
0x15f: {  	[tilespmem:s31], [sflag:$0x2] =	stream.indirect.gather [hbm4b:s4+s29], $0x80, s11, s29, $0xb8;
	[tilespmem:$0x1F8C0] =	vst v63  }
0x160: {  	_ =	swait.ge [sflag:s0], $0x4000  }
0x161: {  	[sflag:s0] =	ssyncset.done $0x0  }
0x162: {  	[sflag:s0] =	ssyncadd.s32 $0xFFFFC000  }
0x163: {  	[spmem:s2] =	stream.indirect.scatter.add.f32 [tilespmem:s30], [sflag:$0x4], $0x80, s12, s29, $0xb8;
	[tilespmem:$0x1F8C0] =	vst v63  }
0x164: {  	_ =	swait.ge [sflag:s24], $0x4000  }
0x165: {  	[sflag:s24] =	ssyncset.done $0x0  }
0x166: {  	[sflag:s24] =	ssyncadd.s32 $0xFFFFC000  }
0x167: {  	_ =	swait.ge [sflag:s6], $0x4000  }
0x168: {  	[sflag:s6] =	ssyncset.done $0x0  }
0x169: {  	[sflag:s6] =	ssyncadd.s32 $0xFFFFC000  }
0x16a: {  	[spmem:s2] =	stream.indirect.scatter.add.f32 [tilespmem:s31], [sflag:$0x4], $0x80, s14, s29, $0xb8;
	[tilespmem:$0x1F8C0] =	vst v63  }
0x16b: {  	_ =	swait.ge [sflag:s24], $0x4000  }
0x16c: {  	[sflag:s24] =	ssyncset.done $0x0  }
0x16d: {  	[sflag:s24] =	ssyncadd.s32 $0xFFFFC000  }
0x16e: {  	_ =	swait.ge [sflag:s10], $0x1000  }
0x16f: {  	[sflag:s10] =	ssyncset.done $0x0  }
0x170: {  	[sflag:s10] =	ssyncadd.s32 $0xFFFFF000  }
0x171: {  	_ =	swait.ge [sflag:s10], $0x1000  }
0x172: {  	[sflag:s10] =	ssyncset.done $0x0  }
0x173: {  	s20 =	simm.s32 $0x0;
	[sflag:s10] =	ssyncadd.s32 $0xFFFFF000  }
0x174: {  	[tilespmem:s30], [sflag:$0x1] =	stream.indirect.gather [hbm4b:s4+s29], $0x80, s20, s29, $0xb8;
	[tilespmem:$0x1F8C0] =	vst v63  }
0x175: {  	s17 =	simm.s32 $0x80  }
0x176: {  	[tilespmem:s31], [sflag:$0x2] =	stream.indirect.gather [hbm4b:s4+s29], $0x80, s17, s29, $0xb8;
	[tilespmem:$0x1F8C0] =	vst v63  }
0x177: {  	_ =	swait.ge [sflag:s0], $0x4000  }
0x178: {  	[sflag:s0] =	ssyncset.done $0x0  }
0x179: {  	s18 =	simm.s32 $0x1000;
	[sflag:s0] =	ssyncadd.s32 $0xFFFFC000  }
0x17a: {  	[spmem:s2] =	stream.indirect.scatter.add.f32 [tilespmem:s30], [sflag:$0x4], $0x80, s18, s29, $0xb8;
	[tilespmem:$0x1F8C0] =	vst v63  }
0x17b: {  	_ =	swait.ge [sflag:s24], $0x4000  }
0x17c: {  	[sflag:s24] =	ssyncset.done $0x0  }
0x17d: {  	s19 =	simm.s32 $0x100;
	[sflag:s24] =	ssyncadd.s32 $0xFFFFC000  }
0x17e: {  	[tilespmem:s30], [sflag:$0x1] =	stream.indirect.gather [hbm4b:s4+s29], $0x80, s19, s29, $0xb8;
	[tilespmem:$0x1F8C0] =	vst v63  }
0x17f: {  	_ =	swait.ge [sflag:s6], $0x4000  }
0x180: {  	[sflag:s6] =	ssyncset.done $0x0  }
0x181: {  	s20 =	simm.s32 $0x1080;
	[sflag:s6] =	ssyncadd.s32 $0xFFFFC000  }
0x182: {  	[spmem:s2] =	stream.indirect.scatter.add.f32 [tilespmem:s31], [sflag:$0x4], $0x80, s20, s29, $0xb8;
	[tilespmem:$0x1F8C0] =	vst v63  }
0x183: {  	_ =	swait.ge [sflag:s24], $0x4000  }
0x184: {  	s16 =	simm.s32 $0x100;
	s17 =	simm.s32 $0x800;
	[sflag:s24] =	ssyncset.done $0x0  }
.LBB2_10:
0x185: {  	s18 =	sadd.s32 $0x80, s16  }
0x186: {  	[sflag:s24] =	ssyncadd.s32 $0xFFFFC000;
	s19 =	smov.u32 s17;
	s20 =	sadd.s32 $0x400, s17  }
0x187: {  	[tilespmem:s31], [sflag:$0x2] =	stream.indirect.gather [hbm4b:s4+s29], $0x80, s18, s29, $0xb8;
	[tilespmem:$0x1F8C0] =	vst v63  }
0x188: {  	p5 =	sne.s32 s17, $0x3800;
	_ =	swait.ge [sflag:s0], $0x4000  }
0x189: {  	[sflag:s0] =	ssyncset.done $0x0  }
0x18a: {  	s17 =	sadd.s32 $0x1000, s16;
	[sflag:s0] =	ssyncadd.s32 $0xFFFFC000  }
0x18b: {  	[spmem:s2] =	stream.indirect.scatter.add.f32 [tilespmem:s30], [sflag:$0x4], $0x80, s17, s29, $0xb8;
	[tilespmem:$0x1F8C0] =	vst v63  }
0x18c: {  	_ =	swait.ge [sflag:s24], $0x4000  }
0x18d: {  	[sflag:s24] =	ssyncset.done $0x0  }
0x18e: {  	s17 =	sadd.s32 $0x100, s16;
	[sflag:s24] =	ssyncadd.s32 $0xFFFFC000  }
0x18f: {  	[tilespmem:s30], [sflag:$0x1] =	stream.indirect.gather [hbm4b:s4+s29], $0x80, s17, s29, $0xb8;
	[tilespmem:$0x1F8C0] =	vst v63  }
0x190: {  	_ =	swait.ge [sflag:s6], $0x4000  }
.Ltmp4:
0x191: {  	[sflag:s6] =	ssyncset.done $0x0;
	(pc) =	sbr.rel @p5 .LBB2_10-.Ltmp4, $4  }
0x192: {  	s16 =	sadd.s32 $0x1080, s16;
	[sflag:s6] =	ssyncadd.s32 $0xFFFFC000  }
0x193: {  	[spmem:s2] =	stream.indirect.scatter.add.f32 [tilespmem:s31], [sflag:$0x4], $0x80, s16, s29, $0xb8;
	[tilespmem:$0x1F8C0] =	vst v63  }
0x194: {  	_ =	swait.ge [sflag:s24], $0x4000  }
0x195: {  	s17 =	smov.u32 s20;
	s16 =	sshra.s32 s19, $0x2;
	[sflag:s24] =	ssyncset.done $0x0  }
0x196: {  	s17 =	sadd.s32 $0x80, s16;
	[sflag:s24] =	ssyncadd.s32 $0xFFFFC000  }
0x197: {  	[tilespmem:s31], [sflag:$0x2] =	stream.indirect.gather [hbm4b:s4+s29], $0x80, s17, s29, $0xb8;
	[tilespmem:$0x1F8C0] =	vst v63  }
0x198: {  	_ =	swait.ge [sflag:s0], $0x4000  }
0x199: {  	[sflag:s0] =	ssyncset.done $0x0  }
0x19a: {  	s18 =	sadd.s32 $0x1000, s16;
	[sflag:s0] =	ssyncadd.s32 $0xFFFFC000  }
0x19b: {  	[spmem:s2] =	stream.indirect.scatter.add.f32 [tilespmem:s30], [sflag:$0x4], $0x80, s18, s29, $0xb8;
	[tilespmem:$0x1F8C0] =	vst v63  }
0x19c: {  	_ =	swait.ge [sflag:s24], $0x4000  }
0x19d: {  	[sflag:s24] =	ssyncset.done $0x0  }
0x19e: {  	s19 =	sadd.s32 $0x100, s16;
	[sflag:s24] =	ssyncadd.s32 $0xFFFFC000  }
0x19f: {  	[tilespmem:s30], [sflag:$0x1] =	stream.indirect.gather [hbm4b:s4+s29], $0x80, s19, s29, $0xb8;
	[tilespmem:$0x1F8C0] =	vst v63  }
0x1a0: {  	_ =	swait.ge [sflag:s6], $0x4000  }
0x1a1: {  	[sflag:s6] =	ssyncset.done $0x0  }
0x1a2: {  	s20 =	sadd.s32 $0x1080, s16;
	[sflag:s6] =	ssyncadd.s32 $0xFFFFC000  }
0x1a3: {  	[spmem:s2] =	stream.indirect.scatter.add.f32 [tilespmem:s31], [sflag:$0x4], $0x80, s20, s29, $0xb8;
	[tilespmem:$0x1F8C0] =	vst v63  }
0x1a4: {  	_ =	swait.ge [sflag:s24], $0x4000  }
0x1a5: {  	[sflag:s24] =	ssyncset.done $0x0  }
0x1a6: {  	[sflag:s24] =	ssyncadd.s32 $0xFFFFC000  }
0x1a7: {  	[tilespmem:s31], [sflag:$0x2] =	stream.indirect.gather [hbm4b:s4+s29], $0x80, s7, s29, $0xb8;
	[tilespmem:$0x1F8C0] =	vst v63  }
0x1a8: {  	_ =	swait.ge [sflag:s0], $0x4000  }
0x1a9: {  	[sflag:s0] =	ssyncset.done $0x0  }
0x1aa: {  	[sflag:s0] =	ssyncadd.s32 $0xFFFFC000  }
0x1ab: {  	[spmem:s2] =	stream.indirect.scatter.add.f32 [tilespmem:s30], [sflag:$0x4], $0x80, s8, s29, $0xb8;
	[tilespmem:$0x1F8C0] =	vst v63  }
0x1ac: {  	_ =	swait.ge [sflag:s24], $0x4000  }
0x1ad: {  	[sflag:s24] =	ssyncset.done $0x0  }
0x1ae: {  	[sflag:s24] =	ssyncadd.s32 $0xFFFFC000  }
0x1af: {  	_ =	swait.ge [sflag:s6], $0x4000  }
0x1b0: {  	[sflag:s6] =	ssyncset.done $0x0  }
0x1b1: {  	[sflag:s6] =	ssyncadd.s32 $0xFFFFC000  }
0x1b2: {  	[spmem:s2] =	stream.indirect.scatter.add.f32 [tilespmem:s31], [sflag:$0x4], $0x80, s9, s29, $0xb8;
	[tilespmem:$0x1F8C0] =	vst v63  }
0x1b3: {  	_ =	swait.ge [sflag:s24], $0x4000  }
0x1b4: {  	[sflag:s24] =	ssyncset.done $0x0  }
0x1b5: {  	[sflag:s24] =	ssyncadd.s32 $0xFFFFC000  }
0x1b6: {  	s16 =	sshrl.u32 @p0 s13, $0x3;
	s17 =	simm.s32 @p0 $0x1FC4;
	[bflag:$0x0] =	sbarrier.arrive $0xFFFF  }
0x1b7: {  	[hbm:s22], [sflag:s17] =	dma.local @p0 [spmem:s16], $0x2800  }
0x1b8: {  	s16 =	simm.s32 @p0 $0x4  }
0x1b9: {  	s15 =	sadd.s32 $0x1, s15;
	_ =	swait.ge @p0 [sflag:s16], $0x2800  }
0x1ba: {  	p5 =	sne.s32 s15, s23;
	s17 =	sshll.u32 @!p0 s1, $0x6;
	[sflag:s16] =	ssyncset.done @p0 $0x0  }
0x1bb: {  	[sflag:s16] =	ssyncadd.s32 @p0 $0xFFFFD800;
	s16 =	sor.u32 @!p0 $0x1C04, s17;
	s17 =	sshrl.u32 @!p0 s5, $0x3  }
0x1bc: {  	[hbm:s21], [sflag:s16] =	dma.local @!p0 [spmem:s17], $0x2700  }
.Ltmp5:
0x1bd: {  	_ = 	snop;
	(pc) =	sbr.rel @p5 .LBB2_1-.Ltmp5, $4  }
0x1be: {  	s16 =	simm.s32 @!p0 $0x4  }
0x1bf: {  	_ =	swait.ge @!p0 [sflag:s16], $0x2700  }
0x1c0: {  	[sflag:s16] =	ssyncset.done @!p0 $0x0  }
0x1c1: {  	[sflag:s16] =	ssyncadd.s32 @!p0 $0xFFFFD900  }
0x1c2: {  	_ =	sfence.sel $0x180000  }
0x1c3: {  	[bflag:$0x0] =	sbarrier.arrive $0xFFFF  }
0x1c4: {  	_ =	strace $0x9000004D  }
0x1c5: {  	[bflag:$0x2] =	sbarrier.arrive $0xFFFF  }
0x1c6: {  	p0 =	sne.s32 s1, $0x0;
	s0 =	rddreg [dreg:$0x2]  }
0x1c7: {  	s0 =	sadd.s32 @!p0 $0x100000, s0  }
0x1c8: {  	[sflag:s0] =	ssyncadd.tile.s32 @!p0 $0x1;
	_ =	shalt  }
.Lfunc_end2:
_tile_overlayer_lowered:
.L_overlay_start_2:
0x1c9: {  	(tag) =	ssettag $0x2  }
0x1ca: {  	s0 =	rddreg [dreg:$0x0];
	s2 =	stileid.u32  }
0x1cb: {  	s1 =	rddreg [dreg:$0x1];
	p0 =	sne.s32 s2, $0x0  }
0x1cc: {  	s3 =	rddreg [dreg:$0x2];
	[bflag:$0x3] =	sbarrier.arrive $0xFFFF;
	s2 =	simm.s32 @!p0 $0x1C04  }
0x1cd: {  	[timem:s3], [sflag:s2] =	dma.local @!p0 [hbm:s0], s1  }
0x1ce: {  	s0 =	simm.s32 @!p0 $0x4  }
0x1cf: {  	_ =	swait.ge @!p0 [sflag:s0], s1  }
0x1d0: {  	s1 =	ssub.s32 @!p0 $0x0, s1;
	[sflag:s0] =	ssyncset.done @!p0 $0x0  }
0x1d1: {  	[sflag:s0] =	ssyncadd.s32 @!p0 s1  }
0x1d2: {  	[bflag:$0x3] =	sbarrier.arrive $0xFFFF  }
0x1d3: {  	_ =	shalt  }

// kernel: kernel.8.cloned.1.call-start
scs
__scs_entry_jumppad:
0x0: {  	(pc) =	sbr.rel $0x88, $3  }
0x1: {  	(tag) =	ssettag $0x0;
	lr =	simm.s32 $0x1  }
0x2: {  	[smem:$0x3F82] =	sst lr;
	_ =	strace $0xD0000000  }
0x3: {  	_ = 	snop  }
0x4: {  	_ = 	snop  }
0x5: {  	_ = 	snop  }
0x6: {  	_ = 	snop  }
0x7: {  	_ = 	snop  }
__scs_overlays_trampoline_lowered:
0x8: {  	[smem:$0x3F91] =	sst s0  }
0x9: {  	[smem:$0x3F92] =	sst s1  }
0xa: {  	[smem:$0x3F93] =	sst s2  }
0xb: {  	[smem:$0x3F94] =	sst s3  }
0xc: {  	[smem:$0x3F95] =	sst s4  }
0xd: {  	[smem:$0x3F96] =	sst s5  }
0xe: {  	[smem:$0x3F97] =	sst s6  }
0xf: {  	[smem:$0x3F98] =	sst s7  }
0x10: {  	[smem:$0x3F99] =	sst s8  }
0x11: {  	[smem:$0x3F9A] =	sst s9;
	s0 =	simm.s32 @!p0 $0x0  }
0x12: {  	s1 =	sld [smem:$0x3F80];
	s0 =	simm.s32 @p0 $0x1  }
0x13: {  	[smem:$0x3F9B] =	sst s0;
	s0 =	simm.s32 @!p1 $0x0  }
0x14: {  	s2 =	sld [smem:$0x3F7F];
	s0 =	simm.s32 @p1 $0x1  }
0x15: {  	[smem:$0x3F9C] =	sst s0;
	s0 =	simm.s32 @!p2 $0x0  }
0x16: {  	s3 =	sld [smem:$0x3FDB];
	s0 =	simm.s32 @p2 $0x1  }
0x17: {  	s4 =	simm.s32 $0x1BF5;
	[smem:$0x3F9E] =	sst s0  }
0x18: {  	s0 =	sld [smem:$0x3F81];
	_ =	swait.ge [sflag:s4], $0x0  }
0x19: {  	s7 =	sld [smem:$0x3F82]  }
0x1a: {  	s8 =	sadd.s32 $0xFFFFE003, lr  }
0x1b: {  	s9 =	sadd.s32 $0xFFFFFEF7, lr;
	s5 =	simm.s32 $0xFFFFFFFF;
	p2 =	slt.u32 s8, $0xFFFFF086  }
0x1c: {  	p1 =	slt.u32 s9, $0xF7A;
	s5 =	simm.s32 @!p2 $0x0  }
0x1d: {  	s5 =	simm.s32 @p1 $0x1;
	p0 =	seq.s32 s7, s2  }
0x1e: {  	s7 =	smul.u32 @!p0 $0xF7A, s2;
	p2 =	seq.s32 @!p0 s5, $0x0  }
0x1f: {  	s9 =	smul.u32 $0xF7A, s1;
	s8 =	simm.s32 @!p0 $0x1BF5;
	p2 =	por !p2, p0  }
0x20: {  	[sflag:s8] =	ssyncset.s32 @!p0 $0xFFFFF086;
	s6 =	sadd.s32 @!p0 s3, s7;
	s7 =	simm.s32 @!p0 $0x108  }
0x21: {  	s3 =	sadd.s32 s3, s9;
	s6 =	sadd.s32 @!p0 $0x88, s6;
	s7 =	simm.s32 @p2 $0x1082  }
0x22: {  	[simem:s7], [sflag:s8] =	dma.local @!p0 [hbm:s6], $0xF7A  }
0x23: {  	s9 =	sor.u32 $0xD0000000, s2;
	s6 =	simm.s32 $0x108;
	_ =	swait.ge @!p0 [sflag:s8], $0x0  }
0x24: {  	s3 =	sadd.s32 $0x88, s3;
	s6 =	simm.s32 @!p1 $0x1082;
	[sflag:s4] =	ssyncset.s32 $0xFFFFF086  }
0x25: {  	[simem:s6], [sflag:s4] =	dma.local [hbm:s3], $0xF7A  }
0x26: {  	[smem:$0x3F82] =	sst s1;
	(tag) =	ssettag s2;
	_ =	strace s9  }
0x27: {  	s1 =	sld [smem:$0x3F92]  }
0x28: {  	s2 =	sld [smem:$0x3F93]  }
0x29: {  	s4 =	sld [smem:$0x3F95]  }
0x2a: {  	p0 =	seq.s32 s5, $0x0;
	s5 =	sld [smem:$0x3F96]  }
0x2b: {  	s6 =	sld [smem:$0x3F97]  }
0x2c: {  	s7 =	sld [smem:$0x3F98]  }
0x2d: {  	s3 =	simm.s32 $0x108;
	s8 =	sld [smem:$0x3F99]  }
0x2e: {  	s3 =	simm.s32 @!p0 $0x1082;
	s9 =	sld [smem:$0x3F9A]  }
0x2f: {  	lr =	sadd.s32 s0, s3;
	s0 =	sld [smem:$0x3F91]  }
0x30: {  	s3 =	sld [smem:$0x3F94]  }
0x31: {  	[smem:$0x3F9D] =	sst s10  }
0x32: {  	s10 =	sld [smem:$0x3F9B];
	_ =	sdelay $0x3  }
0x33: {  	p0 =	seq.s32 s10, $0x1;
	s10 =	sld [smem:$0x3F9D];
	_ =	sdelay $0x3  }
0x34: {  	[smem:$0x3F9D] =	sst s10  }
0x35: {  	s10 =	sld [smem:$0x3F9C];
	_ =	sdelay $0x3  }
0x36: {  	p1 =	seq.s32 s10, $0x1;
	s10 =	sld [smem:$0x3F9D];
	_ =	sdelay $0x3  }
0x37: {  	[smem:$0x3F9D] =	sst s10  }
0x38: {  	s10 =	sld [smem:$0x3F9E]  }
0x39: {  	_ = 	snop;
	(pc) =	sbr.ind lr, $3  }
0x3a: {  	_ = 	snop  }
0x3b: {  	_ = 	snop  }
0x3c: {  	p2 =	seq.s32 s10, $0x1;
	s10 =	sld [smem:$0x3F9D]  }
0x3d: {  	_ =	shalt  }
0x3e: {  	_ =	shalt  }
0x3f: {  	_ =	shalt  }
0x40: {  	_ =	shalt  }
0x41: {  	_ =	shalt  }
0x42: {  	_ =	shalt  }
0x43: {  	_ =	shalt  }
0x44: {  	_ =	shalt  }
0x45: {  	_ =	shalt  }
0x46: {  	_ =	shalt  }
0x47: {  	_ =	shalt  }
0x48: {  	_ =	shalt  }
0x49: {  	_ =	shalt  }
0x4a: {  	_ =	shalt  }
0x4b: {  	_ =	shalt  }
0x4c: {  	_ =	shalt  }
0x4d: {  	_ =	shalt  }
0x4e: {  	_ =	shalt  }
0x4f: {  	_ =	shalt  }
0x50: {  	_ =	shalt  }
0x51: {  	_ =	shalt  }
0x52: {  	_ =	shalt  }
0x53: {  	_ =	shalt  }
0x54: {  	_ =	shalt  }
0x55: {  	_ =	shalt  }
0x56: {  	_ =	shalt  }
0x57: {  	_ =	shalt  }
0x58: {  	_ =	shalt  }
0x59: {  	_ =	shalt  }
0x5a: {  	_ =	shalt  }
0x5b: {  	_ =	shalt  }
0x5c: {  	_ =	shalt  }
0x5d: {  	_ =	shalt  }
0x5e: {  	_ =	shalt  }
0x5f: {  	_ =	shalt  }
0x60: {  	_ =	shalt  }
0x61: {  	_ =	shalt  }
0x62: {  	_ =	shalt  }
0x63: {  	_ =	shalt  }
0x64: {  	_ =	shalt  }
0x65: {  	_ =	shalt  }
0x66: {  	_ =	shalt  }
0x67: {  	_ =	shalt  }
0x68: {  	_ =	shalt  }
0x69: {  	_ =	shalt  }
0x6a: {  	_ =	shalt  }
0x6b: {  	_ =	shalt  }
0x6c: {  	_ =	shalt  }
0x6d: {  	_ =	shalt  }
0x6e: {  	_ =	shalt  }
0x6f: {  	_ =	shalt  }
0x70: {  	_ =	shalt  }
0x71: {  	_ =	shalt  }
0x72: {  	_ =	shalt  }
0x73: {  	_ =	shalt  }
0x74: {  	_ =	shalt  }
0x75: {  	_ =	shalt  }
0x76: {  	_ =	shalt  }
0x77: {  	_ =	shalt  }
0x78: {  	_ =	shalt  }
0x79: {  	_ =	shalt  }
0x7a: {  	_ =	shalt  }
0x7b: {  	_ =	shalt  }
0x7c: {  	_ =	shalt  }
0x7d: {  	_ =	shalt  }
0x7e: {  	_ =	shalt  }
0x7f: {  	_ =	shalt  }
0x80: {  	_ =	shalt  }
0x81: {  	_ =	shalt  }
0x82: {  	_ =	shalt  }
0x83: {  	_ =	shalt  }
0x84: {  	_ =	shalt  }
0x85: {  	_ =	shalt  }
0x86: {  	_ =	shalt  }
0x87: {  	_ =	shalt  }
.Lfunc_end0:
.L_simem_size_0:
called_computation_lowered:
.L_overlay_start_0:
0x88: {  	s2 =	sld [smem:$0x3FD9]  }
0x89: {  	s3 =	sld [smem:$0x3FFE];
	_ =	sdelay $0x1  }
0x8a: {  	s1 =	srdreg.scid  }
0x8b: {  	s0 =	sand.u32 $0x1, s1  }
0x8c: {  	s17 =	sshll.u32 s0, $0xA;
	s2 =	sadd.s32 s3, s2  }
0x8d: {  	s2 =	sadd.s32 s2, s17  }
0x8e: {  	[smem:$0x3FA9] =	sst s2  }
0x8f: {  	_ = 	snop  }
0x90: {  	s2 =	sld [smem:$0x3FD0];
	(tm) =	ssettm $0x1  }
0x91: {  	s18 =	sld [smem:$0x3FFB];
	_ =	sdelay $0x3  }
0x92: {  	_ =	strace s18  }
0x93: {  	s3 =	sld [smem:$0x3FFC];
	_ =	sdelay $0x3  }
0x94: {  	_ =	strace s3  }
0x95: {  	s3 =	sld [smem:$0x3FFD];
	_ =	sdelay $0x3  }
0x96: {  	_ =	strace s3  }
0x97: {  	_ =	strace $0x8FFFFFFF  }
0x98: {  	s19 =	sld [smem:$0x3FDB];
	_ =	sdelay $0x1  }
0x99: {  	s4 =	simm.s32 $_scs_section_size  }
0x9a: {  	s5 =	simm.s32 $_size__tile_overlayer_lowered;
	s6 =	simm.s32 $_tile_overlayer_lowered  }
0x9b: {  	s22 =	simm.s32 $0x1BFF;
	s21 =	sshll.u32 s6, $0x1;
	s3 =	sadd.s32 s4, s19  }
0x9c: {  	s7 =	simm.s32 $0x0;
	s20 =	sshll.u32 s5, $0x1;
	s5 =	sadd.s32 s21, s3  }
0x9d: {  	[timem:s7], [sflag:s22] =	dma.local [hbm:s5], s20  }
0x9e: {  	_ =	swait.ge [sflag:s22], s20  }
0x9f: {  	s4 =	ssub.s32 $0x0, s20;
	[sflag:s22] =	ssyncset.done $0x0  }
0xa0: {  	[sflag:s22] =	ssyncadd.s32 s4;
	_ =	sdelay $0x1  }
0xa1: {  	s23 =	simm.s32 $0x1B8B  }
0xa2: {  	_ =	swait.ge [sflag:s23], $0x1  }
0xa3: {  	[sflag:s23] =	ssyncset.done $0x0  }
0xa4: {  	s25 =	simm.s32 $0x1B8E;
	s24 =	sld [smem:$0x3FFE];
	[sflag:s23] =	ssyncadd.s32 $0xFFFFFFFF  }
0xa5: {  	s26 =	simm.s32 $execute0_lowered;
	[smem:$0x3FD2] =	sst s25  }
0xa6: {  	s5 =	sshll.u32 s26, $0x1;
	_ =	strace $0x80000046;
	[dreg:$0x1] =	wrdreg $0xFFFFFFFF  }
0xa7: {  	s28 =	simm.s32 $_size_execute0_lowered;
	s3 =	sadd.s32 s3, s5;
	[dreg:$0x0] =	wrdreg $0x0  }
0xa8: {  	s5 =	sshll.u32 s28, $0x1;
	[dreg:$0x2] =	wrdreg s3  }
0xa9: {  	[dreg:$0x3] =	wrdreg s5  }
0xaa: {  	[dreg:$0x4] =	wrdreg $0xC0  }
0xab: {  	_ =	task [dreg:s7], $0x5FFFF  }
0xac: {  	[dreg:$0x1] =	wrdreg $0xFFFFFFFF  }
0xad: {  	[dreg:$0x0] =	wrdreg $0x60  }
0xae: {  	[dreg:$0x2] =	wrdreg s24  }
0xaf: {  	[dreg:$0x3] =	wrdreg s2  }
0xb0: {  	[dreg:$0x4] =	wrdreg $0x53000  }
0xb1: {  	[dreg:$0x5] =	wrdreg $0x9  }
0xb2: {  	_ =	task.clear_ibuf [dreg:s7], $0x6FFFF;
	_ =	strace $0x90000046  }
0xb3: {  	s29 =	simm.s32 $0x9;
	_ =	strace $0x80000048  }
0xb4: {  	_ =	swait.ge [sflag:s29], $0x1  }
0xb5: {  	[sflag:s29] =	ssyncadd.s32 $0xFFFFFFFF  }
0xb6: {  	_ =	strace $0x90000048  }
0xb7: {  	_ =	sfence  }
0xb8: {  	s30 =	sld [smem:$0x0];
	_ =	sdelay $0x2  }
0xb9: {  	s31 =	sshll.u32 s1, $0xD;
	s1 =	sshrl.u32 s1, $0x2  }
0xba: {  	s3 =	sand.u32 $0x4000, s31;
	s1 =	sadd.s32 s1, s30  }
0xbb: {  	s0 =	sor.u32 s3, s0;
	s1 =	sshll.u32 s1, $0x11  }
0xbc: {  	s0 =	sor.u32 s1, s0  }
0xbd: {  	s0 =	sadd.s32 $0x8F2B, s0  }
0xbe: {  	[sflag:s0] =	ssyncadd.remote.s32 $0x1  }
0xbf: {  	_ =	sfence.sel $0xFFFF  }
0xc0: {  	[dreg:$0x0] =	wrdreg $0xFFFFFFFF;
	(pc) =	sbr.abs _section_cstart, $3  }
0xc1: {  	[dreg:$0x1] =	wrdreg $0xFFFFFFFF  }
0xc2: {  	_ =	task.clear_ibuf [dreg:s7], $0x2FFFF;
	_ =	strace $0x9FFFFFFF  }
0xc3: {  	(tm) =	ssettm $0x7FFFFFFF  }
tec
execute0_lowered:
.L_overlay_start_1:
0x0: {  	(tag) =	ssettag $0x1  }
0x1: {  	s4 =	rddreg [dreg:$0x0]  }
0x2: {  	s6 =	rddreg [dreg:$0x1]  }
0x3: {  	s2 =	rddreg [dreg:$0x2];
	s3 =	srdreg.scid  }
0x4: {  	s0 =	rddreg [dreg:$0x3];
	s1 =	stileid.u32;
	s10 =	simm.s32 $0x80  }
0x5: {  	s12 =	simm.s32 $0x1;
	s15 =	simm.s32 $0x0;
	s5 =	smul.u32 $0xA00, s1  }
0x6: {  	s11 =	sand.u32 $0x1, s3;
	s3 =	simm.s32 $0x0;
	s9 =	smul.u32 $0x280, s1  }
0x7: {  	s7 =	ssub.s32 $0x2, s11;
	[smem:$0x7FF] =	sst s3;
	p0 =	sne.s32 s11, $0x0  }
0x8: {  	s11 =	simm.s32 $0x5000;
	s8 =	sshrl.u32 s7, $0x1;
	_ =	strace $0x80000047  }
0x9: {  	s5 =	sadd.s32 s5, s4;
	s4 =	sadd.s32 s9, s2;
	s31 =	sshrl.u32 s9, $0x3  }
0xa: {  	s9 =	simm.s32 $0x2;
	s13 =	sshll.u32 @!p0 s1, $0x6;
	s7 =	ssub.s32 s7, s8  }
0xb: {  	s5 =	sadd.s32 $0x1E00, s5;
	s6 =	sadd.s32 s6, s31;
	s8 =	simm.s32 $0x5080  }
0xc: {  	v0 =	vimm.f32 $0.0e+00;
	v1 =	vimm.f32 $1.000000000e+00;
	s13 =	sor.u32 @!p0 $0x1C02, s13;
	s14 =	sshrl.u32 @!p0 s4, $0x3;
	s7 =	smax.u32 s7, $0x1  }
.LBB2_1:
0xd: {  	[tilespmem:$0x5080] =	vst v0  }
0xe: {  	[tilespmem:$0x5090] =	vst v0  }
0xf: {  	[tilespmem:$0x50A0] =	vst v0  }
0x10: {  	[tilespmem:$0x50B0] =	vst v0  }
0x11: {  	[tilespmem:$0x50C0] =	vst v0  }
0x12: {  	[tilespmem:$0x50D0] =	vst v0  }
0x13: {  	[tilespmem:$0x50E0] =	vst v0  }
0x14: {  	[tilespmem:$0x50F0] =	vst v0  }
0x15: {  	[tilespmem:$0x5100] =	vst v0  }
0x16: {  	[tilespmem:$0x5110] =	vst v0  }
0x17: {  	[tilespmem:$0x5120] =	vst v0  }
0x18: {  	[tilespmem:$0x5130] =	vst v0  }
0x19: {  	[tilespmem:$0x5140] =	vst v0  }
0x1a: {  	[tilespmem:$0x5150] =	vst v0  }
0x1b: {  	[tilespmem:$0x5160] =	vst v0  }
0x1c: {  	[tilespmem:$0x5170] =	vst v0  }
0x1d: {  	[tilespmem:$0x5180] =	vst v0  }
0x1e: {  	[tilespmem:$0x5190] =	vst v0  }
0x1f: {  	[tilespmem:$0x51A0] =	vst v0  }
0x20: {  	[tilespmem:$0x51B0] =	vst v0  }
0x21: {  	[tilespmem:$0x51C0] =	vst v0  }
0x22: {  	[tilespmem:$0x51D0] =	vst v0  }
0x23: {  	[tilespmem:$0x51E0] =	vst v0  }
0x24: {  	[tilespmem:$0x51F0] =	vst v0  }
0x25: {  	[tilespmem:$0x5200] =	vst v0  }
0x26: {  	[tilespmem:$0x5210] =	vst v0  }
0x27: {  	[tilespmem:$0x5220] =	vst v0  }
0x28: {  	[tilespmem:$0x5230] =	vst v0  }
0x29: {  	[tilespmem:$0x5240] =	vst v0  }
0x2a: {  	[tilespmem:$0x5250] =	vst v0  }
0x2b: {  	[tilespmem:$0x5260] =	vst v0  }
0x2c: {  	[tilespmem:$0x5270] =	vst v0  }
0x2d: {  	[tilespmem:$0x5280] =	vst v0  }
0x2e: {  	[tilespmem:$0x5290] =	vst v0  }
0x2f: {  	[tilespmem:$0x52A0] =	vst v0  }
0x30: {  	[tilespmem:$0x52B0] =	vst v0  }
0x31: {  	[tilespmem:$0x52C0] =	vst v0  }
0x32: {  	[tilespmem:$0x52D0] =	vst v0  }
0x33: {  	[tilespmem:$0x52E0] =	vst v0  }
0x34: {  	[tilespmem:$0x52F0] =	vst v0  }
0x35: {  	[tilespmem:$0x5000] =	vst v1  }
0x36: {  	[tilespmem:$0x5010] =	vst v1  }
0x37: {  	[tilespmem:$0x5020] =	vst v1  }
0x38: {  	[tilespmem:$0x5030] =	vst v1  }
0x39: {  	[tilespmem:$0x5040] =	vst v1  }
0x3a: {  	[tilespmem:$0x5050] =	vst v1  }
0x3b: {  	[tilespmem:$0x5060] =	vst v1  }
0x3c: {  	[tilespmem:$0x5070] =	vst v1  }
0x3d: {  	[spmem:s4] =	stream.linear.scatter [tilespmem:s8], [sflag:$0x2], $0x280, $0x38;
	[tilespmem:$0x5580] =	vst v63  }
0x3e: {  	_ =	swait.ge [sflag:s9], $0x280  }
0x3f: {  	[sflag:s9] =	ssyncset.done $0x0  }
0x40: {  	[sflag:s9] =	ssyncadd.s32 $0xFFFFFD80  }
0x41: {  	[tilespmem:s3], [sflag:$0x2] =	stream.linear.gather [hbm4b:s5+s3], $0x5000, $0x38;
	[tilespmem:$0x5580] =	vst v63  }
0x42: {  	_ =	swait.ge [sflag:s9], $0x5000  }
0x43: {  	[sflag:s9] =	ssyncset.done $0x0  }
0x44: {  	[sflag:s9] =	ssyncadd.s32 $0xFFFFB000  }
0x45: {  	s16 =	simm.s32 $0x0;
	[bflag:$0x0] =	sbarrier.arrive $0xFFFF  }
.LBB2_2:
0x46: {  	p1 =	sne.s32 s16, $0x13E00  }
.Ltmp0:
0x47: {  	_ = 	snop;
	(pc) =	sbr.rel @p1 .LBB2_2-.Ltmp0, $3  }
0x48: {  	_ =	sdelay $0x1  }
0x49: {  	s17 =	sshra.s32 s16, $0x2;
	s16 =	sadd.s32 $0x200, s16  }
0x4a: {  	[spmem:s2] =	stream.indirect.scatter.add.f32 [tilespmem:s11], [sflag:$0x1], $0x1, s17, s10, $0xb8;
	[tilespmem:$0x5580] =	vst v63  }
0x4b: {  	_ =	swait.ge [sflag:s12], $0x80  }
0x4c: {  	s16 =	simm.s32 $0x9F;
	[sflag:s12] =	ssyncset.done $0x0  }
.LBB2_4:
0x4d: {  	p1 =	sne.s32 s16, $0x1;
	s16 =	sadd.s32 $0xFFFFFFFF, s16;
	[sflag:s12] =	ssyncadd.s32 $0xFFFFFF80  }
.Ltmp1:
0x4e: {  	(pc) =	sbr.rel @p1 .LBB2_4-.Ltmp1, $3  }
0x4f: {  	_ =	sdelay $0x1  }
0x50: {  	_ =	swait.ge [sflag:s12], $0x80  }
0x51: {  	[sflag:s12] =	ssyncset.done $0x0  }
0x52: {  	s15 =	sadd.s32 $0x1, s15  }
0x53: {  	[sflag:s12] =	ssyncadd.s32 $0xFFFFFF80;
	p1 =	sne.s32 s15, s7  }
.Ltmp2:
0x54: {  	s16 =	simm.s32 @!p0 $0x2;
	[bflag:$0x0] =	sbarrier.arrive $0xFFFF;
	(pc) =	sbr.rel @p1 .LBB2_1-.Ltmp2, $4  }
0x55: {  	[hbm:s6], [sflag:s13] =	dma.local @!p0 [spmem:s14], $0x50  }
0x56: {  	_ =	swait.ge @!p0 [sflag:s16], $0x50  }
0x57: {  	[sflag:s16] =	ssyncset.done @!p0 $0x0  }
0x58: {  	[sflag:s16] =	ssyncadd.s32 @!p0 $0xFFFFFFB0  }
0x59: {  	_ =	sfence.sel $0x180000  }
0x5a: {  	[bflag:$0x0] =	sbarrier.arrive $0xFFFF  }
0x5b: {  	p0 =	sne.s32 s1, $0x0;
	_ =	strace $0x90000047  }
0x5c: {  	s0 =	sadd.s32 @!p0 $0x100000, s0;
	[bflag:$0x2] =	sbarrier.arrive $0xFFFF  }
0x5d: {  	[sflag:s0] =	ssyncadd.tile.s32 @!p0 $0x1;
	_ =	shalt  }
.Lfunc_end2:
_tile_overlayer_lowered:
.L_overlay_start_2:
0x5e: {  	(tag) =	ssettag $0x2  }
0x5f: {  	s0 =	rddreg [dreg:$0x0];
	s2 =	stileid.u32  }
0x60: {  	s1 =	rddreg [dreg:$0x1];
	p0 =	sne.s32 s2, $0x0  }
0x61: {  	s3 =	rddreg [dreg:$0x2];
	[bflag:$0x3] =	sbarrier.arrive $0xFFFF;
	s2 =	simm.s32 @!p0 $0x1C02  }
0x62: {  	[timem:s3], [sflag:s2] =	dma.local @!p0 [hbm:s0], s1  }
0x63: {  	s0 =	simm.s32 @!p0 $0x2  }
0x64: {  	_ =	swait.ge @!p0 [sflag:s0], s1  }
0x65: {  	s1 =	ssub.s32 @!p0 $0x0, s1;
	[sflag:s0] =	ssyncset.done @!p0 $0x0  }
0x66: {  	[sflag:s0] =	ssyncadd.s32 @!p0 s1  }
0x67: {  	[bflag:$0x3] =	sbarrier.arrive $0xFFFF  }
0x68: {  	_ =	shalt  }

</sc_bundles>
